<compile_context>
chip_gen: v7x
topology: tpu7x:2x2x1
jax: 0.10.2.dev20260603
libtpu: 0.0.44.dev20260713+nightly
codegen_flags: <defaults>
</compile_context>

<pallas_src>
import functools

import jax
import jax.numpy as jnp
from jax import lax
from jax.experimental import pallas as pl
from jax.experimental.pallas import tpu as pltpu
from jax.experimental.pallas import tpu_sc as plsc

N = 10000
NPAD = 10112
NC, NS, L = 2, 16, 16
NW = NC * NS
CH = 128
NCHUNK = 81
EW = NCHUNK * CH
EPAD = NW * EW
RPT = NPAD // NS

_BM = 1024
_GRID = (NPAD + _BM - 1) // _BM



def _tblbuild_body(x_ref, w_ref, mt_ref, md_ref, t_ref, d_ref):
    i = pl.program_id(0)
    h = jnp.dot(x_ref[...], w_ref[...], preferred_element_type=jnp.float32)
    t = jnp.dot(h, mt_ref[...], preferred_element_type=jnp.float32)
    d = jnp.dot(h, md_ref[...], preferred_element_type=jnp.float32)
    rid = i * _BM + lax.broadcasted_iota(jnp.int32, (_BM, 1), 0)
    t_ref[...] = jnp.where(rid < N, t, 0.0)
    d_ref[...] = jnp.where(rid < N, d, 0.0)


def _build_tables(x, w, mt, md):
    k = x.shape[1]
    wt, wd = mt.shape[1], md.shape[1]
    return pl.pallas_call(
        _tblbuild_body,
        grid=(_GRID,),
        in_specs=[pl.BlockSpec((_BM, k), lambda i: (i, 0)),
                  pl.BlockSpec((k, w.shape[1]), lambda i: (0, 0)),
                  pl.BlockSpec((w.shape[1], wt), lambda i: (0, 0)),
                  pl.BlockSpec((w.shape[1], wd), lambda i: (0, 0))],
        out_specs=[pl.BlockSpec((_BM, wt), lambda i: (i, 0)),
                   pl.BlockSpec((_BM, wd), lambda i: (i, 0))],
        out_shape=[jax.ShapeDtypeStruct((NPAD, wt), jnp.float32),
                   jax.ShapeDtypeStruct((NPAD, wd), jnp.float32)],
    )(x, w, mt, md)


def _mid_body(p_ref, r_ref, b_ref, w2_ref, mt_ref, md_ref, t_ref, d_ref):
    i = pl.program_id(0)
    s = p_ref[0] + p_ref[1]
    rep = jnp.dot(s, r_ref[...], preferred_element_type=jnp.float32)
    out1 = jnp.maximum(s[:, :64] / rep + b_ref[...], 0.0)
    h2 = jnp.dot(out1, w2_ref[...], preferred_element_type=jnp.float32)
    t = jnp.dot(h2, mt_ref[...], preferred_element_type=jnp.float32)
    d = jnp.dot(h2, md_ref[...], preferred_element_type=jnp.float32)
    rid = i * _BM + lax.broadcasted_iota(jnp.int32, (_BM, 1), 0)
    t_ref[...] = jnp.where(rid < N, t, 0.0)
    d_ref[...] = jnp.where(rid < N, d, 0.0)


def _mid(p1, rbig, b1, w2, mt2, md2):
    return pl.pallas_call(
        _mid_body,
        grid=(_GRID,),
        in_specs=[pl.BlockSpec((2, _BM, 80), lambda i: (0, i, 0)),
                  pl.BlockSpec((80, 64), lambda i: (0, 0)),
                  pl.BlockSpec((1, 64), lambda i: (0, 0)),
                  pl.BlockSpec((64, 7), lambda i: (0, 0)),
                  pl.BlockSpec((7, 16), lambda i: (0, 0)),
                  pl.BlockSpec((7, 16), lambda i: (0, 0))],
        out_specs=[pl.BlockSpec((_BM, 16), lambda i: (i, 0)),
                   pl.BlockSpec((_BM, 16), lambda i: (i, 0))],
        out_shape=[jax.ShapeDtypeStruct((NPAD, 16), jnp.float32),
                   jax.ShapeDtypeStruct((NPAD, 16), jnp.float32)],
    )(p1, rbig, b1, w2, mt2, md2)


def _final_body(p_ref, s7_ref, s1_ref, b_ref, o_ref):
    s = p_ref[0] + p_ref[1]
    num = jnp.dot(s, s7_ref[...], preferred_element_type=jnp.float32)
    den = jnp.dot(s, s1_ref[...], preferred_element_type=jnp.float32)
    logits = num / den + b_ref[...]
    m = jnp.max(logits, axis=1, keepdims=True)
    z = logits - m
    lse = jnp.log(jnp.sum(jnp.exp(z), axis=1, keepdims=True))
    o_ref[...] = z - lse


def _final(p2, s7, s1, b2):
    return pl.pallas_call(
        _final_body,
        grid=(_GRID,),
        in_specs=[pl.BlockSpec((2, _BM, 16), lambda i: (0, i, 0)),
                  pl.BlockSpec((16, 7), lambda i: (0, 0)),
                  pl.BlockSpec((16, 1), lambda i: (0, 0)),
                  pl.BlockSpec((1, 7), lambda i: (0, 0))],
        out_specs=pl.BlockSpec((_BM, 7), lambda i: (i, 0)),
        out_shape=jax.ShapeDtypeStruct((N, 7), jnp.float32),
    )(p2, s7, s1, b2)



_MESH = plsc.VectorSubcoreMesh(core_axis_name="c", subcore_axis_name="s")


def _full(v):
    return jnp.full((L,), v, jnp.int32)


def _edge_pass(src3, dst3, tbl, dtb, zz, width, heads, hd):
    mcols = heads * hd

    @functools.partial(
        pl.kernel,
        out_type=pltpu.HBM((NC, NPAD, width), jnp.float32),
        mesh=_MESH,
        compiler_params=pltpu.CompilerParams(needs_layout_passes=False,
                                             use_tc_tiling_on_sc=False),
        scratch_types=[
            pltpu.VMEM((NCHUNK, CH), jnp.int32),
            pltpu.VMEM((NCHUNK, CH), jnp.int32),
            pltpu.VMEM((CH, width), jnp.float32),
            pltpu.VMEM((CH, width), jnp.float32),
            pltpu.VMEM((CH, width), jnp.float32),
            pltpu.VMEM((CH, 16), jnp.float32),
            pltpu.VMEM((CH, 16), jnp.float32),
            pltpu.VMEM((CH, 16), jnp.float32),
            pltpu.VMEM_SHARED((NPAD, width), jnp.float32),
            pltpu.SemaphoreType.DMA,
            pltpu.SemaphoreType.DMA,
            pltpu.SemaphoreType.DMA,
            pltpu.SemaphoreType.DMA,
            pltpu.SemaphoreType.DMA,
            pltpu.SemaphoreType.DMA,
            pltpu.SemaphoreType.DMA,
            pltpu.SemaphoreType.DMA,
            pltpu.SemaphoreType.DMA,
        ],
    )
    def k(src_h, dst_h, tbl_h, dtb_h, zz_h, out_h,
          isv, idv, rows0, rows1, rows2, ad0, ad1, ad2, acc,
          gs0, gs1, gs2, as0, as1, as2, ss0, ss1, ss2):
        cid = lax.axis_index("c")
        sid = lax.axis_index("s")
        wid = cid * NS + sid
        rows = (rows0, rows1, rows2)
        ads = (ad0, ad1, ad2)
        gsem = (gs0, gs1, gs2)
        asem = (as0, as1, as2)
        ssem = (ss0, ss1, ss2)

        pltpu.sync_copy(zz_h, acc.at[pl.ds(sid * RPT, RPT)])
        plsc.subcore_barrier()

        pltpu.sync_copy(src_h.at[wid], isv)
        pltpu.sync_copy(dst_h.at[wid], idv)

        def issue_gather(c, b):
            pltpu.async_copy(tbl_h.at[isv.at[c]], rows[b], gsem[b])
            pltpu.async_copy(dtb_h.at[idv.at[c]], ads[b], asem[b])

        def wait_gather(c, b):
            pltpu.make_async_copy(tbl_h.at[isv.at[c]], rows[b],
                                  gsem[b]).wait()
            pltpu.make_async_copy(dtb_h.at[idv.at[c]], ads[b],
                                  asem[b]).wait()

        def wait_scatter(c, b):
            pltpu.make_async_copy(rows[b], acc.at[idv.at[c]], ssem[b]).wait()

        def compute(r, a):
            def group(g, carry2):
                rowids = lax.iota(jnp.int32, L) + g * L
                exs = []
                for h in range(heads):
                    asrc = plsc.load_gather(r, [rowids, _full(mcols + h)])
                    adst = plsc.load_gather(a, [rowids, _full(h)])
                    al = asrc + adst
                    al = jnp.where(al > 0, al, al * 0.2)
                    exs.append(jnp.exp(al))
                vals = [plsc.load_gather(r, [rowids, _full(cc)])
                        for cc in range(mcols)]
                for cc in range(mcols):
                    plsc.store_scatter(r, [rowids, _full(cc)],
                                       vals[cc] * exs[cc // hd])
                for h in range(heads):
                    plsc.store_scatter(r, [rowids, _full(mcols + h)], exs[h])
                return carry2

            lax.fori_loop(0, CH // L, group, 0)

        issue_gather(0, 0)
        issue_gather(1, 1)

        def triple(p, carry):
            c0 = p * 3
            for b in range(3):
                c = c0 + b
                wait_gather(c, b)
                compute(rows[b], ads[b])
                pltpu.async_copy(rows[b], acc.at[idv.at[c]], ssem[b],
                                 add=True)

                @pl.when(c + 2 < NCHUNK)
                def _():
                    bn = (b + 2) % 3

                    @pl.when(c >= 1)
                    def _():
                        wait_scatter(c - 1, (b + 2) % 3)

                    issue_gather(c + 2, bn)

            return carry

        lax.fori_loop(0, NCHUNK // 3, triple, 0)
        wait_scatter(NCHUNK - 3, 0)
        wait_scatter(NCHUNK - 2, 1)
        wait_scatter(NCHUNK - 1, 2)
        plsc.subcore_barrier()

        pltpu.sync_copy(acc.at[pl.ds(sid * RPT, RPT)],
                        out_h.at[cid, pl.ds(sid * RPT, RPT)])

    return k(src3, dst3, tbl, dtb, zz)



def kernel(x, edge_index, W1, att_src1, att_dst1, b1, W2, att_src2, att_dst2,
           b2):
    f32 = jnp.float32
    loop = jnp.arange(N, dtype=jnp.int32)
    pad = jnp.full((EPAD - N - edge_index.shape[1],), N, jnp.int32)
    srcp = jnp.concatenate([edge_index[0].astype(jnp.int32), loop, pad]
                           ).reshape(NW, NCHUNK, CH)
    dstp = jnp.concatenate([edge_index[1].astype(jnp.int32), loop, pad]
                           ).reshape(NW, NCHUNK, CH)

    r64 = jnp.arange(64)[:, None]
    c80 = jnp.arange(80)[None, :]
    c16 = jnp.arange(16)[None, :]
    c64 = jnp.arange(64)[None, :]
    asrc1_flat = att_src1.reshape(64)[:, None]
    adst1_flat = att_dst1.reshape(64)[:, None]
    mt1 = jnp.where(c80 == r64, 1.0, 0.0) + \
        jnp.where(c80 == 64 + r64 // 8, asrc1_flat, 0.0)
    md1 = jnp.where(c16 == r64 // 8, adst1_flat, 0.0)
    rbig = jnp.where(jnp.arange(80)[:, None] == 64 + c64 // 8, 1.0, 0.0)
    r7 = jnp.arange(7)[:, None]
    mt2 = jnp.where(c16 == r7, 1.0, 0.0) + \
        jnp.where(c16 == 7, att_src2.reshape(7)[:, None], 0.0)
    md2 = jnp.where(c16 == 0, att_dst2.reshape(7)[:, None], 0.0)
    s7 = jnp.where(jnp.arange(7)[None, :] == jnp.arange(16)[:, None],
                   1.0, 0.0)
    s1 = jnp.where(jnp.arange(16)[:, None] == 7, 1.0, 0.0)

    zz80 = jnp.zeros((RPT, 80), f32)
    zz16 = jnp.zeros((RPT, 16), f32)

    t1, d1 = _build_tables(x, W1, mt1, md1)
    p1 = _edge_pass(srcp, dstp, t1, d1, zz80, 80, 8, 8)
    t2, d2 = _mid(p1, rbig, b1.reshape(1, 64), W2, mt2, md2)
    p2 = _edge_pass(srcp, dstp, t2, d2, zz16, 16, 1, 7)
    return _final(p2, s7, s1, b2.reshape(1, 7))

# --- scband reference (transcript-rebuilt; emitter-appended) ---
"""Pipeline reference for scband-gat-74277164417192 (READ-ONLY COPY).

The authoritative reference and input builder live on the scoring server;
editing this copy changes nothing except your own understanding.
"""

import jax, jax.numpy as jnp
import numpy as np

N_NODES = 10000


def gat_conv(x, edge_index, W, att_src, att_dst, bias, heads, out_ch, concat):
    n = x.shape[0]
    src = edge_index[0]
    dst = edge_index[1]
    # PyG GATConv default: add self-loops
    loop = jnp.arange(n, dtype=src.dtype)
    src = jnp.concatenate([src, loop])
    dst = jnp.concatenate([dst, loop])
    h = (x @ W).reshape(n, heads, out_ch)
    a_src = (h * att_src[None, :, :]).sum(-1)  # [n, heads]
    a_dst = (h * att_dst[None, :, :]).sum(-1)  # [n, heads]
    alpha = a_src[src] + a_dst[dst]            # [E, heads]
    alpha = jax.nn.leaky_relu(alpha, 0.2)
    # segment softmax over destination nodes
    amax = jax.ops.segment_max(alpha, dst, num_segments=n)
    amax = jnp.where(jnp.isfinite(amax), amax, 0.0)
    ex = jnp.exp(alpha - amax[dst])
    denom = jax.ops.segment_sum(ex, dst, num_segments=n)
    attn = ex / (denom[dst] + 1e-16)
    msg = h[src] * attn[:, :, None]            # [E, heads, out_ch]
    out = jax.ops.segment_sum(msg, dst, num_segments=n)
    if concat:
        out = out.reshape(n, heads * out_ch)
    else:
        out = out.mean(axis=1)
    return out + bias


def setup_inputs(seed: int = 0) -> dict:
    key = jax.random.key(seed)
    ks = jax.random.split(key, 12)
    x = jax.random.normal(ks[0], (N_NODES, 1433), dtype=jnp.float32)
    edge_index = jax.random.randint(ks[1], (2, 320000), 0, N_NODES, dtype=jnp.int64)
    W1 = jax.random.normal(ks[2], (1433, 64), dtype=jnp.float32) * 0.05
    att_src1 = jax.random.normal(ks[3], (8, 8), dtype=jnp.float32) * 0.1
    att_dst1 = jax.random.normal(ks[4], (8, 8), dtype=jnp.float32) * 0.1
    b1 = jnp.zeros((64,), dtype=jnp.float32)
    W2 = jax.random.normal(ks[5], (64, 7), dtype=jnp.float32) * 0.1
    att_src2 = jax.random.normal(ks[6], (1, 7), dtype=jnp.float32) * 0.1
    att_dst2 = jax.random.normal(ks[7], (1, 7), dtype=jnp.float32) * 0.1
    b2 = jnp.zeros((7,), dtype=jnp.float32)
    return {"x": x, "edge_index": edge_index, "W1": W1, "att_src1": att_src1,
            "att_dst1": att_dst1, "b1": b1, "W2": W2, "att_src2": att_src2,
            "att_dst2": att_dst2, "b2": b2}


def reference(x, edge_index, W1, att_src1, att_dst1, b1, W2, att_src2, att_dst2, b2):
    # eval mode: all F.dropout calls are identity
    h = gat_conv(x, edge_index, W1, att_src1, att_dst1, b1, heads=8, out_ch=8, concat=True)
    h = jax.nn.relu(h)
    h = gat_conv(h, edge_index, W2, att_src2, att_dst2, b2, heads=1, out_ch=7, concat=False)
    return jax.nn.log_softmax(h, axis=1)

if __name__ == "__main__":
    import jax
    _d = setup_inputs()
    print(jax.jit(kernel)(*tuple(_d.values())))

</pallas_src>

<mosaic_0001>
#map = affine_map<(d0, d1) -> (0, 0, 0)>
#map1 = affine_map<(d0, d1) -> (0, 0)>
module attributes {stable_mosaic.version = 14 : i64} {
  func.func @k(%arg0: i32, %arg1: i32, %arg2: memref<32x81x128xi32, #tpu.memory_space<hbm>>, %arg3: memref<32x81x128xi32, #tpu.memory_space<hbm>>, %arg4: memref<10112x16xf32, #tpu.memory_space<hbm>>, %arg5: memref<10112x16xf32, #tpu.memory_space<hbm>>, %arg6: memref<632x16xf32, #tpu.memory_space<hbm>>, %arg7: memref<2x10112x16xf32, #tpu.memory_space<hbm>>, %arg8: memref<81x128xi32, #tpu.memory_space<vmem>>, %arg9: memref<81x128xi32, #tpu.memory_space<vmem>>, %arg10: memref<128x16xf32, #tpu.memory_space<vmem>>, %arg11: memref<128x16xf32, #tpu.memory_space<vmem>>, %arg12: memref<128x16xf32, #tpu.memory_space<vmem>>, %arg13: memref<128x16xf32, #tpu.memory_space<vmem>>, %arg14: memref<128x16xf32, #tpu.memory_space<vmem>>, %arg15: memref<128x16xf32, #tpu.memory_space<vmem>>, %arg16: memref<10112x16xf32, #tpu.memory_space<vmem_shared>>, %arg17: memref<!tpu.dma_semaphore, #tpu.memory_space<semaphore_mem>>, %arg18: memref<!tpu.dma_semaphore, #tpu.memory_space<semaphore_mem>>, %arg19: memref<!tpu.dma_semaphore, #tpu.memory_space<semaphore_mem>>, %arg20: memref<!tpu.dma_semaphore, #tpu.memory_space<semaphore_mem>>, %arg21: memref<!tpu.dma_semaphore, #tpu.memory_space<semaphore_mem>>, %arg22: memref<!tpu.dma_semaphore, #tpu.memory_space<semaphore_mem>>, %arg23: memref<!tpu.dma_semaphore, #tpu.memory_space<semaphore_mem>>, %arg24: memref<!tpu.dma_semaphore, #tpu.memory_space<semaphore_mem>>, %arg25: memref<!tpu.dma_semaphore, #tpu.memory_space<semaphore_mem>>) attributes {dimension_semantics = [#tpu.dimension_semantics<core_parallel>, #tpu.dimension_semantics<subcore_parallel>], iteration_bounds = array<i64: 2, 16>, scalar_prefetch = 0 : i64, scratch_operands = 18 : i64, tpu.core_type = #tpu.core_type<sc_vector_subcore>, window_params = [{transform_indices = #map}, {transform_indices = #map}, {transform_indices = #map1}, {transform_indices = #map1}, {transform_indices = #map1}, {transform_indices = #map}]} {
    %mul3A = arith.constant 16 : i32
    %mul3A_0 = arith.muli %arg0, %mul3A : i32
    %add3A = arith.addi %mul3A_0, %arg1 : i32
    %mul3A_1 = arith.constant 632 : i32
    %mul3A_2 = arith.muli %arg1, %mul3A_1 : i32
    "tpu.region"() ({
      %run_scoped3A = tpu.sem_alloc : memref<!tpu.dma_semaphore, #tpu.memory_space<semaphore_mem>>
      %dma_start3A_60 = arith.constant 0 : i32
      %dma_start3A_61 = tpu.memref_slice %arg16[%mul3A_2, %dma_start3A_60] : memref<10112x16xf32, #tpu.memory_space<vmem_shared>> -> memref<632x16xf32, #tpu.memory_space<vmem_shared>>
      tpu.enqueue_dma source(%arg6 : memref<632x16xf32, #tpu.memory_space<hbm>>) target(%dma_start3A_61 : memref<632x16xf32, #tpu.memory_space<vmem_shared>>) target_semaphore(%run_scoped3A : memref<!tpu.dma_semaphore, #tpu.memory_space<semaphore_mem>>)
      %dma_wait3A_62 = arith.constant 0 : i32
      %dma_wait3A_63 = tpu.memref_slice %arg16[%mul3A_2, %dma_wait3A_62] : memref<10112x16xf32, #tpu.memory_space<vmem_shared>> -> memref<632x16xf32, #tpu.memory_space<vmem_shared>>
      tpu.wait_dma2 semaphore(%run_scoped3A : memref<!tpu.dma_semaphore, #tpu.memory_space<semaphore_mem>>) src(%arg6 : memref<632x16xf32, #tpu.memory_space<hbm>>) dst(%dma_wait3A_63 : memref<632x16xf32, #tpu.memory_space<vmem_shared>>)
      tpu.yield
    }) : () -> ()
    %barrier3A = arith.constant 0 : index
    tpu.barrier barrier_id(%barrier3A)
    "tpu.region"() ({
      %run_scoped3A = tpu.sem_alloc : memref<!tpu.dma_semaphore, #tpu.memory_space<semaphore_mem>>
      %dma_start3A_60 = arith.constant 0 : i32
      %dma_start3A_61 = arith.constant 0 : i32
      %dma_start3A_62 = tpu.memref_slice %arg2[%add3A, %dma_start3A_60, %dma_start3A_61] : memref<32x81x128xi32, #tpu.memory_space<hbm>> -> memref<1x81x128xi32, #tpu.memory_space<hbm>>
      %dma_start3A_63 = tpu.memref_squeeze %dma_start3A_62 : memref<1x81x128xi32, #tpu.memory_space<hbm>> -> memref<81x128xi32, #tpu.memory_space<hbm>>
      %dma_start3A_64 = arith.constant 0 : i32
      %dma_start3A_65 = arith.constant 0 : i32
      %dma_start3A_66 = tpu.memref_slice %arg2[%add3A, %dma_start3A_64, %dma_start3A_65] : memref<32x81x128xi32, #tpu.memory_space<hbm>> -> memref<1x81x128xi32, #tpu.memory_space<hbm>>
      %dma_start3A_67 = tpu.memref_squeeze %dma_start3A_66 : memref<1x81x128xi32, #tpu.memory_space<hbm>> -> memref<81x128xi32, #tpu.memory_space<hbm>>
      tpu.enqueue_dma source(%dma_start3A_67 : memref<81x128xi32, #tpu.memory_space<hbm>>) target(%arg8 : memref<81x128xi32, #tpu.memory_space<vmem>>) target_semaphore(%run_scoped3A : memref<!tpu.dma_semaphore, #tpu.memory_space<semaphore_mem>>)
      %dma_wait3A_68 = arith.constant 0 : i32
      %dma_wait3A_69 = arith.constant 0 : i32
      %dma_wait3A_70 = tpu.memref_slice %arg2[%add3A, %dma_wait3A_68, %dma_wait3A_69] : memref<32x81x128xi32, #tpu.memory_space<hbm>> -> memref<1x81x128xi32, #tpu.memory_space<hbm>>
      %dma_wait3A_71 = tpu.memref_squeeze %dma_wait3A_70 : memref<1x81x128xi32, #tpu.memory_space<hbm>> -> memref<81x128xi32, #tpu.memory_space<hbm>>
      %dma_wait3A_72 = arith.constant 0 : i32
      %dma_wait3A_73 = arith.constant 0 : i32
      %dma_wait3A_74 = tpu.memref_slice %arg2[%add3A, %dma_wait3A_72, %dma_wait3A_73] : memref<32x81x128xi32, #tpu.memory_space<hbm>> -> memref<1x81x128xi32, #tpu.memory_space<hbm>>
      %dma_wait3A_75 = tpu.memref_squeeze %dma_wait3A_74 : memref<1x81x128xi32, #tpu.memory_space<hbm>> -> memref<81x128xi32, #tpu.memory_space<hbm>>
      tpu.wait_dma2 semaphore(%run_scoped3A : memref<!tpu.dma_semaphore, #tpu.memory_space<semaphore_mem>>) src(%dma_wait3A_75 : memref<81x128xi32, #tpu.memory_space<hbm>>) dst(%arg8 : memref<81x128xi32, #tpu.memory_space<vmem>>)
      tpu.yield
    }) : () -> ()
    "tpu.region"() ({
      %run_scoped3A = tpu.sem_alloc : memref<!tpu.dma_semaphore, #tpu.memory_space<semaphore_mem>>
      %dma_start3A_60 = arith.constant 0 : i32
      %dma_start3A_61 = arith.constant 0 : i32
      %dma_start3A_62 = tpu.memref_slice %arg3[%add3A, %dma_start3A_60, %dma_start3A_61] : memref<32x81x128xi32, #tpu.memory_space<hbm>> -> memref<1x81x128xi32, #tpu.memory_space<hbm>>
      %dma_start3A_63 = tpu.memref_squeeze %dma_start3A_62 : memref<1x81x128xi32, #tpu.memory_space<hbm>> -> memref<81x128xi32, #tpu.memory_space<hbm>>
      %dma_start3A_64 = arith.constant 0 : i32
      %dma_start3A_65 = arith.constant 0 : i32
      %dma_start3A_66 = tpu.memref_slice %arg3[%add3A, %dma_start3A_64, %dma_start3A_65] : memref<32x81x128xi32, #tpu.memory_space<hbm>> -> memref<1x81x128xi32, #tpu.memory_space<hbm>>
      %dma_start3A_67 = tpu.memref_squeeze %dma_start3A_66 : memref<1x81x128xi32, #tpu.memory_space<hbm>> -> memref<81x128xi32, #tpu.memory_space<hbm>>
      tpu.enqueue_dma source(%dma_start3A_67 : memref<81x128xi32, #tpu.memory_space<hbm>>) target(%arg9 : memref<81x128xi32, #tpu.memory_space<vmem>>) target_semaphore(%run_scoped3A : memref<!tpu.dma_semaphore, #tpu.memory_space<semaphore_mem>>)
      %dma_wait3A_68 = arith.constant 0 : i32
      %dma_wait3A_69 = arith.constant 0 : i32
      %dma_wait3A_70 = tpu.memref_slice %arg3[%add3A, %dma_wait3A_68, %dma_wait3A_69] : memref<32x81x128xi32, #tpu.memory_space<hbm>> -> memref<1x81x128xi32, #tpu.memory_space<hbm>>
      %dma_wait3A_71 = tpu.memref_squeeze %dma_wait3A_70 : memref<1x81x128xi32, #tpu.memory_space<hbm>> -> memref<81x128xi32, #tpu.memory_space<hbm>>
      %dma_wait3A_72 = arith.constant 0 : i32
      %dma_wait3A_73 = arith.constant 0 : i32
      %dma_wait3A_74 = tpu.memref_slice %arg3[%add3A, %dma_wait3A_72, %dma_wait3A_73] : memref<32x81x128xi32, #tpu.memory_space<hbm>> -> memref<1x81x128xi32, #tpu.memory_space<hbm>>
      %dma_wait3A_75 = tpu.memref_squeeze %dma_wait3A_74 : memref<1x81x128xi32, #tpu.memory_space<hbm>> -> memref<81x128xi32, #tpu.memory_space<hbm>>
      tpu.wait_dma2 semaphore(%run_scoped3A : memref<!tpu.dma_semaphore, #tpu.memory_space<semaphore_mem>>) src(%dma_wait3A_75 : memref<81x128xi32, #tpu.memory_space<hbm>>) dst(%arg9 : memref<81x128xi32, #tpu.memory_space<vmem>>)
      tpu.yield
    }) : () -> ()
    %dma_start3A = arith.constant 0 : i32
    %dma_start3A_3 = arith.constant 0 : i32
    %dma_start3A_4 = tpu.memref_slice %arg8[%dma_start3A, %dma_start3A_3] : memref<81x128xi32, #tpu.memory_space<vmem>> -> memref<1x128xi32, #tpu.memory_space<vmem>>
    %dma_start3A_5 = tpu.memref_squeeze %dma_start3A_4 : memref<1x128xi32, #tpu.memory_space<vmem>> -> memref<128xi32, #tpu.memory_space<vmem>>
    %dma_start3A_6 = arith.constant 0 : i32
    %dma_start3A_7 = arith.constant 0 : i32
    %dma_start3A_8 = tpu.memref_slice %arg4[%dma_start3A_6, %dma_start3A_7] : memref<10112x16xf32, #tpu.memory_space<hbm>> -> memref<10112x16xf32, #tpu.memory_space<hbm>>
    tpu.enqueue_indirect_dma source(%dma_start3A_8 : memref<10112x16xf32, #tpu.memory_space<hbm>>) target(%arg10 : memref<128x16xf32, #tpu.memory_space<vmem>>) offsets(%dma_start3A_5 : memref<128xi32, #tpu.memory_space<vmem>>) semaphore(%arg17 : memref<!tpu.dma_semaphore, #tpu.memory_space<semaphore_mem>>)
    %dma_start3A_9 = arith.constant 0 : i32
    %dma_start3A_10 = arith.constant 0 : i32
    %dma_start3A_11 = tpu.memref_slice %arg9[%dma_start3A_9, %dma_start3A_10] : memref<81x128xi32, #tpu.memory_space<vmem>> -> memref<1x128xi32, #tpu.memory_space<vmem>>
    %dma_start3A_12 = tpu.memref_squeeze %dma_start3A_11 : memref<1x128xi32, #tpu.memory_space<vmem>> -> memref<128xi32, #tpu.memory_space<vmem>>
    %dma_start3A_13 = arith.constant 0 : i32
    %dma_start3A_14 = arith.constant 0 : i32
    %dma_start3A_15 = tpu.memref_slice %arg5[%dma_start3A_13, %dma_start3A_14] : memref<10112x16xf32, #tpu.memory_space<hbm>> -> memref<10112x16xf32, #tpu.memory_space<hbm>>
    tpu.enqueue_indirect_dma source(%dma_start3A_15 : memref<10112x16xf32, #tpu.memory_space<hbm>>) target(%arg13 : memref<128x16xf32, #tpu.memory_space<vmem>>) offsets(%dma_start3A_12 : memref<128xi32, #tpu.memory_space<vmem>>) semaphore(%arg20 : memref<!tpu.dma_semaphore, #tpu.memory_space<semaphore_mem>>)
    %dma_start3A_16 = arith.constant 1 : i32
    %dma_start3A_17 = arith.constant 0 : i32
    %dma_start3A_18 = tpu.memref_slice %arg8[%dma_start3A_16, %dma_start3A_17] : memref<81x128xi32, #tpu.memory_space<vmem>> -> memref<1x128xi32, #tpu.memory_space<vmem>>
    %dma_start3A_19 = tpu.memref_squeeze %dma_start3A_18 : memref<1x128xi32, #tpu.memory_space<vmem>> -> memref<128xi32, #tpu.memory_space<vmem>>
    %dma_start3A_20 = arith.constant 0 : i32
    %dma_start3A_21 = arith.constant 0 : i32
    %dma_start3A_22 = tpu.memref_slice %arg4[%dma_start3A_20, %dma_start3A_21] : memref<10112x16xf32, #tpu.memory_space<hbm>> -> memref<10112x16xf32, #tpu.memory_space<hbm>>
    tpu.enqueue_indirect_dma source(%dma_start3A_22 : memref<10112x16xf32, #tpu.memory_space<hbm>>) target(%arg11 : memref<128x16xf32, #tpu.memory_space<vmem>>) offsets(%dma_start3A_19 : memref<128xi32, #tpu.memory_space<vmem>>) semaphore(%arg18 : memref<!tpu.dma_semaphore, #tpu.memory_space<semaphore_mem>>)
    %dma_start3A_23 = arith.constant 1 : i32
    %dma_start3A_24 = arith.constant 0 : i32
    %dma_start3A_25 = tpu.memref_slice %arg9[%dma_start3A_23, %dma_start3A_24] : memref<81x128xi32, #tpu.memory_space<vmem>> -> memref<1x128xi32, #tpu.memory_space<vmem>>
    %dma_start3A_26 = tpu.memref_squeeze %dma_start3A_25 : memref<1x128xi32, #tpu.memory_space<vmem>> -> memref<128xi32, #tpu.memory_space<vmem>>
    %dma_start3A_27 = arith.constant 0 : i32
    %dma_start3A_28 = arith.constant 0 : i32
    %dma_start3A_29 = tpu.memref_slice %arg5[%dma_start3A_27, %dma_start3A_28] : memref<10112x16xf32, #tpu.memory_space<hbm>> -> memref<10112x16xf32, #tpu.memory_space<hbm>>
    tpu.enqueue_indirect_dma source(%dma_start3A_29 : memref<10112x16xf32, #tpu.memory_space<hbm>>) target(%arg14 : memref<128x16xf32, #tpu.memory_space<vmem>>) offsets(%dma_start3A_26 : memref<128xi32, #tpu.memory_space<vmem>>) semaphore(%arg21 : memref<!tpu.dma_semaphore, #tpu.memory_space<semaphore_mem>>)
    %scan3A = arith.constant 0 : i32
    %scan3A_30 = arith.constant 0 : i32
    %scan3A_31 = arith.constant 27 : i32
    %scan3A_32 = arith.addi %scan3A_30, %scan3A_31 : i32
    %scan3A_33 = arith.constant 1 : i32
    scf.for %scan3A_60 = %scan3A_30 to %scan3A_32 step %scan3A_33  : i32 {
      %mul3A_61 = arith.constant 3 : i32
      %mul3A_62 = arith.muli %scan3A_60, %mul3A_61 : i32
      %add3A_63 = arith.constant 0 : i32
      %add3A_64 = arith.addi %mul3A_62, %add3A_63 : i32
      %dma_wait3A_65 = arith.constant 0 : i32
      %dma_wait3A_66 = tpu.memref_slice %arg8[%add3A_64, %dma_wait3A_65] : memref<81x128xi32, #tpu.memory_space<vmem>> -> memref<1x128xi32, #tpu.memory_space<vmem>>
      %dma_wait3A_67 = tpu.memref_squeeze %dma_wait3A_66 : memref<1x128xi32, #tpu.memory_space<vmem>> -> memref<128xi32, #tpu.memory_space<vmem>>
      %dma_wait3A_68 = arith.constant 0 : i32
      %dma_wait3A_69 = arith.constant 0 : i32
      %dma_wait3A_70 = tpu.memref_slice %arg4[%dma_wait3A_68, %dma_wait3A_69] : memref<10112x16xf32, #tpu.memory_space<hbm>> -> memref<10112x16xf32, #tpu.memory_space<hbm>>
      tpu.wait_indirect_dma semaphore(%arg17 : memref<!tpu.dma_semaphore, #tpu.memory_space<semaphore_mem>>) src(%dma_wait3A_70 : memref<10112x16xf32, #tpu.memory_space<hbm>>) dst(%arg10 : memref<128x16xf32, #tpu.memory_space<vmem>>)
      %dma_wait3A_71 = arith.constant 0 : i32
      %dma_wait3A_72 = tpu.memref_slice %arg9[%add3A_64, %dma_wait3A_71] : memref<81x128xi32, #tpu.memory_space<vmem>> -> memref<1x128xi32, #tpu.memory_space<vmem>>
      %dma_wait3A_73 = tpu.memref_squeeze %dma_wait3A_72 : memref<1x128xi32, #tpu.memory_space<vmem>> -> memref<128xi32, #tpu.memory_space<vmem>>
      %dma_wait3A_74 = arith.constant 0 : i32
      %dma_wait3A_75 = arith.constant 0 : i32
      %dma_wait3A_76 = tpu.memref_slice %arg5[%dma_wait3A_74, %dma_wait3A_75] : memref<10112x16xf32, #tpu.memory_space<hbm>> -> memref<10112x16xf32, #tpu.memory_space<hbm>>
      tpu.wait_indirect_dma semaphore(%arg20 : memref<!tpu.dma_semaphore, #tpu.memory_space<semaphore_mem>>) src(%dma_wait3A_76 : memref<10112x16xf32, #tpu.memory_space<hbm>>) dst(%arg13 : memref<128x16xf32, #tpu.memory_space<vmem>>)
      %scan3A_77 = arith.constant 0 : i32
      %scan3A_78 = arith.constant 0 : i32
      %scan3A_79 = arith.constant 8 : i32
      %scan3A_80 = arith.addi %scan3A_78, %scan3A_79 : i32
      %scan3A_81 = arith.constant 1 : i32
      scf.for %scan3A_159 = %scan3A_78 to %scan3A_80 step %scan3A_81  : i32 {
        %iota3A = tpu.iota {dimensions = array<i32: 0>} : vector<16xi32>
        %mul3A_160 = arith.constant 16 : i32
        %mul3A_161 = arith.muli %scan3A_159, %mul3A_160 : i32
        %add3A_162 = vector.broadcast %mul3A_161 : i32 to vector<16xi32>
        %add3A_163 = arith.addi %iota3A, %add3A_162 : vector<16xi32>
        %broadcast_in_dim3A = arith.constant 7 : i32
        %broadcast_in_dim3A_164 = vector.broadcast %broadcast_in_dim3A : i32 to vector<16xi32>
        %gather3A = tpu.vector_load_idx %arg10[%add3A_163, %broadcast_in_dim3A_164] : memref<128x16xf32, #tpu.memory_space<vmem>>[vector<16xi32>, vector<16xi32>], vector<16xf32>,
        %broadcast_in_dim3A_165 = arith.constant 0 : i32
        %broadcast_in_dim3A_166 = vector.broadcast %broadcast_in_dim3A_165 : i32 to vector<16xi32>
        %gather3A_167 = tpu.vector_load_idx %arg13[%add3A_163, %broadcast_in_dim3A_166] : memref<128x16xf32, #tpu.memory_space<vmem>>[vector<16xi32>, vector<16xi32>], vector<16xf32>,
        %add3A_168 = arith.addf %gather3A, %gather3A_167 : vector<16xf32>
        %gt3A = arith.constant 0.000000e+00 : f32
        %gt3A_169 = vector.broadcast %gt3A : f32 to vector<16xf32>
        %gt3A_170 = arith.cmpf ogt, %add3A_168, %gt3A_169 : vector<16xf32>
        %mul3A_171 = arith.constant 2.000000e-01 : f32
        %mul3A_172 = vector.broadcast %mul3A_171 : f32 to vector<16xf32>
        %mul3A_173 = arith.mulf %add3A_168, %mul3A_172 : vector<16xf32>
        %select_n3A = arith.select %gt3A_170, %add3A_168, %mul3A_173 : vector<16xi1>, vector<16xf32>
        %exp3A = math.exp %select_n3A : vector<16xf32>
        %broadcast_in_dim3A_174 = arith.constant 0 : i32
        %broadcast_in_dim3A_175 = vector.broadcast %broadcast_in_dim3A_174 : i32 to vector<16xi32>
        %gather3A_176 = tpu.vector_load_idx %arg10[%add3A_163, %broadcast_in_dim3A_175] : memref<128x16xf32, #tpu.memory_space<vmem>>[vector<16xi32>, vector<16xi32>], vector<16xf32>,
        %broadcast_in_dim3A_177 = arith.constant 1 : i32
        %broadcast_in_dim3A_178 = vector.broadcast %broadcast_in_dim3A_177 : i32 to vector<16xi32>
        %gather3A_179 = tpu.vector_load_idx %arg10[%add3A_163, %broadcast_in_dim3A_178] : memref<128x16xf32, #tpu.memory_space<vmem>>[vector<16xi32>, vector<16xi32>], vector<16xf32>,
        %broadcast_in_dim3A_180 = arith.constant 2 : i32
        %broadcast_in_dim3A_181 = vector.broadcast %broadcast_in_dim3A_180 : i32 to vector<16xi32>
        %gather3A_182 = tpu.vector_load_idx %arg10[%add3A_163, %broadcast_in_dim3A_181] : memref<128x16xf32, #tpu.memory_space<vmem>>[vector<16xi32>, vector<16xi32>], vector<16xf32>,
        %broadcast_in_dim3A_183 = arith.constant 3 : i32
        %broadcast_in_dim3A_184 = vector.broadcast %broadcast_in_dim3A_183 : i32 to vector<16xi32>
        %gather3A_185 = tpu.vector_load_idx %arg10[%add3A_163, %broadcast_in_dim3A_184] : memref<128x16xf32, #tpu.memory_space<vmem>>[vector<16xi32>, vector<16xi32>], vector<16xf32>,
        %broadcast_in_dim3A_186 = arith.constant 4 : i32
        %broadcast_in_dim3A_187 = vector.broadcast %broadcast_in_dim3A_186 : i32 to vector<16xi32>
        %gather3A_188 = tpu.vector_load_idx %arg10[%add3A_163, %broadcast_in_dim3A_187] : memref<128x16xf32, #tpu.memory_space<vmem>>[vector<16xi32>, vector<16xi32>], vector<16xf32>,
        %broadcast_in_dim3A_189 = arith.constant 5 : i32
        %broadcast_in_dim3A_190 = vector.broadcast %broadcast_in_dim3A_189 : i32 to vector<16xi32>
        %gather3A_191 = tpu.vector_load_idx %arg10[%add3A_163, %broadcast_in_dim3A_190] : memref<128x16xf32, #tpu.memory_space<vmem>>[vector<16xi32>, vector<16xi32>], vector<16xf32>,
        %broadcast_in_dim3A_192 = arith.constant 6 : i32
        %broadcast_in_dim3A_193 = vector.broadcast %broadcast_in_dim3A_192 : i32 to vector<16xi32>
        %gather3A_194 = tpu.vector_load_idx %arg10[%add3A_163, %broadcast_in_dim3A_193] : memref<128x16xf32, #tpu.memory_space<vmem>>[vector<16xi32>, vector<16xi32>], vector<16xf32>,
        %broadcast_in_dim3A_195 = arith.constant 0 : i32
        %broadcast_in_dim3A_196 = vector.broadcast %broadcast_in_dim3A_195 : i32 to vector<16xi32>
        %mul3A_197 = arith.mulf %gather3A_176, %exp3A : vector<16xf32>
        tpu.vector_store_idx %arg10[%add3A_163, %broadcast_in_dim3A_196], %mul3A_197 : memref<128x16xf32, #tpu.memory_space<vmem>>[vector<16xi32>, vector<16xi32>], vector<16xf32>,
        %broadcast_in_dim3A_198 = arith.constant 1 : i32
        %broadcast_in_dim3A_199 = vector.broadcast %broadcast_in_dim3A_198 : i32 to vector<16xi32>
        %mul3A_200 = arith.mulf %gather3A_179, %exp3A : vector<16xf32>
        tpu.vector_store_idx %arg10[%add3A_163, %broadcast_in_dim3A_199], %mul3A_200 : memref<128x16xf32, #tpu.memory_space<vmem>>[vector<16xi32>, vector<16xi32>], vector<16xf32>,
        %broadcast_in_dim3A_201 = arith.constant 2 : i32
        %broadcast_in_dim3A_202 = vector.broadcast %broadcast_in_dim3A_201 : i32 to vector<16xi32>
        %mul3A_203 = arith.mulf %gather3A_182, %exp3A : vector<16xf32>
        tpu.vector_store_idx %arg10[%add3A_163, %broadcast_in_dim3A_202], %mul3A_203 : memref<128x16xf32, #tpu.memory_space<vmem>>[vector<16xi32>, vector<16xi32>], vector<16xf32>,
        %broadcast_in_dim3A_204 = arith.constant 3 : i32
        %broadcast_in_dim3A_205 = vector.broadcast %broadcast_in_dim3A_204 : i32 to vector<16xi32>
        %mul3A_206 = arith.mulf %gather3A_185, %exp3A : vector<16xf32>
        tpu.vector_store_idx %arg10[%add3A_163, %broadcast_in_dim3A_205], %mul3A_206 : memref<128x16xf32, #tpu.memory_space<vmem>>[vector<16xi32>, vector<16xi32>], vector<16xf32>,
        %broadcast_in_dim3A_207 = arith.constant 4 : i32
        %broadcast_in_dim3A_208 = vector.broadcast %broadcast_in_dim3A_207 : i32 to vector<16xi32>
        %mul3A_209 = arith.mulf %gather3A_188, %exp3A : vector<16xf32>
        tpu.vector_store_idx %arg10[%add3A_163, %broadcast_in_dim3A_208], %mul3A_209 : memref<128x16xf32, #tpu.memory_space<vmem>>[vector<16xi32>, vector<16xi32>], vector<16xf32>,
        %broadcast_in_dim3A_210 = arith.constant 5 : i32
        %broadcast_in_dim3A_211 = vector.broadcast %broadcast_in_dim3A_210 : i32 to vector<16xi32>
        %mul3A_212 = arith.mulf %gather3A_191, %exp3A : vector<16xf32>
        tpu.vector_store_idx %arg10[%add3A_163, %broadcast_in_dim3A_211], %mul3A_212 : memref<128x16xf32, #tpu.memory_space<vmem>>[vector<16xi32>, vector<16xi32>], vector<16xf32>,
        %broadcast_in_dim3A_213 = arith.constant 6 : i32
        %broadcast_in_dim3A_214 = vector.broadcast %broadcast_in_dim3A_213 : i32 to vector<16xi32>
        %mul3A_215 = arith.mulf %gather3A_194, %exp3A : vector<16xf32>
        tpu.vector_store_idx %arg10[%add3A_163, %broadcast_in_dim3A_214], %mul3A_215 : memref<128x16xf32, #tpu.memory_space<vmem>>[vector<16xi32>, vector<16xi32>], vector<16xf32>,
        %broadcast_in_dim3A_216 = arith.constant 7 : i32
        %broadcast_in_dim3A_217 = vector.broadcast %broadcast_in_dim3A_216 : i32 to vector<16xi32>
        tpu.vector_store_idx %arg10[%add3A_163, %broadcast_in_dim3A_217], %exp3A : memref<128x16xf32, #tpu.memory_space<vmem>>[vector<16xi32>, vector<16xi32>], vector<16xf32>,
      }
      %scan3A_82 = arith.constant 8 : i32
      %dma_start3A_83 = arith.constant 0 : i32
      %dma_start3A_84 = tpu.memref_slice %arg9[%add3A_64, %dma_start3A_83] : memref<81x128xi32, #tpu.memory_space<vmem>> -> memref<1x128xi32, #tpu.memory_space<vmem>>
      %dma_start3A_85 = tpu.memref_squeeze %dma_start3A_84 : memref<1x128xi32, #tpu.memory_space<vmem>> -> memref<128xi32, #tpu.memory_space<vmem>>
      %dma_start3A_86 = arith.constant 0 : i32
      %dma_start3A_87 = arith.constant 0 : i32
      %dma_start3A_88 = tpu.memref_slice %arg16[%dma_start3A_86, %dma_start3A_87] : memref<10112x16xf32, #tpu.memory_space<vmem_shared>> -> memref<10112x16xf32, #tpu.memory_space<vmem_shared>>
      tpu.enqueue_indirect_dma source(%arg10 : memref<128x16xf32, #tpu.memory_space<vmem>>) target(%dma_start3A_88 : memref<10112x16xf32, #tpu.memory_space<vmem_shared>>) offsets(%dma_start3A_85 : memref<128xi32, #tpu.memory_space<vmem>>) semaphore(%arg23 : memref<!tpu.dma_semaphore, #tpu.memory_space<semaphore_mem>>) {add = true}
      %add3A_89 = arith.constant 2 : i32
      %add3A_90 = arith.addi %add3A_64, %add3A_89 : i32
      %lt3A = arith.constant 81 : i32
      %lt3A_91 = arith.cmpi slt, %add3A_90, %lt3A : i32
      %convert_element_type3A = arith.extui %lt3A_91 : i1 to i32
      %cond3A = arith.constant 0 : i32
      %cond3A_92 = arith.cmpi ne, %convert_element_type3A, %cond3A : i32
      scf.if %cond3A_92 {
        %ge3A = arith.constant 1 : i32
        %ge3A_159 = arith.cmpi sge, %add3A_64, %ge3A : i32
        %convert_element_type3A_160 = arith.extui %ge3A_159 : i1 to i32
        %cond3A_161 = arith.constant 0 : i32
        %cond3A_162 = arith.cmpi ne, %convert_element_type3A_160, %cond3A_161 : i32
        scf.if %cond3A_162 {
          %sub3A = arith.constant 1 : i32
          %sub3A_177 = arith.subi %add3A_64, %sub3A : i32
          %dma_wait3A_178 = arith.constant 0 : i32
          %dma_wait3A_179 = tpu.memref_slice %arg9[%sub3A_177, %dma_wait3A_178] : memref<81x128xi32, #tpu.memory_space<vmem>> -> memref<1x128xi32, #tpu.memory_space<vmem>>
          %dma_wait3A_180 = tpu.memref_squeeze %dma_wait3A_179 : memref<1x128xi32, #tpu.memory_space<vmem>> -> memref<128xi32, #tpu.memory_space<vmem>>
          %dma_wait3A_181 = arith.constant 0 : i32
          %dma_wait3A_182 = arith.constant 0 : i32
          %dma_wait3A_183 = tpu.memref_slice %arg16[%dma_wait3A_181, %dma_wait3A_182] : memref<10112x16xf32, #tpu.memory_space<vmem_shared>> -> memref<10112x16xf32, #tpu.memory_space<vmem_shared>>
          tpu.wait_indirect_dma semaphore(%arg25 : memref<!tpu.dma_semaphore, #tpu.memory_space<semaphore_mem>>) src(%arg12 : memref<128x16xf32, #tpu.memory_space<vmem>>) dst(%dma_wait3A_183 : memref<10112x16xf32, #tpu.memory_space<vmem_shared>>)
        } else {
        }
        %add3A_163 = arith.constant 2 : i32
        %add3A_164 = arith.addi %add3A_64, %add3A_163 : i32
        %dma_start3A_165 = arith.constant 0 : i32
        %dma_start3A_166 = tpu.memref_slice %arg8[%add3A_164, %dma_start3A_165] : memref<81x128xi32, #tpu.memory_space<vmem>> -> memref<1x128xi32, #tpu.memory_space<vmem>>
        %dma_start3A_167 = tpu.memref_squeeze %dma_start3A_166 : memref<1x128xi32, #tpu.memory_space<vmem>> -> memref<128xi32, #tpu.memory_space<vmem>>
        %dma_start3A_168 = arith.constant 0 : i32
        %dma_start3A_169 = arith.constant 0 : i32
        %dma_start3A_170 = tpu.memref_slice %arg4[%dma_start3A_168, %dma_start3A_169] : memref<10112x16xf32, #tpu.memory_space<hbm>> -> memref<10112x16xf32, #tpu.memory_space<hbm>>
        tpu.enqueue_indirect_dma source(%dma_start3A_170 : memref<10112x16xf32, #tpu.memory_space<hbm>>) target(%arg12 : memref<128x16xf32, #tpu.memory_space<vmem>>) offsets(%dma_start3A_167 : memref<128xi32, #tpu.memory_space<vmem>>) semaphore(%arg19 : memref<!tpu.dma_semaphore, #tpu.memory_space<semaphore_mem>>)
        %dma_start3A_171 = arith.constant 0 : i32
        %dma_start3A_172 = tpu.memref_slice %arg9[%add3A_164, %dma_start3A_171] : memref<81x128xi32, #tpu.memory_space<vmem>> -> memref<1x128xi32, #tpu.memory_space<vmem>>
        %dma_start3A_173 = tpu.memref_squeeze %dma_start3A_172 : memref<1x128xi32, #tpu.memory_space<vmem>> -> memref<128xi32, #tpu.memory_space<vmem>>
        %dma_start3A_174 = arith.constant 0 : i32
        %dma_start3A_175 = arith.constant 0 : i32
        %dma_start3A_176 = tpu.memref_slice %arg5[%dma_start3A_174, %dma_start3A_175] : memref<10112x16xf32, #tpu.memory_space<hbm>> -> memref<10112x16xf32, #tpu.memory_space<hbm>>
        tpu.enqueue_indirect_dma source(%dma_start3A_176 : memref<10112x16xf32, #tpu.memory_space<hbm>>) target(%arg15 : memref<128x16xf32, #tpu.memory_space<vmem>>) offsets(%dma_start3A_173 : memref<128xi32, #tpu.memory_space<vmem>>) semaphore(%arg22 : memref<!tpu.dma_semaphore, #tpu.memory_space<semaphore_mem>>)
      } else {
      }
      %add3A_93 = arith.constant 1 : i32
      %add3A_94 = arith.addi %mul3A_62, %add3A_93 : i32
      %dma_wait3A_95 = arith.constant 0 : i32
      %dma_wait3A_96 = tpu.memref_slice %arg8[%add3A_94, %dma_wait3A_95] : memref<81x128xi32, #tpu.memory_space<vmem>> -> memref<1x128xi32, #tpu.memory_space<vmem>>
      %dma_wait3A_97 = tpu.memref_squeeze %dma_wait3A_96 : memref<1x128xi32, #tpu.memory_space<vmem>> -> memref<128xi32, #tpu.memory_space<vmem>>
      %dma_wait3A_98 = arith.constant 0 : i32
      %dma_wait3A_99 = arith.constant 0 : i32
      %dma_wait3A_100 = tpu.memref_slice %arg4[%dma_wait3A_98, %dma_wait3A_99] : memref<10112x16xf32, #tpu.memory_space<hbm>> -> memref<10112x16xf32, #tpu.memory_space<hbm>>
      tpu.wait_indirect_dma semaphore(%arg18 : memref<!tpu.dma_semaphore, #tpu.memory_space<semaphore_mem>>) src(%dma_wait3A_100 : memref<10112x16xf32, #tpu.memory_space<hbm>>) dst(%arg11 : memref<128x16xf32, #tpu.memory_space<vmem>>)
      %dma_wait3A_101 = arith.constant 0 : i32
      %dma_wait3A_102 = tpu.memref_slice %arg9[%add3A_94, %dma_wait3A_101] : memref<81x128xi32, #tpu.memory_space<vmem>> -> memref<1x128xi32, #tpu.memory_space<vmem>>
      %dma_wait3A_103 = tpu.memref_squeeze %dma_wait3A_102 : memref<1x128xi32, #tpu.memory_space<vmem>> -> memref<128xi32, #tpu.memory_space<vmem>>
      %dma_wait3A_104 = arith.constant 0 : i32
      %dma_wait3A_105 = arith.constant 0 : i32
      %dma_wait3A_106 = tpu.memref_slice %arg5[%dma_wait3A_104, %dma_wait3A_105] : memref<10112x16xf32, #tpu.memory_space<hbm>> -> memref<10112x16xf32, #tpu.memory_space<hbm>>
      tpu.wait_indirect_dma semaphore(%arg21 : memref<!tpu.dma_semaphore, #tpu.memory_space<semaphore_mem>>) src(%dma_wait3A_106 : memref<10112x16xf32, #tpu.memory_space<hbm>>) dst(%arg14 : memref<128x16xf32, #tpu.memory_space<vmem>>)
      %scan3A_107 = arith.constant 0 : i32
      %scan3A_108 = arith.constant 0 : i32
      %scan3A_109 = arith.constant 8 : i32
      %scan3A_110 = arith.addi %scan3A_108, %scan3A_109 : i32
      %scan3A_111 = arith.constant 1 : i32
      scf.for %scan3A_159 = %scan3A_108 to %scan3A_110 step %scan3A_111  : i32 {
        %iota3A = tpu.iota {dimensions = array<i32: 0>} : vector<16xi32>
        %mul3A_160 = arith.constant 16 : i32
        %mul3A_161 = arith.muli %scan3A_159, %mul3A_160 : i32
        %add3A_162 = vector.broadcast %mul3A_161 : i32 to vector<16xi32>
        %add3A_163 = arith.addi %iota3A, %add3A_162 : vector<16xi32>
        %broadcast_in_dim3A = arith.constant 7 : i32
        %broadcast_in_dim3A_164 = vector.broadcast %broadcast_in_dim3A : i32 to vector<16xi32>
        %gather3A = tpu.vector_load_idx %arg11[%add3A_163, %broadcast_in_dim3A_164] : memref<128x16xf32, #tpu.memory_space<vmem>>[vector<16xi32>, vector<16xi32>], vector<16xf32>,
        %broadcast_in_dim3A_165 = arith.constant 0 : i32
        %broadcast_in_dim3A_166 = vector.broadcast %broadcast_in_dim3A_165 : i32 to vector<16xi32>
        %gather3A_167 = tpu.vector_load_idx %arg14[%add3A_163, %broadcast_in_dim3A_166] : memref<128x16xf32, #tpu.memory_space<vmem>>[vector<16xi32>, vector<16xi32>], vector<16xf32>,
        %add3A_168 = arith.addf %gather3A, %gather3A_167 : vector<16xf32>
        %gt3A = arith.constant 0.000000e+00 : f32
        %gt3A_169 = vector.broadcast %gt3A : f32 to vector<16xf32>
        %gt3A_170 = arith.cmpf ogt, %add3A_168, %gt3A_169 : vector<16xf32>
        %mul3A_171 = arith.constant 2.000000e-01 : f32
        %mul3A_172 = vector.broadcast %mul3A_171 : f32 to vector<16xf32>
        %mul3A_173 = arith.mulf %add3A_168, %mul3A_172 : vector<16xf32>
        %select_n3A = arith.select %gt3A_170, %add3A_168, %mul3A_173 : vector<16xi1>, vector<16xf32>
        %exp3A = math.exp %select_n3A : vector<16xf32>
        %broadcast_in_dim3A_174 = arith.constant 0 : i32
        %broadcast_in_dim3A_175 = vector.broadcast %broadcast_in_dim3A_174 : i32 to vector<16xi32>
        %gather3A_176 = tpu.vector_load_idx %arg11[%add3A_163, %broadcast_in_dim3A_175] : memref<128x16xf32, #tpu.memory_space<vmem>>[vector<16xi32>, vector<16xi32>], vector<16xf32>,
        %broadcast_in_dim3A_177 = arith.constant 1 : i32
        %broadcast_in_dim3A_178 = vector.broadcast %broadcast_in_dim3A_177 : i32 to vector<16xi32>
        %gather3A_179 = tpu.vector_load_idx %arg11[%add3A_163, %broadcast_in_dim3A_178] : memref<128x16xf32, #tpu.memory_space<vmem>>[vector<16xi32>, vector<16xi32>], vector<16xf32>,
        %broadcast_in_dim3A_180 = arith.constant 2 : i32
        %broadcast_in_dim3A_181 = vector.broadcast %broadcast_in_dim3A_180 : i32 to vector<16xi32>
        %gather3A_182 = tpu.vector_load_idx %arg11[%add3A_163, %broadcast_in_dim3A_181] : memref<128x16xf32, #tpu.memory_space<vmem>>[vector<16xi32>, vector<16xi32>], vector<16xf32>,
        %broadcast_in_dim3A_183 = arith.constant 3 : i32
        %broadcast_in_dim3A_184 = vector.broadcast %broadcast_in_dim3A_183 : i32 to vector<16xi32>
        %gather3A_185 = tpu.vector_load_idx %arg11[%add3A_163, %broadcast_in_dim3A_184] : memref<128x16xf32, #tpu.memory_space<vmem>>[vector<16xi32>, vector<16xi32>], vector<16xf32>,
        %broadcast_in_dim3A_186 = arith.constant 4 : i32
        %broadcast_in_dim3A_187 = vector.broadcast %broadcast_in_dim3A_186 : i32 to vector<16xi32>
        %gather3A_188 = tpu.vector_load_idx %arg11[%add3A_163, %broadcast_in_dim3A_187] : memref<128x16xf32, #tpu.memory_space<vmem>>[vector<16xi32>, vector<16xi32>], vector<16xf32>,
        %broadcast_in_dim3A_189 = arith.constant 5 : i32
        %broadcast_in_dim3A_190 = vector.broadcast %broadcast_in_dim3A_189 : i32 to vector<16xi32>
        %gather3A_191 = tpu.vector_load_idx %arg11[%add3A_163, %broadcast_in_dim3A_190] : memref<128x16xf32, #tpu.memory_space<vmem>>[vector<16xi32>, vector<16xi32>], vector<16xf32>,
        %broadcast_in_dim3A_192 = arith.constant 6 : i32
        %broadcast_in_dim3A_193 = vector.broadcast %broadcast_in_dim3A_192 : i32 to vector<16xi32>
        %gather3A_194 = tpu.vector_load_idx %arg11[%add3A_163, %broadcast_in_dim3A_193] : memref<128x16xf32, #tpu.memory_space<vmem>>[vector<16xi32>, vector<16xi32>], vector<16xf32>,
        %broadcast_in_dim3A_195 = arith.constant 0 : i32
        %broadcast_in_dim3A_196 = vector.broadcast %broadcast_in_dim3A_195 : i32 to vector<16xi32>
        %mul3A_197 = arith.mulf %gather3A_176, %exp3A : vector<16xf32>
        tpu.vector_store_idx %arg11[%add3A_163, %broadcast_in_dim3A_196], %mul3A_197 : memref<128x16xf32, #tpu.memory_space<vmem>>[vector<16xi32>, vector<16xi32>], vector<16xf32>,
        %broadcast_in_dim3A_198 = arith.constant 1 : i32
        %broadcast_in_dim3A_199 = vector.broadcast %broadcast_in_dim3A_198 : i32 to vector<16xi32>
        %mul3A_200 = arith.mulf %gather3A_179, %exp3A : vector<16xf32>
        tpu.vector_store_idx %arg11[%add3A_163, %broadcast_in_dim3A_199], %mul3A_200 : memref<128x16xf32, #tpu.memory_space<vmem>>[vector<16xi32>, vector<16xi32>], vector<16xf32>,
        %broadcast_in_dim3A_201 = arith.constant 2 : i32
        %broadcast_in_dim3A_202 = vector.broadcast %broadcast_in_dim3A_201 : i32 to vector<16xi32>
        %mul3A_203 = arith.mulf %gather3A_182, %exp3A : vector<16xf32>
        tpu.vector_store_idx %arg11[%add3A_163, %broadcast_in_dim3A_202], %mul3A_203 : memref<128x16xf32, #tpu.memory_space<vmem>>[vector<16xi32>, vector<16xi32>], vector<16xf32>,
        %broadcast_in_dim3A_204 = arith.constant 3 : i32
        %broadcast_in_dim3A_205 = vector.broadcast %broadcast_in_dim3A_204 : i32 to vector<16xi32>
        %mul3A_206 = arith.mulf %gather3A_185, %exp3A : vector<16xf32>
        tpu.vector_store_idx %arg11[%add3A_163, %broadcast_in_dim3A_205], %mul3A_206 : memref<128x16xf32, #tpu.memory_space<vmem>>[vector<16xi32>, vector<16xi32>], vector<16xf32>,
        %broadcast_in_dim3A_207 = arith.constant 4 : i32
        %broadcast_in_dim3A_208 = vector.broadcast %broadcast_in_dim3A_207 : i32 to vector<16xi32>
        %mul3A_209 = arith.mulf %gather3A_188, %exp3A : vector<16xf32>
        tpu.vector_store_idx %arg11[%add3A_163, %broadcast_in_dim3A_208], %mul3A_209 : memref<128x16xf32, #tpu.memory_space<vmem>>[vector<16xi32>, vector<16xi32>], vector<16xf32>,
        %broadcast_in_dim3A_210 = arith.constant 5 : i32
        %broadcast_in_dim3A_211 = vector.broadcast %broadcast_in_dim3A_210 : i32 to vector<16xi32>
        %mul3A_212 = arith.mulf %gather3A_191, %exp3A : vector<16xf32>
        tpu.vector_store_idx %arg11[%add3A_163, %broadcast_in_dim3A_211], %mul3A_212 : memref<128x16xf32, #tpu.memory_space<vmem>>[vector<16xi32>, vector<16xi32>], vector<16xf32>,
        %broadcast_in_dim3A_213 = arith.constant 6 : i32
        %broadcast_in_dim3A_214 = vector.broadcast %broadcast_in_dim3A_213 : i32 to vector<16xi32>
        %mul3A_215 = arith.mulf %gather3A_194, %exp3A : vector<16xf32>
        tpu.vector_store_idx %arg11[%add3A_163, %broadcast_in_dim3A_214], %mul3A_215 : memref<128x16xf32, #tpu.memory_space<vmem>>[vector<16xi32>, vector<16xi32>], vector<16xf32>,
        %broadcast_in_dim3A_216 = arith.constant 7 : i32
        %broadcast_in_dim3A_217 = vector.broadcast %broadcast_in_dim3A_216 : i32 to vector<16xi32>
        tpu.vector_store_idx %arg11[%add3A_163, %broadcast_in_dim3A_217], %exp3A : memref<128x16xf32, #tpu.memory_space<vmem>>[vector<16xi32>, vector<16xi32>], vector<16xf32>,
      }
      %scan3A_112 = arith.constant 8 : i32
      %dma_start3A_113 = arith.constant 0 : i32
      %dma_start3A_114 = tpu.memref_slice %arg9[%add3A_94, %dma_start3A_113] : memref<81x128xi32, #tpu.memory_space<vmem>> -> memref<1x128xi32, #tpu.memory_space<vmem>>
      %dma_start3A_115 = tpu.memref_squeeze %dma_start3A_114 : memref<1x128xi32, #tpu.memory_space<vmem>> -> memref<128xi32, #tpu.memory_space<vmem>>
      %dma_start3A_116 = arith.constant 0 : i32
      %dma_start3A_117 = arith.constant 0 : i32
      %dma_start3A_118 = tpu.memref_slice %arg16[%dma_start3A_116, %dma_start3A_117] : memref<10112x16xf32, #tpu.memory_space<vmem_shared>> -> memref<10112x16xf32, #tpu.memory_space<vmem_shared>>
      tpu.enqueue_indirect_dma source(%arg11 : memref<128x16xf32, #tpu.memory_space<vmem>>) target(%dma_start3A_118 : memref<10112x16xf32, #tpu.memory_space<vmem_shared>>) offsets(%dma_start3A_115 : memref<128xi32, #tpu.memory_space<vmem>>) semaphore(%arg24 : memref<!tpu.dma_semaphore, #tpu.memory_space<semaphore_mem>>) {add = true}
      %add3A_119 = arith.constant 2 : i32
      %add3A_120 = arith.addi %add3A_94, %add3A_119 : i32
      %lt3A_121 = arith.constant 81 : i32
      %lt3A_122 = arith.cmpi slt, %add3A_120, %lt3A_121 : i32
      %convert_element_type3A_123 = arith.extui %lt3A_122 : i1 to i32
      %cond3A_124 = arith.constant 0 : i32
      %cond3A_125 = arith.cmpi ne, %convert_element_type3A_123, %cond3A_124 : i32
      scf.if %cond3A_125 {
        %ge3A = arith.constant 1 : i32
        %ge3A_159 = arith.cmpi sge, %add3A_94, %ge3A : i32
        %convert_element_type3A_160 = arith.extui %ge3A_159 : i1 to i32
        %cond3A_161 = arith.constant 0 : i32
        %cond3A_162 = arith.cmpi ne, %convert_element_type3A_160, %cond3A_161 : i32
        scf.if %cond3A_162 {
          %sub3A = arith.constant 1 : i32
          %sub3A_177 = arith.subi %add3A_94, %sub3A : i32
          %dma_wait3A_178 = arith.constant 0 : i32
          %dma_wait3A_179 = tpu.memref_slice %arg9[%sub3A_177, %dma_wait3A_178] : memref<81x128xi32, #tpu.memory_space<vmem>> -> memref<1x128xi32, #tpu.memory_space<vmem>>
          %dma_wait3A_180 = tpu.memref_squeeze %dma_wait3A_179 : memref<1x128xi32, #tpu.memory_space<vmem>> -> memref<128xi32, #tpu.memory_space<vmem>>
          %dma_wait3A_181 = arith.constant 0 : i32
          %dma_wait3A_182 = arith.constant 0 : i32
          %dma_wait3A_183 = tpu.memref_slice %arg16[%dma_wait3A_181, %dma_wait3A_182] : memref<10112x16xf32, #tpu.memory_space<vmem_shared>> -> memref<10112x16xf32, #tpu.memory_space<vmem_shared>>
          tpu.wait_indirect_dma semaphore(%arg23 : memref<!tpu.dma_semaphore, #tpu.memory_space<semaphore_mem>>) src(%arg10 : memref<128x16xf32, #tpu.memory_space<vmem>>) dst(%dma_wait3A_183 : memref<10112x16xf32, #tpu.memory_space<vmem_shared>>)
        } else {
        }
        %add3A_163 = arith.constant 2 : i32
        %add3A_164 = arith.addi %add3A_94, %add3A_163 : i32
        %dma_start3A_165 = arith.constant 0 : i32
        %dma_start3A_166 = tpu.memref_slice %arg8[%add3A_164, %dma_start3A_165] : memref<81x128xi32, #tpu.memory_space<vmem>> -> memref<1x128xi32, #tpu.memory_space<vmem>>
        %dma_start3A_167 = tpu.memref_squeeze %dma_start3A_166 : memref<1x128xi32, #tpu.memory_space<vmem>> -> memref<128xi32, #tpu.memory_space<vmem>>
        %dma_start3A_168 = arith.constant 0 : i32
        %dma_start3A_169 = arith.constant 0 : i32
        %dma_start3A_170 = tpu.memref_slice %arg4[%dma_start3A_168, %dma_start3A_169] : memref<10112x16xf32, #tpu.memory_space<hbm>> -> memref<10112x16xf32, #tpu.memory_space<hbm>>
        tpu.enqueue_indirect_dma source(%dma_start3A_170 : memref<10112x16xf32, #tpu.memory_space<hbm>>) target(%arg10 : memref<128x16xf32, #tpu.memory_space<vmem>>) offsets(%dma_start3A_167 : memref<128xi32, #tpu.memory_space<vmem>>) semaphore(%arg17 : memref<!tpu.dma_semaphore, #tpu.memory_space<semaphore_mem>>)
        %dma_start3A_171 = arith.constant 0 : i32
        %dma_start3A_172 = tpu.memref_slice %arg9[%add3A_164, %dma_start3A_171] : memref<81x128xi32, #tpu.memory_space<vmem>> -> memref<1x128xi32, #tpu.memory_space<vmem>>
        %dma_start3A_173 = tpu.memref_squeeze %dma_start3A_172 : memref<1x128xi32, #tpu.memory_space<vmem>> -> memref<128xi32, #tpu.memory_space<vmem>>
        %dma_start3A_174 = arith.constant 0 : i32
        %dma_start3A_175 = arith.constant 0 : i32
        %dma_start3A_176 = tpu.memref_slice %arg5[%dma_start3A_174, %dma_start3A_175] : memref<10112x16xf32, #tpu.memory_space<hbm>> -> memref<10112x16xf32, #tpu.memory_space<hbm>>
        tpu.enqueue_indirect_dma source(%dma_start3A_176 : memref<10112x16xf32, #tpu.memory_space<hbm>>) target(%arg13 : memref<128x16xf32, #tpu.memory_space<vmem>>) offsets(%dma_start3A_173 : memref<128xi32, #tpu.memory_space<vmem>>) semaphore(%arg20 : memref<!tpu.dma_semaphore, #tpu.memory_space<semaphore_mem>>)
      } else {
      }
      %add3A_126 = arith.constant 2 : i32
      %add3A_127 = arith.addi %mul3A_62, %add3A_126 : i32
      %dma_wait3A_128 = arith.constant 0 : i32
      %dma_wait3A_129 = tpu.memref_slice %arg8[%add3A_127, %dma_wait3A_128] : memref<81x128xi32, #tpu.memory_space<vmem>> -> memref<1x128xi32, #tpu.memory_space<vmem>>
      %dma_wait3A_130 = tpu.memref_squeeze %dma_wait3A_129 : memref<1x128xi32, #tpu.memory_space<vmem>> -> memref<128xi32, #tpu.memory_space<vmem>>
      %dma_wait3A_131 = arith.constant 0 : i32
      %dma_wait3A_132 = arith.constant 0 : i32
      %dma_wait3A_133 = tpu.memref_slice %arg4[%dma_wait3A_131, %dma_wait3A_132] : memref<10112x16xf32, #tpu.memory_space<hbm>> -> memref<10112x16xf32, #tpu.memory_space<hbm>>
      tpu.wait_indirect_dma semaphore(%arg19 : memref<!tpu.dma_semaphore, #tpu.memory_space<semaphore_mem>>) src(%dma_wait3A_133 : memref<10112x16xf32, #tpu.memory_space<hbm>>) dst(%arg12 : memref<128x16xf32, #tpu.memory_space<vmem>>)
      %dma_wait3A_134 = arith.constant 0 : i32
      %dma_wait3A_135 = tpu.memref_slice %arg9[%add3A_127, %dma_wait3A_134] : memref<81x128xi32, #tpu.memory_space<vmem>> -> memref<1x128xi32, #tpu.memory_space<vmem>>
      %dma_wait3A_136 = tpu.memref_squeeze %dma_wait3A_135 : memref<1x128xi32, #tpu.memory_space<vmem>> -> memref<128xi32, #tpu.memory_space<vmem>>
      %dma_wait3A_137 = arith.constant 0 : i32
      %dma_wait3A_138 = arith.constant 0 : i32
      %dma_wait3A_139 = tpu.memref_slice %arg5[%dma_wait3A_137, %dma_wait3A_138] : memref<10112x16xf32, #tpu.memory_space<hbm>> -> memref<10112x16xf32, #tpu.memory_space<hbm>>
      tpu.wait_indirect_dma semaphore(%arg22 : memref<!tpu.dma_semaphore, #tpu.memory_space<semaphore_mem>>) src(%dma_wait3A_139 : memref<10112x16xf32, #tpu.memory_space<hbm>>) dst(%arg15 : memref<128x16xf32, #tpu.memory_space<vmem>>)
      %scan3A_140 = arith.constant 0 : i32
      %scan3A_141 = arith.constant 0 : i32
      %scan3A_142 = arith.constant 8 : i32
      %scan3A_143 = arith.addi %scan3A_141, %scan3A_142 : i32
      %scan3A_144 = arith.constant 1 : i32
      scf.for %scan3A_159 = %scan3A_141 to %scan3A_143 step %scan3A_144  : i32 {
        %iota3A = tpu.iota {dimensions = array<i32: 0>} : vector<16xi32>
        %mul3A_160 = arith.constant 16 : i32
        %mul3A_161 = arith.muli %scan3A_159, %mul3A_160 : i32
        %add3A_162 = vector.broadcast %mul3A_161 : i32 to vector<16xi32>
        %add3A_163 = arith.addi %iota3A, %add3A_162 : vector<16xi32>
        %broadcast_in_dim3A = arith.constant 7 : i32
        %broadcast_in_dim3A_164 = vector.broadcast %broadcast_in_dim3A : i32 to vector<16xi32>
        %gather3A = tpu.vector_load_idx %arg12[%add3A_163, %broadcast_in_dim3A_164] : memref<128x16xf32, #tpu.memory_space<vmem>>[vector<16xi32>, vector<16xi32>], vector<16xf32>,
        %broadcast_in_dim3A_165 = arith.constant 0 : i32
        %broadcast_in_dim3A_166 = vector.broadcast %broadcast_in_dim3A_165 : i32 to vector<16xi32>
        %gather3A_167 = tpu.vector_load_idx %arg15[%add3A_163, %broadcast_in_dim3A_166] : memref<128x16xf32, #tpu.memory_space<vmem>>[vector<16xi32>, vector<16xi32>], vector<16xf32>,
        %add3A_168 = arith.addf %gather3A, %gather3A_167 : vector<16xf32>
        %gt3A = arith.constant 0.000000e+00 : f32
        %gt3A_169 = vector.broadcast %gt3A : f32 to vector<16xf32>
        %gt3A_170 = arith.cmpf ogt, %add3A_168, %gt3A_169 : vector<16xf32>
        %mul3A_171 = arith.constant 2.000000e-01 : f32
        %mul3A_172 = vector.broadcast %mul3A_171 : f32 to vector<16xf32>
        %mul3A_173 = arith.mulf %add3A_168, %mul3A_172 : vector<16xf32>
        %select_n3A = arith.select %gt3A_170, %add3A_168, %mul3A_173 : vector<16xi1>, vector<16xf32>
        %exp3A = math.exp %select_n3A : vector<16xf32>
        %broadcast_in_dim3A_174 = arith.constant 0 : i32
        %broadcast_in_dim3A_175 = vector.broadcast %broadcast_in_dim3A_174 : i32 to vector<16xi32>
        %gather3A_176 = tpu.vector_load_idx %arg12[%add3A_163, %broadcast_in_dim3A_175] : memref<128x16xf32, #tpu.memory_space<vmem>>[vector<16xi32>, vector<16xi32>], vector<16xf32>,
        %broadcast_in_dim3A_177 = arith.constant 1 : i32
        %broadcast_in_dim3A_178 = vector.broadcast %broadcast_in_dim3A_177 : i32 to vector<16xi32>
        %gather3A_179 = tpu.vector_load_idx %arg12[%add3A_163, %broadcast_in_dim3A_178] : memref<128x16xf32, #tpu.memory_space<vmem>>[vector<16xi32>, vector<16xi32>], vector<16xf32>,
        %broadcast_in_dim3A_180 = arith.constant 2 : i32
        %broadcast_in_dim3A_181 = vector.broadcast %broadcast_in_dim3A_180 : i32 to vector<16xi32>
        %gather3A_182 = tpu.vector_load_idx %arg12[%add3A_163, %broadcast_in_dim3A_181] : memref<128x16xf32, #tpu.memory_space<vmem>>[vector<16xi32>, vector<16xi32>], vector<16xf32>,
        %broadcast_in_dim3A_183 = arith.constant 3 : i32
        %broadcast_in_dim3A_184 = vector.broadcast %broadcast_in_dim3A_183 : i32 to vector<16xi32>
        %gather3A_185 = tpu.vector_load_idx %arg12[%add3A_163, %broadcast_in_dim3A_184] : memref<128x16xf32, #tpu.memory_space<vmem>>[vector<16xi32>, vector<16xi32>], vector<16xf32>,
        %broadcast_in_dim3A_186 = arith.constant 4 : i32
        %broadcast_in_dim3A_187 = vector.broadcast %broadcast_in_dim3A_186 : i32 to vector<16xi32>
        %gather3A_188 = tpu.vector_load_idx %arg12[%add3A_163, %broadcast_in_dim3A_187] : memref<128x16xf32, #tpu.memory_space<vmem>>[vector<16xi32>, vector<16xi32>], vector<16xf32>,
        %broadcast_in_dim3A_189 = arith.constant 5 : i32
        %broadcast_in_dim3A_190 = vector.broadcast %broadcast_in_dim3A_189 : i32 to vector<16xi32>
        %gather3A_191 = tpu.vector_load_idx %arg12[%add3A_163, %broadcast_in_dim3A_190] : memref<128x16xf32, #tpu.memory_space<vmem>>[vector<16xi32>, vector<16xi32>], vector<16xf32>,
        %broadcast_in_dim3A_192 = arith.constant 6 : i32
        %broadcast_in_dim3A_193 = vector.broadcast %broadcast_in_dim3A_192 : i32 to vector<16xi32>
        %gather3A_194 = tpu.vector_load_idx %arg12[%add3A_163, %broadcast_in_dim3A_193] : memref<128x16xf32, #tpu.memory_space<vmem>>[vector<16xi32>, vector<16xi32>], vector<16xf32>,
        %broadcast_in_dim3A_195 = arith.constant 0 : i32
        %broadcast_in_dim3A_196 = vector.broadcast %broadcast_in_dim3A_195 : i32 to vector<16xi32>
        %mul3A_197 = arith.mulf %gather3A_176, %exp3A : vector<16xf32>
        tpu.vector_store_idx %arg12[%add3A_163, %broadcast_in_dim3A_196], %mul3A_197 : memref<128x16xf32, #tpu.memory_space<vmem>>[vector<16xi32>, vector<16xi32>], vector<16xf32>,
        %broadcast_in_dim3A_198 = arith.constant 1 : i32
        %broadcast_in_dim3A_199 = vector.broadcast %broadcast_in_dim3A_198 : i32 to vector<16xi32>
        %mul3A_200 = arith.mulf %gather3A_179, %exp3A : vector<16xf32>
        tpu.vector_store_idx %arg12[%add3A_163, %broadcast_in_dim3A_199], %mul3A_200 : memref<128x16xf32, #tpu.memory_space<vmem>>[vector<16xi32>, vector<16xi32>], vector<16xf32>,
        %broadcast_in_dim3A_201 = arith.constant 2 : i32
        %broadcast_in_dim3A_202 = vector.broadcast %broadcast_in_dim3A_201 : i32 to vector<16xi32>
        %mul3A_203 = arith.mulf %gather3A_182, %exp3A : vector<16xf32>
        tpu.vector_store_idx %arg12[%add3A_163, %broadcast_in_dim3A_202], %mul3A_203 : memref<128x16xf32, #tpu.memory_space<vmem>>[vector<16xi32>, vector<16xi32>], vector<16xf32>,
        %broadcast_in_dim3A_204 = arith.constant 3 : i32
        %broadcast_in_dim3A_205 = vector.broadcast %broadcast_in_dim3A_204 : i32 to vector<16xi32>
        %mul3A_206 = arith.mulf %gather3A_185, %exp3A : vector<16xf32>
        tpu.vector_store_idx %arg12[%add3A_163, %broadcast_in_dim3A_205], %mul3A_206 : memref<128x16xf32, #tpu.memory_space<vmem>>[vector<16xi32>, vector<16xi32>], vector<16xf32>,
        %broadcast_in_dim3A_207 = arith.constant 4 : i32
        %broadcast_in_dim3A_208 = vector.broadcast %broadcast_in_dim3A_207 : i32 to vector<16xi32>
        %mul3A_209 = arith.mulf %gather3A_188, %exp3A : vector<16xf32>
        tpu.vector_store_idx %arg12[%add3A_163, %broadcast_in_dim3A_208], %mul3A_209 : memref<128x16xf32, #tpu.memory_space<vmem>>[vector<16xi32>, vector<16xi32>], vector<16xf32>,
        %broadcast_in_dim3A_210 = arith.constant 5 : i32
        %broadcast_in_dim3A_211 = vector.broadcast %broadcast_in_dim3A_210 : i32 to vector<16xi32>
        %mul3A_212 = arith.mulf %gather3A_191, %exp3A : vector<16xf32>
        tpu.vector_store_idx %arg12[%add3A_163, %broadcast_in_dim3A_211], %mul3A_212 : memref<128x16xf32, #tpu.memory_space<vmem>>[vector<16xi32>, vector<16xi32>], vector<16xf32>,
        %broadcast_in_dim3A_213 = arith.constant 6 : i32
        %broadcast_in_dim3A_214 = vector.broadcast %broadcast_in_dim3A_213 : i32 to vector<16xi32>
        %mul3A_215 = arith.mulf %gather3A_194, %exp3A : vector<16xf32>
        tpu.vector_store_idx %arg12[%add3A_163, %broadcast_in_dim3A_214], %mul3A_215 : memref<128x16xf32, #tpu.memory_space<vmem>>[vector<16xi32>, vector<16xi32>], vector<16xf32>,
        %broadcast_in_dim3A_216 = arith.constant 7 : i32
        %broadcast_in_dim3A_217 = vector.broadcast %broadcast_in_dim3A_216 : i32 to vector<16xi32>
        tpu.vector_store_idx %arg12[%add3A_163, %broadcast_in_dim3A_217], %exp3A : memref<128x16xf32, #tpu.memory_space<vmem>>[vector<16xi32>, vector<16xi32>], vector<16xf32>,
      }
      %scan3A_145 = arith.constant 8 : i32
      %dma_start3A_146 = arith.constant 0 : i32
      %dma_start3A_147 = tpu.memref_slice %arg9[%add3A_127, %dma_start3A_146] : memref<81x128xi32, #tpu.memory_space<vmem>> -> memref<1x128xi32, #tpu.memory_space<vmem>>
      %dma_start3A_148 = tpu.memref_squeeze %dma_start3A_147 : memref<1x128xi32, #tpu.memory_space<vmem>> -> memref<128xi32, #tpu.memory_space<vmem>>
      %dma_start3A_149 = arith.constant 0 : i32
      %dma_start3A_150 = arith.constant 0 : i32
      %dma_start3A_151 = tpu.memref_slice %arg16[%dma_start3A_149, %dma_start3A_150] : memref<10112x16xf32, #tpu.memory_space<vmem_shared>> -> memref<10112x16xf32, #tpu.memory_space<vmem_shared>>
      tpu.enqueue_indirect_dma source(%arg12 : memref<128x16xf32, #tpu.memory_space<vmem>>) target(%dma_start3A_151 : memref<10112x16xf32, #tpu.memory_space<vmem_shared>>) offsets(%dma_start3A_148 : memref<128xi32, #tpu.memory_space<vmem>>) semaphore(%arg25 : memref<!tpu.dma_semaphore, #tpu.memory_space<semaphore_mem>>) {add = true}
      %add3A_152 = arith.constant 2 : i32
      %add3A_153 = arith.addi %add3A_127, %add3A_152 : i32
      %lt3A_154 = arith.constant 81 : i32
      %lt3A_155 = arith.cmpi slt, %add3A_153, %lt3A_154 : i32
      %convert_element_type3A_156 = arith.extui %lt3A_155 : i1 to i32
      %cond3A_157 = arith.constant 0 : i32
      %cond3A_158 = arith.cmpi ne, %convert_element_type3A_156, %cond3A_157 : i32
      scf.if %cond3A_158 {
        %ge3A = arith.constant 1 : i32
        %ge3A_159 = arith.cmpi sge, %add3A_127, %ge3A : i32
        %convert_element_type3A_160 = arith.extui %ge3A_159 : i1 to i32
        %cond3A_161 = arith.constant 0 : i32
        %cond3A_162 = arith.cmpi ne, %convert_element_type3A_160, %cond3A_161 : i32
        scf.if %cond3A_162 {
          %sub3A = arith.constant 1 : i32
          %sub3A_177 = arith.subi %add3A_127, %sub3A : i32
          %dma_wait3A_178 = arith.constant 0 : i32
          %dma_wait3A_179 = tpu.memref_slice %arg9[%sub3A_177, %dma_wait3A_178] : memref<81x128xi32, #tpu.memory_space<vmem>> -> memref<1x128xi32, #tpu.memory_space<vmem>>
          %dma_wait3A_180 = tpu.memref_squeeze %dma_wait3A_179 : memref<1x128xi32, #tpu.memory_space<vmem>> -> memref<128xi32, #tpu.memory_space<vmem>>
          %dma_wait3A_181 = arith.constant 0 : i32
          %dma_wait3A_182 = arith.constant 0 : i32
          %dma_wait3A_183 = tpu.memref_slice %arg16[%dma_wait3A_181, %dma_wait3A_182] : memref<10112x16xf32, #tpu.memory_space<vmem_shared>> -> memref<10112x16xf32, #tpu.memory_space<vmem_shared>>
          tpu.wait_indirect_dma semaphore(%arg24 : memref<!tpu.dma_semaphore, #tpu.memory_space<semaphore_mem>>) src(%arg11 : memref<128x16xf32, #tpu.memory_space<vmem>>) dst(%dma_wait3A_183 : memref<10112x16xf32, #tpu.memory_space<vmem_shared>>)
        } else {
        }
        %add3A_163 = arith.constant 2 : i32
        %add3A_164 = arith.addi %add3A_127, %add3A_163 : i32
        %dma_start3A_165 = arith.constant 0 : i32
        %dma_start3A_166 = tpu.memref_slice %arg8[%add3A_164, %dma_start3A_165] : memref<81x128xi32, #tpu.memory_space<vmem>> -> memref<1x128xi32, #tpu.memory_space<vmem>>
        %dma_start3A_167 = tpu.memref_squeeze %dma_start3A_166 : memref<1x128xi32, #tpu.memory_space<vmem>> -> memref<128xi32, #tpu.memory_space<vmem>>
        %dma_start3A_168 = arith.constant 0 : i32
        %dma_start3A_169 = arith.constant 0 : i32
        %dma_start3A_170 = tpu.memref_slice %arg4[%dma_start3A_168, %dma_start3A_169] : memref<10112x16xf32, #tpu.memory_space<hbm>> -> memref<10112x16xf32, #tpu.memory_space<hbm>>
        tpu.enqueue_indirect_dma source(%dma_start3A_170 : memref<10112x16xf32, #tpu.memory_space<hbm>>) target(%arg11 : memref<128x16xf32, #tpu.memory_space<vmem>>) offsets(%dma_start3A_167 : memref<128xi32, #tpu.memory_space<vmem>>) semaphore(%arg18 : memref<!tpu.dma_semaphore, #tpu.memory_space<semaphore_mem>>)
        %dma_start3A_171 = arith.constant 0 : i32
        %dma_start3A_172 = tpu.memref_slice %arg9[%add3A_164, %dma_start3A_171] : memref<81x128xi32, #tpu.memory_space<vmem>> -> memref<1x128xi32, #tpu.memory_space<vmem>>
        %dma_start3A_173 = tpu.memref_squeeze %dma_start3A_172 : memref<1x128xi32, #tpu.memory_space<vmem>> -> memref<128xi32, #tpu.memory_space<vmem>>
        %dma_start3A_174 = arith.constant 0 : i32
        %dma_start3A_175 = arith.constant 0 : i32
        %dma_start3A_176 = tpu.memref_slice %arg5[%dma_start3A_174, %dma_start3A_175] : memref<10112x16xf32, #tpu.memory_space<hbm>> -> memref<10112x16xf32, #tpu.memory_space<hbm>>
        tpu.enqueue_indirect_dma source(%dma_start3A_176 : memref<10112x16xf32, #tpu.memory_space<hbm>>) target(%arg14 : memref<128x16xf32, #tpu.memory_space<vmem>>) offsets(%dma_start3A_173 : memref<128xi32, #tpu.memory_space<vmem>>) semaphore(%arg21 : memref<!tpu.dma_semaphore, #tpu.memory_space<semaphore_mem>>)
      } else {
      }
    }
    %scan3A_34 = arith.constant 27 : i32
    %dma_wait3A = arith.constant 78 : i32
    %dma_wait3A_35 = arith.constant 0 : i32
    %dma_wait3A_36 = tpu.memref_slice %arg9[%dma_wait3A, %dma_wait3A_35] : memref<81x128xi32, #tpu.memory_space<vmem>> -> memref<1x128xi32, #tpu.memory_space<vmem>>
    %dma_wait3A_37 = tpu.memref_squeeze %dma_wait3A_36 : memref<1x128xi32, #tpu.memory_space<vmem>> -> memref<128xi32, #tpu.memory_space<vmem>>
    %dma_wait3A_38 = arith.constant 0 : i32
    %dma_wait3A_39 = arith.constant 0 : i32
    %dma_wait3A_40 = tpu.memref_slice %arg16[%dma_wait3A_38, %dma_wait3A_39] : memref<10112x16xf32, #tpu.memory_space<vmem_shared>> -> memref<10112x16xf32, #tpu.memory_space<vmem_shared>>
    tpu.wait_indirect_dma semaphore(%arg23 : memref<!tpu.dma_semaphore, #tpu.memory_space<semaphore_mem>>) src(%arg10 : memref<128x16xf32, #tpu.memory_space<vmem>>) dst(%dma_wait3A_40 : memref<10112x16xf32, #tpu.memory_space<vmem_shared>>)
    %dma_wait3A_41 = arith.constant 79 : i32
    %dma_wait3A_42 = arith.constant 0 : i32
    %dma_wait3A_43 = tpu.memref_slice %arg9[%dma_wait3A_41, %dma_wait3A_42] : memref<81x128xi32, #tpu.memory_space<vmem>> -> memref<1x128xi32, #tpu.memory_space<vmem>>
    %dma_wait3A_44 = tpu.memref_squeeze %dma_wait3A_43 : memref<1x128xi32, #tpu.memory_space<vmem>> -> memref<128xi32, #tpu.memory_space<vmem>>
    %dma_wait3A_45 = arith.constant 0 : i32
    %dma_wait3A_46 = arith.constant 0 : i32
    %dma_wait3A_47 = tpu.memref_slice %arg16[%dma_wait3A_45, %dma_wait3A_46] : memref<10112x16xf32, #tpu.memory_space<vmem_shared>> -> memref<10112x16xf32, #tpu.memory_space<vmem_shared>>
    tpu.wait_indirect_dma semaphore(%arg24 : memref<!tpu.dma_semaphore, #tpu.memory_space<semaphore_mem>>) src(%arg11 : memref<128x16xf32, #tpu.memory_space<vmem>>) dst(%dma_wait3A_47 : memref<10112x16xf32, #tpu.memory_space<vmem_shared>>)
    %dma_wait3A_48 = arith.constant 80 : i32
    %dma_wait3A_49 = arith.constant 0 : i32
    %dma_wait3A_50 = tpu.memref_slice %arg9[%dma_wait3A_48, %dma_wait3A_49] : memref<81x128xi32, #tpu.memory_space<vmem>> -> memref<1x128xi32, #tpu.memory_space<vmem>>
    %dma_wait3A_51 = tpu.memref_squeeze %dma_wait3A_50 : memref<1x128xi32, #tpu.memory_space<vmem>> -> memref<128xi32, #tpu.memory_space<vmem>>
    %dma_wait3A_52 = arith.constant 0 : i32
    %dma_wait3A_53 = arith.constant 0 : i32
    %dma_wait3A_54 = tpu.memref_slice %arg16[%dma_wait3A_52, %dma_wait3A_53] : memref<10112x16xf32, #tpu.memory_space<vmem_shared>> -> memref<10112x16xf32, #tpu.memory_space<vmem_shared>>
    tpu.wait_indirect_dma semaphore(%arg25 : memref<!tpu.dma_semaphore, #tpu.memory_space<semaphore_mem>>) src(%arg12 : memref<128x16xf32, #tpu.memory_space<vmem>>) dst(%dma_wait3A_54 : memref<10112x16xf32, #tpu.memory_space<vmem_shared>>)
    %barrier3A_55 = arith.constant 0 : index
    tpu.barrier barrier_id(%barrier3A_55)
    %mul3A_56 = arith.constant 632 : i32
    %mul3A_57 = arith.muli %arg1, %mul3A_56 : i32
    %mul3A_58 = arith.constant 632 : i32
    %mul3A_59 = arith.muli %arg1, %mul3A_58 : i32
    "tpu.region"() ({
      %run_scoped3A = tpu.sem_alloc : memref<!tpu.dma_semaphore, #tpu.memory_space<semaphore_mem>>
      %dma_start3A_60 = arith.constant 0 : i32
      %dma_start3A_61 = tpu.memref_slice %arg7[%arg0, %mul3A_59, %dma_start3A_60] : memref<2x10112x16xf32, #tpu.memory_space<hbm>> -> memref<1x632x16xf32, #tpu.memory_space<hbm>>
      %dma_start3A_62 = tpu.memref_squeeze %dma_start3A_61 : memref<1x632x16xf32, #tpu.memory_space<hbm>> -> memref<632x16xf32, #tpu.memory_space<hbm>>
      %dma_start3A_63 = arith.constant 0 : i32
      %dma_start3A_64 = tpu.memref_slice %arg16[%mul3A_57, %dma_start3A_63] : memref<10112x16xf32, #tpu.memory_space<vmem_shared>> -> memref<632x16xf32, #tpu.memory_space<vmem_shared>>
      tpu.enqueue_dma source(%dma_start3A_64 : memref<632x16xf32, #tpu.memory_space<vmem_shared>>) target(%dma_start3A_62 : memref<632x16xf32, #tpu.memory_space<hbm>>) target_semaphore(%run_scoped3A : memref<!tpu.dma_semaphore, #tpu.memory_space<semaphore_mem>>)
      %dma_wait3A_65 = arith.constant 0 : i32
      %dma_wait3A_66 = tpu.memref_slice %arg7[%arg0, %mul3A_59, %dma_wait3A_65] : memref<2x10112x16xf32, #tpu.memory_space<hbm>> -> memref<1x632x16xf32, #tpu.memory_space<hbm>>
      %dma_wait3A_67 = tpu.memref_squeeze %dma_wait3A_66 : memref<1x632x16xf32, #tpu.memory_space<hbm>> -> memref<632x16xf32, #tpu.memory_space<hbm>>
      %dma_wait3A_68 = arith.constant 0 : i32
      %dma_wait3A_69 = tpu.memref_slice %arg16[%mul3A_57, %dma_wait3A_68] : memref<10112x16xf32, #tpu.memory_space<vmem_shared>> -> memref<632x16xf32, #tpu.memory_space<vmem_shared>>
      tpu.wait_dma2 semaphore(%run_scoped3A : memref<!tpu.dma_semaphore, #tpu.memory_space<semaphore_mem>>) src(%dma_wait3A_69 : memref<632x16xf32, #tpu.memory_space<vmem_shared>>) dst(%dma_wait3A_67 : memref<632x16xf32, #tpu.memory_space<hbm>>)
      tpu.yield
    }) : () -> ()
    return
  }
}

#map = affine_map<(d0, d1) -> (0, 0, 0)>
#map1 = affine_map<(d0, d1) -> (0, 0)>
module attributes {stable_mosaic.version = 14 : i64} {
  func.func @k(%arg0: i32, %arg1: i32, %arg2: memref<32x81x128xi32, #tpu.memory_space<hbm>>, %arg3: memref<32x81x128xi32, #tpu.memory_space<hbm>>, %arg4: memref<10112x80xf32, #tpu.memory_space<hbm>>, %arg5: memref<10112x16xf32, #tpu.memory_space<hbm>>, %arg6: memref<632x80xf32, #tpu.memory_space<hbm>>, %arg7: memref<2x10112x80xf32, #tpu.memory_space<hbm>>, %arg8: memref<81x128xi32, #tpu.memory_space<vmem>>, %arg9: memref<81x128xi32, #tpu.memory_space<vmem>>, %arg10: memref<128x80xf32, #tpu.memory_space<vmem>>, %arg11: memref<128x80xf32, #tpu.memory_space<vmem>>, %arg12: memref<128x80xf32, #tpu.memory_space<vmem>>, %arg13: memref<128x16xf32, #tpu.memory_space<vmem>>, %arg14: memref<128x16xf32, #tpu.memory_space<vmem>>, %arg15: memref<128x16xf32, #tpu.memory_space<vmem>>, %arg16: memref<10112x80xf32, #tpu.memory_space<vmem_shared>>, %arg17: memref<!tpu.dma_semaphore, #tpu.memory_space<semaphore_mem>>, %arg18: memref<!tpu.dma_semaphore, #tpu.memory_space<semaphore_mem>>, %arg19: memref<!tpu.dma_semaphore, #tpu.memory_space<semaphore_mem>>, %arg20: memref<!tpu.dma_semaphore, #tpu.memory_space<semaphore_mem>>, %arg21: memref<!tpu.dma_semaphore, #tpu.memory_space<semaphore_mem>>, %arg22: memref<!tpu.dma_semaphore, #tpu.memory_space<semaphore_mem>>, %arg23: memref<!tpu.dma_semaphore, #tpu.memory_space<semaphore_mem>>, %arg24: memref<!tpu.dma_semaphore, #tpu.memory_space<semaphore_mem>>, %arg25: memref<!tpu.dma_semaphore, #tpu.memory_space<semaphore_mem>>) attributes {dimension_semantics = [#tpu.dimension_semantics<core_parallel>, #tpu.dimension_semantics<subcore_parallel>], iteration_bounds = array<i64: 2, 16>, scalar_prefetch = 0 : i64, scratch_operands = 18 : i64, tpu.core_type = #tpu.core_type<sc_vector_subcore>, window_params = [{transform_indices = #map}, {transform_indices = #map}, {transform_indices = #map1}, {transform_indices = #map1}, {transform_indices = #map1}, {transform_indices = #map}]} {
    %mul3A = arith.constant 16 : i32
    %mul3A_0 = arith.muli %arg0, %mul3A : i32
    %add3A = arith.addi %mul3A_0, %arg1 : i32
    %mul3A_1 = arith.constant 632 : i32
    %mul3A_2 = arith.muli %arg1, %mul3A_1 : i32
    "tpu.region"() ({
      %run_scoped3A = tpu.sem_alloc : memref<!tpu.dma_semaphore, #tpu.memory_space<semaphore_mem>>
      %dma_start3A_60 = arith.constant 0 : i32
      %dma_start3A_61 = tpu.memref_slice %arg16[%mul3A_2, %dma_start3A_60] : memref<10112x80xf32, #tpu.memory_space<vmem_shared>> -> memref<632x80xf32, #tpu.memory_space<vmem_shared>>
      tpu.enqueue_dma source(%arg6 : memref<632x80xf32, #tpu.memory_space<hbm>>) target(%dma_start3A_61 : memref<632x80xf32, #tpu.memory_space<vmem_shared>>) target_semaphore(%run_scoped3A : memref<!tpu.dma_semaphore, #tpu.memory_space<semaphore_mem>>)
      %dma_wait3A_62 = arith.constant 0 : i32
      %dma_wait3A_63 = tpu.memref_slice %arg16[%mul3A_2, %dma_wait3A_62] : memref<10112x80xf32, #tpu.memory_space<vmem_shared>> -> memref<632x80xf32, #tpu.memory_space<vmem_shared>>
      tpu.wait_dma2 semaphore(%run_scoped3A : memref<!tpu.dma_semaphore, #tpu.memory_space<semaphore_mem>>) src(%arg6 : memref<632x80xf32, #tpu.memory_space<hbm>>) dst(%dma_wait3A_63 : memref<632x80xf32, #tpu.memory_space<vmem_shared>>)
      tpu.yield
    }) : () -> ()
    %barrier3A = arith.constant 0 : index
    tpu.barrier barrier_id(%barrier3A)
    "tpu.region"() ({
      %run_scoped3A = tpu.sem_alloc : memref<!tpu.dma_semaphore, #tpu.memory_space<semaphore_mem>>
      %dma_start3A_60 = arith.constant 0 : i32
      %dma_start3A_61 = arith.constant 0 : i32
      %dma_start3A_62 = tpu.memref_slice %arg2[%add3A, %dma_start3A_60, %dma_start3A_61] : memref<32x81x128xi32, #tpu.memory_space<hbm>> -> memref<1x81x128xi32, #tpu.memory_space<hbm>>
      %dma_start3A_63 = tpu.memref_squeeze %dma_start3A_62 : memref<1x81x128xi32, #tpu.memory_space<hbm>> -> memref<81x128xi32, #tpu.memory_space<hbm>>
      %dma_start3A_64 = arith.constant 0 : i32
      %dma_start3A_65 = arith.constant 0 : i32
      %dma_start3A_66 = tpu.memref_slice %arg2[%add3A, %dma_start3A_64, %dma_start3A_65] : memref<32x81x128xi32, #tpu.memory_space<hbm>> -> memref<1x81x128xi32, #tpu.memory_space<hbm>>
      %dma_start3A_67 = tpu.memref_squeeze %dma_start3A_66 : memref<1x81x128xi32, #tpu.memory_space<hbm>> -> memref<81x128xi32, #tpu.memory_space<hbm>>
      tpu.enqueue_dma source(%dma_start3A_67 : memref<81x128xi32, #tpu.memory_space<hbm>>) target(%arg8 : memref<81x128xi32, #tpu.memory_space<vmem>>) target_semaphore(%run_scoped3A : memref<!tpu.dma_semaphore, #tpu.memory_space<semaphore_mem>>)
      %dma_wait3A_68 = arith.constant 0 : i32
      %dma_wait3A_69 = arith.constant 0 : i32
      %dma_wait3A_70 = tpu.memref_slice %arg2[%add3A, %dma_wait3A_68, %dma_wait3A_69] : memref<32x81x128xi32, #tpu.memory_space<hbm>> -> memref<1x81x128xi32, #tpu.memory_space<hbm>>
      %dma_wait3A_71 = tpu.memref_squeeze %dma_wait3A_70 : memref<1x81x128xi32, #tpu.memory_space<hbm>> -> memref<81x128xi32, #tpu.memory_space<hbm>>
      %dma_wait3A_72 = arith.constant 0 : i32
      %dma_wait3A_73 = arith.constant 0 : i32
      %dma_wait3A_74 = tpu.memref_slice %arg2[%add3A, %dma_wait3A_72, %dma_wait3A_73] : memref<32x81x128xi32, #tpu.memory_space<hbm>> -> memref<1x81x128xi32, #tpu.memory_space<hbm>>
      %dma_wait3A_75 = tpu.memref_squeeze %dma_wait3A_74 : memref<1x81x128xi32, #tpu.memory_space<hbm>> -> memref<81x128xi32, #tpu.memory_space<hbm>>
      tpu.wait_dma2 semaphore(%run_scoped3A : memref<!tpu.dma_semaphore, #tpu.memory_space<semaphore_mem>>) src(%dma_wait3A_75 : memref<81x128xi32, #tpu.memory_space<hbm>>) dst(%arg8 : memref<81x128xi32, #tpu.memory_space<vmem>>)
      tpu.yield
    }) : () -> ()
    "tpu.region"() ({
      %run_scoped3A = tpu.sem_alloc : memref<!tpu.dma_semaphore, #tpu.memory_space<semaphore_mem>>
      %dma_start3A_60 = arith.constant 0 : i32
      %dma_start3A_61 = arith.constant 0 : i32
      %dma_start3A_62 = tpu.memref_slice %arg3[%add3A, %dma_start3A_60, %dma_start3A_61] : memref<32x81x128xi32, #tpu.memory_space<hbm>> -> memref<1x81x128xi32, #tpu.memory_space<hbm>>
      %dma_start3A_63 = tpu.memref_squeeze %dma_start3A_62 : memref<1x81x128xi32, #tpu.memory_space<hbm>> -> memref<81x128xi32, #tpu.memory_space<hbm>>
      %dma_start3A_64 = arith.constant 0 : i32
      %dma_start3A_65 = arith.constant 0 : i32
      %dma_start3A_66 = tpu.memref_slice %arg3[%add3A, %dma_start3A_64, %dma_start3A_65] : memref<32x81x128xi32, #tpu.memory_space<hbm>> -> memref<1x81x128xi32, #tpu.memory_space<hbm>>
      %dma_start3A_67 = tpu.memref_squeeze %dma_start3A_66 : memref<1x81x128xi32, #tpu.memory_space<hbm>> -> memref<81x128xi32, #tpu.memory_space<hbm>>
      tpu.enqueue_dma source(%dma_start3A_67 : memref<81x128xi32, #tpu.memory_space<hbm>>) target(%arg9 : memref<81x128xi32, #tpu.memory_space<vmem>>) target_semaphore(%run_scoped3A : memref<!tpu.dma_semaphore, #tpu.memory_space<semaphore_mem>>)
      %dma_wait3A_68 = arith.constant 0 : i32
      %dma_wait3A_69 = arith.constant 0 : i32
      %dma_wait3A_70 = tpu.memref_slice %arg3[%add3A, %dma_wait3A_68, %dma_wait3A_69] : memref<32x81x128xi32, #tpu.memory_space<hbm>> -> memref<1x81x128xi32, #tpu.memory_space<hbm>>
      %dma_wait3A_71 = tpu.memref_squeeze %dma_wait3A_70 : memref<1x81x128xi32, #tpu.memory_space<hbm>> -> memref<81x128xi32, #tpu.memory_space<hbm>>
      %dma_wait3A_72 = arith.constant 0 : i32
      %dma_wait3A_73 = arith.constant 0 : i32
      %dma_wait3A_74 = tpu.memref_slice %arg3[%add3A, %dma_wait3A_72, %dma_wait3A_73] : memref<32x81x128xi32, #tpu.memory_space<hbm>> -> memref<1x81x128xi32, #tpu.memory_space<hbm>>
      %dma_wait3A_75 = tpu.memref_squeeze %dma_wait3A_74 : memref<1x81x128xi32, #tpu.memory_space<hbm>> -> memref<81x128xi32, #tpu.memory_space<hbm>>
      tpu.wait_dma2 semaphore(%run_scoped3A : memref<!tpu.dma_semaphore, #tpu.memory_space<semaphore_mem>>) src(%dma_wait3A_75 : memref<81x128xi32, #tpu.memory_space<hbm>>) dst(%arg9 : memref<81x128xi32, #tpu.memory_space<vmem>>)
      tpu.yield
    }) : () -> ()
    %dma_start3A = arith.constant 0 : i32
    %dma_start3A_3 = arith.constant 0 : i32
    %dma_start3A_4 = tpu.memref_slice %arg8[%dma_start3A, %dma_start3A_3] : memref<81x128xi32, #tpu.memory_space<vmem>> -> memref<1x128xi32, #tpu.memory_space<vmem>>
    %dma_start3A_5 = tpu.memref_squeeze %dma_start3A_4 : memref<1x128xi32, #tpu.memory_space<vmem>> -> memref<128xi32, #tpu.memory_space<vmem>>
    %dma_start3A_6 = arith.constant 0 : i32
    %dma_start3A_7 = arith.constant 0 : i32
    %dma_start3A_8 = tpu.memref_slice %arg4[%dma_start3A_6, %dma_start3A_7] : memref<10112x80xf32, #tpu.memory_space<hbm>> -> memref<10112x80xf32, #tpu.memory_space<hbm>>
    tpu.enqueue_indirect_dma source(%dma_start3A_8 : memref<10112x80xf32, #tpu.memory_space<hbm>>) target(%arg10 : memref<128x80xf32, #tpu.memory_space<vmem>>) offsets(%dma_start3A_5 : memref<128xi32, #tpu.memory_space<vmem>>) semaphore(%arg17 : memref<!tpu.dma_semaphore, #tpu.memory_space<semaphore_mem>>)
    %dma_start3A_9 = arith.constant 0 : i32
    %dma_start3A_10 = arith.constant 0 : i32
    %dma_start3A_11 = tpu.memref_slice %arg9[%dma_start3A_9, %dma_start3A_10] : memref<81x128xi32, #tpu.memory_space<vmem>> -> memref<1x128xi32, #tpu.memory_space<vmem>>
    %dma_start3A_12 = tpu.memref_squeeze %dma_start3A_11 : memref<1x128xi32, #tpu.memory_space<vmem>> -> memref<128xi32, #tpu.memory_space<vmem>>
    %dma_start3A_13 = arith.constant 0 : i32
    %dma_start3A_14 = arith.constant 0 : i32
    %dma_start3A_15 = tpu.memref_slice %arg5[%dma_start3A_13, %dma_start3A_14] : memref<10112x16xf32, #tpu.memory_space<hbm>> -> memref<10112x16xf32, #tpu.memory_space<hbm>>
    tpu.enqueue_indirect_dma source(%dma_start3A_15 : memref<10112x16xf32, #tpu.memory_space<hbm>>) target(%arg13 : memref<128x16xf32, #tpu.memory_space<vmem>>) offsets(%dma_start3A_12 : memref<128xi32, #tpu.memory_space<vmem>>) semaphore(%arg20 : memref<!tpu.dma_semaphore, #tpu.memory_space<semaphore_mem>>)
    %dma_start3A_16 = arith.constant 1 : i32
    %dma_start3A_17 = arith.constant 0 : i32
    %dma_start3A_18 = tpu.memref_slice %arg8[%dma_start3A_16, %dma_start3A_17] : memref<81x128xi32, #tpu.memory_space<vmem>> -> memref<1x128xi32, #tpu.memory_space<vmem>>
    %dma_start3A_19 = tpu.memref_squeeze %dma_start3A_18 : memref<1x128xi32, #tpu.memory_space<vmem>> -> memref<128xi32, #tpu.memory_space<vmem>>
    %dma_start3A_20 = arith.constant 0 : i32
    %dma_start3A_21 = arith.constant 0 : i32
    %dma_start3A_22 = tpu.memref_slice %arg4[%dma_start3A_20, %dma_start3A_21] : memref<10112x80xf32, #tpu.memory_space<hbm>> -> memref<10112x80xf32, #tpu.memory_space<hbm>>
    tpu.enqueue_indirect_dma source(%dma_start3A_22 : memref<10112x80xf32, #tpu.memory_space<hbm>>) target(%arg11 : memref<128x80xf32, #tpu.memory_space<vmem>>) offsets(%dma_start3A_19 : memref<128xi32, #tpu.memory_space<vmem>>) semaphore(%arg18 : memref<!tpu.dma_semaphore, #tpu.memory_space<semaphore_mem>>)
    %dma_start3A_23 = arith.constant 1 : i32
    %dma_start3A_24 = arith.constant 0 : i32
    %dma_start3A_25 = tpu.memref_slice %arg9[%dma_start3A_23, %dma_start3A_24] : memref<81x128xi32, #tpu.memory_space<vmem>> -> memref<1x128xi32, #tpu.memory_space<vmem>>
    %dma_start3A_26 = tpu.memref_squeeze %dma_start3A_25 : memref<1x128xi32, #tpu.memory_space<vmem>> -> memref<128xi32, #tpu.memory_space<vmem>>
    %dma_start3A_27 = arith.constant 0 : i32
    %dma_start3A_28 = arith.constant 0 : i32
    %dma_start3A_29 = tpu.memref_slice %arg5[%dma_start3A_27, %dma_start3A_28] : memref<10112x16xf32, #tpu.memory_space<hbm>> -> memref<10112x16xf32, #tpu.memory_space<hbm>>
    tpu.enqueue_indirect_dma source(%dma_start3A_29 : memref<10112x16xf32, #tpu.memory_space<hbm>>) target(%arg14 : memref<128x16xf32, #tpu.memory_space<vmem>>) offsets(%dma_start3A_26 : memref<128xi32, #tpu.memory_space<vmem>>) semaphore(%arg21 : memref<!tpu.dma_semaphore, #tpu.memory_space<semaphore_mem>>)
    %scan3A = arith.constant 0 : i32
    %scan3A_30 = arith.constant 0 : i32
    %scan3A_31 = arith.constant 27 : i32
    %scan3A_32 = arith.addi %scan3A_30, %scan3A_31 : i32
    %scan3A_33 = arith.constant 1 : i32
    scf.for %scan3A_60 = %scan3A_30 to %scan3A_32 step %scan3A_33  : i32 {
      %mul3A_61 = arith.constant 3 : i32
      %mul3A_62 = arith.muli %scan3A_60, %mul3A_61 : i32
      %add3A_63 = arith.constant 0 : i32
      %add3A_64 = arith.addi %mul3A_62, %add3A_63 : i32
      %dma_wait3A_65 = arith.constant 0 : i32
      %dma_wait3A_66 = tpu.memref_slice %arg8[%add3A_64, %dma_wait3A_65] : memref<81x128xi32, #tpu.memory_space<vmem>> -> memref<1x128xi32, #tpu.memory_space<vmem>>
      %dma_wait3A_67 = tpu.memref_squeeze %dma_wait3A_66 : memref<1x128xi32, #tpu.memory_space<vmem>> -> memref<128xi32, #tpu.memory_space<vmem>>
      %dma_wait3A_68 = arith.constant 0 : i32
      %dma_wait3A_69 = arith.constant 0 : i32
      %dma_wait3A_70 = tpu.memref_slice %arg4[%dma_wait3A_68, %dma_wait3A_69] : memref<10112x80xf32, #tpu.memory_space<hbm>> -> memref<10112x80xf32, #tpu.memory_space<hbm>>
      tpu.wait_indirect_dma semaphore(%arg17 : memref<!tpu.dma_semaphore, #tpu.memory_space<semaphore_mem>>) src(%dma_wait3A_70 : memref<10112x80xf32, #tpu.memory_space<hbm>>) dst(%arg10 : memref<128x80xf32, #tpu.memory_space<vmem>>)
      %dma_wait3A_71 = arith.constant 0 : i32
      %dma_wait3A_72 = tpu.memref_slice %arg9[%add3A_64, %dma_wait3A_71] : memref<81x128xi32, #tpu.memory_space<vmem>> -> memref<1x128xi32, #tpu.memory_space<vmem>>
      %dma_wait3A_73 = tpu.memref_squeeze %dma_wait3A_72 : memref<1x128xi32, #tpu.memory_space<vmem>> -> memref<128xi32, #tpu.memory_space<vmem>>
      %dma_wait3A_74 = arith.constant 0 : i32
      %dma_wait3A_75 = arith.constant 0 : i32
      %dma_wait3A_76 = tpu.memref_slice %arg5[%dma_wait3A_74, %dma_wait3A_75] : memref<10112x16xf32, #tpu.memory_space<hbm>> -> memref<10112x16xf32, #tpu.memory_space<hbm>>
      tpu.wait_indirect_dma semaphore(%arg20 : memref<!tpu.dma_semaphore, #tpu.memory_space<semaphore_mem>>) src(%dma_wait3A_76 : memref<10112x16xf32, #tpu.memory_space<hbm>>) dst(%arg13 : memref<128x16xf32, #tpu.memory_space<vmem>>)
      %scan3A_77 = arith.constant 0 : i32
      %scan3A_78 = arith.constant 0 : i32
      %scan3A_79 = arith.constant 8 : i32
      %scan3A_80 = arith.addi %scan3A_78, %scan3A_79 : i32
      %scan3A_81 = arith.constant 1 : i32
      scf.for %scan3A_159 = %scan3A_78 to %scan3A_80 step %scan3A_81  : i32 {
        %iota3A = tpu.iota {dimensions = array<i32: 0>} : vector<16xi32>
        %mul3A_160 = arith.constant 16 : i32
        %mul3A_161 = arith.muli %scan3A_159, %mul3A_160 : i32
        %add3A_162 = vector.broadcast %mul3A_161 : i32 to vector<16xi32>
        %add3A_163 = arith.addi %iota3A, %add3A_162 : vector<16xi32>
        %broadcast_in_dim3A = arith.constant 64 : i32
        %broadcast_in_dim3A_164 = vector.broadcast %broadcast_in_dim3A : i32 to vector<16xi32>
        %gather3A = tpu.vector_load_idx %arg10[%add3A_163, %broadcast_in_dim3A_164] : memref<128x80xf32, #tpu.memory_space<vmem>>[vector<16xi32>, vector<16xi32>], vector<16xf32>,
        %broadcast_in_dim3A_165 = arith.constant 0 : i32
        %broadcast_in_dim3A_166 = vector.broadcast %broadcast_in_dim3A_165 : i32 to vector<16xi32>
        %gather3A_167 = tpu.vector_load_idx %arg13[%add3A_163, %broadcast_in_dim3A_166] : memref<128x16xf32, #tpu.memory_space<vmem>>[vector<16xi32>, vector<16xi32>], vector<16xf32>,
        %add3A_168 = arith.addf %gather3A, %gather3A_167 : vector<16xf32>
        %gt3A = arith.constant 0.000000e+00 : f32
        %gt3A_169 = vector.broadcast %gt3A : f32 to vector<16xf32>
        %gt3A_170 = arith.cmpf ogt, %add3A_168, %gt3A_169 : vector<16xf32>
        %mul3A_171 = arith.constant 2.000000e-01 : f32
        %mul3A_172 = vector.broadcast %mul3A_171 : f32 to vector<16xf32>
        %mul3A_173 = arith.mulf %add3A_168, %mul3A_172 : vector<16xf32>
        %select_n3A = arith.select %gt3A_170, %add3A_168, %mul3A_173 : vector<16xi1>, vector<16xf32>
        %exp3A = math.exp %select_n3A : vector<16xf32>
        %broadcast_in_dim3A_174 = arith.constant 65 : i32
        %broadcast_in_dim3A_175 = vector.broadcast %broadcast_in_dim3A_174 : i32 to vector<16xi32>
        %gather3A_176 = tpu.vector_load_idx %arg10[%add3A_163, %broadcast_in_dim3A_175] : memref<128x80xf32, #tpu.memory_space<vmem>>[vector<16xi32>, vector<16xi32>], vector<16xf32>,
        %broadcast_in_dim3A_177 = arith.constant 1 : i32
        %broadcast_in_dim3A_178 = vector.broadcast %broadcast_in_dim3A_177 : i32 to vector<16xi32>
        %gather3A_179 = tpu.vector_load_idx %arg13[%add3A_163, %broadcast_in_dim3A_178] : memref<128x16xf32, #tpu.memory_space<vmem>>[vector<16xi32>, vector<16xi32>], vector<16xf32>,
        %add3A_180 = arith.addf %gather3A_176, %gather3A_179 : vector<16xf32>
        %gt3A_181 = arith.constant 0.000000e+00 : f32
        %gt3A_182 = vector.broadcast %gt3A_181 : f32 to vector<16xf32>
        %gt3A_183 = arith.cmpf ogt, %add3A_180, %gt3A_182 : vector<16xf32>
        %mul3A_184 = arith.constant 2.000000e-01 : f32
        %mul3A_185 = vector.broadcast %mul3A_184 : f32 to vector<16xf32>
        %mul3A_186 = arith.mulf %add3A_180, %mul3A_185 : vector<16xf32>
        %select_n3A_187 = arith.select %gt3A_183, %add3A_180, %mul3A_186 : vector<16xi1>, vector<16xf32>
        %exp3A_188 = math.exp %select_n3A_187 : vector<16xf32>
        %broadcast_in_dim3A_189 = arith.constant 66 : i32
        %broadcast_in_dim3A_190 = vector.broadcast %broadcast_in_dim3A_189 : i32 to vector<16xi32>
        %gather3A_191 = tpu.vector_load_idx %arg10[%add3A_163, %broadcast_in_dim3A_190] : memref<128x80xf32, #tpu.memory_space<vmem>>[vector<16xi32>, vector<16xi32>], vector<16xf32>,
        %broadcast_in_dim3A_192 = arith.constant 2 : i32
        %broadcast_in_dim3A_193 = vector.broadcast %broadcast_in_dim3A_192 : i32 to vector<16xi32>
        %gather3A_194 = tpu.vector_load_idx %arg13[%add3A_163, %broadcast_in_dim3A_193] : memref<128x16xf32, #tpu.memory_space<vmem>>[vector<16xi32>, vector<16xi32>], vector<16xf32>,
        %add3A_195 = arith.addf %gather3A_191, %gather3A_194 : vector<16xf32>
        %gt3A_196 = arith.constant 0.000000e+00 : f32
        %gt3A_197 = vector.broadcast %gt3A_196 : f32 to vector<16xf32>
        %gt3A_198 = arith.cmpf ogt, %add3A_195, %gt3A_197 : vector<16xf32>
        %mul3A_199 = arith.constant 2.000000e-01 : f32
        %mul3A_200 = vector.broadcast %mul3A_199 : f32 to vector<16xf32>
        %mul3A_201 = arith.mulf %add3A_195, %mul3A_200 : vector<16xf32>
        %select_n3A_202 = arith.select %gt3A_198, %add3A_195, %mul3A_201 : vector<16xi1>, vector<16xf32>
        %exp3A_203 = math.exp %select_n3A_202 : vector<16xf32>
        %broadcast_in_dim3A_204 = arith.constant 67 : i32
        %broadcast_in_dim3A_205 = vector.broadcast %broadcast_in_dim3A_204 : i32 to vector<16xi32>
        %gather3A_206 = tpu.vector_load_idx %arg10[%add3A_163, %broadcast_in_dim3A_205] : memref<128x80xf32, #tpu.memory_space<vmem>>[vector<16xi32>, vector<16xi32>], vector<16xf32>,
        %broadcast_in_dim3A_207 = arith.constant 3 : i32
        %broadcast_in_dim3A_208 = vector.broadcast %broadcast_in_dim3A_207 : i32 to vector<16xi32>
        %gather3A_209 = tpu.vector_load_idx %arg13[%add3A_163, %broadcast_in_dim3A_208] : memref<128x16xf32, #tpu.memory_space<vmem>>[vector<16xi32>, vector<16xi32>], vector<16xf32>,
        %add3A_210 = arith.addf %gather3A_206, %gather3A_209 : vector<16xf32>
        %gt3A_211 = arith.constant 0.000000e+00 : f32
        %gt3A_212 = vector.broadcast %gt3A_211 : f32 to vector<16xf32>
        %gt3A_213 = arith.cmpf ogt, %add3A_210, %gt3A_212 : vector<16xf32>
        %mul3A_214 = arith.constant 2.000000e-01 : f32
        %mul3A_215 = vector.broadcast %mul3A_214 : f32 to vector<16xf32>
        %mul3A_216 = arith.mulf %add3A_210, %mul3A_215 : vector<16xf32>
        %select_n3A_217 = arith.select %gt3A_213, %add3A_210, %mul3A_216 : vector<16xi1>, vector<16xf32>
        %exp3A_218 = math.exp %select_n3A_217 : vector<16xf32>
        %broadcast_in_dim3A_219 = arith.constant 68 : i32
        %broadcast_in_dim3A_220 = vector.broadcast %broadcast_in_dim3A_219 : i32 to vector<16xi32>
        %gather3A_221 = tpu.vector_load_idx %arg10[%add3A_163, %broadcast_in_dim3A_220] : memref<128x80xf32, #tpu.memory_space<vmem>>[vector<16xi32>, vector<16xi32>], vector<16xf32>,
        %broadcast_in_dim3A_222 = arith.constant 4 : i32
        %broadcast_in_dim3A_223 = vector.broadcast %broadcast_in_dim3A_222 : i32 to vector<16xi32>
        %gather3A_224 = tpu.vector_load_idx %arg13[%add3A_163, %broadcast_in_dim3A_223] : memref<128x16xf32, #tpu.memory_space<vmem>>[vector<16xi32>, vector<16xi32>], vector<16xf32>,
        %add3A_225 = arith.addf %gather3A_221, %gather3A_224 : vector<16xf32>
        %gt3A_226 = arith.constant 0.000000e+00 : f32
        %gt3A_227 = vector.broadcast %gt3A_226 : f32 to vector<16xf32>
        %gt3A_228 = arith.cmpf ogt, %add3A_225, %gt3A_227 : vector<16xf32>
        %mul3A_229 = arith.constant 2.000000e-01 : f32
        %mul3A_230 = vector.broadcast %mul3A_229 : f32 to vector<16xf32>
        %mul3A_231 = arith.mulf %add3A_225, %mul3A_230 : vector<16xf32>
        %select_n3A_232 = arith.select %gt3A_228, %add3A_225, %mul3A_231 : vector<16xi1>, vector<16xf32>
        %exp3A_233 = math.exp %select_n3A_232 : vector<16xf32>
        %broadcast_in_dim3A_234 = arith.constant 69 : i32
        %broadcast_in_dim3A_235 = vector.broadcast %broadcast_in_dim3A_234 : i32 to vector<16xi32>
        %gather3A_236 = tpu.vector_load_idx %arg10[%add3A_163, %broadcast_in_dim3A_235] : memref<128x80xf32, #tpu.memory_space<vmem>>[vector<16xi32>, vector<16xi32>], vector<16xf32>,
        %broadcast_in_dim3A_237 = arith.constant 5 : i32
        %broadcast_in_dim3A_238 = vector.broadcast %broadcast_in_dim3A_237 : i32 to vector<16xi32>
        %gather3A_239 = tpu.vector_load_idx %arg13[%add3A_163, %broadcast_in_dim3A_238] : memref<128x16xf32, #tpu.memory_space<vmem>>[vector<16xi32>, vector<16xi32>], vector<16xf32>,
        %add3A_240 = arith.addf %gather3A_236, %gather3A_239 : vector<16xf32>
        %gt3A_241 = arith.constant 0.000000e+00 : f32
        %gt3A_242 = vector.broadcast %gt3A_241 : f32 to vector<16xf32>
        %gt3A_243 = arith.cmpf ogt, %add3A_240, %gt3A_242 : vector<16xf32>
        %mul3A_244 = arith.constant 2.000000e-01 : f32
        %mul3A_245 = vector.broadcast %mul3A_244 : f32 to vector<16xf32>
        %mul3A_246 = arith.mulf %add3A_240, %mul3A_245 : vector<16xf32>
        %select_n3A_247 = arith.select %gt3A_243, %add3A_240, %mul3A_246 : vector<16xi1>, vector<16xf32>
        %exp3A_248 = math.exp %select_n3A_247 : vector<16xf32>
        %broadcast_in_dim3A_249 = arith.constant 70 : i32
        %broadcast_in_dim3A_250 = vector.broadcast %broadcast_in_dim3A_249 : i32 to vector<16xi32>
        %gather3A_251 = tpu.vector_load_idx %arg10[%add3A_163, %broadcast_in_dim3A_250] : memref<128x80xf32, #tpu.memory_space<vmem>>[vector<16xi32>, vector<16xi32>], vector<16xf32>,
        %broadcast_in_dim3A_252 = arith.constant 6 : i32
        %broadcast_in_dim3A_253 = vector.broadcast %broadcast_in_dim3A_252 : i32 to vector<16xi32>
        %gather3A_254 = tpu.vector_load_idx %arg13[%add3A_163, %broadcast_in_dim3A_253] : memref<128x16xf32, #tpu.memory_space<vmem>>[vector<16xi32>, vector<16xi32>], vector<16xf32>,
        %add3A_255 = arith.addf %gather3A_251, %gather3A_254 : vector<16xf32>
        %gt3A_256 = arith.constant 0.000000e+00 : f32
        %gt3A_257 = vector.broadcast %gt3A_256 : f32 to vector<16xf32>
        %gt3A_258 = arith.cmpf ogt, %add3A_255, %gt3A_257 : vector<16xf32>
        %mul3A_259 = arith.constant 2.000000e-01 : f32
        %mul3A_260 = vector.broadcast %mul3A_259 : f32 to vector<16xf32>
        %mul3A_261 = arith.mulf %add3A_255, %mul3A_260 : vector<16xf32>
        %select_n3A_262 = arith.select %gt3A_258, %add3A_255, %mul3A_261 : vector<16xi1>, vector<16xf32>
        %exp3A_263 = math.exp %select_n3A_262 : vector<16xf32>
        %broadcast_in_dim3A_264 = arith.constant 71 : i32
        %broadcast_in_dim3A_265 = vector.broadcast %broadcast_in_dim3A_264 : i32 to vector<16xi32>
        %gather3A_266 = tpu.vector_load_idx %arg10[%add3A_163, %broadcast_in_dim3A_265] : memref<128x80xf32, #tpu.memory_space<vmem>>[vector<16xi32>, vector<16xi32>], vector<16xf32>,
        %broadcast_in_dim3A_267 = arith.constant 7 : i32
        %broadcast_in_dim3A_268 = vector.broadcast %broadcast_in_dim3A_267 : i32 to vector<16xi32>
        %gather3A_269 = tpu.vector_load_idx %arg13[%add3A_163, %broadcast_in_dim3A_268] : memref<128x16xf32, #tpu.memory_space<vmem>>[vector<16xi32>, vector<16xi32>], vector<16xf32>,
        %add3A_270 = arith.addf %gather3A_266, %gather3A_269 : vector<16xf32>
        %gt3A_271 = arith.constant 0.000000e+00 : f32
        %gt3A_272 = vector.broadcast %gt3A_271 : f32 to vector<16xf32>
        %gt3A_273 = arith.cmpf ogt, %add3A_270, %gt3A_272 : vector<16xf32>
        %mul3A_274 = arith.constant 2.000000e-01 : f32
        %mul3A_275 = vector.broadcast %mul3A_274 : f32 to vector<16xf32>
        %mul3A_276 = arith.mulf %add3A_270, %mul3A_275 : vector<16xf32>
        %select_n3A_277 = arith.select %gt3A_273, %add3A_270, %mul3A_276 : vector<16xi1>, vector<16xf32>
        %exp3A_278 = math.exp %select_n3A_277 : vector<16xf32>
        %broadcast_in_dim3A_279 = arith.constant 0 : i32
        %broadcast_in_dim3A_280 = vector.broadcast %broadcast_in_dim3A_279 : i32 to vector<16xi32>
        %gather3A_281 = tpu.vector_load_idx %arg10[%add3A_163, %broadcast_in_dim3A_280] : memref<128x80xf32, #tpu.memory_space<vmem>>[vector<16xi32>, vector<16xi32>], vector<16xf32>,
        %broadcast_in_dim3A_282 = arith.constant 1 : i32
        %broadcast_in_dim3A_283 = vector.broadcast %broadcast_in_dim3A_282 : i32 to vector<16xi32>
        %gather3A_284 = tpu.vector_load_idx %arg10[%add3A_163, %broadcast_in_dim3A_283] : memref<128x80xf32, #tpu.memory_space<vmem>>[vector<16xi32>, vector<16xi32>], vector<16xf32>,
        %broadcast_in_dim3A_285 = arith.constant 2 : i32
        %broadcast_in_dim3A_286 = vector.broadcast %broadcast_in_dim3A_285 : i32 to vector<16xi32>
        %gather3A_287 = tpu.vector_load_idx %arg10[%add3A_163, %broadcast_in_dim3A_286] : memref<128x80xf32, #tpu.memory_space<vmem>>[vector<16xi32>, vector<16xi32>], vector<16xf32>,
        %broadcast_in_dim3A_288 = arith.constant 3 : i32
        %broadcast_in_dim3A_289 = vector.broadcast %broadcast_in_dim3A_288 : i32 to vector<16xi32>
        %gather3A_290 = tpu.vector_load_idx %arg10[%add3A_163, %broadcast_in_dim3A_289] : memref<128x80xf32, #tpu.memory_space<vmem>>[vector<16xi32>, vector<16xi32>], vector<16xf32>,
        %broadcast_in_dim3A_291 = arith.constant 4 : i32
        %broadcast_in_dim3A_292 = vector.broadcast %broadcast_in_dim3A_291 : i32 to vector<16xi32>
        %gather3A_293 = tpu.vector_load_idx %arg10[%add3A_163, %broadcast_in_dim3A_292] : memref<128x80xf32, #tpu.memory_space<vmem>>[vector<16xi32>, vector<16xi32>], vector<16xf32>,
        %broadcast_in_dim3A_294 = arith.constant 5 : i32
        %broadcast_in_dim3A_295 = vector.broadcast %broadcast_in_dim3A_294 : i32 to vector<16xi32>
        %gather3A_296 = tpu.vector_load_idx %arg10[%add3A_163, %broadcast_in_dim3A_295] : memref<128x80xf32, #tpu.memory_space<vmem>>[vector<16xi32>, vector<16xi32>], vector<16xf32>,
        %broadcast_in_dim3A_297 = arith.constant 6 : i32
        %broadcast_in_dim3A_298 = vector.broadcast %broadcast_in_dim3A_297 : i32 to vector<16xi32>
        %gather3A_299 = tpu.vector_load_idx %arg10[%add3A_163, %broadcast_in_dim3A_298] : memref<128x80xf32, #tpu.memory_space<vmem>>[vector<16xi32>, vector<16xi32>], vector<16xf32>,
        %broadcast_in_dim3A_300 = arith.constant 7 : i32
        %broadcast_in_dim3A_301 = vector.broadcast %broadcast_in_dim3A_300 : i32 to vector<16xi32>
        %gather3A_302 = tpu.vector_load_idx %arg10[%add3A_163, %broadcast_in_dim3A_301] : memref<128x80xf32, #tpu.memory_space<vmem>>[vector<16xi32>, vector<16xi32>], vector<16xf32>,
        %broadcast_in_dim3A_303 = arith.constant 8 : i32
        %broadcast_in_dim3A_304 = vector.broadcast %broadcast_in_dim3A_303 : i32 to vector<16xi32>
        %gather3A_305 = tpu.vector_load_idx %arg10[%add3A_163, %broadcast_in_dim3A_304] : memref<128x80xf32, #tpu.memory_space<vmem>>[vector<16xi32>, vector<16xi32>], vector<16xf32>,
        %broadcast_in_dim3A_306 = arith.constant 9 : i32
        %broadcast_in_dim3A_307 = vector.broadcast %broadcast_in_dim3A_306 : i32 to vector<16xi32>
        %gather3A_308 = tpu.vector_load_idx %arg10[%add3A_163, %broadcast_in_dim3A_307] : memref<128x80xf32, #tpu.memory_space<vmem>>[vector<16xi32>, vector<16xi32>], vector<16xf32>,
        %broadcast_in_dim3A_309 = arith.constant 10 : i32
        %broadcast_in_dim3A_310 = vector.broadcast %broadcast_in_dim3A_309 : i32 to vector<16xi32>
        %gather3A_311 = tpu.vector_load_idx %arg10[%add3A_163, %broadcast_in_dim3A_310] : memref<128x80xf32, #tpu.memory_space<vmem>>[vector<16xi32>, vector<16xi32>], vector<16xf32>,
        %broadcast_in_dim3A_312 = arith.constant 11 : i32
        %broadcast_in_dim3A_313 = vector.broadcast %broadcast_in_dim3A_312 : i32 to vector<16xi32>
        %gather3A_314 = tpu.vector_load_idx %arg10[%add3A_163, %broadcast_in_dim3A_313] : memref<128x80xf32, #tpu.memory_space<vmem>>[vector<16xi32>, vector<16xi32>], vector<16xf32>,
        %broadcast_in_dim3A_315 = arith.constant 12 : i32
        %broadcast_in_dim3A_316 = vector.broadcast %broadcast_in_dim3A_315 : i32 to vector<16xi32>
        %gather3A_317 = tpu.vector_load_idx %arg10[%add3A_163, %broadcast_in_dim3A_316] : memref<128x80xf32, #tpu.memory_space<vmem>>[vector<16xi32>, vector<16xi32>], vector<16xf32>,
        %broadcast_in_dim3A_318 = arith.constant 13 : i32
        %broadcast_in_dim3A_319 = vector.broadcast %broadcast_in_dim3A_318 : i32 to vector<16xi32>
        %gather3A_320 = tpu.vector_load_idx %arg10[%add3A_163, %broadcast_in_dim3A_319] : memref<128x80xf32, #tpu.memory_space<vmem>>[vector<16xi32>, vector<16xi32>], vector<16xf32>,
        %broadcast_in_dim3A_321 = arith.constant 14 : i32
        %broadcast_in_dim3A_322 = vector.broadcast %broadcast_in_dim3A_321 : i32 to vector<16xi32>
        %gather3A_323 = tpu.vector_load_idx %arg10[%add3A_163, %broadcast_in_dim3A_322] : memref<128x80xf32, #tpu.memory_space<vmem>>[vector<16xi32>, vector<16xi32>], vector<16xf32>,
        %broadcast_in_dim3A_324 = arith.constant 15 : i32
        %broadcast_in_dim3A_325 = vector.broadcast %broadcast_in_dim3A_324 : i32 to vector<16xi32>
        %gather3A_326 = tpu.vector_load_idx %arg10[%add3A_163, %broadcast_in_dim3A_325] : memref<128x80xf32, #tpu.memory_space<vmem>>[vector<16xi32>, vector<16xi32>], vector<16xf32>,
        %broadcast_in_dim3A_327 = arith.constant 16 : i32
        %broadcast_in_dim3A_328 = vector.broadcast %broadcast_in_dim3A_327 : i32 to vector<16xi32>
        %gather3A_329 = tpu.vector_load_idx %arg10[%add3A_163, %broadcast_in_dim3A_328] : memref<128x80xf32, #tpu.memory_space<vmem>>[vector<16xi32>, vector<16xi32>], vector<16xf32>,
        %broadcast_in_dim3A_330 = arith.constant 17 : i32
        %broadcast_in_dim3A_331 = vector.broadcast %broadcast_in_dim3A_330 : i32 to vector<16xi32>
        %gather3A_332 = tpu.vector_load_idx %arg10[%add3A_163, %broadcast_in_dim3A_331] : memref<128x80xf32, #tpu.memory_space<vmem>>[vector<16xi32>, vector<16xi32>], vector<16xf32>,
        %broadcast_in_dim3A_333 = arith.constant 18 : i32
        %broadcast_in_dim3A_334 = vector.broadcast %broadcast_in_dim3A_333 : i32 to vector<16xi32>
        %gather3A_335 = tpu.vector_load_idx %arg10[%add3A_163, %broadcast_in_dim3A_334] : memref<128x80xf32, #tpu.memory_space<vmem>>[vector<16xi32>, vector<16xi32>], vector<16xf32>,
        %broadcast_in_dim3A_336 = arith.constant 19 : i32
        %broadcast_in_dim3A_337 = vector.broadcast %broadcast_in_dim3A_336 : i32 to vector<16xi32>
        %gather3A_338 = tpu.vector_load_idx %arg10[%add3A_163, %broadcast_in_dim3A_337] : memref<128x80xf32, #tpu.memory_space<vmem>>[vector<16xi32>, vector<16xi32>], vector<16xf32>,
        %broadcast_in_dim3A_339 = arith.constant 20 : i32
        %broadcast_in_dim3A_340 = vector.broadcast %broadcast_in_dim3A_339 : i32 to vector<16xi32>
        %gather3A_341 = tpu.vector_load_idx %arg10[%add3A_163, %broadcast_in_dim3A_340] : memref<128x80xf32, #tpu.memory_space<vmem>>[vector<16xi32>, vector<16xi32>], vector<16xf32>,
        %broadcast_in_dim3A_342 = arith.constant 21 : i32
        %broadcast_in_dim3A_343 = vector.broadcast %broadcast_in_dim3A_342 : i32 to vector<16xi32>
        %gather3A_344 = tpu.vector_load_idx %arg10[%add3A_163, %broadcast_in_dim3A_343] : memref<128x80xf32, #tpu.memory_space<vmem>>[vector<16xi32>, vector<16xi32>], vector<16xf32>,
        %broadcast_in_dim3A_345 = arith.constant 22 : i32
        %broadcast_in_dim3A_346 = vector.broadcast %broadcast_in_dim3A_345 : i32 to vector<16xi32>
        %gather3A_347 = tpu.vector_load_idx %arg10[%add3A_163, %broadcast_in_dim3A_346] : memref<128x80xf32, #tpu.memory_space<vmem>>[vector<16xi32>, vector<16xi32>], vector<16xf32>,
        %broadcast_in_dim3A_348 = arith.constant 23 : i32
        %broadcast_in_dim3A_349 = vector.broadcast %broadcast_in_dim3A_348 : i32 to vector<16xi32>
        %gather3A_350 = tpu.vector_load_idx %arg10[%add3A_163, %broadcast_in_dim3A_349] : memref<128x80xf32, #tpu.memory_space<vmem>>[vector<16xi32>, vector<16xi32>], vector<16xf32>,
        %broadcast_in_dim3A_351 = arith.constant 24 : i32
        %broadcast_in_dim3A_352 = vector.broadcast %broadcast_in_dim3A_351 : i32 to vector<16xi32>
        %gather3A_353 = tpu.vector_load_idx %arg10[%add3A_163, %broadcast_in_dim3A_352] : memref<128x80xf32, #tpu.memory_space<vmem>>[vector<16xi32>, vector<16xi32>], vector<16xf32>,
        %broadcast_in_dim3A_354 = arith.constant 25 : i32
        %broadcast_in_dim3A_355 = vector.broadcast %broadcast_in_dim3A_354 : i32 to vector<16xi32>
        %gather3A_356 = tpu.vector_load_idx %arg10[%add3A_163, %broadcast_in_dim3A_355] : memref<128x80xf32, #tpu.memory_space<vmem>>[vector<16xi32>, vector<16xi32>], vector<16xf32>,
        %broadcast_in_dim3A_357 = arith.constant 26 : i32
        %broadcast_in_dim3A_358 = vector.broadcast %broadcast_in_dim3A_357 : i32 to vector<16xi32>
        %gather3A_359 = tpu.vector_load_idx %arg10[%add3A_163, %broadcast_in_dim3A_358] : memref<128x80xf32, #tpu.memory_space<vmem>>[vector<16xi32>, vector<16xi32>], vector<16xf32>,
        %broadcast_in_dim3A_360 = arith.constant 27 : i32
        %broadcast_in_dim3A_361 = vector.broadcast %broadcast_in_dim3A_360 : i32 to vector<16xi32>
        %gather3A_362 = tpu.vector_load_idx %arg10[%add3A_163, %broadcast_in_dim3A_361] : memref<128x80xf32, #tpu.memory_space<vmem>>[vector<16xi32>, vector<16xi32>], vector<16xf32>,
        %broadcast_in_dim3A_363 = arith.constant 28 : i32
        %broadcast_in_dim3A_364 = vector.broadcast %broadcast_in_dim3A_363 : i32 to vector<16xi32>
        %gather3A_365 = tpu.vector_load_idx %arg10[%add3A_163, %broadcast_in_dim3A_364] : memref<128x80xf32, #tpu.memory_space<vmem>>[vector<16xi32>, vector<16xi32>], vector<16xf32>,
        %broadcast_in_dim3A_366 = arith.constant 29 : i32
        %broadcast_in_dim3A_367 = vector.broadcast %broadcast_in_dim3A_366 : i32 to vector<16xi32>
        %gather3A_368 = tpu.vector_load_idx %arg10[%add3A_163, %broadcast_in_dim3A_367] : memref<128x80xf32, #tpu.memory_space<vmem>>[vector<16xi32>, vector<16xi32>], vector<16xf32>,
        %broadcast_in_dim3A_369 = arith.constant 30 : i32
        %broadcast_in_dim3A_370 = vector.broadcast %broadcast_in_dim3A_369 : i32 to vector<16xi32>
        %gather3A_371 = tpu.vector_load_idx %arg10[%add3A_163, %broadcast_in_dim3A_370] : memref<128x80xf32, #tpu.memory_space<vmem>>[vector<16xi32>, vector<16xi32>], vector<16xf32>,
        %broadcast_in_dim3A_372 = arith.constant 31 : i32
        %broadcast_in_dim3A_373 = vector.broadcast %broadcast_in_dim3A_372 : i32 to vector<16xi32>
        %gather3A_374 = tpu.vector_load_idx %arg10[%add3A_163, %broadcast_in_dim3A_373] : memref<128x80xf32, #tpu.memory_space<vmem>>[vector<16xi32>, vector<16xi32>], vector<16xf32>,
        %broadcast_in_dim3A_375 = arith.constant 32 : i32
        %broadcast_in_dim3A_376 = vector.broadcast %broadcast_in_dim3A_375 : i32 to vector<16xi32>
        %gather3A_377 = tpu.vector_load_idx %arg10[%add3A_163, %broadcast_in_dim3A_376] : memref<128x80xf32, #tpu.memory_space<vmem>>[vector<16xi32>, vector<16xi32>], vector<16xf32>,
        %broadcast_in_dim3A_378 = arith.constant 33 : i32
        %broadcast_in_dim3A_379 = vector.broadcast %broadcast_in_dim3A_378 : i32 to vector<16xi32>
        %gather3A_380 = tpu.vector_load_idx %arg10[%add3A_163, %broadcast_in_dim3A_379] : memref<128x80xf32, #tpu.memory_space<vmem>>[vector<16xi32>, vector<16xi32>], vector<16xf32>,
        %broadcast_in_dim3A_381 = arith.constant 34 : i32
        %broadcast_in_dim3A_382 = vector.broadcast %broadcast_in_dim3A_381 : i32 to vector<16xi32>
        %gather3A_383 = tpu.vector_load_idx %arg10[%add3A_163, %broadcast_in_dim3A_382] : memref<128x80xf32, #tpu.memory_space<vmem>>[vector<16xi32>, vector<16xi32>], vector<16xf32>,
        %broadcast_in_dim3A_384 = arith.constant 35 : i32
        %broadcast_in_dim3A_385 = vector.broadcast %broadcast_in_dim3A_384 : i32 to vector<16xi32>
        %gather3A_386 = tpu.vector_load_idx %arg10[%add3A_163, %broadcast_in_dim3A_385] : memref<128x80xf32, #tpu.memory_space<vmem>>[vector<16xi32>, vector<16xi32>], vector<16xf32>,
        %broadcast_in_dim3A_387 = arith.constant 36 : i32
        %broadcast_in_dim3A_388 = vector.broadcast %broadcast_in_dim3A_387 : i32 to vector<16xi32>
        %gather3A_389 = tpu.vector_load_idx %arg10[%add3A_163, %broadcast_in_dim3A_388] : memref<128x80xf32, #tpu.memory_space<vmem>>[vector<16xi32>, vector<16xi32>], vector<16xf32>,
        %broadcast_in_dim3A_390 = arith.constant 37 : i32
        %broadcast_in_dim3A_391 = vector.broadcast %broadcast_in_dim3A_390 : i32 to vector<16xi32>
        %gather3A_392 = tpu.vector_load_idx %arg10[%add3A_163, %broadcast_in_dim3A_391] : memref<128x80xf32, #tpu.memory_space<vmem>>[vector<16xi32>, vector<16xi32>], vector<16xf32>,
        %broadcast_in_dim3A_393 = arith.constant 38 : i32
        %broadcast_in_dim3A_394 = vector.broadcast %broadcast_in_dim3A_393 : i32 to vector<16xi32>
        %gather3A_395 = tpu.vector_load_idx %arg10[%add3A_163, %broadcast_in_dim3A_394] : memref<128x80xf32, #tpu.memory_space<vmem>>[vector<16xi32>, vector<16xi32>], vector<16xf32>,
        %broadcast_in_dim3A_396 = arith.constant 39 : i32
        %broadcast_in_dim3A_397 = vector.broadcast %broadcast_in_dim3A_396 : i32 to vector<16xi32>
        %gather3A_398 = tpu.vector_load_idx %arg10[%add3A_163, %broadcast_in_dim3A_397] : memref<128x80xf32, #tpu.memory_space<vmem>>[vector<16xi32>, vector<16xi32>], vector<16xf32>,
        %broadcast_in_dim3A_399 = arith.constant 40 : i32
        %broadcast_in_dim3A_400 = vector.broadcast %broadcast_in_dim3A_399 : i32 to vector<16xi32>
        %gather3A_401 = tpu.vector_load_idx %arg10[%add3A_163, %broadcast_in_dim3A_400] : memref<128x80xf32, #tpu.memory_space<vmem>>[vector<16xi32>, vector<16xi32>], vector<16xf32>,
        %broadcast_in_dim3A_402 = arith.constant 41 : i32
        %broadcast_in_dim3A_403 = vector.broadcast %broadcast_in_dim3A_402 : i32 to vector<16xi32>
        %gather3A_404 = tpu.vector_load_idx %arg10[%add3A_163, %broadcast_in_dim3A_403] : memref<128x80xf32, #tpu.memory_space<vmem>>[vector<16xi32>, vector<16xi32>], vector<16xf32>,
        %broadcast_in_dim3A_405 = arith.constant 42 : i32
        %broadcast_in_dim3A_406 = vector.broadcast %broadcast_in_dim3A_405 : i32 to vector<16xi32>
        %gather3A_407 = tpu.vector_load_idx %arg10[%add3A_163, %broadcast_in_dim3A_406] : memref<128x80xf32, #tpu.memory_space<vmem>>[vector<16xi32>, vector<16xi32>], vector<16xf32>,
        %broadcast_in_dim3A_408 = arith.constant 43 : i32
        %broadcast_in_dim3A_409 = vector.broadcast %broadcast_in_dim3A_408 : i32 to vector<16xi32>
        %gather3A_410 = tpu.vector_load_idx %arg10[%add3A_163, %broadcast_in_dim3A_409] : memref<128x80xf32, #tpu.memory_space<vmem>>[vector<16xi32>, vector<16xi32>], vector<16xf32>,
        %broadcast_in_dim3A_411 = arith.constant 44 : i32
        %broadcast_in_dim3A_412 = vector.broadcast %broadcast_in_dim3A_411 : i32 to vector<16xi32>
        %gather3A_413 = tpu.vector_load_idx %arg10[%add3A_163, %broadcast_in_dim3A_412] : memref<128x80xf32, #tpu.memory_space<vmem>>[vector<16xi32>, vector<16xi32>], vector<16xf32>,
        %broadcast_in_dim3A_414 = arith.constant 45 : i32
        %broadcast_in_dim3A_415 = vector.broadcast %broadcast_in_dim3A_414 : i32 to vector<16xi32>
        %gather3A_416 = tpu.vector_load_idx %arg10[%add3A_163, %broadcast_in_dim3A_415] : memref<128x80xf32, #tpu.memory_space<vmem>>[vector<16xi32>, vector<16xi32>], vector<16xf32>,
        %broadcast_in_dim3A_417 = arith.constant 46 : i32
        %broadcast_in_dim3A_418 = vector.broadcast %broadcast_in_dim3A_417 : i32 to vector<16xi32>
        %gather3A_419 = tpu.vector_load_idx %arg10[%add3A_163, %broadcast_in_dim3A_418] : memref<128x80xf32, #tpu.memory_space<vmem>>[vector<16xi32>, vector<16xi32>], vector<16xf32>,
        %broadcast_in_dim3A_420 = arith.constant 47 : i32
        %broadcast_in_dim3A_421 = vector.broadcast %broadcast_in_dim3A_420 : i32 to vector<16xi32>
        %gather3A_422 = tpu.vector_load_idx %arg10[%add3A_163, %broadcast_in_dim3A_421] : memref<128x80xf32, #tpu.memory_space<vmem>>[vector<16xi32>, vector<16xi32>], vector<16xf32>,
        %broadcast_in_dim3A_423 = arith.constant 48 : i32
        %broadcast_in_dim3A_424 = vector.broadcast %broadcast_in_dim3A_423 : i32 to vector<16xi32>
        %gather3A_425 = tpu.vector_load_idx %arg10[%add3A_163, %broadcast_in_dim3A_424] : memref<128x80xf32, #tpu.memory_space<vmem>>[vector<16xi32>, vector<16xi32>], vector<16xf32>,
        %broadcast_in_dim3A_426 = arith.constant 49 : i32
        %broadcast_in_dim3A_427 = vector.broadcast %broadcast_in_dim3A_426 : i32 to vector<16xi32>
        %gather3A_428 = tpu.vector_load_idx %arg10[%add3A_163, %broadcast_in_dim3A_427] : memref<128x80xf32, #tpu.memory_space<vmem>>[vector<16xi32>, vector<16xi32>], vector<16xf32>,
        %broadcast_in_dim3A_429 = arith.constant 50 : i32
        %broadcast_in_dim3A_430 = vector.broadcast %broadcast_in_dim3A_429 : i32 to vector<16xi32>
        %gather3A_431 = tpu.vector_load_idx %arg10[%add3A_163, %broadcast_in_dim3A_430] : memref<128x80xf32, #tpu.memory_space<vmem>>[vector<16xi32>, vector<16xi32>], vector<16xf32>,
        %broadcast_in_dim3A_432 = arith.constant 51 : i32
        %broadcast_in_dim3A_433 = vector.broadcast %broadcast_in_dim3A_432 : i32 to vector<16xi32>
        %gather3A_434 = tpu.vector_load_idx %arg10[%add3A_163, %broadcast_in_dim3A_433] : memref<128x80xf32, #tpu.memory_space<vmem>>[vector<16xi32>, vector<16xi32>], vector<16xf32>,
        %broadcast_in_dim3A_435 = arith.constant 52 : i32
        %broadcast_in_dim3A_436 = vector.broadcast %broadcast_in_dim3A_435 : i32 to vector<16xi32>
        %gather3A_437 = tpu.vector_load_idx %arg10[%add3A_163, %broadcast_in_dim3A_436] : memref<128x80xf32, #tpu.memory_space<vmem>>[vector<16xi32>, vector<16xi32>], vector<16xf32>,
        %broadcast_in_dim3A_438 = arith.constant 53 : i32
        %broadcast_in_dim3A_439 = vector.broadcast %broadcast_in_dim3A_438 : i32 to vector<16xi32>
        %gather3A_440 = tpu.vector_load_idx %arg10[%add3A_163, %broadcast_in_dim3A_439] : memref<128x80xf32, #tpu.memory_space<vmem>>[vector<16xi32>, vector<16xi32>], vector<16xf32>,
        %broadcast_in_dim3A_441 = arith.constant 54 : i32
        %broadcast_in_dim3A_442 = vector.broadcast %broadcast_in_dim3A_441 : i32 to vector<16xi32>
        %gather3A_443 = tpu.vector_load_idx %arg10[%add3A_163, %broadcast_in_dim3A_442] : memref<128x80xf32, #tpu.memory_space<vmem>>[vector<16xi32>, vector<16xi32>], vector<16xf32>,
        %broadcast_in_dim3A_444 = arith.constant 55 : i32
        %broadcast_in_dim3A_445 = vector.broadcast %broadcast_in_dim3A_444 : i32 to vector<16xi32>
        %gather3A_446 = tpu.vector_load_idx %arg10[%add3A_163, %broadcast_in_dim3A_445] : memref<128x80xf32, #tpu.memory_space<vmem>>[vector<16xi32>, vector<16xi32>], vector<16xf32>,
        %broadcast_in_dim3A_447 = arith.constant 56 : i32
        %broadcast_in_dim3A_448 = vector.broadcast %broadcast_in_dim3A_447 : i32 to vector<16xi32>
        %gather3A_449 = tpu.vector_load_idx %arg10[%add3A_163, %broadcast_in_dim3A_448] : memref<128x80xf32, #tpu.memory_space<vmem>>[vector<16xi32>, vector<16xi32>], vector<16xf32>,
        %broadcast_in_dim3A_450 = arith.constant 57 : i32
        %broadcast_in_dim3A_451 = vector.broadcast %broadcast_in_dim3A_450 : i32 to vector<16xi32>
        %gather3A_452 = tpu.vector_load_idx %arg10[%add3A_163, %broadcast_in_dim3A_451] : memref<128x80xf32, #tpu.memory_space<vmem>>[vector<16xi32>, vector<16xi32>], vector<16xf32>,
        %broadcast_in_dim3A_453 = arith.constant 58 : i32
        %broadcast_in_dim3A_454 = vector.broadcast %broadcast_in_dim3A_453 : i32 to vector<16xi32>
        %gather3A_455 = tpu.vector_load_idx %arg10[%add3A_163, %broadcast_in_dim3A_454] : memref<128x80xf32, #tpu.memory_space<vmem>>[vector<16xi32>, vector<16xi32>], vector<16xf32>,
        %broadcast_in_dim3A_456 = arith.constant 59 : i32
        %broadcast_in_dim3A_457 = vector.broadcast %broadcast_in_dim3A_456 : i32 to vector<16xi32>
        %gather3A_458 = tpu.vector_load_idx %arg10[%add3A_163, %broadcast_in_dim3A_457] : memref<128x80xf32, #tpu.memory_space<vmem>>[vector<16xi32>, vector<16xi32>], vector<16xf32>,
        %broadcast_in_dim3A_459 = arith.constant 60 : i32
        %broadcast_in_dim3A_460 = vector.broadcast %broadcast_in_dim3A_459 : i32 to vector<16xi32>
        %gather3A_461 = tpu.vector_load_idx %arg10[%add3A_163, %broadcast_in_dim3A_460] : memref<128x80xf32, #tpu.memory_space<vmem>>[vector<16xi32>, vector<16xi32>], vector<16xf32>,
        %broadcast_in_dim3A_462 = arith.constant 61 : i32
        %broadcast_in_dim3A_463 = vector.broadcast %broadcast_in_dim3A_462 : i32 to vector<16xi32>
        %gather3A_464 = tpu.vector_load_idx %arg10[%add3A_163, %broadcast_in_dim3A_463] : memref<128x80xf32, #tpu.memory_space<vmem>>[vector<16xi32>, vector<16xi32>], vector<16xf32>,
        %broadcast_in_dim3A_465 = arith.constant 62 : i32
        %broadcast_in_dim3A_466 = vector.broadcast %broadcast_in_dim3A_465 : i32 to vector<16xi32>
        %gather3A_467 = tpu.vector_load_idx %arg10[%add3A_163, %broadcast_in_dim3A_466] : memref<128x80xf32, #tpu.memory_space<vmem>>[vector<16xi32>, vector<16xi32>], vector<16xf32>,
        %broadcast_in_dim3A_468 = arith.constant 63 : i32
        %broadcast_in_dim3A_469 = vector.broadcast %broadcast_in_dim3A_468 : i32 to vector<16xi32>
        %gather3A_470 = tpu.vector_load_idx %arg10[%add3A_163, %broadcast_in_dim3A_469] : memref<128x80xf32, #tpu.memory_space<vmem>>[vector<16xi32>, vector<16xi32>], vector<16xf32>,
        %broadcast_in_dim3A_471 = arith.constant 0 : i32
        %broadcast_in_dim3A_472 = vector.broadcast %broadcast_in_dim3A_471 : i32 to vector<16xi32>
        %mul3A_473 = arith.mulf %gather3A_281, %exp3A : vector<16xf32>
        tpu.vector_store_idx %arg10[%add3A_163, %broadcast_in_dim3A_472], %mul3A_473 : memref<128x80xf32, #tpu.memory_space<vmem>>[vector<16xi32>, vector<16xi32>], vector<16xf32>,
        %broadcast_in_dim3A_474 = arith.constant 1 : i32
        %broadcast_in_dim3A_475 = vector.broadcast %broadcast_in_dim3A_474 : i32 to vector<16xi32>
        %mul3A_476 = arith.mulf %gather3A_284, %exp3A : vector<16xf32>
        tpu.vector_store_idx %arg10[%add3A_163, %broadcast_in_dim3A_475], %mul3A_476 : memref<128x80xf32, #tpu.memory_space<vmem>>[vector<16xi32>, vector<16xi32>], vector<16xf32>,
        %broadcast_in_dim3A_477 = arith.constant 2 : i32
        %broadcast_in_dim3A_478 = vector.broadcast %broadcast_in_dim3A_477 : i32 to vector<16xi32>
        %mul3A_479 = arith.mulf %gather3A_287, %exp3A : vector<16xf32>
        tpu.vector_store_idx %arg10[%add3A_163, %broadcast_in_dim3A_478], %mul3A_479 : memref<128x80xf32, #tpu.memory_space<vmem>>[vector<16xi32>, vector<16xi32>], vector<16xf32>,
        %broadcast_in_dim3A_480 = arith.constant 3 : i32
        %broadcast_in_dim3A_481 = vector.broadcast %broadcast_in_dim3A_480 : i32 to vector<16xi32>
        %mul3A_482 = arith.mulf %gather3A_290, %exp3A : vector<16xf32>
        tpu.vector_store_idx %arg10[%add3A_163, %broadcast_in_dim3A_481], %mul3A_482 : memref<128x80xf32, #tpu.memory_space<vmem>>[vector<16xi32>, vector<16xi32>], vector<16xf32>,
        %broadcast_in_dim3A_483 = arith.constant 4 : i32
        %broadcast_in_dim3A_484 = vector.broadcast %broadcast_in_dim3A_483 : i32 to vector<16xi32>
        %mul3A_485 = arith.mulf %gather3A_293, %exp3A : vector<16xf32>
        tpu.vector_store_idx %arg10[%add3A_163, %broadcast_in_dim3A_484], %mul3A_485 : memref<128x80xf32, #tpu.memory_space<vmem>>[vector<16xi32>, vector<16xi32>], vector<16xf32>,
        %broadcast_in_dim3A_486 = arith.constant 5 : i32
        %broadcast_in_dim3A_487 = vector.broadcast %broadcast_in_dim3A_486 : i32 to vector<16xi32>
        %mul3A_488 = arith.mulf %gather3A_296, %exp3A : vector<16xf32>
        tpu.vector_store_idx %arg10[%add3A_163, %broadcast_in_dim3A_487], %mul3A_488 : memref<128x80xf32, #tpu.memory_space<vmem>>[vector<16xi32>, vector<16xi32>], vector<16xf32>,
        %broadcast_in_dim3A_489 = arith.constant 6 : i32
        %broadcast_in_dim3A_490 = vector.broadcast %broadcast_in_dim3A_489 : i32 to vector<16xi32>
        %mul3A_491 = arith.mulf %gather3A_299, %exp3A : vector<16xf32>
        tpu.vector_store_idx %arg10[%add3A_163, %broadcast_in_dim3A_490], %mul3A_491 : memref<128x80xf32, #tpu.memory_space<vmem>>[vector<16xi32>, vector<16xi32>], vector<16xf32>,
        %broadcast_in_dim3A_492 = arith.constant 7 : i32
        %broadcast_in_dim3A_493 = vector.broadcast %broadcast_in_dim3A_492 : i32 to vector<16xi32>
        %mul3A_494 = arith.mulf %gather3A_302, %exp3A : vector<16xf32>
        tpu.vector_store_idx %arg10[%add3A_163, %broadcast_in_dim3A_493], %mul3A_494 : memref<128x80xf32, #tpu.memory_space<vmem>>[vector<16xi32>, vector<16xi32>], vector<16xf32>,
        %broadcast_in_dim3A_495 = arith.constant 8 : i32
        %broadcast_in_dim3A_496 = vector.broadcast %broadcast_in_dim3A_495 : i32 to vector<16xi32>
        %mul3A_497 = arith.mulf %gather3A_305, %exp3A_188 : vector<16xf32>
        tpu.vector_store_idx %arg10[%add3A_163, %broadcast_in_dim3A_496], %mul3A_497 : memref<128x80xf32, #tpu.memory_space<vmem>>[vector<16xi32>, vector<16xi32>], vector<16xf32>,
        %broadcast_in_dim3A_498 = arith.constant 9 : i32
        %broadcast_in_dim3A_499 = vector.broadcast %broadcast_in_dim3A_498 : i32 to vector<16xi32>
        %mul3A_500 = arith.mulf %gather3A_308, %exp3A_188 : vector<16xf32>
        tpu.vector_store_idx %arg10[%add3A_163, %broadcast_in_dim3A_499], %mul3A_500 : memref<128x80xf32, #tpu.memory_space<vmem>>[vector<16xi32>, vector<16xi32>], vector<16xf32>,
        %broadcast_in_dim3A_501 = arith.constant 10 : i32
        %broadcast_in_dim3A_502 = vector.broadcast %broadcast_in_dim3A_501 : i32 to vector<16xi32>
        %mul3A_503 = arith.mulf %gather3A_311, %exp3A_188 : vector<16xf32>
        tpu.vector_store_idx %arg10[%add3A_163, %broadcast_in_dim3A_502], %mul3A_503 : memref<128x80xf32, #tpu.memory_space<vmem>>[vector<16xi32>, vector<16xi32>], vector<16xf32>,
        %broadcast_in_dim3A_504 = arith.constant 11 : i32
        %broadcast_in_dim3A_505 = vector.broadcast %broadcast_in_dim3A_504 : i32 to vector<16xi32>
        %mul3A_506 = arith.mulf %gather3A_314, %exp3A_188 : vector<16xf32>
        tpu.vector_store_idx %arg10[%add3A_163, %broadcast_in_dim3A_505], %mul3A_506 : memref<128x80xf32, #tpu.memory_space<vmem>>[vector<16xi32>, vector<16xi32>], vector<16xf32>,
        %broadcast_in_dim3A_507 = arith.constant 12 : i32
        %broadcast_in_dim3A_508 = vector.broadcast %broadcast_in_dim3A_507 : i32 to vector<16xi32>
        %mul3A_509 = arith.mulf %gather3A_317, %exp3A_188 : vector<16xf32>
        tpu.vector_store_idx %arg10[%add3A_163, %broadcast_in_dim3A_508], %mul3A_509 : memref<128x80xf32, #tpu.memory_space<vmem>>[vector<16xi32>, vector<16xi32>], vector<16xf32>,
        %broadcast_in_dim3A_510 = arith.constant 13 : i32
        %broadcast_in_dim3A_511 = vector.broadcast %broadcast_in_dim3A_510 : i32 to vector<16xi32>
        %mul3A_512 = arith.mulf %gather3A_320, %exp3A_188 : vector<16xf32>
        tpu.vector_store_idx %arg10[%add3A_163, %broadcast_in_dim3A_511], %mul3A_512 : memref<128x80xf32, #tpu.memory_space<vmem>>[vector<16xi32>, vector<16xi32>], vector<16xf32>,
        %broadcast_in_dim3A_513 = arith.constant 14 : i32
        %broadcast_in_dim3A_514 = vector.broadcast %broadcast_in_dim3A_513 : i32 to vector<16xi32>
        %mul3A_515 = arith.mulf %gather3A_323, %exp3A_188 : vector<16xf32>
        tpu.vector_store_idx %arg10[%add3A_163, %broadcast_in_dim3A_514], %mul3A_515 : memref<128x80xf32, #tpu.memory_space<vmem>>[vector<16xi32>, vector<16xi32>], vector<16xf32>,
        %broadcast_in_dim3A_516 = arith.constant 15 : i32
        %broadcast_in_dim3A_517 = vector.broadcast %broadcast_in_dim3A_516 : i32 to vector<16xi32>
        %mul3A_518 = arith.mulf %gather3A_326, %exp3A_188 : vector<16xf32>
        tpu.vector_store_idx %arg10[%add3A_163, %broadcast_in_dim3A_517], %mul3A_518 : memref<128x80xf32, #tpu.memory_space<vmem>>[vector<16xi32>, vector<16xi32>], vector<16xf32>,
        %broadcast_in_dim3A_519 = arith.constant 16 : i32
        %broadcast_in_dim3A_520 = vector.broadcast %broadcast_in_dim3A_519 : i32 to vector<16xi32>
        %mul3A_521 = arith.mulf %gather3A_329, %exp3A_203 : vector<16xf32>
        tpu.vector_store_idx %arg10[%add3A_163, %broadcast_in_dim3A_520], %mul3A_521 : memref<128x80xf32, #tpu.memory_space<vmem>>[vector<16xi32>, vector<16xi32>], vector<16xf32>,
        %broadcast_in_dim3A_522 = arith.constant 17 : i32
        %broadcast_in_dim3A_523 = vector.broadcast %broadcast_in_dim3A_522 : i32 to vector<16xi32>
        %mul3A_524 = arith.mulf %gather3A_332, %exp3A_203 : vector<16xf32>
        tpu.vector_store_idx %arg10[%add3A_163, %broadcast_in_dim3A_523], %mul3A_524 : memref<128x80xf32, #tpu.memory_space<vmem>>[vector<16xi32>, vector<16xi32>], vector<16xf32>,
        %broadcast_in_dim3A_525 = arith.constant 18 : i32
        %broadcast_in_dim3A_526 = vector.broadcast %broadcast_in_dim3A_525 : i32 to vector<16xi32>
        %mul3A_527 = arith.mulf %gather3A_335, %exp3A_203 : vector<16xf32>
        tpu.vector_store_idx %arg10[%add3A_163, %broadcast_in_dim3A_526], %mul3A_527 : memref<128x80xf32, #tpu.memory_space<vmem>>[vector<16xi32>, vector<16xi32>], vector<16xf32>,
        %broadcast_in_dim3A_528 = arith.constant 19 : i32
        %broadcast_in_dim3A_529 = vector.broadcast %broadcast_in_dim3A_528 : i32 to vector<16xi32>
        %mul3A_530 = arith.mulf %gather3A_338, %exp3A_203 : vector<16xf32>
        tpu.vector_store_idx %arg10[%add3A_163, %broadcast_in_dim3A_529], %mul3A_530 : memref<128x80xf32, #tpu.memory_space<vmem>>[vector<16xi32>, vector<16xi32>], vector<16xf32>,
        %broadcast_in_dim3A_531 = arith.constant 20 : i32
        %broadcast_in_dim3A_532 = vector.broadcast %broadcast_in_dim3A_531 : i32 to vector<16xi32>
        %mul3A_533 = arith.mulf %gather3A_341, %exp3A_203 : vector<16xf32>
        tpu.vector_store_idx %arg10[%add3A_163, %broadcast_in_dim3A_532], %mul3A_533 : memref<128x80xf32, #tpu.memory_space<vmem>>[vector<16xi32>, vector<16xi32>], vector<16xf32>,
        %broadcast_in_dim3A_534 = arith.constant 21 : i32
        %broadcast_in_dim3A_535 = vector.broadcast %broadcast_in_dim3A_534 : i32 to vector<16xi32>
        %mul3A_536 = arith.mulf %gather3A_344, %exp3A_203 : vector<16xf32>
        tpu.vector_store_idx %arg10[%add3A_163, %broadcast_in_dim3A_535], %mul3A_536 : memref<128x80xf32, #tpu.memory_space<vmem>>[vector<16xi32>, vector<16xi32>], vector<16xf32>,
        %broadcast_in_dim3A_537 = arith.constant 22 : i32
        %broadcast_in_dim3A_538 = vector.broadcast %broadcast_in_dim3A_537 : i32 to vector<16xi32>
        %mul3A_539 = arith.mulf %gather3A_347, %exp3A_203 : vector<16xf32>
        tpu.vector_store_idx %arg10[%add3A_163, %broadcast_in_dim3A_538], %mul3A_539 : memref<128x80xf32, #tpu.memory_space<vmem>>[vector<16xi32>, vector<16xi32>], vector<16xf32>,
        %broadcast_in_dim3A_540 = arith.constant 23 : i32
        %broadcast_in_dim3A_541 = vector.broadcast %broadcast_in_dim3A_540 : i32 to vector<16xi32>
        %mul3A_542 = arith.mulf %gather3A_350, %exp3A_203 : vector<16xf32>
        tpu.vector_store_idx %arg10[%add3A_163, %broadcast_in_dim3A_541], %mul3A_542 : memref<128x80xf32, #tpu.memory_space<vmem>>[vector<16xi32>, vector<16xi32>], vector<16xf32>,
        %broadcast_in_dim3A_543 = arith.constant 24 : i32
        %broadcast_in_dim3A_544 = vector.broadcast %broadcast_in_dim3A_543 : i32 to vector<16xi32>
        %mul3A_545 = arith.mulf %gather3A_353, %exp3A_218 : vector<16xf32>
        tpu.vector_store_idx %arg10[%add3A_163, %broadcast_in_dim3A_544], %mul3A_545 : memref<128x80xf32, #tpu.memory_space<vmem>>[vector<16xi32>, vector<16xi32>], vector<16xf32>,
        %broadcast_in_dim3A_546 = arith.constant 25 : i32
        %broadcast_in_dim3A_547 = vector.broadcast %broadcast_in_dim3A_546 : i32 to vector<16xi32>
        %mul3A_548 = arith.mulf %gather3A_356, %exp3A_218 : vector<16xf32>
        tpu.vector_store_idx %arg10[%add3A_163, %broadcast_in_dim3A_547], %mul3A_548 : memref<128x80xf32, #tpu.memory_space<vmem>>[vector<16xi32>, vector<16xi32>], vector<16xf32>,
        %broadcast_in_dim3A_549 = arith.constant 26 : i32
        %broadcast_in_dim3A_550 = vector.broadcast %broadcast_in_dim3A_549 : i32 to vector<16xi32>
        %mul3A_551 = arith.mulf %gather3A_359, %exp3A_218 : vector<16xf32>
        tpu.vector_store_idx %arg10[%add3A_163, %broadcast_in_dim3A_550], %mul3A_551 : memref<128x80xf32, #tpu.memory_space<vmem>>[vector<16xi32>, vector<16xi32>], vector<16xf32>,
        %broadcast_in_dim3A_552 = arith.constant 27 : i32
        %broadcast_in_dim3A_553 = vector.broadcast %broadcast_in_dim3A_552 : i32 to vector<16xi32>
        %mul3A_554 = arith.mulf %gather3A_362, %exp3A_218 : vector<16xf32>
        tpu.vector_store_idx %arg10[%add3A_163, %broadcast_in_dim3A_553], %mul3A_554 : memref<128x80xf32, #tpu.memory_space<vmem>>[vector<16xi32>, vector<16xi32>], vector<16xf32>,
        %broadcast_in_dim3A_555 = arith.constant 28 : i32
        %broadcast_in_dim3A_556 = vector.broadcast %broadcast_in_dim3A_555 : i32 to vector<16xi32>
        %mul3A_557 = arith.mulf %gather3A_365, %exp3A_218 : vector<16xf32>
        tpu.vector_store_idx %arg10[%add3A_163, %broadcast_in_dim3A_556], %mul3A_557 : memref<128x80xf32, #tpu.memory_space<vmem>>[vector<16xi32>, vector<16xi32>], vector<16xf32>,
        %broadcast_in_dim3A_558 = arith.constant 29 : i32
        %broadcast_in_dim3A_559 = vector.broadcast %broadcast_in_dim3A_558 : i32 to vector<16xi32>
        %mul3A_560 = arith.mulf %gather3A_368, %exp3A_218 : vector<16xf32>
        tpu.vector_store_idx %arg10[%add3A_163, %broadcast_in_dim3A_559], %mul3A_560 : memref<128x80xf32, #tpu.memory_space<vmem>>[vector<16xi32>, vector<16xi32>], vector<16xf32>,
        %broadcast_in_dim3A_561 = arith.constant 30 : i32
        %broadcast_in_dim3A_562 = vector.broadcast %broadcast_in_dim3A_561 : i32 to vector<16xi32>
        %mul3A_563 = arith.mulf %gather3A_371, %exp3A_218 : vector<16xf32>
        tpu.vector_store_idx %arg10[%add3A_163, %broadcast_in_dim3A_562], %mul3A_563 : memref<128x80xf32, #tpu.memory_space<vmem>>[vector<16xi32>, vector<16xi32>], vector<16xf32>,
        %broadcast_in_dim3A_564 = arith.constant 31 : i32
        %broadcast_in_dim3A_565 = vector.broadcast %broadcast_in_dim3A_564 : i32 to vector<16xi32>
        %mul3A_566 = arith.mulf %gather3A_374, %exp3A_218 : vector<16xf32>
        tpu.vector_store_idx %arg10[%add3A_163, %broadcast_in_dim3A_565], %mul3A_566 : memref<128x80xf32, #tpu.memory_space<vmem>>[vector<16xi32>, vector<16xi32>], vector<16xf32>,
        %broadcast_in_dim3A_567 = arith.constant 32 : i32
        %broadcast_in_dim3A_568 = vector.broadcast %broadcast_in_dim3A_567 : i32 to vector<16xi32>
        %mul3A_569 = arith.mulf %gather3A_377, %exp3A_233 : vector<16xf32>
        tpu.vector_store_idx %arg10[%add3A_163, %broadcast_in_dim3A_568], %mul3A_569 : memref<128x80xf32, #tpu.memory_space<vmem>>[vector<16xi32>, vector<16xi32>], vector<16xf32>,
        %broadcast_in_dim3A_570 = arith.constant 33 : i32
        %broadcast_in_dim3A_571 = vector.broadcast %broadcast_in_dim3A_570 : i32 to vector<16xi32>
        %mul3A_572 = arith.mulf %gather3A_380, %exp3A_233 : vector<16xf32>
        tpu.vector_store_idx %arg10[%add3A_163, %broadcast_in_dim3A_571], %mul3A_572 : memref<128x80xf32, #tpu.memory_space<vmem>>[vector<16xi32>, vector<16xi32>], vector<16xf32>,
        %broadcast_in_dim3A_573 = arith.constant 34 : i32
        %broadcast_in_dim3A_574 = vector.broadcast %broadcast_in_dim3A_573 : i32 to vector<16xi32>
        %mul3A_575 = arith.mulf %gather3A_383, %exp3A_233 : vector<16xf32>
        tpu.vector_store_idx %arg10[%add3A_163, %broadcast_in_dim3A_574], %mul3A_575 : memref<128x80xf32, #tpu.memory_space<vmem>>[vector<16xi32>, vector<16xi32>], vector<16xf32>,
        %broadcast_in_dim3A_576 = arith.constant 35 : i32
        %broadcast_in_dim3A_577 = vector.broadcast %broadcast_in_dim3A_576 : i32 to vector<16xi32>
        %mul3A_578 = arith.mulf %gather3A_386, %exp3A_233 : vector<16xf32>
        tpu.vector_store_idx %arg10[%add3A_163, %broadcast_in_dim3A_577], %mul3A_578 : memref<128x80xf32, #tpu.memory_space<vmem>>[vector<16xi32>, vector<16xi32>], vector<16xf32>,
        %broadcast_in_dim3A_579 = arith.constant 36 : i32
        %broadcast_in_dim3A_580 = vector.broadcast %broadcast_in_dim3A_579 : i32 to vector<16xi32>
        %mul3A_581 = arith.mulf %gather3A_389, %exp3A_233 : vector<16xf32>
        tpu.vector_store_idx %arg10[%add3A_163, %broadcast_in_dim3A_580], %mul3A_581 : memref<128x80xf32, #tpu.memory_space<vmem>>[vector<16xi32>, vector<16xi32>], vector<16xf32>,
        %broadcast_in_dim3A_582 = arith.constant 37 : i32
        %broadcast_in_dim3A_583 = vector.broadcast %broadcast_in_dim3A_582 : i32 to vector<16xi32>
        %mul3A_584 = arith.mulf %gather3A_392, %exp3A_233 : vector<16xf32>
        tpu.vector_store_idx %arg10[%add3A_163, %broadcast_in_dim3A_583], %mul3A_584 : memref<128x80xf32, #tpu.memory_space<vmem>>[vector<16xi32>, vector<16xi32>], vector<16xf32>,
        %broadcast_in_dim3A_585 = arith.constant 38 : i32
        %broadcast_in_dim3A_586 = vector.broadcast %broadcast_in_dim3A_585 : i32 to vector<16xi32>
        %mul3A_587 = arith.mulf %gather3A_395, %exp3A_233 : vector<16xf32>
        tpu.vector_store_idx %arg10[%add3A_163, %broadcast_in_dim3A_586], %mul3A_587 : memref<128x80xf32, #tpu.memory_space<vmem>>[vector<16xi32>, vector<16xi32>], vector<16xf32>,
        %broadcast_in_dim3A_588 = arith.constant 39 : i32
        %broadcast_in_dim3A_589 = vector.broadcast %broadcast_in_dim3A_588 : i32 to vector<16xi32>
        %mul3A_590 = arith.mulf %gather3A_398, %exp3A_233 : vector<16xf32>
        tpu.vector_store_idx %arg10[%add3A_163, %broadcast_in_dim3A_589], %mul3A_590 : memref<128x80xf32, #tpu.memory_space<vmem>>[vector<16xi32>, vector<16xi32>], vector<16xf32>,
        %broadcast_in_dim3A_591 = arith.constant 40 : i32
        %broadcast_in_dim3A_592 = vector.broadcast %broadcast_in_dim3A_591 : i32 to vector<16xi32>
        %mul3A_593 = arith.mulf %gather3A_401, %exp3A_248 : vector<16xf32>
        tpu.vector_store_idx %arg10[%add3A_163, %broadcast_in_dim3A_592], %mul3A_593 : memref<128x80xf32, #tpu.memory_space<vmem>>[vector<16xi32>, vector<16xi32>], vector<16xf32>,
        %broadcast_in_dim3A_594 = arith.constant 41 : i32
        %broadcast_in_dim3A_595 = vector.broadcast %broadcast_in_dim3A_594 : i32 to vector<16xi32>
        %mul3A_596 = arith.mulf %gather3A_404, %exp3A_248 : vector<16xf32>
        tpu.vector_store_idx %arg10[%add3A_163, %broadcast_in_dim3A_595], %mul3A_596 : memref<128x80xf32, #tpu.memory_space<vmem>>[vector<16xi32>, vector<16xi32>], vector<16xf32>,
        %broadcast_in_dim3A_597 = arith.constant 42 : i32
        %broadcast_in_dim3A_598 = vector.broadcast %broadcast_in_dim3A_597 : i32 to vector<16xi32>
        %mul3A_599 = arith.mulf %gather3A_407, %exp3A_248 : vector<16xf32>
        tpu.vector_store_idx %arg10[%add3A_163, %broadcast_in_dim3A_598], %mul3A_599 : memref<128x80xf32, #tpu.memory_space<vmem>>[vector<16xi32>, vector<16xi32>], vector<16xf32>,
        %broadcast_in_dim3A_600 = arith.constant 43 : i32
        %broadcast_in_dim3A_601 = vector.broadcast %broadcast_in_dim3A_600 : i32 to vector<16xi32>
        %mul3A_602 = arith.mulf %gather3A_410, %exp3A_248 : vector<16xf32>
        tpu.vector_store_idx %arg10[%add3A_163, %broadcast_in_dim3A_601], %mul3A_602 : memref<128x80xf32, #tpu.memory_space<vmem>>[vector<16xi32>, vector<16xi32>], vector<16xf32>,
        %broadcast_in_dim3A_603 = arith.constant 44 : i32
        %broadcast_in_dim3A_604 = vector.broadcast %broadcast_in_dim3A_603 : i32 to vector<16xi32>
        %mul3A_605 = arith.mulf %gather3A_413, %exp3A_248 : vector<16xf32>
        tpu.vector_store_idx %arg10[%add3A_163, %broadcast_in_dim3A_604], %mul3A_605 : memref<128x80xf32, #tpu.memory_space<vmem>>[vector<16xi32>, vector<16xi32>], vector<16xf32>,
        %broadcast_in_dim3A_606 = arith.constant 45 : i32
        %broadcast_in_dim3A_607 = vector.broadcast %broadcast_in_dim3A_606 : i32 to vector<16xi32>
        %mul3A_608 = arith.mulf %gather3A_416, %exp3A_248 : vector<16xf32>
        tpu.vector_store_idx %arg10[%add3A_163, %broadcast_in_dim3A_607], %mul3A_608 : memref<128x80xf32, #tpu.memory_space<vmem>>[vector<16xi32>, vector<16xi32>], vector<16xf32>,
        %broadcast_in_dim3A_609 = arith.constant 46 : i32
        %broadcast_in_dim3A_610 = vector.broadcast %broadcast_in_dim3A_609 : i32 to vector<16xi32>
        %mul3A_611 = arith.mulf %gather3A_419, %exp3A_248 : vector<16xf32>
        tpu.vector_store_idx %arg10[%add3A_163, %broadcast_in_dim3A_610], %mul3A_611 : memref<128x80xf32, #tpu.memory_space<vmem>>[vector<16xi32>, vector<16xi32>], vector<16xf32>,
        %broadcast_in_dim3A_612 = arith.constant 47 : i32
        %broadcast_in_dim3A_613 = vector.broadcast %broadcast_in_dim3A_612 : i32 to vector<16xi32>
        %mul3A_614 = arith.mulf %gather3A_422, %exp3A_248 : vector<16xf32>
        tpu.vector_store_idx %arg10[%add3A_163, %broadcast_in_dim3A_613], %mul3A_614 : memref<128x80xf32, #tpu.memory_space<vmem>>[vector<16xi32>, vector<16xi32>], vector<16xf32>,
        %broadcast_in_dim3A_615 = arith.constant 48 : i32
        %broadcast_in_dim3A_616 = vector.broadcast %broadcast_in_dim3A_615 : i32 to vector<16xi32>
        %mul3A_617 = arith.mulf %gather3A_425, %exp3A_263 : vector<16xf32>
        tpu.vector_store_idx %arg10[%add3A_163, %broadcast_in_dim3A_616], %mul3A_617 : memref<128x80xf32, #tpu.memory_space<vmem>>[vector<16xi32>, vector<16xi32>], vector<16xf32>,
        %broadcast_in_dim3A_618 = arith.constant 49 : i32
        %broadcast_in_dim3A_619 = vector.broadcast %broadcast_in_dim3A_618 : i32 to vector<16xi32>
        %mul3A_620 = arith.mulf %gather3A_428, %exp3A_263 : vector<16xf32>
        tpu.vector_store_idx %arg10[%add3A_163, %broadcast_in_dim3A_619], %mul3A_620 : memref<128x80xf32, #tpu.memory_space<vmem>>[vector<16xi32>, vector<16xi32>], vector<16xf32>,
        %broadcast_in_dim3A_621 = arith.constant 50 : i32
        %broadcast_in_dim3A_622 = vector.broadcast %broadcast_in_dim3A_621 : i32 to vector<16xi32>
        %mul3A_623 = arith.mulf %gather3A_431, %exp3A_263 : vector<16xf32>
        tpu.vector_store_idx %arg10[%add3A_163, %broadcast_in_dim3A_622], %mul3A_623 : memref<128x80xf32, #tpu.memory_space<vmem>>[vector<16xi32>, vector<16xi32>], vector<16xf32>,
        %broadcast_in_dim3A_624 = arith.constant 51 : i32
        %broadcast_in_dim3A_625 = vector.broadcast %broadcast_in_dim3A_624 : i32 to vector<16xi32>
        %mul3A_626 = arith.mulf %gather3A_434, %exp3A_263 : vector<16xf32>
        tpu.vector_store_idx %arg10[%add3A_163, %broadcast_in_dim3A_625], %mul3A_626 : memref<128x80xf32, #tpu.memory_space<vmem>>[vector<16xi32>, vector<16xi32>], vector<16xf32>,
        %broadcast_in_dim3A_627 = arith.constant 52 : i32
        %broadcast_in_dim3A_628 = vector.broadcast %broadcast_in_dim3A_627 : i32 to vector<16xi32>
        %mul3A_629 = arith.mulf %gather3A_437, %exp3A_263 : vector<16xf32>
        tpu.vector_store_idx %arg10[%add3A_163, %broadcast_in_dim3A_628], %mul3A_629 : memref<128x80xf32, #tpu.memory_space<vmem>>[vector<16xi32>, vector<16xi32>], vector<16xf32>,
        %broadcast_in_dim3A_630 = arith.constant 53 : i32
        %broadcast_in_dim3A_631 = vector.broadcast %broadcast_in_dim3A_630 : i32 to vector<16xi32>
        %mul3A_632 = arith.mulf %gather3A_440, %exp3A_263 : vector<16xf32>
        tpu.vector_store_idx %arg10[%add3A_163, %broadcast_in_dim3A_631], %mul3A_632 : memref<128x80xf32, #tpu.memory_space<vmem>>[vector<16xi32>, vector<16xi32>], vector<16xf32>,
        %broadcast_in_dim3A_633 = arith.constant 54 : i32
        %broadcast_in_dim3A_634 = vector.broadcast %broadcast_in_dim3A_633 : i32 to vector<16xi32>
        %mul3A_635 = arith.mulf %gather3A_443, %exp3A_263 : vector<16xf32>
        tpu.vector_store_idx %arg10[%add3A_163, %broadcast_in_dim3A_634], %mul3A_635 : memref<128x80xf32, #tpu.memory_space<vmem>>[vector<16xi32>, vector<16xi32>], vector<16xf32>,
        %broadcast_in_dim3A_636 = arith.constant 55 : i32
        %broadcast_in_dim3A_637 = vector.broadcast %broadcast_in_dim3A_636 : i32 to vector<16xi32>
        %mul3A_638 = arith.mulf %gather3A_446, %exp3A_263 : vector<16xf32>
        tpu.vector_store_idx %arg10[%add3A_163, %broadcast_in_dim3A_637], %mul3A_638 : memref<128x80xf32, #tpu.memory_space<vmem>>[vector<16xi32>, vector<16xi32>], vector<16xf32>,
        %broadcast_in_dim3A_639 = arith.constant 56 : i32
        %broadcast_in_dim3A_640 = vector.broadcast %broadcast_in_dim3A_639 : i32 to vector<16xi32>
        %mul3A_641 = arith.mulf %gather3A_449, %exp3A_278 : vector<16xf32>
        tpu.vector_store_idx %arg10[%add3A_163, %broadcast_in_dim3A_640], %mul3A_641 : memref<128x80xf32, #tpu.memory_space<vmem>>[vector<16xi32>, vector<16xi32>], vector<16xf32>,
        %broadcast_in_dim3A_642 = arith.constant 57 : i32
        %broadcast_in_dim3A_643 = vector.broadcast %broadcast_in_dim3A_642 : i32 to vector<16xi32>
        %mul3A_644 = arith.mulf %gather3A_452, %exp3A_278 : vector<16xf32>
        tpu.vector_store_idx %arg10[%add3A_163, %broadcast_in_dim3A_643], %mul3A_644 : memref<128x80xf32, #tpu.memory_space<vmem>>[vector<16xi32>, vector<16xi32>], vector<16xf32>,
        %broadcast_in_dim3A_645 = arith.constant 58 : i32
        %broadcast_in_dim3A_646 = vector.broadcast %broadcast_in_dim3A_645 : i32 to vector<16xi32>
        %mul3A_647 = arith.mulf %gather3A_455, %exp3A_278 : vector<16xf32>
        tpu.vector_store_idx %arg10[%add3A_163, %broadcast_in_dim3A_646], %mul3A_647 : memref<128x80xf32, #tpu.memory_space<vmem>>[vector<16xi32>, vector<16xi32>], vector<16xf32>,
        %broadcast_in_dim3A_648 = arith.constant 59 : i32
        %broadcast_in_dim3A_649 = vector.broadcast %broadcast_in_dim3A_648 : i32 to vector<16xi32>
        %mul3A_650 = arith.mulf %gather3A_458, %exp3A_278 : vector<16xf32>
        tpu.vector_store_idx %arg10[%add3A_163, %broadcast_in_dim3A_649], %mul3A_650 : memref<128x80xf32, #tpu.memory_space<vmem>>[vector<16xi32>, vector<16xi32>], vector<16xf32>,
        %broadcast_in_dim3A_651 = arith.constant 60 : i32
        %broadcast_in_dim3A_652 = vector.broadcast %broadcast_in_dim3A_651 : i32 to vector<16xi32>
        %mul3A_653 = arith.mulf %gather3A_461, %exp3A_278 : vector<16xf32>
        tpu.vector_store_idx %arg10[%add3A_163, %broadcast_in_dim3A_652], %mul3A_653 : memref<128x80xf32, #tpu.memory_space<vmem>>[vector<16xi32>, vector<16xi32>], vector<16xf32>,
        %broadcast_in_dim3A_654 = arith.constant 61 : i32
        %broadcast_in_dim3A_655 = vector.broadcast %broadcast_in_dim3A_654 : i32 to vector<16xi32>
        %mul3A_656 = arith.mulf %gather3A_464, %exp3A_278 : vector<16xf32>
        tpu.vector_store_idx %arg10[%add3A_163, %broadcast_in_dim3A_655], %mul3A_656 : memref<128x80xf32, #tpu.memory_space<vmem>>[vector<16xi32>, vector<16xi32>], vector<16xf32>,
        %broadcast_in_dim3A_657 = arith.constant 62 : i32
        %broadcast_in_dim3A_658 = vector.broadcast %broadcast_in_dim3A_657 : i32 to vector<16xi32>
        %mul3A_659 = arith.mulf %gather3A_467, %exp3A_278 : vector<16xf32>
        tpu.vector_store_idx %arg10[%add3A_163, %broadcast_in_dim3A_658], %mul3A_659 : memref<128x80xf32, #tpu.memory_space<vmem>>[vector<16xi32>, vector<16xi32>], vector<16xf32>,
        %broadcast_in_dim3A_660 = arith.constant 63 : i32
        %broadcast_in_dim3A_661 = vector.broadcast %broadcast_in_dim3A_660 : i32 to vector<16xi32>
        %mul3A_662 = arith.mulf %gather3A_470, %exp3A_278 : vector<16xf32>
        tpu.vector_store_idx %arg10[%add3A_163, %broadcast_in_dim3A_661], %mul3A_662 : memref<128x80xf32, #tpu.memory_space<vmem>>[vector<16xi32>, vector<16xi32>], vector<16xf32>,
        %broadcast_in_dim3A_663 = arith.constant 64 : i32
        %broadcast_in_dim3A_664 = vector.broadcast %broadcast_in_dim3A_663 : i32 to vector<16xi32>
        tpu.vector_store_idx %arg10[%add3A_163, %broadcast_in_dim3A_664], %exp3A : memref<128x80xf32, #tpu.memory_space<vmem>>[vector<16xi32>, vector<16xi32>], vector<16xf32>,
        %broadcast_in_dim3A_665 = arith.constant 65 : i32
        %broadcast_in_dim3A_666 = vector.broadcast %broadcast_in_dim3A_665 : i32 to vector<16xi32>
        tpu.vector_store_idx %arg10[%add3A_163, %broadcast_in_dim3A_666], %exp3A_188 : memref<128x80xf32, #tpu.memory_space<vmem>>[vector<16xi32>, vector<16xi32>], vector<16xf32>,
        %broadcast_in_dim3A_667 = arith.constant 66 : i32
        %broadcast_in_dim3A_668 = vector.broadcast %broadcast_in_dim3A_667 : i32 to vector<16xi32>
        tpu.vector_store_idx %arg10[%add3A_163, %broadcast_in_dim3A_668], %exp3A_203 : memref<128x80xf32, #tpu.memory_space<vmem>>[vector<16xi32>, vector<16xi32>], vector<16xf32>,
        %broadcast_in_dim3A_669 = arith.constant 67 : i32
        %broadcast_in_dim3A_670 = vector.broadcast %broadcast_in_dim3A_669 : i32 to vector<16xi32>
        tpu.vector_store_idx %arg10[%add3A_163, %broadcast_in_dim3A_670], %exp3A_218 : memref<128x80xf32, #tpu.memory_space<vmem>>[vector<16xi32>, vector<16xi32>], vector<16xf32>,
        %broadcast_in_dim3A_671 = arith.constant 68 : i32
        %broadcast_in_dim3A_672 = vector.broadcast %broadcast_in_dim3A_671 : i32 to vector<16xi32>
        tpu.vector_store_idx %arg10[%add3A_163, %broadcast_in_dim3A_672], %exp3A_233 : memref<128x80xf32, #tpu.memory_space<vmem>>[vector<16xi32>, vector<16xi32>], vector<16xf32>,
        %broadcast_in_dim3A_673 = arith.constant 69 : i32
        %broadcast_in_dim3A_674 = vector.broadcast %broadcast_in_dim3A_673 : i32 to vector<16xi32>
        tpu.vector_store_idx %arg10[%add3A_163, %broadcast_in_dim3A_674], %exp3A_248 : memref<128x80xf32, #tpu.memory_space<vmem>>[vector<16xi32>, vector<16xi32>], vector<16xf32>,
        %broadcast_in_dim3A_675 = arith.constant 70 : i32
        %broadcast_in_dim3A_676 = vector.broadcast %broadcast_in_dim3A_675 : i32 to vector<16xi32>
        tpu.vector_store_idx %arg10[%add3A_163, %broadcast_in_dim3A_676], %exp3A_263 : memref<128x80xf32, #tpu.memory_space<vmem>>[vector<16xi32>, vector<16xi32>], vector<16xf32>,
        %broadcast_in_dim3A_677 = arith.constant 71 : i32
        %broadcast_in_dim3A_678 = vector.broadcast %broadcast_in_dim3A_677 : i32 to vector<16xi32>
        tpu.vector_store_idx %arg10[%add3A_163, %broadcast_in_dim3A_678], %exp3A_278 : memref<128x80xf32, #tpu.memory_space<vmem>>[vector<16xi32>, vector<16xi32>], vector<16xf32>,
      }
      %scan3A_82 = arith.constant 8 : i32
      %dma_start3A_83 = arith.constant 0 : i32
      %dma_start3A_84 = tpu.memref_slice %arg9[%add3A_64, %dma_start3A_83] : memref<81x128xi32, #tpu.memory_space<vmem>> -> memref<1x128xi32, #tpu.memory_space<vmem>>
      %dma_start3A_85 = tpu.memref_squeeze %dma_start3A_84 : memref<1x128xi32, #tpu.memory_space<vmem>> -> memref<128xi32, #tpu.memory_space<vmem>>
      %dma_start3A_86 = arith.constant 0 : i32
      %dma_start3A_87 = arith.constant 0 : i32
      %dma_start3A_88 = tpu.memref_slice %arg16[%dma_start3A_86, %dma_start3A_87] : memref<10112x80xf32, #tpu.memory_space<vmem_shared>> -> memref<10112x80xf32, #tpu.memory_space<vmem_shared>>
      tpu.enqueue_indirect_dma source(%arg10 : memref<128x80xf32, #tpu.memory_space<vmem>>) target(%dma_start3A_88 : memref<10112x80xf32, #tpu.memory_space<vmem_shared>>) offsets(%dma_start3A_85 : memref<128xi32, #tpu.memory_space<vmem>>) semaphore(%arg23 : memref<!tpu.dma_semaphore, #tpu.memory_space<semaphore_mem>>) {add = true}
      %add3A_89 = arith.constant 2 : i32
      %add3A_90 = arith.addi %add3A_64, %add3A_89 : i32
      %lt3A = arith.constant 81 : i32
      %lt3A_91 = arith.cmpi slt, %add3A_90, %lt3A : i32
      %convert_element_type3A = arith.extui %lt3A_91 : i1 to i32
      %cond3A = arith.constant 0 : i32
      %cond3A_92 = arith.cmpi ne, %convert_element_type3A, %cond3A : i32
      scf.if %cond3A_92 {
        %ge3A = arith.constant 1 : i32
        %ge3A_159 = arith.cmpi sge, %add3A_64, %ge3A : i32
        %convert_element_type3A_160 = arith.extui %ge3A_159 : i1 to i32
        %cond3A_161 = arith.constant 0 : i32
        %cond3A_162 = arith.cmpi ne, %convert_element_type3A_160, %cond3A_161 : i32
        scf.if %cond3A_162 {
          %sub3A = arith.constant 1 : i32
          %sub3A_177 = arith.subi %add3A_64, %sub3A : i32
          %dma_wait3A_178 = arith.constant 0 : i32
          %dma_wait3A_179 = tpu.memref_slice %arg9[%sub3A_177, %dma_wait3A_178] : memref<81x128xi32, #tpu.memory_space<vmem>> -> memref<1x128xi32, #tpu.memory_space<vmem>>
          %dma_wait3A_180 = tpu.memref_squeeze %dma_wait3A_179 : memref<1x128xi32, #tpu.memory_space<vmem>> -> memref<128xi32, #tpu.memory_space<vmem>>
          %dma_wait3A_181 = arith.constant 0 : i32
          %dma_wait3A_182 = arith.constant 0 : i32
          %dma_wait3A_183 = tpu.memref_slice %arg16[%dma_wait3A_181, %dma_wait3A_182] : memref<10112x80xf32, #tpu.memory_space<vmem_shared>> -> memref<10112x80xf32, #tpu.memory_space<vmem_shared>>
          tpu.wait_indirect_dma semaphore(%arg25 : memref<!tpu.dma_semaphore, #tpu.memory_space<semaphore_mem>>) src(%arg12 : memref<128x80xf32, #tpu.memory_space<vmem>>) dst(%dma_wait3A_183 : memref<10112x80xf32, #tpu.memory_space<vmem_shared>>)
        } else {
        }
        %add3A_163 = arith.constant 2 : i32
        %add3A_164 = arith.addi %add3A_64, %add3A_163 : i32
        %dma_start3A_165 = arith.constant 0 : i32
        %dma_start3A_166 = tpu.memref_slice %arg8[%add3A_164, %dma_start3A_165] : memref<81x128xi32, #tpu.memory_space<vmem>> -> memref<1x128xi32, #tpu.memory_space<vmem>>
        %dma_start3A_167 = tpu.memref_squeeze %dma_start3A_166 : memref<1x128xi32, #tpu.memory_space<vmem>> -> memref<128xi32, #tpu.memory_space<vmem>>
        %dma_start3A_168 = arith.constant 0 : i32
        %dma_start3A_169 = arith.constant 0 : i32
        %dma_start3A_170 = tpu.memref_slice %arg4[%dma_start3A_168, %dma_start3A_169] : memref<10112x80xf32, #tpu.memory_space<hbm>> -> memref<10112x80xf32, #tpu.memory_space<hbm>>
        tpu.enqueue_indirect_dma source(%dma_start3A_170 : memref<10112x80xf32, #tpu.memory_space<hbm>>) target(%arg12 : memref<128x80xf32, #tpu.memory_space<vmem>>) offsets(%dma_start3A_167 : memref<128xi32, #tpu.memory_space<vmem>>) semaphore(%arg19 : memref<!tpu.dma_semaphore, #tpu.memory_space<semaphore_mem>>)
        %dma_start3A_171 = arith.constant 0 : i32
        %dma_start3A_172 = tpu.memref_slice %arg9[%add3A_164, %dma_start3A_171] : memref<81x128xi32, #tpu.memory_space<vmem>> -> memref<1x128xi32, #tpu.memory_space<vmem>>
        %dma_start3A_173 = tpu.memref_squeeze %dma_start3A_172 : memref<1x128xi32, #tpu.memory_space<vmem>> -> memref<128xi32, #tpu.memory_space<vmem>>
        %dma_start3A_174 = arith.constant 0 : i32
        %dma_start3A_175 = arith.constant 0 : i32
        %dma_start3A_176 = tpu.memref_slice %arg5[%dma_start3A_174, %dma_start3A_175] : memref<10112x16xf32, #tpu.memory_space<hbm>> -> memref<10112x16xf32, #tpu.memory_space<hbm>>
        tpu.enqueue_indirect_dma source(%dma_start3A_176 : memref<10112x16xf32, #tpu.memory_space<hbm>>) target(%arg15 : memref<128x16xf32, #tpu.memory_space<vmem>>) offsets(%dma_start3A_173 : memref<128xi32, #tpu.memory_space<vmem>>) semaphore(%arg22 : memref<!tpu.dma_semaphore, #tpu.memory_space<semaphore_mem>>)
      } else {
      }
      %add3A_93 = arith.constant 1 : i32
      %add3A_94 = arith.addi %mul3A_62, %add3A_93 : i32
      %dma_wait3A_95 = arith.constant 0 : i32
      %dma_wait3A_96 = tpu.memref_slice %arg8[%add3A_94, %dma_wait3A_95] : memref<81x128xi32, #tpu.memory_space<vmem>> -> memref<1x128xi32, #tpu.memory_space<vmem>>
      %dma_wait3A_97 = tpu.memref_squeeze %dma_wait3A_96 : memref<1x128xi32, #tpu.memory_space<vmem>> -> memref<128xi32, #tpu.memory_space<vmem>>
      %dma_wait3A_98 = arith.constant 0 : i32
      %dma_wait3A_99 = arith.constant 0 : i32
      %dma_wait3A_100 = tpu.memref_slice %arg4[%dma_wait3A_98, %dma_wait3A_99] : memref<10112x80xf32, #tpu.memory_space<hbm>> -> memref<10112x80xf32, #tpu.memory_space<hbm>>
      tpu.wait_indirect_dma semaphore(%arg18 : memref<!tpu.dma_semaphore, #tpu.memory_space<semaphore_mem>>) src(%dma_wait3A_100 : memref<10112x80xf32, #tpu.memory_space<hbm>>) dst(%arg11 : memref<128x80xf32, #tpu.memory_space<vmem>>)
      %dma_wait3A_101 = arith.constant 0 : i32
      %dma_wait3A_102 = tpu.memref_slice %arg9[%add3A_94, %dma_wait3A_101] : memref<81x128xi32, #tpu.memory_space<vmem>> -> memref<1x128xi32, #tpu.memory_space<vmem>>
      %dma_wait3A_103 = tpu.memref_squeeze %dma_wait3A_102 : memref<1x128xi32, #tpu.memory_space<vmem>> -> memref<128xi32, #tpu.memory_space<vmem>>
      %dma_wait3A_104 = arith.constant 0 : i32
      %dma_wait3A_105 = arith.constant 0 : i32
      %dma_wait3A_106 = tpu.memref_slice %arg5[%dma_wait3A_104, %dma_wait3A_105] : memref<10112x16xf32, #tpu.memory_space<hbm>> -> memref<10112x16xf32, #tpu.memory_space<hbm>>
      tpu.wait_indirect_dma semaphore(%arg21 : memref<!tpu.dma_semaphore, #tpu.memory_space<semaphore_mem>>) src(%dma_wait3A_106 : memref<10112x16xf32, #tpu.memory_space<hbm>>) dst(%arg14 : memref<128x16xf32, #tpu.memory_space<vmem>>)
      %scan3A_107 = arith.constant 0 : i32
      %scan3A_108 = arith.constant 0 : i32
      %scan3A_109 = arith.constant 8 : i32
      %scan3A_110 = arith.addi %scan3A_108, %scan3A_109 : i32
      %scan3A_111 = arith.constant 1 : i32
      scf.for %scan3A_159 = %scan3A_108 to %scan3A_110 step %scan3A_111  : i32 {
        %iota3A = tpu.iota {dimensions = array<i32: 0>} : vector<16xi32>
        %mul3A_160 = arith.constant 16 : i32
        %mul3A_161 = arith.muli %scan3A_159, %mul3A_160 : i32
        %add3A_162 = vector.broadcast %mul3A_161 : i32 to vector<16xi32>
        %add3A_163 = arith.addi %iota3A, %add3A_162 : vector<16xi32>
        %broadcast_in_dim3A = arith.constant 64 : i32
        %broadcast_in_dim3A_164 = vector.broadcast %broadcast_in_dim3A : i32 to vector<16xi32>
        %gather3A = tpu.vector_load_idx %arg11[%add3A_163, %broadcast_in_dim3A_164] : memref<128x80xf32, #tpu.memory_space<vmem>>[vector<16xi32>, vector<16xi32>], vector<16xf32>,
        %broadcast_in_dim3A_165 = arith.constant 0 : i32
        %broadcast_in_dim3A_166 = vector.broadcast %broadcast_in_dim3A_165 : i32 to vector<16xi32>
        %gather3A_167 = tpu.vector_load_idx %arg14[%add3A_163, %broadcast_in_dim3A_166] : memref<128x16xf32, #tpu.memory_space<vmem>>[vector<16xi32>, vector<16xi32>], vector<16xf32>,
        %add3A_168 = arith.addf %gather3A, %gather3A_167 : vector<16xf32>
        %gt3A = arith.constant 0.000000e+00 : f32
        %gt3A_169 = vector.broadcast %gt3A : f32 to vector<16xf32>
        %gt3A_170 = arith.cmpf ogt, %add3A_168, %gt3A_169 : vector<16xf32>
        %mul3A_171 = arith.constant 2.000000e-01 : f32
        %mul3A_172 = vector.broadcast %mul3A_171 : f32 to vector<16xf32>
        %mul3A_173 = arith.mulf %add3A_168, %mul3A_172 : vector<16xf32>
        %select_n3A = arith.select %gt3A_170, %add3A_168, %mul3A_173 : vector<16xi1>, vector<16xf32>
        %exp3A = math.exp %select_n3A : vector<16xf32>
        %broadcast_in_dim3A_174 = arith.constant 65 : i32
        %broadcast_in_dim3A_175 = vector.broadcast %broadcast_in_dim3A_174 : i32 to vector<16xi32>
        %gather3A_176 = tpu.vector_load_idx %arg11[%add3A_163, %broadcast_in_dim3A_175] : memref<128x80xf32, #tpu.memory_space<vmem>>[vector<16xi32>, vector<16xi32>], vector<16xf32>,
        %broadcast_in_dim3A_177 = arith.constant 1 : i32
        %broadcast_in_dim3A_178 = vector.broadcast %broadcast_in_dim3A_177 : i32 to vector<16xi32>
        %gather3A_179 = tpu.vector_load_idx %arg14[%add3A_163, %broadcast_in_dim3A_178] : memref<128x16xf32, #tpu.memory_space<vmem>>[vector<16xi32>, vector<16xi32>], vector<16xf32>,
        %add3A_180 = arith.addf %gather3A_176, %gather3A_179 : vector<16xf32>
        %gt3A_181 = arith.constant 0.000000e+00 : f32
        %gt3A_182 = vector.broadcast %gt3A_181 : f32 to vector<16xf32>
        %gt3A_183 = arith.cmpf ogt, %add3A_180, %gt3A_182 : vector<16xf32>
        %mul3A_184 = arith.constant 2.000000e-01 : f32
        %mul3A_185 = vector.broadcast %mul3A_184 : f32 to vector<16xf32>
        %mul3A_186 = arith.mulf %add3A_180, %mul3A_185 : vector<16xf32>
        %select_n3A_187 = arith.select %gt3A_183, %add3A_180, %mul3A_186 : vector<16xi1>, vector<16xf32>
        %exp3A_188 = math.exp %select_n3A_187 : vector<16xf32>
        %broadcast_in_dim3A_189 = arith.constant 66 : i32
        %broadcast_in_dim3A_190 = vector.broadcast %broadcast_in_dim3A_189 : i32 to vector<16xi32>
        %gather3A_191 = tpu.vector_load_idx %arg11[%add3A_163, %broadcast_in_dim3A_190] : memref<128x80xf32, #tpu.memory_space<vmem>>[vector<16xi32>, vector<16xi32>], vector<16xf32>,
        %broadcast_in_dim3A_192 = arith.constant 2 : i32
        %broadcast_in_dim3A_193 = vector.broadcast %broadcast_in_dim3A_192 : i32 to vector<16xi32>
        %gather3A_194 = tpu.vector_load_idx %arg14[%add3A_163, %broadcast_in_dim3A_193] : memref<128x16xf32, #tpu.memory_space<vmem>>[vector<16xi32>, vector<16xi32>], vector<16xf32>,
        %add3A_195 = arith.addf %gather3A_191, %gather3A_194 : vector<16xf32>
        %gt3A_196 = arith.constant 0.000000e+00 : f32
        %gt3A_197 = vector.broadcast %gt3A_196 : f32 to vector<16xf32>
        %gt3A_198 = arith.cmpf ogt, %add3A_195, %gt3A_197 : vector<16xf32>
        %mul3A_199 = arith.constant 2.000000e-01 : f32
        %mul3A_200 = vector.broadcast %mul3A_199 : f32 to vector<16xf32>
        %mul3A_201 = arith.mulf %add3A_195, %mul3A_200 : vector<16xf32>
        %select_n3A_202 = arith.select %gt3A_198, %add3A_195, %mul3A_201 : vector<16xi1>, vector<16xf32>
        %exp3A_203 = math.exp %select_n3A_202 : vector<16xf32>
        %broadcast_in_dim3A_204 = arith.constant 67 : i32
        %broadcast_in_dim3A_205 = vector.broadcast %broadcast_in_dim3A_204 : i32 to vector<16xi32>
        %gather3A_206 = tpu.vector_load_idx %arg11[%add3A_163, %broadcast_in_dim3A_205] : memref<128x80xf32, #tpu.memory_space<vmem>>[vector<16xi32>, vector<16xi32>], vector<16xf32>,
        %broadcast_in_dim3A_207 = arith.constant 3 : i32
        %broadcast_in_dim3A_208 = vector.broadcast %broadcast_in_dim3A_207 : i32 to vector<16xi32>
        %gather3A_209 = tpu.vector_load_idx %arg14[%add3A_163, %broadcast_in_dim3A_208] : memref<128x16xf32, #tpu.memory_space<vmem>>[vector<16xi32>, vector<16xi32>], vector<16xf32>,
        %add3A_210 = arith.addf %gather3A_206, %gather3A_209 : vector<16xf32>
        %gt3A_211 = arith.constant 0.000000e+00 : f32
        %gt3A_212 = vector.broadcast %gt3A_211 : f32 to vector<16xf32>
        %gt3A_213 = arith.cmpf ogt, %add3A_210, %gt3A_212 : vector<16xf32>
        %mul3A_214 = arith.constant 2.000000e-01 : f32
        %mul3A_215 = vector.broadcast %mul3A_214 : f32 to vector<16xf32>
        %mul3A_216 = arith.mulf %add3A_210, %mul3A_215 : vector<16xf32>
        %select_n3A_217 = arith.select %gt3A_213, %add3A_210, %mul3A_216 : vector<16xi1>, vector<16xf32>
        %exp3A_218 = math.exp %select_n3A_217 : vector<16xf32>
        %broadcast_in_dim3A_219 = arith.constant 68 : i32
        %broadcast_in_dim3A_220 = vector.broadcast %broadcast_in_dim3A_219 : i32 to vector<16xi32>
        %gather3A_221 = tpu.vector_load_idx %arg11[%add3A_163, %broadcast_in_dim3A_220] : memref<128x80xf32, #tpu.memory_space<vmem>>[vector<16xi32>, vector<16xi32>], vector<16xf32>,
        %broadcast_in_dim3A_222 = arith.constant 4 : i32
        %broadcast_in_dim3A_223 = vector.broadcast %broadcast_in_dim3A_222 : i32 to vector<16xi32>
        %gather3A_224 = tpu.vector_load_idx %arg14[%add3A_163, %broadcast_in_dim3A_223] : memref<128x16xf32, #tpu.memory_space<vmem>>[vector<16xi32>, vector<16xi32>], vector<16xf32>,
        %add3A_225 = arith.addf %gather3A_221, %gather3A_224 : vector<16xf32>
        %gt3A_226 = arith.constant 0.000000e+00 : f32
        %gt3A_227 = vector.broadcast %gt3A_226 : f32 to vector<16xf32>
        %gt3A_228 = arith.cmpf ogt, %add3A_225, %gt3A_227 : vector<16xf32>
        %mul3A_229 = arith.constant 2.000000e-01 : f32
        %mul3A_230 = vector.broadcast %mul3A_229 : f32 to vector<16xf32>
        %mul3A_231 = arith.mulf %add3A_225, %mul3A_230 : vector<16xf32>
        %select_n3A_232 = arith.select %gt3A_228, %add3A_225, %mul3A_231 : vector<16xi1>, vector<16xf32>
        %exp3A_233 = math.exp %select_n3A_232 : vector<16xf32>
        %broadcast_in_dim3A_234 = arith.constant 69 : i32
        %broadcast_in_dim3A_235 = vector.broadcast %broadcast_in_dim3A_234 : i32 to vector<16xi32>
        %gather3A_236 = tpu.vector_load_idx %arg11[%add3A_163, %broadcast_in_dim3A_235] : memref<128x80xf32, #tpu.memory_space<vmem>>[vector<16xi32>, vector<16xi32>], vector<16xf32>,
        %broadcast_in_dim3A_237 = arith.constant 5 : i32
        %broadcast_in_dim3A_238 = vector.broadcast %broadcast_in_dim3A_237 : i32 to vector<16xi32>
        %gather3A_239 = tpu.vector_load_idx %arg14[%add3A_163, %broadcast_in_dim3A_238] : memref<128x16xf32, #tpu.memory_space<vmem>>[vector<16xi32>, vector<16xi32>], vector<16xf32>,
        %add3A_240 = arith.addf %gather3A_236, %gather3A_239 : vector<16xf32>
        %gt3A_241 = arith.constant 0.000000e+00 : f32
        %gt3A_242 = vector.broadcast %gt3A_241 : f32 to vector<16xf32>
        %gt3A_243 = arith.cmpf ogt, %add3A_240, %gt3A_242 : vector<16xf32>
        %mul3A_244 = arith.constant 2.000000e-01 : f32
        %mul3A_245 = vector.broadcast %mul3A_244 : f32 to vector<16xf32>
        %mul3A_246 = arith.mulf %add3A_240, %mul3A_245 : vector<16xf32>
        %select_n3A_247 = arith.select %gt3A_243, %add3A_240, %mul3A_246 : vector<16xi1>, vector<16xf32>
        %exp3A_248 = math.exp %select_n3A_247 : vector<16xf32>
        %broadcast_in_dim3A_249 = arith.constant 70 : i32
        %broadcast_in_dim3A_250 = vector.broadcast %broadcast_in_dim3A_249 : i32 to vector<16xi32>
        %gather3A_251 = tpu.vector_load_idx %arg11[%add3A_163, %broadcast_in_dim3A_250] : memref<128x80xf32, #tpu.memory_space<vmem>>[vector<16xi32>, vector<16xi32>], vector<16xf32>,
        %broadcast_in_dim3A_252 = arith.constant 6 : i32
        %broadcast_in_dim3A_253 = vector.broadcast %broadcast_in_dim3A_252 : i32 to vector<16xi32>
        %gather3A_254 = tpu.vector_load_idx %arg14[%add3A_163, %broadcast_in_dim3A_253] : memref<128x16xf32, #tpu.memory_space<vmem>>[vector<16xi32>, vector<16xi32>], vector<16xf32>,
        %add3A_255 = arith.addf %gather3A_251, %gather3A_254 : vector<16xf32>
        %gt3A_256 = arith.constant 0.000000e+00 : f32
        %gt3A_257 = vector.broadcast %gt3A_256 : f32 to vector<16xf32>
        %gt3A_258 = arith.cmpf ogt, %add3A_255, %gt3A_257 : vector<16xf32>
        %mul3A_259 = arith.constant 2.000000e-01 : f32
        %mul3A_260 = vector.broadcast %mul3A_259 : f32 to vector<16xf32>
        %mul3A_261 = arith.mulf %add3A_255, %mul3A_260 : vector<16xf32>
        %select_n3A_262 = arith.select %gt3A_258, %add3A_255, %mul3A_261 : vector<16xi1>, vector<16xf32>
        %exp3A_263 = math.exp %select_n3A_262 : vector<16xf32>
        %broadcast_in_dim3A_264 = arith.constant 71 : i32
        %broadcast_in_dim3A_265 = vector.broadcast %broadcast_in_dim3A_264 : i32 to vector<16xi32>
        %gather3A_266 = tpu.vector_load_idx %arg11[%add3A_163, %broadcast_in_dim3A_265] : memref<128x80xf32, #tpu.memory_space<vmem>>[vector<16xi32>, vector<16xi32>], vector<16xf32>,
        %broadcast_in_dim3A_267 = arith.constant 7 : i32
        %broadcast_in_dim3A_268 = vector.broadcast %broadcast_in_dim3A_267 : i32 to vector<16xi32>
        %gather3A_269 = tpu.vector_load_idx %arg14[%add3A_163, %broadcast_in_dim3A_268] : memref<128x16xf32, #tpu.memory_space<vmem>>[vector<16xi32>, vector<16xi32>], vector<16xf32>,
        %add3A_270 = arith.addf %gather3A_266, %gather3A_269 : vector<16xf32>
        %gt3A_271 = arith.constant 0.000000e+00 : f32
        %gt3A_272 = vector.broadcast %gt3A_271 : f32 to vector<16xf32>
        %gt3A_273 = arith.cmpf ogt, %add3A_270, %gt3A_272 : vector<16xf32>
        %mul3A_274 = arith.constant 2.000000e-01 : f32
        %mul3A_275 = vector.broadcast %mul3A_274 : f32 to vector<16xf32>
        %mul3A_276 = arith.mulf %add3A_270, %mul3A_275 : vector<16xf32>
        %select_n3A_277 = arith.select %gt3A_273, %add3A_270, %mul3A_276 : vector<16xi1>, vector<16xf32>
        %exp3A_278 = math.exp %select_n3A_277 : vector<16xf32>
        %broadcast_in_dim3A_279 = arith.constant 0 : i32
        %broadcast_in_dim3A_280 = vector.broadcast %broadcast_in_dim3A_279 : i32 to vector<16xi32>
        %gather3A_281 = tpu.vector_load_idx %arg11[%add3A_163, %broadcast_in_dim3A_280] : memref<128x80xf32, #tpu.memory_space<vmem>>[vector<16xi32>, vector<16xi32>], vector<16xf32>,
        %broadcast_in_dim3A_282 = arith.constant 1 : i32
        %broadcast_in_dim3A_283 = vector.broadcast %broadcast_in_dim3A_282 : i32 to vector<16xi32>
        %gather3A_284 = tpu.vector_load_idx %arg11[%add3A_163, %broadcast_in_dim3A_283] : memref<128x80xf32, #tpu.memory_space<vmem>>[vector<16xi32>, vector<16xi32>], vector<16xf32>,
        %broadcast_in_dim3A_285 = arith.constant 2 : i32
        %broadcast_in_dim3A_286 = vector.broadcast %broadcast_in_dim3A_285 : i32 to vector<16xi32>
        %gather3A_287 = tpu.vector_load_idx %arg11[%add3A_163, %broadcast_in_dim3A_286] : memref<128x80xf32, #tpu.memory_space<vmem>>[vector<16xi32>, vector<16xi32>], vector<16xf32>,
        %broadcast_in_dim3A_288 = arith.constant 3 : i32
        %broadcast_in_dim3A_289 = vector.broadcast %broadcast_in_dim3A_288 : i32 to vector<16xi32>
        %gather3A_290 = tpu.vector_load_idx %arg11[%add3A_163, %broadcast_in_dim3A_289] : memref<128x80xf32, #tpu.memory_space<vmem>>[vector<16xi32>, vector<16xi32>], vector<16xf32>,
        %broadcast_in_dim3A_291 = arith.constant 4 : i32
        %broadcast_in_dim3A_292 = vector.broadcast %broadcast_in_dim3A_291 : i32 to vector<16xi32>
        %gather3A_293 = tpu.vector_load_idx %arg11[%add3A_163, %broadcast_in_dim3A_292] : memref<128x80xf32, #tpu.memory_space<vmem>>[vector<16xi32>, vector<16xi32>], vector<16xf32>,
        %broadcast_in_dim3A_294 = arith.constant 5 : i32
        %broadcast_in_dim3A_295 = vector.broadcast %broadcast_in_dim3A_294 : i32 to vector<16xi32>
        %gather3A_296 = tpu.vector_load_idx %arg11[%add3A_163, %broadcast_in_dim3A_295] : memref<128x80xf32, #tpu.memory_space<vmem>>[vector<16xi32>, vector<16xi32>], vector<16xf32>,
        %broadcast_in_dim3A_297 = arith.constant 6 : i32
        %broadcast_in_dim3A_298 = vector.broadcast %broadcast_in_dim3A_297 : i32 to vector<16xi32>
        %gather3A_299 = tpu.vector_load_idx %arg11[%add3A_163, %broadcast_in_dim3A_298] : memref<128x80xf32, #tpu.memory_space<vmem>>[vector<16xi32>, vector<16xi32>], vector<16xf32>,
        %broadcast_in_dim3A_300 = arith.constant 7 : i32
        %broadcast_in_dim3A_301 = vector.broadcast %broadcast_in_dim3A_300 : i32 to vector<16xi32>
        %gather3A_302 = tpu.vector_load_idx %arg11[%add3A_163, %broadcast_in_dim3A_301] : memref<128x80xf32, #tpu.memory_space<vmem>>[vector<16xi32>, vector<16xi32>], vector<16xf32>,
        %broadcast_in_dim3A_303 = arith.constant 8 : i32
        %broadcast_in_dim3A_304 = vector.broadcast %broadcast_in_dim3A_303 : i32 to vector<16xi32>
        %gather3A_305 = tpu.vector_load_idx %arg11[%add3A_163, %broadcast_in_dim3A_304] : memref<128x80xf32, #tpu.memory_space<vmem>>[vector<16xi32>, vector<16xi32>], vector<16xf32>,
        %broadcast_in_dim3A_306 = arith.constant 9 : i32
        %broadcast_in_dim3A_307 = vector.broadcast %broadcast_in_dim3A_306 : i32 to vector<16xi32>
        %gather3A_308 = tpu.vector_load_idx %arg11[%add3A_163, %broadcast_in_dim3A_307] : memref<128x80xf32, #tpu.memory_space<vmem>>[vector<16xi32>, vector<16xi32>], vector<16xf32>,
        %broadcast_in_dim3A_309 = arith.constant 10 : i32
        %broadcast_in_dim3A_310 = vector.broadcast %broadcast_in_dim3A_309 : i32 to vector<16xi32>
        %gather3A_311 = tpu.vector_load_idx %arg11[%add3A_163, %broadcast_in_dim3A_310] : memref<128x80xf32, #tpu.memory_space<vmem>>[vector<16xi32>, vector<16xi32>], vector<16xf32>,
        %broadcast_in_dim3A_312 = arith.constant 11 : i32
        %broadcast_in_dim3A_313 = vector.broadcast %broadcast_in_dim3A_312 : i32 to vector<16xi32>
        %gather3A_314 = tpu.vector_load_idx %arg11[%add3A_163, %broadcast_in_dim3A_313] : memref<128x80xf32, #tpu.memory_space<vmem>>[vector<16xi32>, vector<16xi32>], vector<16xf32>,
        %broadcast_in_dim3A_315 = arith.constant 12 : i32
        %broadcast_in_dim3A_316 = vector.broadcast %broadcast_in_dim3A_315 : i32 to vector<16xi32>
        %gather3A_317 = tpu.vector_load_idx %arg11[%add3A_163, %broadcast_in_dim3A_316] : memref<128x80xf32, #tpu.memory_space<vmem>>[vector<16xi32>, vector<16xi32>], vector<16xf32>,
        %broadcast_in_dim3A_318 = arith.constant 13 : i32
        %broadcast_in_dim3A_319 = vector.broadcast %broadcast_in_dim3A_318 : i32 to vector<16xi32>
        %gather3A_320 = tpu.vector_load_idx %arg11[%add3A_163, %broadcast_in_dim3A_319] : memref<128x80xf32, #tpu.memory_space<vmem>>[vector<16xi32>, vector<16xi32>], vector<16xf32>,
        %broadcast_in_dim3A_321 = arith.constant 14 : i32
        %broadcast_in_dim3A_322 = vector.broadcast %broadcast_in_dim3A_321 : i32 to vector<16xi32>
        %gather3A_323 = tpu.vector_load_idx %arg11[%add3A_163, %broadcast_in_dim3A_322] : memref<128x80xf32, #tpu.memory_space<vmem>>[vector<16xi32>, vector<16xi32>], vector<16xf32>,
        %broadcast_in_dim3A_324 = arith.constant 15 : i32
        %broadcast_in_dim3A_325 = vector.broadcast %broadcast_in_dim3A_324 : i32 to vector<16xi32>
        %gather3A_326 = tpu.vector_load_idx %arg11[%add3A_163, %broadcast_in_dim3A_325] : memref<128x80xf32, #tpu.memory_space<vmem>>[vector<16xi32>, vector<16xi32>], vector<16xf32>,
        %broadcast_in_dim3A_327 = arith.constant 16 : i32
        %broadcast_in_dim3A_328 = vector.broadcast %broadcast_in_dim3A_327 : i32 to vector<16xi32>
        %gather3A_329 = tpu.vector_load_idx %arg11[%add3A_163, %broadcast_in_dim3A_328] : memref<128x80xf32, #tpu.memory_space<vmem>>[vector<16xi32>, vector<16xi32>], vector<16xf32>,
        %broadcast_in_dim3A_330 = arith.constant 17 : i32
        %broadcast_in_dim3A_331 = vector.broadcast %broadcast_in_dim3A_330 : i32 to vector<16xi32>
        %gather3A_332 = tpu.vector_load_idx %arg11[%add3A_163, %broadcast_in_dim3A_331] : memref<128x80xf32, #tpu.memory_space<vmem>>[vector<16xi32>, vector<16xi32>], vector<16xf32>,
        %broadcast_in_dim3A_333 = arith.constant 18 : i32
        %broadcast_in_dim3A_334 = vector.broadcast %broadcast_in_dim3A_333 : i32 to vector<16xi32>
        %gather3A_335 = tpu.vector_load_idx %arg11[%add3A_163, %broadcast_in_dim3A_334] : memref<128x80xf32, #tpu.memory_space<vmem>>[vector<16xi32>, vector<16xi32>], vector<16xf32>,
        %broadcast_in_dim3A_336 = arith.constant 19 : i32
        %broadcast_in_dim3A_337 = vector.broadcast %broadcast_in_dim3A_336 : i32 to vector<16xi32>
        %gather3A_338 = tpu.vector_load_idx %arg11[%add3A_163, %broadcast_in_dim3A_337] : memref<128x80xf32, #tpu.memory_space<vmem>>[vector<16xi32>, vector<16xi32>], vector<16xf32>,
        %broadcast_in_dim3A_339 = arith.constant 20 : i32
        %broadcast_in_dim3A_340 = vector.broadcast %broadcast_in_dim3A_339 : i32 to vector<16xi32>
        %gather3A_341 = tpu.vector_load_idx %arg11[%add3A_163, %broadcast_in_dim3A_340] : memref<128x80xf32, #tpu.memory_space<vmem>>[vector<16xi32>, vector<16xi32>], vector<16xf32>,
        %broadcast_in_dim3A_342 = arith.constant 21 : i32
        %broadcast_in_dim3A_343 = vector.broadcast %broadcast_in_dim3A_342 : i32 to vector<16xi32>
        %gather3A_344 = tpu.vector_load_idx %arg11[%add3A_163, %broadcast_in_dim3A_343] : memref<128x80xf32, #tpu.memory_space<vmem>>[vector<16xi32>, vector<16xi32>], vector<16xf32>,
        %broadcast_in_dim3A_345 = arith.constant 22 : i32
        %broadcast_in_dim3A_346 = vector.broadcast %broadcast_in_dim3A_345 : i32 to vector<16xi32>
        %gather3A_347 = tpu.vector_load_idx %arg11[%add3A_163, %broadcast_in_dim3A_346] : memref<128x80xf32, #tpu.memory_space<vmem>>[vector<16xi32>, vector<16xi32>], vector<16xf32>,
        %broadcast_in_dim3A_348 = arith.constant 23 : i32
        %broadcast_in_dim3A_349 = vector.broadcast %broadcast_in_dim3A_348 : i32 to vector<16xi32>
        %gather3A_350 = tpu.vector_load_idx %arg11[%add3A_163, %broadcast_in_dim3A_349] : memref<128x80xf32, #tpu.memory_space<vmem>>[vector<16xi32>, vector<16xi32>], vector<16xf32>,
        %broadcast_in_dim3A_351 = arith.constant 24 : i32
        %broadcast_in_dim3A_352 = vector.broadcast %broadcast_in_dim3A_351 : i32 to vector<16xi32>
        %gather3A_353 = tpu.vector_load_idx %arg11[%add3A_163, %broadcast_in_dim3A_352] : memref<128x80xf32, #tpu.memory_space<vmem>>[vector<16xi32>, vector<16xi32>], vector<16xf32>,
        %broadcast_in_dim3A_354 = arith.constant 25 : i32
        %broadcast_in_dim3A_355 = vector.broadcast %broadcast_in_dim3A_354 : i32 to vector<16xi32>
        %gather3A_356 = tpu.vector_load_idx %arg11[%add3A_163, %broadcast_in_dim3A_355] : memref<128x80xf32, #tpu.memory_space<vmem>>[vector<16xi32>, vector<16xi32>], vector<16xf32>,
        %broadcast_in_dim3A_357 = arith.constant 26 : i32
        %broadcast_in_dim3A_358 = vector.broadcast %broadcast_in_dim3A_357 : i32 to vector<16xi32>
        %gather3A_359 = tpu.vector_load_idx %arg11[%add3A_163, %broadcast_in_dim3A_358] : memref<128x80xf32, #tpu.memory_space<vmem>>[vector<16xi32>, vector<16xi32>], vector<16xf32>,
        %broadcast_in_dim3A_360 = arith.constant 27 : i32
        %broadcast_in_dim3A_361 = vector.broadcast %broadcast_in_dim3A_360 : i32 to vector<16xi32>
        %gather3A_362 = tpu.vector_load_idx %arg11[%add3A_163, %broadcast_in_dim3A_361] : memref<128x80xf32, #tpu.memory_space<vmem>>[vector<16xi32>, vector<16xi32>], vector<16xf32>,
        %broadcast_in_dim3A_363 = arith.constant 28 : i32
        %broadcast_in_dim3A_364 = vector.broadcast %broadcast_in_dim3A_363 : i32 to vector<16xi32>
        %gather3A_365 = tpu.vector_load_idx %arg11[%add3A_163, %broadcast_in_dim3A_364] : memref<128x80xf32, #tpu.memory_space<vmem>>[vector<16xi32>, vector<16xi32>], vector<16xf32>,
        %broadcast_in_dim3A_366 = arith.constant 29 : i32
        %broadcast_in_dim3A_367 = vector.broadcast %broadcast_in_dim3A_366 : i32 to vector<16xi32>
        %gather3A_368 = tpu.vector_load_idx %arg11[%add3A_163, %broadcast_in_dim3A_367] : memref<128x80xf32, #tpu.memory_space<vmem>>[vector<16xi32>, vector<16xi32>], vector<16xf32>,
        %broadcast_in_dim3A_369 = arith.constant 30 : i32
        %broadcast_in_dim3A_370 = vector.broadcast %broadcast_in_dim3A_369 : i32 to vector<16xi32>
        %gather3A_371 = tpu.vector_load_idx %arg11[%add3A_163, %broadcast_in_dim3A_370] : memref<128x80xf32, #tpu.memory_space<vmem>>[vector<16xi32>, vector<16xi32>], vector<16xf32>,
        %broadcast_in_dim3A_372 = arith.constant 31 : i32
        %broadcast_in_dim3A_373 = vector.broadcast %broadcast_in_dim3A_372 : i32 to vector<16xi32>
        %gather3A_374 = tpu.vector_load_idx %arg11[%add3A_163, %broadcast_in_dim3A_373] : memref<128x80xf32, #tpu.memory_space<vmem>>[vector<16xi32>, vector<16xi32>], vector<16xf32>,
        %broadcast_in_dim3A_375 = arith.constant 32 : i32
        %broadcast_in_dim3A_376 = vector.broadcast %broadcast_in_dim3A_375 : i32 to vector<16xi32>
        %gather3A_377 = tpu.vector_load_idx %arg11[%add3A_163, %broadcast_in_dim3A_376] : memref<128x80xf32, #tpu.memory_space<vmem>>[vector<16xi32>, vector<16xi32>], vector<16xf32>,
        %broadcast_in_dim3A_378 = arith.constant 33 : i32
        %broadcast_in_dim3A_379 = vector.broadcast %broadcast_in_dim3A_378 : i32 to vector<16xi32>
        %gather3A_380 = tpu.vector_load_idx %arg11[%add3A_163, %broadcast_in_dim3A_379] : memref<128x80xf32, #tpu.memory_space<vmem>>[vector<16xi32>, vector<16xi32>], vector<16xf32>,
        %broadcast_in_dim3A_381 = arith.constant 34 : i32
        %broadcast_in_dim3A_382 = vector.broadcast %broadcast_in_dim3A_381 : i32 to vector<16xi32>
        %gather3A_383 = tpu.vector_load_idx %arg11[%add3A_163, %broadcast_in_dim3A_382] : memref<128x80xf32, #tpu.memory_space<vmem>>[vector<16xi32>, vector<16xi32>], vector<16xf32>,
        %broadcast_in_dim3A_384 = arith.constant 35 : i32
        %broadcast_in_dim3A_385 = vector.broadcast %broadcast_in_dim3A_384 : i32 to vector<16xi32>
        %gather3A_386 = tpu.vector_load_idx %arg11[%add3A_163, %broadcast_in_dim3A_385] : memref<128x80xf32, #tpu.memory_space<vmem>>[vector<16xi32>, vector<16xi32>], vector<16xf32>,
        %broadcast_in_dim3A_387 = arith.constant 36 : i32
        %broadcast_in_dim3A_388 = vector.broadcast %broadcast_in_dim3A_387 : i32 to vector<16xi32>
        %gather3A_389 = tpu.vector_load_idx %arg11[%add3A_163, %broadcast_in_dim3A_388] : memref<128x80xf32, #tpu.memory_space<vmem>>[vector<16xi32>, vector<16xi32>], vector<16xf32>,
        %broadcast_in_dim3A_390 = arith.constant 37 : i32
        %broadcast_in_dim3A_391 = vector.broadcast %broadcast_in_dim3A_390 : i32 to vector<16xi32>
        %gather3A_392 = tpu.vector_load_idx %arg11[%add3A_163, %broadcast_in_dim3A_391] : memref<128x80xf32, #tpu.memory_space<vmem>>[vector<16xi32>, vector<16xi32>], vector<16xf32>,
        %broadcast_in_dim3A_393 = arith.constant 38 : i32
        %broadcast_in_dim3A_394 = vector.broadcast %broadcast_in_dim3A_393 : i32 to vector<16xi32>
        %gather3A_395 = tpu.vector_load_idx %arg11[%add3A_163, %broadcast_in_dim3A_394] : memref<128x80xf32, #tpu.memory_space<vmem>>[vector<16xi32>, vector<16xi32>], vector<16xf32>,
        %broadcast_in_dim3A_396 = arith.constant 39 : i32
        %broadcast_in_dim3A_397 = vector.broadcast %broadcast_in_dim3A_396 : i32 to vector<16xi32>
        %gather3A_398 = tpu.vector_load_idx %arg11[%add3A_163, %broadcast_in_dim3A_397] : memref<128x80xf32, #tpu.memory_space<vmem>>[vector<16xi32>, vector<16xi32>], vector<16xf32>,
        %broadcast_in_dim3A_399 = arith.constant 40 : i32
        %broadcast_in_dim3A_400 = vector.broadcast %broadcast_in_dim3A_399 : i32 to vector<16xi32>
        %gather3A_401 = tpu.vector_load_idx %arg11[%add3A_163, %broadcast_in_dim3A_400] : memref<128x80xf32, #tpu.memory_space<vmem>>[vector<16xi32>, vector<16xi32>], vector<16xf32>,
        %broadcast_in_dim3A_402 = arith.constant 41 : i32
        %broadcast_in_dim3A_403 = vector.broadcast %broadcast_in_dim3A_402 : i32 to vector<16xi32>
        %gather3A_404 = tpu.vector_load_idx %arg11[%add3A_163, %broadcast_in_dim3A_403] : memref<128x80xf32, #tpu.memory_space<vmem>>[vector<16xi32>, vector<16xi32>], vector<16xf32>,
        %broadcast_in_dim3A_405 = arith.constant 42 : i32
        %broadcast_in_dim3A_406 = vector.broadcast %broadcast_in_dim3A_405 : i32 to vector<16xi32>
        %gather3A_407 = tpu.vector_load_idx %arg11[%add3A_163, %broadcast_in_dim3A_406] : memref<128x80xf32, #tpu.memory_space<vmem>>[vector<16xi32>, vector<16xi32>], vector<16xf32>,
        %broadcast_in_dim3A_408 = arith.constant 43 : i32
        %broadcast_in_dim3A_409 = vector.broadcast %broadcast_in_dim3A_408 : i32 to vector<16xi32>
        %gather3A_410 = tpu.vector_load_idx %arg11[%add3A_163, %broadcast_in_dim3A_409] : memref<128x80xf32, #tpu.memory_space<vmem>>[vector<16xi32>, vector<16xi32>], vector<16xf32>,
        %broadcast_in_dim3A_411 = arith.constant 44 : i32
        %broadcast_in_dim3A_412 = vector.broadcast %broadcast_in_dim3A_411 : i32 to vector<16xi32>
        %gather3A_413 = tpu.vector_load_idx %arg11[%add3A_163, %broadcast_in_dim3A_412] : memref<128x80xf32, #tpu.memory_space<vmem>>[vector<16xi32>, vector<16xi32>], vector<16xf32>,
        %broadcast_in_dim3A_414 = arith.constant 45 : i32
        %broadcast_in_dim3A_415 = vector.broadcast %broadcast_in_dim3A_414 : i32 to vector<16xi32>
        %gather3A_416 = tpu.vector_load_idx %arg11[%add3A_163, %broadcast_in_dim3A_415] : memref<128x80xf32, #tpu.memory_space<vmem>>[vector<16xi32>, vector<16xi32>], vector<16xf32>,
        %broadcast_in_dim3A_417 = arith.constant 46 : i32
        %broadcast_in_dim3A_418 = vector.broadcast %broadcast_in_dim3A_417 : i32 to vector<16xi32>
        %gather3A_419 = tpu.vector_load_idx %arg11[%add3A_163, %broadcast_in_dim3A_418] : memref<128x80xf32, #tpu.memory_space<vmem>>[vector<16xi32>, vector<16xi32>], vector<16xf32>,
        %broadcast_in_dim3A_420 = arith.constant 47 : i32
        %broadcast_in_dim3A_421 = vector.broadcast %broadcast_in_dim3A_420 : i32 to vector<16xi32>
        %gather3A_422 = tpu.vector_load_idx %arg11[%add3A_163, %broadcast_in_dim3A_421] : memref<128x80xf32, #tpu.memory_space<vmem>>[vector<16xi32>, vector<16xi32>], vector<16xf32>,
        %broadcast_in_dim3A_423 = arith.constant 48 : i32
        %broadcast_in_dim3A_424 = vector.broadcast %broadcast_in_dim3A_423 : i32 to vector<16xi32>
        %gather3A_425 = tpu.vector_load_idx %arg11[%add3A_163, %broadcast_in_dim3A_424] : memref<128x80xf32, #tpu.memory_space<vmem>>[vector<16xi32>, vector<16xi32>], vector<16xf32>,
        %broadcast_in_dim3A_426 = arith.constant 49 : i32
        %broadcast_in_dim3A_427 = vector.broadcast %broadcast_in_dim3A_426 : i32 to vector<16xi32>
        %gather3A_428 = tpu.vector_load_idx %arg11[%add3A_163, %broadcast_in_dim3A_427] : memref<128x80xf32, #tpu.memory_space<vmem>>[vector<16xi32>, vector<16xi32>], vector<16xf32>,
        %broadcast_in_dim3A_429 = arith.constant 50 : i32
        %broadcast_in_dim3A_430 = vector.broadcast %broadcast_in_dim3A_429 : i32 to vector<16xi32>
        %gather3A_431 = tpu.vector_load_idx %arg11[%add3A_163, %broadcast_in_dim3A_430] : memref<128x80xf32, #tpu.memory_space<vmem>>[vector<16xi32>, vector<16xi32>], vector<16xf32>,
        %broadcast_in_dim3A_432 = arith.constant 51 : i32
        %broadcast_in_dim3A_433 = vector.broadcast %broadcast_in_dim3A_432 : i32 to vector<16xi32>
        %gather3A_434 = tpu.vector_load_idx %arg11[%add3A_163, %broadcast_in_dim3A_433] : memref<128x80xf32, #tpu.memory_space<vmem>>[vector<16xi32>, vector<16xi32>], vector<16xf32>,
        %broadcast_in_dim3A_435 = arith.constant 52 : i32
        %broadcast_in_dim3A_436 = vector.broadcast %broadcast_in_dim3A_435 : i32 to vector<16xi32>
        %gather3A_437 = tpu.vector_load_idx %arg11[%add3A_163, %broadcast_in_dim3A_436] : memref<128x80xf32, #tpu.memory_space<vmem>>[vector<16xi32>, vector<16xi32>], vector<16xf32>,
        %broadcast_in_dim3A_438 = arith.constant 53 : i32
        %broadcast_in_dim3A_439 = vector.broadcast %broadcast_in_dim3A_438 : i32 to vector<16xi32>
        %gather3A_440 = tpu.vector_load_idx %arg11[%add3A_163, %broadcast_in_dim3A_439] : memref<128x80xf32, #tpu.memory_space<vmem>>[vector<16xi32>, vector<16xi32>], vector<16xf32>,
        %broadcast_in_dim3A_441 = arith.constant 54 : i32
        %broadcast_in_dim3A_442 = vector.broadcast %broadcast_in_dim3A_441 : i32 to vector<16xi32>
        %gather3A_443 = tpu.vector_load_idx %arg11[%add3A_163, %broadcast_in_dim3A_442] : memref<128x80xf32, #tpu.memory_space<vmem>>[vector<16xi32>, vector<16xi32>], vector<16xf32>,
        %broadcast_in_dim3A_444 = arith.constant 55 : i32
        %broadcast_in_dim3A_445 = vector.broadcast %broadcast_in_dim3A_444 : i32 to vector<16xi32>
        %gather3A_446 = tpu.vector_load_idx %arg11[%add3A_163, %broadcast_in_dim3A_445] : memref<128x80xf32, #tpu.memory_space<vmem>>[vector<16xi32>, vector<16xi32>], vector<16xf32>,
        %broadcast_in_dim3A_447 = arith.constant 56 : i32
        %broadcast_in_dim3A_448 = vector.broadcast %broadcast_in_dim3A_447 : i32 to vector<16xi32>
        %gather3A_449 = tpu.vector_load_idx %arg11[%add3A_163, %broadcast_in_dim3A_448] : memref<128x80xf32, #tpu.memory_space<vmem>>[vector<16xi32>, vector<16xi32>], vector<16xf32>,
        %broadcast_in_dim3A_450 = arith.constant 57 : i32
        %broadcast_in_dim3A_451 = vector.broadcast %broadcast_in_dim3A_450 : i32 to vector<16xi32>
        %gather3A_452 = tpu.vector_load_idx %arg11[%add3A_163, %broadcast_in_dim3A_451] : memref<128x80xf32, #tpu.memory_space<vmem>>[vector<16xi32>, vector<16xi32>], vector<16xf32>,
        %broadcast_in_dim3A_453 = arith.constant 58 : i32
        %broadcast_in_dim3A_454 = vector.broadcast %broadcast_in_dim3A_453 : i32 to vector<16xi32>
        %gather3A_455 = tpu.vector_load_idx %arg11[%add3A_163, %broadcast_in_dim3A_454] : memref<128x80xf32, #tpu.memory_space<vmem>>[vector<16xi32>, vector<16xi32>], vector<16xf32>,
        %broadcast_in_dim3A_456 = arith.constant 59 : i32
        %broadcast_in_dim3A_457 = vector.broadcast %broadcast_in_dim3A_456 : i32 to vector<16xi32>
        %gather3A_458 = tpu.vector_load_idx %arg11[%add3A_163, %broadcast_in_dim3A_457] : memref<128x80xf32, #tpu.memory_space<vmem>>[vector<16xi32>, vector<16xi32>], vector<16xf32>,
        %broadcast_in_dim3A_459 = arith.constant 60 : i32
        %broadcast_in_dim3A_460 = vector.broadcast %broadcast_in_dim3A_459 : i32 to vector<16xi32>
        %gather3A_461 = tpu.vector_load_idx %arg11[%add3A_163, %broadcast_in_dim3A_460] : memref<128x80xf32, #tpu.memory_space<vmem>>[vector<16xi32>, vector<16xi32>], vector<16xf32>,
        %broadcast_in_dim3A_462 = arith.constant 61 : i32
        %broadcast_in_dim3A_463 = vector.broadcast %broadcast_in_dim3A_462 : i32 to vector<16xi32>
        %gather3A_464 = tpu.vector_load_idx %arg11[%add3A_163, %broadcast_in_dim3A_463] : memref<128x80xf32, #tpu.memory_space<vmem>>[vector<16xi32>, vector<16xi32>], vector<16xf32>,
        %broadcast_in_dim3A_465 = arith.constant 62 : i32
        %broadcast_in_dim3A_466 = vector.broadcast %broadcast_in_dim3A_465 : i32 to vector<16xi32>
        %gather3A_467 = tpu.vector_load_idx %arg11[%add3A_163, %broadcast_in_dim3A_466] : memref<128x80xf32, #tpu.memory_space<vmem>>[vector<16xi32>, vector<16xi32>], vector<16xf32>,
        %broadcast_in_dim3A_468 = arith.constant 63 : i32
        %broadcast_in_dim3A_469 = vector.broadcast %broadcast_in_dim3A_468 : i32 to vector<16xi32>
        %gather3A_470 = tpu.vector_load_idx %arg11[%add3A_163, %broadcast_in_dim3A_469] : memref<128x80xf32, #tpu.memory_space<vmem>>[vector<16xi32>, vector<16xi32>], vector<16xf32>,
        %broadcast_in_dim3A_471 = arith.constant 0 : i32
        %broadcast_in_dim3A_472 = vector.broadcast %broadcast_in_dim3A_471 : i32 to vector<16xi32>
        %mul3A_473 = arith.mulf %gather3A_281, %exp3A : vector<16xf32>
        tpu.vector_store_idx %arg11[%add3A_163, %broadcast_in_dim3A_472], %mul3A_473 : memref<128x80xf32, #tpu.memory_space<vmem>>[vector<16xi32>, vector<16xi32>], vector<16xf32>,
        %broadcast_in_dim3A_474 = arith.constant 1 : i32
        %broadcast_in_dim3A_475 = vector.broadcast %broadcast_in_dim3A_474 : i32 to vector<16xi32>
        %mul3A_476 = arith.mulf %gather3A_284, %exp3A : vector<16xf32>
        tpu.vector_store_idx %arg11[%add3A_163, %broadcast_in_dim3A_475], %mul3A_476 : memref<128x80xf32, #tpu.memory_space<vmem>>[vector<16xi32>, vector<16xi32>], vector<16xf32>,
        %broadcast_in_dim3A_477 = arith.constant 2 : i32
        %broadcast_in_dim3A_478 = vector.broadcast %broadcast_in_dim3A_477 : i32 to vector<16xi32>
        %mul3A_479 = arith.mulf %gather3A_287, %exp3A : vector<16xf32>
        tpu.vector_store_idx %arg11[%add3A_163, %broadcast_in_dim3A_478], %mul3A_479 : memref<128x80xf32, #tpu.memory_space<vmem>>[vector<16xi32>, vector<16xi32>], vector<16xf32>,
        %broadcast_in_dim3A_480 = arith.constant 3 : i32
        %broadcast_in_dim3A_481 = vector.broadcast %broadcast_in_dim3A_480 : i32 to vector<16xi32>
        %mul3A_482 = arith.mulf %gather3A_290, %exp3A : vector<16xf32>
        tpu.vector_store_idx %arg11[%add3A_163, %broadcast_in_dim3A_481], %mul3A_482 : memref<128x80xf32, #tpu.memory_space<vmem>>[vector<16xi32>, vector<16xi32>], vector<16xf32>,
        %broadcast_in_dim3A_483 = arith.constant 4 : i32
        %broadcast_in_dim3A_484 = vector.broadcast %broadcast_in_dim3A_483 : i32 to vector<16xi32>
        %mul3A_485 = arith.mulf %gather3A_293, %exp3A : vector<16xf32>
        tpu.vector_store_idx %arg11[%add3A_163, %broadcast_in_dim3A_484], %mul3A_485 : memref<128x80xf32, #tpu.memory_space<vmem>>[vector<16xi32>, vector<16xi32>], vector<16xf32>,
        %broadcast_in_dim3A_486 = arith.constant 5 : i32
        %broadcast_in_dim3A_487 = vector.broadcast %broadcast_in_dim3A_486 : i32 to vector<16xi32>
        %mul3A_488 = arith.mulf %gather3A_296, %exp3A : vector<16xf32>
        tpu.vector_store_idx %arg11[%add3A_163, %broadcast_in_dim3A_487], %mul3A_488 : memref<128x80xf32, #tpu.memory_space<vmem>>[vector<16xi32>, vector<16xi32>], vector<16xf32>,
        %broadcast_in_dim3A_489 = arith.constant 6 : i32
        %broadcast_in_dim3A_490 = vector.broadcast %broadcast_in_dim3A_489 : i32 to vector<16xi32>
        %mul3A_491 = arith.mulf %gather3A_299, %exp3A : vector<16xf32>
        tpu.vector_store_idx %arg11[%add3A_163, %broadcast_in_dim3A_490], %mul3A_491 : memref<128x80xf32, #tpu.memory_space<vmem>>[vector<16xi32>, vector<16xi32>], vector<16xf32>,
        %broadcast_in_dim3A_492 = arith.constant 7 : i32
        %broadcast_in_dim3A_493 = vector.broadcast %broadcast_in_dim3A_492 : i32 to vector<16xi32>
        %mul3A_494 = arith.mulf %gather3A_302, %exp3A : vector<16xf32>
        tpu.vector_store_idx %arg11[%add3A_163, %broadcast_in_dim3A_493], %mul3A_494 : memref<128x80xf32, #tpu.memory_space<vmem>>[vector<16xi32>, vector<16xi32>], vector<16xf32>,
        %broadcast_in_dim3A_495 = arith.constant 8 : i32
        %broadcast_in_dim3A_496 = vector.broadcast %broadcast_in_dim3A_495 : i32 to vector<16xi32>
        %mul3A_497 = arith.mulf %gather3A_305, %exp3A_188 : vector<16xf32>
        tpu.vector_store_idx %arg11[%add3A_163, %broadcast_in_dim3A_496], %mul3A_497 : memref<128x80xf32, #tpu.memory_space<vmem>>[vector<16xi32>, vector<16xi32>], vector<16xf32>,
        %broadcast_in_dim3A_498 = arith.constant 9 : i32
        %broadcast_in_dim3A_499 = vector.broadcast %broadcast_in_dim3A_498 : i32 to vector<16xi32>
        %mul3A_500 = arith.mulf %gather3A_308, %exp3A_188 : vector<16xf32>
        tpu.vector_store_idx %arg11[%add3A_163, %broadcast_in_dim3A_499], %mul3A_500 : memref<128x80xf32, #tpu.memory_space<vmem>>[vector<16xi32>, vector<16xi32>], vector<16xf32>,
        %broadcast_in_dim3A_501 = arith.constant 10 : i32
        %broadcast_in_dim3A_502 = vector.broadcast %broadcast_in_dim3A_501 : i32 to vector<16xi32>
        %mul3A_503 = arith.mulf %gather3A_311, %exp3A_188 : vector<16xf32>
        tpu.vector_store_idx %arg11[%add3A_163, %broadcast_in_dim3A_502], %mul3A_503 : memref<128x80xf32, #tpu.memory_space<vmem>>[vector<16xi32>, vector<16xi32>], vector<16xf32>,
        %broadcast_in_dim3A_504 = arith.constant 11 : i32
        %broadcast_in_dim3A_505 = vector.broadcast %broadcast_in_dim3A_504 : i32 to vector<16xi32>
        %mul3A_506 = arith.mulf %gather3A_314, %exp3A_188 : vector<16xf32>
        tpu.vector_store_idx %arg11[%add3A_163, %broadcast_in_dim3A_505], %mul3A_506 : memref<128x80xf32, #tpu.memory_space<vmem>>[vector<16xi32>, vector<16xi32>], vector<16xf32>,
        %broadcast_in_dim3A_507 = arith.constant 12 : i32
        %broadcast_in_dim3A_508 = vector.broadcast %broadcast_in_dim3A_507 : i32 to vector<16xi32>
        %mul3A_509 = arith.mulf %gather3A_317, %exp3A_188 : vector<16xf32>
        tpu.vector_store_idx %arg11[%add3A_163, %broadcast_in_dim3A_508], %mul3A_509 : memref<128x80xf32, #tpu.memory_space<vmem>>[vector<16xi32>, vector<16xi32>], vector<16xf32>,
        %broadcast_in_dim3A_510 = arith.constant 13 : i32
        %broadcast_in_dim3A_511 = vector.broadcast %broadcast_in_dim3A_510 : i32 to vector<16xi32>
        %mul3A_512 = arith.mulf %gather3A_320, %exp3A_188 : vector<16xf32>
        tpu.vector_store_idx %arg11[%add3A_163, %broadcast_in_dim3A_511], %mul3A_512 : memref<128x80xf32, #tpu.memory_space<vmem>>[vector<16xi32>, vector<16xi32>], vector<16xf32>,
        %broadcast_in_dim3A_513 = arith.constant 14 : i32
        %broadcast_in_dim3A_514 = vector.broadcast %broadcast_in_dim3A_513 : i32 to vector<16xi32>
        %mul3A_515 = arith.mulf %gather3A_323, %exp3A_188 : vector<16xf32>
        tpu.vector_store_idx %arg11[%add3A_163, %broadcast_in_dim3A_514], %mul3A_515 : memref<128x80xf32, #tpu.memory_space<vmem>>[vector<16xi32>, vector<16xi32>], vector<16xf32>,
        %broadcast_in_dim3A_516 = arith.constant 15 : i32
        %broadcast_in_dim3A_517 = vector.broadcast %broadcast_in_dim3A_516 : i32 to vector<16xi32>
        %mul3A_518 = arith.mulf %gather3A_326, %exp3A_188 : vector<16xf32>
        tpu.vector_store_idx %arg11[%add3A_163, %broadcast_in_dim3A_517], %mul3A_518 : memref<128x80xf32, #tpu.memory_space<vmem>>[vector<16xi32>, vector<16xi32>], vector<16xf32>,
        %broadcast_in_dim3A_519 = arith.constant 16 : i32
        %broadcast_in_dim3A_520 = vector.broadcast %broadcast_in_dim3A_519 : i32 to vector<16xi32>
        %mul3A_521 = arith.mulf %gather3A_329, %exp3A_203 : vector<16xf32>
        tpu.vector_store_idx %arg11[%add3A_163, %broadcast_in_dim3A_520], %mul3A_521 : memref<128x80xf32, #tpu.memory_space<vmem>>[vector<16xi32>, vector<16xi32>], vector<16xf32>,
        %broadcast_in_dim3A_522 = arith.constant 17 : i32
        %broadcast_in_dim3A_523 = vector.broadcast %broadcast_in_dim3A_522 : i32 to vector<16xi32>
        %mul3A_524 = arith.mulf %gather3A_332, %exp3A_203 : vector<16xf32>
        tpu.vector_store_idx %arg11[%add3A_163, %broadcast_in_dim3A_523], %mul3A_524 : memref<128x80xf32, #tpu.memory_space<vmem>>[vector<16xi32>, vector<16xi32>], vector<16xf32>,
        %broadcast_in_dim3A_525 = arith.constant 18 : i32
        %broadcast_in_dim3A_526 = vector.broadcast %broadcast_in_dim3A_525 : i32 to vector<16xi32>
        %mul3A_527 = arith.mulf %gather3A_335, %exp3A_203 : vector<16xf32>
        tpu.vector_store_idx %arg11[%add3A_163, %broadcast_in_dim3A_526], %mul3A_527 : memref<128x80xf32, #tpu.memory_space<vmem>>[vector<16xi32>, vector<16xi32>], vector<16xf32>,
        %broadcast_in_dim3A_528 = arith.constant 19 : i32
        %broadcast_in_dim3A_529 = vector.broadcast %broadcast_in_dim3A_528 : i32 to vector<16xi32>
        %mul3A_530 = arith.mulf %gather3A_338, %exp3A_203 : vector<16xf32>
        tpu.vector_store_idx %arg11[%add3A_163, %broadcast_in_dim3A_529], %mul3A_530 : memref<128x80xf32, #tpu.memory_space<vmem>>[vector<16xi32>, vector<16xi32>], vector<16xf32>,
        %broadcast_in_dim3A_531 = arith.constant 20 : i32
        %broadcast_in_dim3A_532 = vector.broadcast %broadcast_in_dim3A_531 : i32 to vector<16xi32>
        %mul3A_533 = arith.mulf %gather3A_341, %exp3A_203 : vector<16xf32>
        tpu.vector_store_idx %arg11[%add3A_163, %broadcast_in_dim3A_532], %mul3A_533 : memref<128x80xf32, #tpu.memory_space<vmem>>[vector<16xi32>, vector<16xi32>], vector<16xf32>,
        %broadcast_in_dim3A_534 = arith.constant 21 : i32
        %broadcast_in_dim3A_535 = vector.broadcast %broadcast_in_dim3A_534 : i32 to vector<16xi32>
        %mul3A_536 = arith.mulf %gather3A_344, %exp3A_203 : vector<16xf32>
        tpu.vector_store_idx %arg11[%add3A_163, %broadcast_in_dim3A_535], %mul3A_536 : memref<128x80xf32, #tpu.memory_space<vmem>>[vector<16xi32>, vector<16xi32>], vector<16xf32>,
        %broadcast_in_dim3A_537 = arith.constant 22 : i32
        %broadcast_in_dim3A_538 = vector.broadcast %broadcast_in_dim3A_537 : i32 to vector<16xi32>
        %mul3A_539 = arith.mulf %gather3A_347, %exp3A_203 : vector<16xf32>
        tpu.vector_store_idx %arg11[%add3A_163, %broadcast_in_dim3A_538], %mul3A_539 : memref<128x80xf32, #tpu.memory_space<vmem>>[vector<16xi32>, vector<16xi32>], vector<16xf32>,
        %broadcast_in_dim3A_540 = arith.constant 23 : i32
        %broadcast_in_dim3A_541 = vector.broadcast %broadcast_in_dim3A_540 : i32 to vector<16xi32>
        %mul3A_542 = arith.mulf %gather3A_350, %exp3A_203 : vector<16xf32>
        tpu.vector_store_idx %arg11[%add3A_163, %broadcast_in_dim3A_541], %mul3A_542 : memref<128x80xf32, #tpu.memory_space<vmem>>[vector<16xi32>, vector<16xi32>], vector<16xf32>,
        %broadcast_in_dim3A_543 = arith.constant 24 : i32
        %broadcast_in_dim3A_544 = vector.broadcast %broadcast_in_dim3A_543 : i32 to vector<16xi32>
        %mul3A_545 = arith.mulf %gather3A_353, %exp3A_218 : vector<16xf32>
        tpu.vector_store_idx %arg11[%add3A_163, %broadcast_in_dim3A_544], %mul3A_545 : memref<128x80xf32, #tpu.memory_space<vmem>>[vector<16xi32>, vector<16xi32>], vector<16xf32>,
        %broadcast_in_dim3A_546 = arith.constant 25 : i32
        %broadcast_in_dim3A_547 = vector.broadcast %broadcast_in_dim3A_546 : i32 to vector<16xi32>
        %mul3A_548 = arith.mulf %gather3A_356, %exp3A_218 : vector<16xf32>
        tpu.vector_store_idx %arg11[%add3A_163, %broadcast_in_dim3A_547], %mul3A_548 : memref<128x80xf32, #tpu.memory_space<vmem>>[vector<16xi32>, vector<16xi32>], vector<16xf32>,
        %broadcast_in_dim3A_549 = arith.constant 26 : i32
        %broadcast_in_dim3A_550 = vector.broadcast %broadcast_in_dim3A_549 : i32 to vector<16xi32>
        %mul3A_551 = arith.mulf %gather3A_359, %exp3A_218 : vector<16xf32>
        tpu.vector_store_idx %arg11[%add3A_163, %broadcast_in_dim3A_550], %mul3A_551 : memref<128x80xf32, #tpu.memory_space<vmem>>[vector<16xi32>, vector<16xi32>], vector<16xf32>,
        %broadcast_in_dim3A_552 = arith.constant 27 : i32
        %broadcast_in_dim3A_553 = vector.broadcast %broadcast_in_dim3A_552 : i32 to vector<16xi32>
        %mul3A_554 = arith.mulf %gather3A_362, %exp3A_218 : vector<16xf32>
        tpu.vector_store_idx %arg11[%add3A_163, %broadcast_in_dim3A_553], %mul3A_554 : memref<128x80xf32, #tpu.memory_space<vmem>>[vector<16xi32>, vector<16xi32>], vector<16xf32>,
        %broadcast_in_dim3A_555 = arith.constant 28 : i32
        %broadcast_in_dim3A_556 = vector.broadcast %broadcast_in_dim3A_555 : i32 to vector<16xi32>
        %mul3A_557 = arith.mulf %gather3A_365, %exp3A_218 : vector<16xf32>
        tpu.vector_store_idx %arg11[%add3A_163, %broadcast_in_dim3A_556], %mul3A_557 : memref<128x80xf32, #tpu.memory_space<vmem>>[vector<16xi32>, vector<16xi32>], vector<16xf32>,
        %broadcast_in_dim3A_558 = arith.constant 29 : i32
        %broadcast_in_dim3A_559 = vector.broadcast %broadcast_in_dim3A_558 : i32 to vector<16xi32>
        %mul3A_560 = arith.mulf %gather3A_368, %exp3A_218 : vector<16xf32>
        tpu.vector_store_idx %arg11[%add3A_163, %broadcast_in_dim3A_559], %mul3A_560 : memref<128x80xf32, #tpu.memory_space<vmem>>[vector<16xi32>, vector<16xi32>], vector<16xf32>,
        %broadcast_in_dim3A_561 = arith.constant 30 : i32
        %broadcast_in_dim3A_562 = vector.broadcast %broadcast_in_dim3A_561 : i32 to vector<16xi32>
        %mul3A_563 = arith.mulf %gather3A_371, %exp3A_218 : vector<16xf32>
        tpu.vector_store_idx %arg11[%add3A_163, %broadcast_in_dim3A_562], %mul3A_563 : memref<128x80xf32, #tpu.memory_space<vmem>>[vector<16xi32>, vector<16xi32>], vector<16xf32>,
        %broadcast_in_dim3A_564 = arith.constant 31 : i32
        %broadcast_in_dim3A_565 = vector.broadcast %broadcast_in_dim3A_564 : i32 to vector<16xi32>
        %mul3A_566 = arith.mulf %gather3A_374, %exp3A_218 : vector<16xf32>
        tpu.vector_store_idx %arg11[%add3A_163, %broadcast_in_dim3A_565], %mul3A_566 : memref<128x80xf32, #tpu.memory_space<vmem>>[vector<16xi32>, vector<16xi32>], vector<16xf32>,
        %broadcast_in_dim3A_567 = arith.constant 32 : i32
        %broadcast_in_dim3A_568 = vector.broadcast %broadcast_in_dim3A_567 : i32 to vector<16xi32>
        %mul3A_569 = arith.mulf %gather3A_377, %exp3A_233 : vector<16xf32>
        tpu.vector_store_idx %arg11[%add3A_163, %broadcast_in_dim3A_568], %mul3A_569 : memref<128x80xf32, #tpu.memory_space<vmem>>[vector<16xi32>, vector<16xi32>], vector<16xf32>,
        %broadcast_in_dim3A_570 = arith.constant 33 : i32
        %broadcast_in_dim3A_571 = vector.broadcast %broadcast_in_dim3A_570 : i32 to vector<16xi32>
        %mul3A_572 = arith.mulf %gather3A_380, %exp3A_233 : vector<16xf32>
        tpu.vector_store_idx %arg11[%add3A_163, %broadcast_in_dim3A_571], %mul3A_572 : memref<128x80xf32, #tpu.memory_space<vmem>>[vector<16xi32>, vector<16xi32>], vector<16xf32>,
        %broadcast_in_dim3A_573 = arith.constant 34 : i32
        %broadcast_in_dim3A_574 = vector.broadcast %broadcast_in_dim3A_573 : i32 to vector<16xi32>
        %mul3A_575 = arith.mulf %gather3A_383, %exp3A_233 : vector<16xf32>
        tpu.vector_store_idx %arg11[%add3A_163, %broadcast_in_dim3A_574], %mul3A_575 : memref<128x80xf32, #tpu.memory_space<vmem>>[vector<16xi32>, vector<16xi32>], vector<16xf32>,
        %broadcast_in_dim3A_576 = arith.constant 35 : i32
        %broadcast_in_dim3A_577 = vector.broadcast %broadcast_in_dim3A_576 : i32 to vector<16xi32>
        %mul3A_578 = arith.mulf %gather3A_386, %exp3A_233 : vector<16xf32>
        tpu.vector_store_idx %arg11[%add3A_163, %broadcast_in_dim3A_577], %mul3A_578 : memref<128x80xf32, #tpu.memory_space<vmem>>[vector<16xi32>, vector<16xi32>], vector<16xf32>,
        %broadcast_in_dim3A_579 = arith.constant 36 : i32
        %broadcast_in_dim3A_580 = vector.broadcast %broadcast_in_dim3A_579 : i32 to vector<16xi32>
        %mul3A_581 = arith.mulf %gather3A_389, %exp3A_233 : vector<16xf32>
        tpu.vector_store_idx %arg11[%add3A_163, %broadcast_in_dim3A_580], %mul3A_581 : memref<128x80xf32, #tpu.memory_space<vmem>>[vector<16xi32>, vector<16xi32>], vector<16xf32>,
        %broadcast_in_dim3A_582 = arith.constant 37 : i32
        %broadcast_in_dim3A_583 = vector.broadcast %broadcast_in_dim3A_582 : i32 to vector<16xi32>
        %mul3A_584 = arith.mulf %gather3A_392, %exp3A_233 : vector<16xf32>
        tpu.vector_store_idx %arg11[%add3A_163, %broadcast_in_dim3A_583], %mul3A_584 : memref<128x80xf32, #tpu.memory_space<vmem>>[vector<16xi32>, vector<16xi32>], vector<16xf32>,
        %broadcast_in_dim3A_585 = arith.constant 38 : i32
        %broadcast_in_dim3A_586 = vector.broadcast %broadcast_in_dim3A_585 : i32 to vector<16xi32>
        %mul3A_587 = arith.mulf %gather3A_395, %exp3A_233 : vector<16xf32>
        tpu.vector_store_idx %arg11[%add3A_163, %broadcast_in_dim3A_586], %mul3A_587 : memref<128x80xf32, #tpu.memory_space<vmem>>[vector<16xi32>, vector<16xi32>], vector<16xf32>,
        %broadcast_in_dim3A_588 = arith.constant 39 : i32
        %broadcast_in_dim3A_589 = vector.broadcast %broadcast_in_dim3A_588 : i32 to vector<16xi32>
        %mul3A_590 = arith.mulf %gather3A_398, %exp3A_233 : vector<16xf32>
        tpu.vector_store_idx %arg11[%add3A_163, %broadcast_in_dim3A_589], %mul3A_590 : memref<128x80xf32, #tpu.memory_space<vmem>>[vector<16xi32>, vector<16xi32>], vector<16xf32>,
        %broadcast_in_dim3A_591 = arith.constant 40 : i32
        %broadcast_in_dim3A_592 = vector.broadcast %broadcast_in_dim3A_591 : i32 to vector<16xi32>
        %mul3A_593 = arith.mulf %gather3A_401, %exp3A_248 : vector<16xf32>
        tpu.vector_store_idx %arg11[%add3A_163, %broadcast_in_dim3A_592], %mul3A_593 : memref<128x80xf32, #tpu.memory_space<vmem>>[vector<16xi32>, vector<16xi32>], vector<16xf32>,
        %broadcast_in_dim3A_594 = arith.constant 41 : i32
        %broadcast_in_dim3A_595 = vector.broadcast %broadcast_in_dim3A_594 : i32 to vector<16xi32>
        %mul3A_596 = arith.mulf %gather3A_404, %exp3A_248 : vector<16xf32>
        tpu.vector_store_idx %arg11[%add3A_163, %broadcast_in_dim3A_595], %mul3A_596 : memref<128x80xf32, #tpu.memory_space<vmem>>[vector<16xi32>, vector<16xi32>], vector<16xf32>,
        %broadcast_in_dim3A_597 = arith.constant 42 : i32
        %broadcast_in_dim3A_598 = vector.broadcast %broadcast_in_dim3A_597 : i32 to vector<16xi32>
        %mul3A_599 = arith.mulf %gather3A_407, %exp3A_248 : vector<16xf32>
        tpu.vector_store_idx %arg11[%add3A_163, %broadcast_in_dim3A_598], %mul3A_599 : memref<128x80xf32, #tpu.memory_space<vmem>>[vector<16xi32>, vector<16xi32>], vector<16xf32>,
        %broadcast_in_dim3A_600 = arith.constant 43 : i32
        %broadcast_in_dim3A_601 = vector.broadcast %broadcast_in_dim3A_600 : i32 to vector<16xi32>
        %mul3A_602 = arith.mulf %gather3A_410, %exp3A_248 : vector<16xf32>
        tpu.vector_store_idx %arg11[%add3A_163, %broadcast_in_dim3A_601], %mul3A_602 : memref<128x80xf32, #tpu.memory_space<vmem>>[vector<16xi32>, vector<16xi32>], vector<16xf32>,
        %broadcast_in_dim3A_603 = arith.constant 44 : i32
        %broadcast_in_dim3A_604 = vector.broadcast %broadcast_in_dim3A_603 : i32 to vector<16xi32>
        %mul3A_605 = arith.mulf %gather3A_413, %exp3A_248 : vector<16xf32>
        tpu.vector_store_idx %arg11[%add3A_163, %broadcast_in_dim3A_604], %mul3A_605 : memref<128x80xf32, #tpu.memory_space<vmem>>[vector<16xi32>, vector<16xi32>], vector<16xf32>,
        %broadcast_in_dim3A_606 = arith.constant 45 : i32
        %broadcast_in_dim3A_607 = vector.broadcast %broadcast_in_dim3A_606 : i32 to vector<16xi32>
        %mul3A_608 = arith.mulf %gather3A_416, %exp3A_248 : vector<16xf32>
        tpu.vector_store_idx %arg11[%add3A_163, %broadcast_in_dim3A_607], %mul3A_608 : memref<128x80xf32, #tpu.memory_space<vmem>>[vector<16xi32>, vector<16xi32>], vector<16xf32>,
        %broadcast_in_dim3A_609 = arith.constant 46 : i32
        %broadcast_in_dim3A_610 = vector.broadcast %broadcast_in_dim3A_609 : i32 to vector<16xi32>
        %mul3A_611 = arith.mulf %gather3A_419, %exp3A_248 : vector<16xf32>
        tpu.vector_store_idx %arg11[%add3A_163, %broadcast_in_dim3A_610], %mul3A_611 : memref<128x80xf32, #tpu.memory_space<vmem>>[vector<16xi32>, vector<16xi32>], vector<16xf32>,
        %broadcast_in_dim3A_612 = arith.constant 47 : i32
        %broadcast_in_dim3A_613 = vector.broadcast %broadcast_in_dim3A_612 : i32 to vector<16xi32>
        %mul3A_614 = arith.mulf %gather3A_422, %exp3A_248 : vector<16xf32>
        tpu.vector_store_idx %arg11[%add3A_163, %broadcast_in_dim3A_613], %mul3A_614 : memref<128x80xf32, #tpu.memory_space<vmem>>[vector<16xi32>, vector<16xi32>], vector<16xf32>,
        %broadcast_in_dim3A_615 = arith.constant 48 : i32
        %broadcast_in_dim3A_616 = vector.broadcast %broadcast_in_dim3A_615 : i32 to vector<16xi32>
        %mul3A_617 = arith.mulf %gather3A_425, %exp3A_263 : vector<16xf32>
        tpu.vector_store_idx %arg11[%add3A_163, %broadcast_in_dim3A_616], %mul3A_617 : memref<128x80xf32, #tpu.memory_space<vmem>>[vector<16xi32>, vector<16xi32>], vector<16xf32>,
        %broadcast_in_dim3A_618 = arith.constant 49 : i32
        %broadcast_in_dim3A_619 = vector.broadcast %broadcast_in_dim3A_618 : i32 to vector<16xi32>
        %mul3A_620 = arith.mulf %gather3A_428, %exp3A_263 : vector<16xf32>
        tpu.vector_store_idx %arg11[%add3A_163, %broadcast_in_dim3A_619], %mul3A_620 : memref<128x80xf32, #tpu.memory_space<vmem>>[vector<16xi32>, vector<16xi32>], vector<16xf32>,
        %broadcast_in_dim3A_621 = arith.constant 50 : i32
        %broadcast_in_dim3A_622 = vector.broadcast %broadcast_in_dim3A_621 : i32 to vector<16xi32>
        %mul3A_623 = arith.mulf %gather3A_431, %exp3A_263 : vector<16xf32>
        tpu.vector_store_idx %arg11[%add3A_163, %broadcast_in_dim3A_622], %mul3A_623 : memref<128x80xf32, #tpu.memory_space<vmem>>[vector<16xi32>, vector<16xi32>], vector<16xf32>,
        %broadcast_in_dim3A_624 = arith.constant 51 : i32
        %broadcast_in_dim3A_625 = vector.broadcast %broadcast_in_dim3A_624 : i32 to vector<16xi32>
        %mul3A_626 = arith.mulf %gather3A_434, %exp3A_263 : vector<16xf32>
        tpu.vector_store_idx %arg11[%add3A_163, %broadcast_in_dim3A_625], %mul3A_626 : memref<128x80xf32, #tpu.memory_space<vmem>>[vector<16xi32>, vector<16xi32>], vector<16xf32>,
        %broadcast_in_dim3A_627 = arith.constant 52 : i32
        %broadcast_in_dim3A_628 = vector.broadcast %broadcast_in_dim3A_627 : i32 to vector<16xi32>
        %mul3A_629 = arith.mulf %gather3A_437, %exp3A_263 : vector<16xf32>
        tpu.vector_store_idx %arg11[%add3A_163, %broadcast_in_dim3A_628], %mul3A_629 : memref<128x80xf32, #tpu.memory_space<vmem>>[vector<16xi32>, vector<16xi32>], vector<16xf32>,
        %broadcast_in_dim3A_630 = arith.constant 53 : i32
        %broadcast_in_dim3A_631 = vector.broadcast %broadcast_in_dim3A_630 : i32 to vector<16xi32>
        %mul3A_632 = arith.mulf %gather3A_440, %exp3A_263 : vector<16xf32>
        tpu.vector_store_idx %arg11[%add3A_163, %broadcast_in_dim3A_631], %mul3A_632 : memref<128x80xf32, #tpu.memory_space<vmem>>[vector<16xi32>, vector<16xi32>], vector<16xf32>,
        %broadcast_in_dim3A_633 = arith.constant 54 : i32
        %broadcast_in_dim3A_634 = vector.broadcast %broadcast_in_dim3A_633 : i32 to vector<16xi32>
        %mul3A_635 = arith.mulf %gather3A_443, %exp3A_263 : vector<16xf32>
        tpu.vector_store_idx %arg11[%add3A_163, %broadcast_in_dim3A_634], %mul3A_635 : memref<128x80xf32, #tpu.memory_space<vmem>>[vector<16xi32>, vector<16xi32>], vector<16xf32>,
        %broadcast_in_dim3A_636 = arith.constant 55 : i32
        %broadcast_in_dim3A_637 = vector.broadcast %broadcast_in_dim3A_636 : i32 to vector<16xi32>
        %mul3A_638 = arith.mulf %gather3A_446, %exp3A_263 : vector<16xf32>
        tpu.vector_store_idx %arg11[%add3A_163, %broadcast_in_dim3A_637], %mul3A_638 : memref<128x80xf32, #tpu.memory_space<vmem>>[vector<16xi32>, vector<16xi32>], vector<16xf32>,
        %broadcast_in_dim3A_639 = arith.constant 56 : i32
        %broadcast_in_dim3A_640 = vector.broadcast %broadcast_in_dim3A_639 : i32 to vector<16xi32>
        %mul3A_641 = arith.mulf %gather3A_449, %exp3A_278 : vector<16xf32>
        tpu.vector_store_idx %arg11[%add3A_163, %broadcast_in_dim3A_640], %mul3A_641 : memref<128x80xf32, #tpu.memory_space<vmem>>[vector<16xi32>, vector<16xi32>], vector<16xf32>,
        %broadcast_in_dim3A_642 = arith.constant 57 : i32
        %broadcast_in_dim3A_643 = vector.broadcast %broadcast_in_dim3A_642 : i32 to vector<16xi32>
        %mul3A_644 = arith.mulf %gather3A_452, %exp3A_278 : vector<16xf32>
        tpu.vector_store_idx %arg11[%add3A_163, %broadcast_in_dim3A_643], %mul3A_644 : memref<128x80xf32, #tpu.memory_space<vmem>>[vector<16xi32>, vector<16xi32>], vector<16xf32>,
        %broadcast_in_dim3A_645 = arith.constant 58 : i32
        %broadcast_in_dim3A_646 = vector.broadcast %broadcast_in_dim3A_645 : i32 to vector<16xi32>
        %mul3A_647 = arith.mulf %gather3A_455, %exp3A_278 : vector<16xf32>
        tpu.vector_store_idx %arg11[%add3A_163, %broadcast_in_dim3A_646], %mul3A_647 : memref<128x80xf32, #tpu.memory_space<vmem>>[vector<16xi32>, vector<16xi32>], vector<16xf32>,
        %broadcast_in_dim3A_648 = arith.constant 59 : i32
        %broadcast_in_dim3A_649 = vector.broadcast %broadcast_in_dim3A_648 : i32 to vector<16xi32>
        %mul3A_650 = arith.mulf %gather3A_458, %exp3A_278 : vector<16xf32>
        tpu.vector_store_idx %arg11[%add3A_163, %broadcast_in_dim3A_649], %mul3A_650 : memref<128x80xf32, #tpu.memory_space<vmem>>[vector<16xi32>, vector<16xi32>], vector<16xf32>,
        %broadcast_in_dim3A_651 = arith.constant 60 : i32
        %broadcast_in_dim3A_652 = vector.broadcast %broadcast_in_dim3A_651 : i32 to vector<16xi32>
        %mul3A_653 = arith.mulf %gather3A_461, %exp3A_278 : vector<16xf32>
        tpu.vector_store_idx %arg11[%add3A_163, %broadcast_in_dim3A_652], %mul3A_653 : memref<128x80xf32, #tpu.memory_space<vmem>>[vector<16xi32>, vector<16xi32>], vector<16xf32>,
        %broadcast_in_dim3A_654 = arith.constant 61 : i32
        %broadcast_in_dim3A_655 = vector.broadcast %broadcast_in_dim3A_654 : i32 to vector<16xi32>
        %mul3A_656 = arith.mulf %gather3A_464, %exp3A_278 : vector<16xf32>
        tpu.vector_store_idx %arg11[%add3A_163, %broadcast_in_dim3A_655], %mul3A_656 : memref<128x80xf32, #tpu.memory_space<vmem>>[vector<16xi32>, vector<16xi32>], vector<16xf32>,
        %broadcast_in_dim3A_657 = arith.constant 62 : i32
        %broadcast_in_dim3A_658 = vector.broadcast %broadcast_in_dim3A_657 : i32 to vector<16xi32>
        %mul3A_659 = arith.mulf %gather3A_467, %exp3A_278 : vector<16xf32>
        tpu.vector_store_idx %arg11[%add3A_163, %broadcast_in_dim3A_658], %mul3A_659 : memref<128x80xf32, #tpu.memory_space<vmem>>[vector<16xi32>, vector<16xi32>], vector<16xf32>,
        %broadcast_in_dim3A_660 = arith.constant 63 : i32
        %broadcast_in_dim3A_661 = vector.broadcast %broadcast_in_dim3A_660 : i32 to vector<16xi32>
        %mul3A_662 = arith.mulf %gather3A_470, %exp3A_278 : vector<16xf32>
        tpu.vector_store_idx %arg11[%add3A_163, %broadcast_in_dim3A_661], %mul3A_662 : memref<128x80xf32, #tpu.memory_space<vmem>>[vector<16xi32>, vector<16xi32>], vector<16xf32>,
        %broadcast_in_dim3A_663 = arith.constant 64 : i32
        %broadcast_in_dim3A_664 = vector.broadcast %broadcast_in_dim3A_663 : i32 to vector<16xi32>
        tpu.vector_store_idx %arg11[%add3A_163, %broadcast_in_dim3A_664], %exp3A : memref<128x80xf32, #tpu.memory_space<vmem>>[vector<16xi32>, vector<16xi32>], vector<16xf32>,
        %broadcast_in_dim3A_665 = arith.constant 65 : i32
        %broadcast_in_dim3A_666 = vector.broadcast %broadcast_in_dim3A_665 : i32 to vector<16xi32>
        tpu.vector_store_idx %arg11[%add3A_163, %broadcast_in_dim3A_666], %exp3A_188 : memref<128x80xf32, #tpu.memory_space<vmem>>[vector<16xi32>, vector<16xi32>], vector<16xf32>,
        %broadcast_in_dim3A_667 = arith.constant 66 : i32
        %broadcast_in_dim3A_668 = vector.broadcast %broadcast_in_dim3A_667 : i32 to vector<16xi32>
        tpu.vector_store_idx %arg11[%add3A_163, %broadcast_in_dim3A_668], %exp3A_203 : memref<128x80xf32, #tpu.memory_space<vmem>>[vector<16xi32>, vector<16xi32>], vector<16xf32>,
        %broadcast_in_dim3A_669 = arith.constant 67 : i32
        %broadcast_in_dim3A_670 = vector.broadcast %broadcast_in_dim3A_669 : i32 to vector<16xi32>
        tpu.vector_store_idx %arg11[%add3A_163, %broadcast_in_dim3A_670], %exp3A_218 : memref<128x80xf32, #tpu.memory_space<vmem>>[vector<16xi32>, vector<16xi32>], vector<16xf32>,
        %broadcast_in_dim3A_671 = arith.constant 68 : i32
        %broadcast_in_dim3A_672 = vector.broadcast %broadcast_in_dim3A_671 : i32 to vector<16xi32>
        tpu.vector_store_idx %arg11[%add3A_163, %broadcast_in_dim3A_672], %exp3A_233 : memref<128x80xf32, #tpu.memory_space<vmem>>[vector<16xi32>, vector<16xi32>], vector<16xf32>,
        %broadcast_in_dim3A_673 = arith.constant 69 : i32
        %broadcast_in_dim3A_674 = vector.broadcast %broadcast_in_dim3A_673 : i32 to vector<16xi32>
        tpu.vector_store_idx %arg11[%add3A_163, %broadcast_in_dim3A_674], %exp3A_248 : memref<128x80xf32, #tpu.memory_space<vmem>>[vector<16xi32>, vector<16xi32>], vector<16xf32>,
        %broadcast_in_dim3A_675 = arith.constant 70 : i32
        %broadcast_in_dim3A_676 = vector.broadcast %broadcast_in_dim3A_675 : i32 to vector<16xi32>
        tpu.vector_store_idx %arg11[%add3A_163, %broadcast_in_dim3A_676], %exp3A_263 : memref<128x80xf32, #tpu.memory_space<vmem>>[vector<16xi32>, vector<16xi32>], vector<16xf32>,
        %broadcast_in_dim3A_677 = arith.constant 71 : i32
        %broadcast_in_dim3A_678 = vector.broadcast %broadcast_in_dim3A_677 : i32 to vector<16xi32>
        tpu.vector_store_idx %arg11[%add3A_163, %broadcast_in_dim3A_678], %exp3A_278 : memref<128x80xf32, #tpu.memory_space<vmem>>[vector<16xi32>, vector<16xi32>], vector<16xf32>,
      }
      %scan3A_112 = arith.constant 8 : i32
      %dma_start3A_113 = arith.constant 0 : i32
      %dma_start3A_114 = tpu.memref_slice %arg9[%add3A_94, %dma_start3A_113] : memref<81x128xi32, #tpu.memory_space<vmem>> -> memref<1x128xi32, #tpu.memory_space<vmem>>
      %dma_start3A_115 = tpu.memref_squeeze %dma_start3A_114 : memref<1x128xi32, #tpu.memory_space<vmem>> -> memref<128xi32, #tpu.memory_space<vmem>>
      %dma_start3A_116 = arith.constant 0 : i32
      %dma_start3A_117 = arith.constant 0 : i32
      %dma_start3A_118 = tpu.memref_slice %arg16[%dma_start3A_116, %dma_start3A_117] : memref<10112x80xf32, #tpu.memory_space<vmem_shared>> -> memref<10112x80xf32, #tpu.memory_space<vmem_shared>>
      tpu.enqueue_indirect_dma source(%arg11 : memref<128x80xf32, #tpu.memory_space<vmem>>) target(%dma_start3A_118 : memref<10112x80xf32, #tpu.memory_space<vmem_shared>>) offsets(%dma_start3A_115 : memref<128xi32, #tpu.memory_space<vmem>>) semaphore(%arg24 : memref<!tpu.dma_semaphore, #tpu.memory_space<semaphore_mem>>) {add = true}
      %add3A_119 = arith.constant 2 : i32
      %add3A_120 = arith.addi %add3A_94, %add3A_119 : i32
      %lt3A_121 = arith.constant 81 : i32
      %lt3A_122 = arith.cmpi slt, %add3A_120, %lt3A_121 : i32
      %convert_element_type3A_123 = arith.extui %lt3A_122 : i1 to i32
      %cond3A_124 = arith.constant 0 : i32
      %cond3A_125 = arith.cmpi ne, %convert_element_type3A_123, %cond3A_124 : i32
      scf.if %cond3A_125 {
        %ge3A = arith.constant 1 : i32
        %ge3A_159 = arith.cmpi sge, %add3A_94, %ge3A : i32
        %convert_element_type3A_160 = arith.extui %ge3A_159 : i1 to i32
        %cond3A_161 = arith.constant 0 : i32
        %cond3A_162 = arith.cmpi ne, %convert_element_type3A_160, %cond3A_161 : i32
        scf.if %cond3A_162 {
          %sub3A = arith.constant 1 : i32
          %sub3A_177 = arith.subi %add3A_94, %sub3A : i32
          %dma_wait3A_178 = arith.constant 0 : i32
          %dma_wait3A_179 = tpu.memref_slice %arg9[%sub3A_177, %dma_wait3A_178] : memref<81x128xi32, #tpu.memory_space<vmem>> -> memref<1x128xi32, #tpu.memory_space<vmem>>
          %dma_wait3A_180 = tpu.memref_squeeze %dma_wait3A_179 : memref<1x128xi32, #tpu.memory_space<vmem>> -> memref<128xi32, #tpu.memory_space<vmem>>
          %dma_wait3A_181 = arith.constant 0 : i32
          %dma_wait3A_182 = arith.constant 0 : i32
          %dma_wait3A_183 = tpu.memref_slice %arg16[%dma_wait3A_181, %dma_wait3A_182] : memref<10112x80xf32, #tpu.memory_space<vmem_shared>> -> memref<10112x80xf32, #tpu.memory_space<vmem_shared>>
          tpu.wait_indirect_dma semaphore(%arg23 : memref<!tpu.dma_semaphore, #tpu.memory_space<semaphore_mem>>) src(%arg10 : memref<128x80xf32, #tpu.memory_space<vmem>>) dst(%dma_wait3A_183 : memref<10112x80xf32, #tpu.memory_space<vmem_shared>>)
        } else {
        }
        %add3A_163 = arith.constant 2 : i32
        %add3A_164 = arith.addi %add3A_94, %add3A_163 : i32
        %dma_start3A_165 = arith.constant 0 : i32
        %dma_start3A_166 = tpu.memref_slice %arg8[%add3A_164, %dma_start3A_165] : memref<81x128xi32, #tpu.memory_space<vmem>> -> memref<1x128xi32, #tpu.memory_space<vmem>>
        %dma_start3A_167 = tpu.memref_squeeze %dma_start3A_166 : memref<1x128xi32, #tpu.memory_space<vmem>> -> memref<128xi32, #tpu.memory_space<vmem>>
        %dma_start3A_168 = arith.constant 0 : i32
        %dma_start3A_169 = arith.constant 0 : i32
        %dma_start3A_170 = tpu.memref_slice %arg4[%dma_start3A_168, %dma_start3A_169] : memref<10112x80xf32, #tpu.memory_space<hbm>> -> memref<10112x80xf32, #tpu.memory_space<hbm>>
        tpu.enqueue_indirect_dma source(%dma_start3A_170 : memref<10112x80xf32, #tpu.memory_space<hbm>>) target(%arg10 : memref<128x80xf32, #tpu.memory_space<vmem>>) offsets(%dma_start3A_167 : memref<128xi32, #tpu.memory_space<vmem>>) semaphore(%arg17 : memref<!tpu.dma_semaphore, #tpu.memory_space<semaphore_mem>>)
        %dma_start3A_171 = arith.constant 0 : i32
        %dma_start3A_172 = tpu.memref_slice %arg9[%add3A_164, %dma_start3A_171] : memref<81x128xi32, #tpu.memory_space<vmem>> -> memref<1x128xi32, #tpu.memory_space<vmem>>
        %dma_start3A_173 = tpu.memref_squeeze %dma_start3A_172 : memref<1x128xi32, #tpu.memory_space<vmem>> -> memref<128xi32, #tpu.memory_space<vmem>>
        %dma_start3A_174 = arith.constant 0 : i32
        %dma_start3A_175 = arith.constant 0 : i32
        %dma_start3A_176 = tpu.memref_slice %arg5[%dma_start3A_174, %dma_start3A_175] : memref<10112x16xf32, #tpu.memory_space<hbm>> -> memref<10112x16xf32, #tpu.memory_space<hbm>>
        tpu.enqueue_indirect_dma source(%dma_start3A_176 : memref<10112x16xf32, #tpu.memory_space<hbm>>) target(%arg13 : memref<128x16xf32, #tpu.memory_space<vmem>>) offsets(%dma_start3A_173 : memref<128xi32, #tpu.memory_space<vmem>>) semaphore(%arg20 : memref<!tpu.dma_semaphore, #tpu.memory_space<semaphore_mem>>)
      } else {
      }
      %add3A_126 = arith.constant 2 : i32
      %add3A_127 = arith.addi %mul3A_62, %add3A_126 : i32
      %dma_wait3A_128 = arith.constant 0 : i32
      %dma_wait3A_129 = tpu.memref_slice %arg8[%add3A_127, %dma_wait3A_128] : memref<81x128xi32, #tpu.memory_space<vmem>> -> memref<1x128xi32, #tpu.memory_space<vmem>>
      %dma_wait3A_130 = tpu.memref_squeeze %dma_wait3A_129 : memref<1x128xi32, #tpu.memory_space<vmem>> -> memref<128xi32, #tpu.memory_space<vmem>>
      %dma_wait3A_131 = arith.constant 0 : i32
      %dma_wait3A_132 = arith.constant 0 : i32
      %dma_wait3A_133 = tpu.memref_slice %arg4[%dma_wait3A_131, %dma_wait3A_132] : memref<10112x80xf32, #tpu.memory_space<hbm>> -> memref<10112x80xf32, #tpu.memory_space<hbm>>
      tpu.wait_indirect_dma semaphore(%arg19 : memref<!tpu.dma_semaphore, #tpu.memory_space<semaphore_mem>>) src(%dma_wait3A_133 : memref<10112x80xf32, #tpu.memory_space<hbm>>) dst(%arg12 : memref<128x80xf32, #tpu.memory_space<vmem>>)
      %dma_wait3A_134 = arith.constant 0 : i32
      %dma_wait3A_135 = tpu.memref_slice %arg9[%add3A_127, %dma_wait3A_134] : memref<81x128xi32, #tpu.memory_space<vmem>> -> memref<1x128xi32, #tpu.memory_space<vmem>>
      %dma_wait3A_136 = tpu.memref_squeeze %dma_wait3A_135 : memref<1x128xi32, #tpu.memory_space<vmem>> -> memref<128xi32, #tpu.memory_space<vmem>>
      %dma_wait3A_137 = arith.constant 0 : i32
      %dma_wait3A_138 = arith.constant 0 : i32
      %dma_wait3A_139 = tpu.memref_slice %arg5[%dma_wait3A_137, %dma_wait3A_138] : memref<10112x16xf32, #tpu.memory_space<hbm>> -> memref<10112x16xf32, #tpu.memory_space<hbm>>
      tpu.wait_indirect_dma semaphore(%arg22 : memref<!tpu.dma_semaphore, #tpu.memory_space<semaphore_mem>>) src(%dma_wait3A_139 : memref<10112x16xf32, #tpu.memory_space<hbm>>) dst(%arg15 : memref<128x16xf32, #tpu.memory_space<vmem>>)
      %scan3A_140 = arith.constant 0 : i32
      %scan3A_141 = arith.constant 0 : i32
      %scan3A_142 = arith.constant 8 : i32
      %scan3A_143 = arith.addi %scan3A_141, %scan3A_142 : i32
      %scan3A_144 = arith.constant 1 : i32
      scf.for %scan3A_159 = %scan3A_141 to %scan3A_143 step %scan3A_144  : i32 {
        %iota3A = tpu.iota {dimensions = array<i32: 0>} : vector<16xi32>
        %mul3A_160 = arith.constant 16 : i32
        %mul3A_161 = arith.muli %scan3A_159, %mul3A_160 : i32
        %add3A_162 = vector.broadcast %mul3A_161 : i32 to vector<16xi32>
        %add3A_163 = arith.addi %iota3A, %add3A_162 : vector<16xi32>
        %broadcast_in_dim3A = arith.constant 64 : i32
        %broadcast_in_dim3A_164 = vector.broadcast %broadcast_in_dim3A : i32 to vector<16xi32>
        %gather3A = tpu.vector_load_idx %arg12[%add3A_163, %broadcast_in_dim3A_164] : memref<128x80xf32, #tpu.memory_space<vmem>>[vector<16xi32>, vector<16xi32>], vector<16xf32>,
        %broadcast_in_dim3A_165 = arith.constant 0 : i32
        %broadcast_in_dim3A_166 = vector.broadcast %broadcast_in_dim3A_165 : i32 to vector<16xi32>
        %gather3A_167 = tpu.vector_load_idx %arg15[%add3A_163, %broadcast_in_dim3A_166] : memref<128x16xf32, #tpu.memory_space<vmem>>[vector<16xi32>, vector<16xi32>], vector<16xf32>,
        %add3A_168 = arith.addf %gather3A, %gather3A_167 : vector<16xf32>
        %gt3A = arith.constant 0.000000e+00 : f32
        %gt3A_169 = vector.broadcast %gt3A : f32 to vector<16xf32>
        %gt3A_170 = arith.cmpf ogt, %add3A_168, %gt3A_169 : vector<16xf32>
        %mul3A_171 = arith.constant 2.000000e-01 : f32
        %mul3A_172 = vector.broadcast %mul3A_171 : f32 to vector<16xf32>
        %mul3A_173 = arith.mulf %add3A_168, %mul3A_172 : vector<16xf32>
        %select_n3A = arith.select %gt3A_170, %add3A_168, %mul3A_173 : vector<16xi1>, vector<16xf32>
        %exp3A = math.exp %select_n3A : vector<16xf32>
        %broadcast_in_dim3A_174 = arith.constant 65 : i32
        %broadcast_in_dim3A_175 = vector.broadcast %broadcast_in_dim3A_174 : i32 to vector<16xi32>
        %gather3A_176 = tpu.vector_load_idx %arg12[%add3A_163, %broadcast_in_dim3A_175] : memref<128x80xf32, #tpu.memory_space<vmem>>[vector<16xi32>, vector<16xi32>], vector<16xf32>,
        %broadcast_in_dim3A_177 = arith.constant 1 : i32
        %broadcast_in_dim3A_178 = vector.broadcast %broadcast_in_dim3A_177 : i32 to vector<16xi32>
        %gather3A_179 = tpu.vector_load_idx %arg15[%add3A_163, %broadcast_in_dim3A_178] : memref<128x16xf32, #tpu.memory_space<vmem>>[vector<16xi32>, vector<16xi32>], vector<16xf32>,
        %add3A_180 = arith.addf %gather3A_176, %gather3A_179 : vector<16xf32>
        %gt3A_181 = arith.constant 0.000000e+00 : f32
        %gt3A_182 = vector.broadcast %gt3A_181 : f32 to vector<16xf32>
        %gt3A_183 = arith.cmpf ogt, %add3A_180, %gt3A_182 : vector<16xf32>
        %mul3A_184 = arith.constant 2.000000e-01 : f32
        %mul3A_185 = vector.broadcast %mul3A_184 : f32 to vector<16xf32>
        %mul3A_186 = arith.mulf %add3A_180, %mul3A_185 : vector<16xf32>
        %select_n3A_187 = arith.select %gt3A_183, %add3A_180, %mul3A_186 : vector<16xi1>, vector<16xf32>
        %exp3A_188 = math.exp %select_n3A_187 : vector<16xf32>
        %broadcast_in_dim3A_189 = arith.constant 66 : i32
        %broadcast_in_dim3A_190 = vector.broadcast %broadcast_in_dim3A_189 : i32 to vector<16xi32>
        %gather3A_191 = tpu.vector_load_idx %arg12[%add3A_163, %broadcast_in_dim3A_190] : memref<128x80xf32, #tpu.memory_space<vmem>>[vector<16xi32>, vector<16xi32>], vector<16xf32>,
        %broadcast_in_dim3A_192 = arith.constant 2 : i32
        %broadcast_in_dim3A_193 = vector.broadcast %broadcast_in_dim3A_192 : i32 to vector<16xi32>
        %gather3A_194 = tpu.vector_load_idx %arg15[%add3A_163, %broadcast_in_dim3A_193] : memref<128x16xf32, #tpu.memory_space<vmem>>[vector<16xi32>, vector<16xi32>], vector<16xf32>,
        %add3A_195 = arith.addf %gather3A_191, %gather3A_194 : vector<16xf32>
        %gt3A_196 = arith.constant 0.000000e+00 : f32
        %gt3A_197 = vector.broadcast %gt3A_196 : f32 to vector<16xf32>
        %gt3A_198 = arith.cmpf ogt, %add3A_195, %gt3A_197 : vector<16xf32>
        %mul3A_199 = arith.constant 2.000000e-01 : f32
        %mul3A_200 = vector.broadcast %mul3A_199 : f32 to vector<16xf32>
        %mul3A_201 = arith.mulf %add3A_195, %mul3A_200 : vector<16xf32>
        %select_n3A_202 = arith.select %gt3A_198, %add3A_195, %mul3A_201 : vector<16xi1>, vector<16xf32>
        %exp3A_203 = math.exp %select_n3A_202 : vector<16xf32>
        %broadcast_in_dim3A_204 = arith.constant 67 : i32
        %broadcast_in_dim3A_205 = vector.broadcast %broadcast_in_dim3A_204 : i32 to vector<16xi32>
        %gather3A_206 = tpu.vector_load_idx %arg12[%add3A_163, %broadcast_in_dim3A_205] : memref<128x80xf32, #tpu.memory_space<vmem>>[vector<16xi32>, vector<16xi32>], vector<16xf32>,
        %broadcast_in_dim3A_207 = arith.constant 3 : i32
        %broadcast_in_dim3A_208 = vector.broadcast %broadcast_in_dim3A_207 : i32 to vector<16xi32>
        %gather3A_209 = tpu.vector_load_idx %arg15[%add3A_163, %broadcast_in_dim3A_208] : memref<128x16xf32, #tpu.memory_space<vmem>>[vector<16xi32>, vector<16xi32>], vector<16xf32>,
        %add3A_210 = arith.addf %gather3A_206, %gather3A_209 : vector<16xf32>
        %gt3A_211 = arith.constant 0.000000e+00 : f32
        %gt3A_212 = vector.broadcast %gt3A_211 : f32 to vector<16xf32>
        %gt3A_213 = arith.cmpf ogt, %add3A_210, %gt3A_212 : vector<16xf32>
        %mul3A_214 = arith.constant 2.000000e-01 : f32
        %mul3A_215 = vector.broadcast %mul3A_214 : f32 to vector<16xf32>
        %mul3A_216 = arith.mulf %add3A_210, %mul3A_215 : vector<16xf32>
        %select_n3A_217 = arith.select %gt3A_213, %add3A_210, %mul3A_216 : vector<16xi1>, vector<16xf32>
        %exp3A_218 = math.exp %select_n3A_217 : vector<16xf32>
        %broadcast_in_dim3A_219 = arith.constant 68 : i32
        %broadcast_in_dim3A_220 = vector.broadcast %broadcast_in_dim3A_219 : i32 to vector<16xi32>
        %gather3A_221 = tpu.vector_load_idx %arg12[%add3A_163, %broadcast_in_dim3A_220] : memref<128x80xf32, #tpu.memory_space<vmem>>[vector<16xi32>, vector<16xi32>], vector<16xf32>,
        %broadcast_in_dim3A_222 = arith.constant 4 : i32
        %broadcast_in_dim3A_223 = vector.broadcast %broadcast_in_dim3A_222 : i32 to vector<16xi32>
        %gather3A_224 = tpu.vector_load_idx %arg15[%add3A_163, %broadcast_in_dim3A_223] : memref<128x16xf32, #tpu.memory_space<vmem>>[vector<16xi32>, vector<16xi32>], vector<16xf32>,
        %add3A_225 = arith.addf %gather3A_221, %gather3A_224 : vector<16xf32>
        %gt3A_226 = arith.constant 0.000000e+00 : f32
        %gt3A_227 = vector.broadcast %gt3A_226 : f32 to vector<16xf32>
        %gt3A_228 = arith.cmpf ogt, %add3A_225, %gt3A_227 : vector<16xf32>
        %mul3A_229 = arith.constant 2.000000e-01 : f32
        %mul3A_230 = vector.broadcast %mul3A_229 : f32 to vector<16xf32>
        %mul3A_231 = arith.mulf %add3A_225, %mul3A_230 : vector<16xf32>
        %select_n3A_232 = arith.select %gt3A_228, %add3A_225, %mul3A_231 : vector<16xi1>, vector<16xf32>
        %exp3A_233 = math.exp %select_n3A_232 : vector<16xf32>
        %broadcast_in_dim3A_234 = arith.constant 69 : i32
        %broadcast_in_dim3A_235 = vector.broadcast %broadcast_in_dim3A_234 : i32 to vector<16xi32>
        %gather3A_236 = tpu.vector_load_idx %arg12[%add3A_163, %broadcast_in_dim3A_235] : memref<128x80xf32, #tpu.memory_space<vmem>>[vector<16xi32>, vector<16xi32>], vector<16xf32>,
        %broadcast_in_dim3A_237 = arith.constant 5 : i32
        %broadcast_in_dim3A_238 = vector.broadcast %broadcast_in_dim3A_237 : i32 to vector<16xi32>
        %gather3A_239 = tpu.vector_load_idx %arg15[%add3A_163, %broadcast_in_dim3A_238] : memref<128x16xf32, #tpu.memory_space<vmem>>[vector<16xi32>, vector<16xi32>], vector<16xf32>,
        %add3A_240 = arith.addf %gather3A_236, %gather3A_239 : vector<16xf32>
        %gt3A_241 = arith.constant 0.000000e+00 : f32
        %gt3A_242 = vector.broadcast %gt3A_241 : f32 to vector<16xf32>
        %gt3A_243 = arith.cmpf ogt, %add3A_240, %gt3A_242 : vector<16xf32>
        %mul3A_244 = arith.constant 2.000000e-01 : f32
        %mul3A_245 = vector.broadcast %mul3A_244 : f32 to vector<16xf32>
        %mul3A_246 = arith.mulf %add3A_240, %mul3A_245 : vector<16xf32>
        %select_n3A_247 = arith.select %gt3A_243, %add3A_240, %mul3A_246 : vector<16xi1>, vector<16xf32>
        %exp3A_248 = math.exp %select_n3A_247 : vector<16xf32>
        %broadcast_in_dim3A_249 = arith.constant 70 : i32
        %broadcast_in_dim3A_250 = vector.broadcast %broadcast_in_dim3A_249 : i32 to vector<16xi32>
        %gather3A_251 = tpu.vector_load_idx %arg12[%add3A_163, %broadcast_in_dim3A_250] : memref<128x80xf32, #tpu.memory_space<vmem>>[vector<16xi32>, vector<16xi32>], vector<16xf32>,
        %broadcast_in_dim3A_252 = arith.constant 6 : i32
        %broadcast_in_dim3A_253 = vector.broadcast %broadcast_in_dim3A_252 : i32 to vector<16xi32>
        %gather3A_254 = tpu.vector_load_idx %arg15[%add3A_163, %broadcast_in_dim3A_253] : memref<128x16xf32, #tpu.memory_space<vmem>>[vector<16xi32>, vector<16xi32>], vector<16xf32>,
        %add3A_255 = arith.addf %gather3A_251, %gather3A_254 : vector<16xf32>
        %gt3A_256 = arith.constant 0.000000e+00 : f32
        %gt3A_257 = vector.broadcast %gt3A_256 : f32 to vector<16xf32>
        %gt3A_258 = arith.cmpf ogt, %add3A_255, %gt3A_257 : vector<16xf32>
        %mul3A_259 = arith.constant 2.000000e-01 : f32
        %mul3A_260 = vector.broadcast %mul3A_259 : f32 to vector<16xf32>
        %mul3A_261 = arith.mulf %add3A_255, %mul3A_260 : vector<16xf32>
        %select_n3A_262 = arith.select %gt3A_258, %add3A_255, %mul3A_261 : vector<16xi1>, vector<16xf32>
        %exp3A_263 = math.exp %select_n3A_262 : vector<16xf32>
        %broadcast_in_dim3A_264 = arith.constant 71 : i32
        %broadcast_in_dim3A_265 = vector.broadcast %broadcast_in_dim3A_264 : i32 to vector<16xi32>
        %gather3A_266 = tpu.vector_load_idx %arg12[%add3A_163, %broadcast_in_dim3A_265] : memref<128x80xf32, #tpu.memory_space<vmem>>[vector<16xi32>, vector<16xi32>], vector<16xf32>,
        %broadcast_in_dim3A_267 = arith.constant 7 : i32
        %broadcast_in_dim3A_268 = vector.broadcast %broadcast_in_dim3A_267 : i32 to vector<16xi32>
        %gather3A_269 = tpu.vector_load_idx %arg15[%add3A_163, %broadcast_in_dim3A_268] : memref<128x16xf32, #tpu.memory_space<vmem>>[vector<16xi32>, vector<16xi32>], vector<16xf32>,
        %add3A_270 = arith.addf %gather3A_266, %gather3A_269 : vector<16xf32>
        %gt3A_271 = arith.constant 0.000000e+00 : f32
        %gt3A_272 = vector.broadcast %gt3A_271 : f32 to vector<16xf32>
        %gt3A_273 = arith.cmpf ogt, %add3A_270, %gt3A_272 : vector<16xf32>
        %mul3A_274 = arith.constant 2.000000e-01 : f32
        %mul3A_275 = vector.broadcast %mul3A_274 : f32 to vector<16xf32>
        %mul3A_276 = arith.mulf %add3A_270, %mul3A_275 : vector<16xf32>
        %select_n3A_277 = arith.select %gt3A_273, %add3A_270, %mul3A_276 : vector<16xi1>, vector<16xf32>
        %exp3A_278 = math.exp %select_n3A_277 : vector<16xf32>
        %broadcast_in_dim3A_279 = arith.constant 0 : i32
        %broadcast_in_dim3A_280 = vector.broadcast %broadcast_in_dim3A_279 : i32 to vector<16xi32>
        %gather3A_281 = tpu.vector_load_idx %arg12[%add3A_163, %broadcast_in_dim3A_280] : memref<128x80xf32, #tpu.memory_space<vmem>>[vector<16xi32>, vector<16xi32>], vector<16xf32>,
        %broadcast_in_dim3A_282 = arith.constant 1 : i32
        %broadcast_in_dim3A_283 = vector.broadcast %broadcast_in_dim3A_282 : i32 to vector<16xi32>
        %gather3A_284 = tpu.vector_load_idx %arg12[%add3A_163, %broadcast_in_dim3A_283] : memref<128x80xf32, #tpu.memory_space<vmem>>[vector<16xi32>, vector<16xi32>], vector<16xf32>,
        %broadcast_in_dim3A_285 = arith.constant 2 : i32
        %broadcast_in_dim3A_286 = vector.broadcast %broadcast_in_dim3A_285 : i32 to vector<16xi32>
        %gather3A_287 = tpu.vector_load_idx %arg12[%add3A_163, %broadcast_in_dim3A_286] : memref<128x80xf32, #tpu.memory_space<vmem>>[vector<16xi32>, vector<16xi32>], vector<16xf32>,
        %broadcast_in_dim3A_288 = arith.constant 3 : i32
        %broadcast_in_dim3A_289 = vector.broadcast %broadcast_in_dim3A_288 : i32 to vector<16xi32>
        %gather3A_290 = tpu.vector_load_idx %arg12[%add3A_163, %broadcast_in_dim3A_289] : memref<128x80xf32, #tpu.memory_space<vmem>>[vector<16xi32>, vector<16xi32>], vector<16xf32>,
        %broadcast_in_dim3A_291 = arith.constant 4 : i32
        %broadcast_in_dim3A_292 = vector.broadcast %broadcast_in_dim3A_291 : i32 to vector<16xi32>
        %gather3A_293 = tpu.vector_load_idx %arg12[%add3A_163, %broadcast_in_dim3A_292] : memref<128x80xf32, #tpu.memory_space<vmem>>[vector<16xi32>, vector<16xi32>], vector<16xf32>,
        %broadcast_in_dim3A_294 = arith.constant 5 : i32
        %broadcast_in_dim3A_295 = vector.broadcast %broadcast_in_dim3A_294 : i32 to vector<16xi32>
        %gather3A_296 = tpu.vector_load_idx %arg12[%add3A_163, %broadcast_in_dim3A_295] : memref<128x80xf32, #tpu.memory_space<vmem>>[vector<16xi32>, vector<16xi32>], vector<16xf32>,
        %broadcast_in_dim3A_297 = arith.constant 6 : i32
        %broadcast_in_dim3A_298 = vector.broadcast %broadcast_in_dim3A_297 : i32 to vector<16xi32>
        %gather3A_299 = tpu.vector_load_idx %arg12[%add3A_163, %broadcast_in_dim3A_298] : memref<128x80xf32, #tpu.memory_space<vmem>>[vector<16xi32>, vector<16xi32>], vector<16xf32>,
        %broadcast_in_dim3A_300 = arith.constant 7 : i32
        %broadcast_in_dim3A_301 = vector.broadcast %broadcast_in_dim3A_300 : i32 to vector<16xi32>
        %gather3A_302 = tpu.vector_load_idx %arg12[%add3A_163, %broadcast_in_dim3A_301] : memref<128x80xf32, #tpu.memory_space<vmem>>[vector<16xi32>, vector<16xi32>], vector<16xf32>,
        %broadcast_in_dim3A_303 = arith.constant 8 : i32
        %broadcast_in_dim3A_304 = vector.broadcast %broadcast_in_dim3A_303 : i32 to vector<16xi32>
        %gather3A_305 = tpu.vector_load_idx %arg12[%add3A_163, %broadcast_in_dim3A_304] : memref<128x80xf32, #tpu.memory_space<vmem>>[vector<16xi32>, vector<16xi32>], vector<16xf32>,
        %broadcast_in_dim3A_306 = arith.constant 9 : i32
        %broadcast_in_dim3A_307 = vector.broadcast %broadcast_in_dim3A_306 : i32 to vector<16xi32>
        %gather3A_308 = tpu.vector_load_idx %arg12[%add3A_163, %broadcast_in_dim3A_307] : memref<128x80xf32, #tpu.memory_space<vmem>>[vector<16xi32>, vector<16xi32>], vector<16xf32>,
        %broadcast_in_dim3A_309 = arith.constant 10 : i32
        %broadcast_in_dim3A_310 = vector.broadcast %broadcast_in_dim3A_309 : i32 to vector<16xi32>
        %gather3A_311 = tpu.vector_load_idx %arg12[%add3A_163, %broadcast_in_dim3A_310] : memref<128x80xf32, #tpu.memory_space<vmem>>[vector<16xi32>, vector<16xi32>], vector<16xf32>,
        %broadcast_in_dim3A_312 = arith.constant 11 : i32
        %broadcast_in_dim3A_313 = vector.broadcast %broadcast_in_dim3A_312 : i32 to vector<16xi32>
        %gather3A_314 = tpu.vector_load_idx %arg12[%add3A_163, %broadcast_in_dim3A_313] : memref<128x80xf32, #tpu.memory_space<vmem>>[vector<16xi32>, vector<16xi32>], vector<16xf32>,
        %broadcast_in_dim3A_315 = arith.constant 12 : i32
        %broadcast_in_dim3A_316 = vector.broadcast %broadcast_in_dim3A_315 : i32 to vector<16xi32>
        %gather3A_317 = tpu.vector_load_idx %arg12[%add3A_163, %broadcast_in_dim3A_316] : memref<128x80xf32, #tpu.memory_space<vmem>>[vector<16xi32>, vector<16xi32>], vector<16xf32>,
        %broadcast_in_dim3A_318 = arith.constant 13 : i32
        %broadcast_in_dim3A_319 = vector.broadcast %broadcast_in_dim3A_318 : i32 to vector<16xi32>
        %gather3A_320 = tpu.vector_load_idx %arg12[%add3A_163, %broadcast_in_dim3A_319] : memref<128x80xf32, #tpu.memory_space<vmem>>[vector<16xi32>, vector<16xi32>], vector<16xf32>,
        %broadcast_in_dim3A_321 = arith.constant 14 : i32
        %broadcast_in_dim3A_322 = vector.broadcast %broadcast_in_dim3A_321 : i32 to vector<16xi32>
        %gather3A_323 = tpu.vector_load_idx %arg12[%add3A_163, %broadcast_in_dim3A_322] : memref<128x80xf32, #tpu.memory_space<vmem>>[vector<16xi32>, vector<16xi32>], vector<16xf32>,
        %broadcast_in_dim3A_324 = arith.constant 15 : i32
        %broadcast_in_dim3A_325 = vector.broadcast %broadcast_in_dim3A_324 : i32 to vector<16xi32>
        %gather3A_326 = tpu.vector_load_idx %arg12[%add3A_163, %broadcast_in_dim3A_325] : memref<128x80xf32, #tpu.memory_space<vmem>>[vector<16xi32>, vector<16xi32>], vector<16xf32>,
        %broadcast_in_dim3A_327 = arith.constant 16 : i32
        %broadcast_in_dim3A_328 = vector.broadcast %broadcast_in_dim3A_327 : i32 to vector<16xi32>
        %gather3A_329 = tpu.vector_load_idx %arg12[%add3A_163, %broadcast_in_dim3A_328] : memref<128x80xf32, #tpu.memory_space<vmem>>[vector<16xi32>, vector<16xi32>], vector<16xf32>,
        %broadcast_in_dim3A_330 = arith.constant 17 : i32
        %broadcast_in_dim3A_331 = vector.broadcast %broadcast_in_dim3A_330 : i32 to vector<16xi32>
        %gather3A_332 = tpu.vector_load_idx %arg12[%add3A_163, %broadcast_in_dim3A_331] : memref<128x80xf32, #tpu.memory_space<vmem>>[vector<16xi32>, vector<16xi32>], vector<16xf32>,
        %broadcast_in_dim3A_333 = arith.constant 18 : i32
        %broadcast_in_dim3A_334 = vector.broadcast %broadcast_in_dim3A_333 : i32 to vector<16xi32>
        %gather3A_335 = tpu.vector_load_idx %arg12[%add3A_163, %broadcast_in_dim3A_334] : memref<128x80xf32, #tpu.memory_space<vmem>>[vector<16xi32>, vector<16xi32>], vector<16xf32>,
        %broadcast_in_dim3A_336 = arith.constant 19 : i32
        %broadcast_in_dim3A_337 = vector.broadcast %broadcast_in_dim3A_336 : i32 to vector<16xi32>
        %gather3A_338 = tpu.vector_load_idx %arg12[%add3A_163, %broadcast_in_dim3A_337] : memref<128x80xf32, #tpu.memory_space<vmem>>[vector<16xi32>, vector<16xi32>], vector<16xf32>,
        %broadcast_in_dim3A_339 = arith.constant 20 : i32
        %broadcast_in_dim3A_340 = vector.broadcast %broadcast_in_dim3A_339 : i32 to vector<16xi32>
        %gather3A_341 = tpu.vector_load_idx %arg12[%add3A_163, %broadcast_in_dim3A_340] : memref<128x80xf32, #tpu.memory_space<vmem>>[vector<16xi32>, vector<16xi32>], vector<16xf32>,
        %broadcast_in_dim3A_342 = arith.constant 21 : i32
        %broadcast_in_dim3A_343 = vector.broadcast %broadcast_in_dim3A_342 : i32 to vector<16xi32>
        %gather3A_344 = tpu.vector_load_idx %arg12[%add3A_163, %broadcast_in_dim3A_343] : memref<128x80xf32, #tpu.memory_space<vmem>>[vector<16xi32>, vector<16xi32>], vector<16xf32>,
        %broadcast_in_dim3A_345 = arith.constant 22 : i32
        %broadcast_in_dim3A_346 = vector.broadcast %broadcast_in_dim3A_345 : i32 to vector<16xi32>
        %gather3A_347 = tpu.vector_load_idx %arg12[%add3A_163, %broadcast_in_dim3A_346] : memref<128x80xf32, #tpu.memory_space<vmem>>[vector<16xi32>, vector<16xi32>], vector<16xf32>,
        %broadcast_in_dim3A_348 = arith.constant 23 : i32
        %broadcast_in_dim3A_349 = vector.broadcast %broadcast_in_dim3A_348 : i32 to vector<16xi32>
        %gather3A_350 = tpu.vector_load_idx %arg12[%add3A_163, %broadcast_in_dim3A_349] : memref<128x80xf32, #tpu.memory_space<vmem>>[vector<16xi32>, vector<16xi32>], vector<16xf32>,
        %broadcast_in_dim3A_351 = arith.constant 24 : i32
        %broadcast_in_dim3A_352 = vector.broadcast %broadcast_in_dim3A_351 : i32 to vector<16xi32>
        %gather3A_353 = tpu.vector_load_idx %arg12[%add3A_163, %broadcast_in_dim3A_352] : memref<128x80xf32, #tpu.memory_space<vmem>>[vector<16xi32>, vector<16xi32>], vector<16xf32>,
        %broadcast_in_dim3A_354 = arith.constant 25 : i32
        %broadcast_in_dim3A_355 = vector.broadcast %broadcast_in_dim3A_354 : i32 to vector<16xi32>
        %gather3A_356 = tpu.vector_load_idx %arg12[%add3A_163, %broadcast_in_dim3A_355] : memref<128x80xf32, #tpu.memory_space<vmem>>[vector<16xi32>, vector<16xi32>], vector<16xf32>,
        %broadcast_in_dim3A_357 = arith.constant 26 : i32
        %broadcast_in_dim3A_358 = vector.broadcast %broadcast_in_dim3A_357 : i32 to vector<16xi32>
        %gather3A_359 = tpu.vector_load_idx %arg12[%add3A_163, %broadcast_in_dim3A_358] : memref<128x80xf32, #tpu.memory_space<vmem>>[vector<16xi32>, vector<16xi32>], vector<16xf32>,
        %broadcast_in_dim3A_360 = arith.constant 27 : i32
        %broadcast_in_dim3A_361 = vector.broadcast %broadcast_in_dim3A_360 : i32 to vector<16xi32>
        %gather3A_362 = tpu.vector_load_idx %arg12[%add3A_163, %broadcast_in_dim3A_361] : memref<128x80xf32, #tpu.memory_space<vmem>>[vector<16xi32>, vector<16xi32>], vector<16xf32>,
        %broadcast_in_dim3A_363 = arith.constant 28 : i32
        %broadcast_in_dim3A_364 = vector.broadcast %broadcast_in_dim3A_363 : i32 to vector<16xi32>
        %gather3A_365 = tpu.vector_load_idx %arg12[%add3A_163, %broadcast_in_dim3A_364] : memref<128x80xf32, #tpu.memory_space<vmem>>[vector<16xi32>, vector<16xi32>], vector<16xf32>,
        %broadcast_in_dim3A_366 = arith.constant 29 : i32
        %broadcast_in_dim3A_367 = vector.broadcast %broadcast_in_dim3A_366 : i32 to vector<16xi32>
        %gather3A_368 = tpu.vector_load_idx %arg12[%add3A_163, %broadcast_in_dim3A_367] : memref<128x80xf32, #tpu.memory_space<vmem>>[vector<16xi32>, vector<16xi32>], vector<16xf32>,
        %broadcast_in_dim3A_369 = arith.constant 30 : i32
        %broadcast_in_dim3A_370 = vector.broadcast %broadcast_in_dim3A_369 : i32 to vector<16xi32>
        %gather3A_371 = tpu.vector_load_idx %arg12[%add3A_163, %broadcast_in_dim3A_370] : memref<128x80xf32, #tpu.memory_space<vmem>>[vector<16xi32>, vector<16xi32>], vector<16xf32>,
        %broadcast_in_dim3A_372 = arith.constant 31 : i32
        %broadcast_in_dim3A_373 = vector.broadcast %broadcast_in_dim3A_372 : i32 to vector<16xi32>
        %gather3A_374 = tpu.vector_load_idx %arg12[%add3A_163, %broadcast_in_dim3A_373] : memref<128x80xf32, #tpu.memory_space<vmem>>[vector<16xi32>, vector<16xi32>], vector<16xf32>,
        %broadcast_in_dim3A_375 = arith.constant 32 : i32
        %broadcast_in_dim3A_376 = vector.broadcast %broadcast_in_dim3A_375 : i32 to vector<16xi32>
        %gather3A_377 = tpu.vector_load_idx %arg12[%add3A_163, %broadcast_in_dim3A_376] : memref<128x80xf32, #tpu.memory_space<vmem>>[vector<16xi32>, vector<16xi32>], vector<16xf32>,
        %broadcast_in_dim3A_378 = arith.constant 33 : i32
        %broadcast_in_dim3A_379 = vector.broadcast %broadcast_in_dim3A_378 : i32 to vector<16xi32>
        %gather3A_380 = tpu.vector_load_idx %arg12[%add3A_163, %broadcast_in_dim3A_379] : memref<128x80xf32, #tpu.memory_space<vmem>>[vector<16xi32>, vector<16xi32>], vector<16xf32>,
        %broadcast_in_dim3A_381 = arith.constant 34 : i32
        %broadcast_in_dim3A_382 = vector.broadcast %broadcast_in_dim3A_381 : i32 to vector<16xi32>
        %gather3A_383 = tpu.vector_load_idx %arg12[%add3A_163, %broadcast_in_dim3A_382] : memref<128x80xf32, #tpu.memory_space<vmem>>[vector<16xi32>, vector<16xi32>], vector<16xf32>,
        %broadcast_in_dim3A_384 = arith.constant 35 : i32
        %broadcast_in_dim3A_385 = vector.broadcast %broadcast_in_dim3A_384 : i32 to vector<16xi32>
        %gather3A_386 = tpu.vector_load_idx %arg12[%add3A_163, %broadcast_in_dim3A_385] : memref<128x80xf32, #tpu.memory_space<vmem>>[vector<16xi32>, vector<16xi32>], vector<16xf32>,
        %broadcast_in_dim3A_387 = arith.constant 36 : i32
        %broadcast_in_dim3A_388 = vector.broadcast %broadcast_in_dim3A_387 : i32 to vector<16xi32>
        %gather3A_389 = tpu.vector_load_idx %arg12[%add3A_163, %broadcast_in_dim3A_388] : memref<128x80xf32, #tpu.memory_space<vmem>>[vector<16xi32>, vector<16xi32>], vector<16xf32>,
        %broadcast_in_dim3A_390 = arith.constant 37 : i32
        %broadcast_in_dim3A_391 = vector.broadcast %broadcast_in_dim3A_390 : i32 to vector<16xi32>
        %gather3A_392 = tpu.vector_load_idx %arg12[%add3A_163, %broadcast_in_dim3A_391] : memref<128x80xf32, #tpu.memory_space<vmem>>[vector<16xi32>, vector<16xi32>], vector<16xf32>,
        %broadcast_in_dim3A_393 = arith.constant 38 : i32
        %broadcast_in_dim3A_394 = vector.broadcast %broadcast_in_dim3A_393 : i32 to vector<16xi32>
        %gather3A_395 = tpu.vector_load_idx %arg12[%add3A_163, %broadcast_in_dim3A_394] : memref<128x80xf32, #tpu.memory_space<vmem>>[vector<16xi32>, vector<16xi32>], vector<16xf32>,
        %broadcast_in_dim3A_396 = arith.constant 39 : i32
        %broadcast_in_dim3A_397 = vector.broadcast %broadcast_in_dim3A_396 : i32 to vector<16xi32>
        %gather3A_398 = tpu.vector_load_idx %arg12[%add3A_163, %broadcast_in_dim3A_397] : memref<128x80xf32, #tpu.memory_space<vmem>>[vector<16xi32>, vector<16xi32>], vector<16xf32>,
        %broadcast_in_dim3A_399 = arith.constant 40 : i32
        %broadcast_in_dim3A_400 = vector.broadcast %broadcast_in_dim3A_399 : i32 to vector<16xi32>
        %gather3A_401 = tpu.vector_load_idx %arg12[%add3A_163, %broadcast_in_dim3A_400] : memref<128x80xf32, #tpu.memory_space<vmem>>[vector<16xi32>, vector<16xi32>], vector<16xf32>,
        %broadcast_in_dim3A_402 = arith.constant 41 : i32
        %broadcast_in_dim3A_403 = vector.broadcast %broadcast_in_dim3A_402 : i32 to vector<16xi32>
        %gather3A_404 = tpu.vector_load_idx %arg12[%add3A_163, %broadcast_in_dim3A_403] : memref<128x80xf32, #tpu.memory_space<vmem>>[vector<16xi32>, vector<16xi32>], vector<16xf32>,
        %broadcast_in_dim3A_405 = arith.constant 42 : i32
        %broadcast_in_dim3A_406 = vector.broadcast %broadcast_in_dim3A_405 : i32 to vector<16xi32>
        %gather3A_407 = tpu.vector_load_idx %arg12[%add3A_163, %broadcast_in_dim3A_406] : memref<128x80xf32, #tpu.memory_space<vmem>>[vector<16xi32>, vector<16xi32>], vector<16xf32>,
        %broadcast_in_dim3A_408 = arith.constant 43 : i32
        %broadcast_in_dim3A_409 = vector.broadcast %broadcast_in_dim3A_408 : i32 to vector<16xi32>
        %gather3A_410 = tpu.vector_load_idx %arg12[%add3A_163, %broadcast_in_dim3A_409] : memref<128x80xf32, #tpu.memory_space<vmem>>[vector<16xi32>, vector<16xi32>], vector<16xf32>,
        %broadcast_in_dim3A_411 = arith.constant 44 : i32
        %broadcast_in_dim3A_412 = vector.broadcast %broadcast_in_dim3A_411 : i32 to vector<16xi32>
        %gather3A_413 = tpu.vector_load_idx %arg12[%add3A_163, %broadcast_in_dim3A_412] : memref<128x80xf32, #tpu.memory_space<vmem>>[vector<16xi32>, vector<16xi32>], vector<16xf32>,
        %broadcast_in_dim3A_414 = arith.constant 45 : i32
        %broadcast_in_dim3A_415 = vector.broadcast %broadcast_in_dim3A_414 : i32 to vector<16xi32>
        %gather3A_416 = tpu.vector_load_idx %arg12[%add3A_163, %broadcast_in_dim3A_415] : memref<128x80xf32, #tpu.memory_space<vmem>>[vector<16xi32>, vector<16xi32>], vector<16xf32>,
        %broadcast_in_dim3A_417 = arith.constant 46 : i32
        %broadcast_in_dim3A_418 = vector.broadcast %broadcast_in_dim3A_417 : i32 to vector<16xi32>
        %gather3A_419 = tpu.vector_load_idx %arg12[%add3A_163, %broadcast_in_dim3A_418] : memref<128x80xf32, #tpu.memory_space<vmem>>[vector<16xi32>, vector<16xi32>], vector<16xf32>,
        %broadcast_in_dim3A_420 = arith.constant 47 : i32
        %broadcast_in_dim3A_421 = vector.broadcast %broadcast_in_dim3A_420 : i32 to vector<16xi32>
        %gather3A_422 = tpu.vector_load_idx %arg12[%add3A_163, %broadcast_in_dim3A_421] : memref<128x80xf32, #tpu.memory_space<vmem>>[vector<16xi32>, vector<16xi32>], vector<16xf32>,
        %broadcast_in_dim3A_423 = arith.constant 48 : i32
        %broadcast_in_dim3A_424 = vector.broadcast %broadcast_in_dim3A_423 : i32 to vector<16xi32>
        %gather3A_425 = tpu.vector_load_idx %arg12[%add3A_163, %broadcast_in_dim3A_424] : memref<128x80xf32, #tpu.memory_space<vmem>>[vector<16xi32>, vector<16xi32>], vector<16xf32>,
        %broadcast_in_dim3A_426 = arith.constant 49 : i32
        %broadcast_in_dim3A_427 = vector.broadcast %broadcast_in_dim3A_426 : i32 to vector<16xi32>
        %gather3A_428 = tpu.vector_load_idx %arg12[%add3A_163, %broadcast_in_dim3A_427] : memref<128x80xf32, #tpu.memory_space<vmem>>[vector<16xi32>, vector<16xi32>], vector<16xf32>,
        %broadcast_in_dim3A_429 = arith.constant 50 : i32
        %broadcast_in_dim3A_430 = vector.broadcast %broadcast_in_dim3A_429 : i32 to vector<16xi32>
        %gather3A_431 = tpu.vector_load_idx %arg12[%add3A_163, %broadcast_in_dim3A_430] : memref<128x80xf32, #tpu.memory_space<vmem>>[vector<16xi32>, vector<16xi32>], vector<16xf32>,
        %broadcast_in_dim3A_432 = arith.constant 51 : i32
        %broadcast_in_dim3A_433 = vector.broadcast %broadcast_in_dim3A_432 : i32 to vector<16xi32>
        %gather3A_434 = tpu.vector_load_idx %arg12[%add3A_163, %broadcast_in_dim3A_433] : memref<128x80xf32, #tpu.memory_space<vmem>>[vector<16xi32>, vector<16xi32>], vector<16xf32>,
        %broadcast_in_dim3A_435 = arith.constant 52 : i32
        %broadcast_in_dim3A_436 = vector.broadcast %broadcast_in_dim3A_435 : i32 to vector<16xi32>
        %gather3A_437 = tpu.vector_load_idx %arg12[%add3A_163, %broadcast_in_dim3A_436] : memref<128x80xf32, #tpu.memory_space<vmem>>[vector<16xi32>, vector<16xi32>], vector<16xf32>,
        %broadcast_in_dim3A_438 = arith.constant 53 : i32
        %broadcast_in_dim3A_439 = vector.broadcast %broadcast_in_dim3A_438 : i32 to vector<16xi32>
        %gather3A_440 = tpu.vector_load_idx %arg12[%add3A_163, %broadcast_in_dim3A_439] : memref<128x80xf32, #tpu.memory_space<vmem>>[vector<16xi32>, vector<16xi32>], vector<16xf32>,
        %broadcast_in_dim3A_441 = arith.constant 54 : i32
        %broadcast_in_dim3A_442 = vector.broadcast %broadcast_in_dim3A_441 : i32 to vector<16xi32>
        %gather3A_443 = tpu.vector_load_idx %arg12[%add3A_163, %broadcast_in_dim3A_442] : memref<128x80xf32, #tpu.memory_space<vmem>>[vector<16xi32>, vector<16xi32>], vector<16xf32>,
        %broadcast_in_dim3A_444 = arith.constant 55 : i32
        %broadcast_in_dim3A_445 = vector.broadcast %broadcast_in_dim3A_444 : i32 to vector<16xi32>
        %gather3A_446 = tpu.vector_load_idx %arg12[%add3A_163, %broadcast_in_dim3A_445] : memref<128x80xf32, #tpu.memory_space<vmem>>[vector<16xi32>, vector<16xi32>], vector<16xf32>,
        %broadcast_in_dim3A_447 = arith.constant 56 : i32
        %broadcast_in_dim3A_448 = vector.broadcast %broadcast_in_dim3A_447 : i32 to vector<16xi32>
        %gather3A_449 = tpu.vector_load_idx %arg12[%add3A_163, %broadcast_in_dim3A_448] : memref<128x80xf32, #tpu.memory_space<vmem>>[vector<16xi32>, vector<16xi32>], vector<16xf32>,
        %broadcast_in_dim3A_450 = arith.constant 57 : i32
        %broadcast_in_dim3A_451 = vector.broadcast %broadcast_in_dim3A_450 : i32 to vector<16xi32>
        %gather3A_452 = tpu.vector_load_idx %arg12[%add3A_163, %broadcast_in_dim3A_451] : memref<128x80xf32, #tpu.memory_space<vmem>>[vector<16xi32>, vector<16xi32>], vector<16xf32>,
        %broadcast_in_dim3A_453 = arith.constant 58 : i32
        %broadcast_in_dim3A_454 = vector.broadcast %broadcast_in_dim3A_453 : i32 to vector<16xi32>
        %gather3A_455 = tpu.vector_load_idx %arg12[%add3A_163, %broadcast_in_dim3A_454] : memref<128x80xf32, #tpu.memory_space<vmem>>[vector<16xi32>, vector<16xi32>], vector<16xf32>,
        %broadcast_in_dim3A_456 = arith.constant 59 : i32
        %broadcast_in_dim3A_457 = vector.broadcast %broadcast_in_dim3A_456 : i32 to vector<16xi32>
        %gather3A_458 = tpu.vector_load_idx %arg12[%add3A_163, %broadcast_in_dim3A_457] : memref<128x80xf32, #tpu.memory_space<vmem>>[vector<16xi32>, vector<16xi32>], vector<16xf32>,
        %broadcast_in_dim3A_459 = arith.constant 60 : i32
        %broadcast_in_dim3A_460 = vector.broadcast %broadcast_in_dim3A_459 : i32 to vector<16xi32>
        %gather3A_461 = tpu.vector_load_idx %arg12[%add3A_163, %broadcast_in_dim3A_460] : memref<128x80xf32, #tpu.memory_space<vmem>>[vector<16xi32>, vector<16xi32>], vector<16xf32>,
        %broadcast_in_dim3A_462 = arith.constant 61 : i32
        %broadcast_in_dim3A_463 = vector.broadcast %broadcast_in_dim3A_462 : i32 to vector<16xi32>
        %gather3A_464 = tpu.vector_load_idx %arg12[%add3A_163, %broadcast_in_dim3A_463] : memref<128x80xf32, #tpu.memory_space<vmem>>[vector<16xi32>, vector<16xi32>], vector<16xf32>,
        %broadcast_in_dim3A_465 = arith.constant 62 : i32
        %broadcast_in_dim3A_466 = vector.broadcast %broadcast_in_dim3A_465 : i32 to vector<16xi32>
        %gather3A_467 = tpu.vector_load_idx %arg12[%add3A_163, %broadcast_in_dim3A_466] : memref<128x80xf32, #tpu.memory_space<vmem>>[vector<16xi32>, vector<16xi32>], vector<16xf32>,
        %broadcast_in_dim3A_468 = arith.constant 63 : i32
        %broadcast_in_dim3A_469 = vector.broadcast %broadcast_in_dim3A_468 : i32 to vector<16xi32>
        %gather3A_470 = tpu.vector_load_idx %arg12[%add3A_163, %broadcast_in_dim3A_469] : memref<128x80xf32, #tpu.memory_space<vmem>>[vector<16xi32>, vector<16xi32>], vector<16xf32>,
        %broadcast_in_dim3A_471 = arith.constant 0 : i32
        %broadcast_in_dim3A_472 = vector.broadcast %broadcast_in_dim3A_471 : i32 to vector<16xi32>
        %mul3A_473 = arith.mulf %gather3A_281, %exp3A : vector<16xf32>
        tpu.vector_store_idx %arg12[%add3A_163, %broadcast_in_dim3A_472], %mul3A_473 : memref<128x80xf32, #tpu.memory_space<vmem>>[vector<16xi32>, vector<16xi32>], vector<16xf32>,
        %broadcast_in_dim3A_474 = arith.constant 1 : i32
        %broadcast_in_dim3A_475 = vector.broadcast %broadcast_in_dim3A_474 : i32 to vector<16xi32>
        %mul3A_476 = arith.mulf %gather3A_284, %exp3A : vector<16xf32>
        tpu.vector_store_idx %arg12[%add3A_163, %broadcast_in_dim3A_475], %mul3A_476 : memref<128x80xf32, #tpu.memory_space<vmem>>[vector<16xi32>, vector<16xi32>], vector<16xf32>,
        %broadcast_in_dim3A_477 = arith.constant 2 : i32
        %broadcast_in_dim3A_478 = vector.broadcast %broadcast_in_dim3A_477 : i32 to vector<16xi32>
        %mul3A_479 = arith.mulf %gather3A_287, %exp3A : vector<16xf32>
        tpu.vector_store_idx %arg12[%add3A_163, %broadcast_in_dim3A_478], %mul3A_479 : memref<128x80xf32, #tpu.memory_space<vmem>>[vector<16xi32>, vector<16xi32>], vector<16xf32>,
        %broadcast_in_dim3A_480 = arith.constant 3 : i32
        %broadcast_in_dim3A_481 = vector.broadcast %broadcast_in_dim3A_480 : i32 to vector<16xi32>
        %mul3A_482 = arith.mulf %gather3A_290, %exp3A : vector<16xf32>
        tpu.vector_store_idx %arg12[%add3A_163, %broadcast_in_dim3A_481], %mul3A_482 : memref<128x80xf32, #tpu.memory_space<vmem>>[vector<16xi32>, vector<16xi32>], vector<16xf32>,
        %broadcast_in_dim3A_483 = arith.constant 4 : i32
        %broadcast_in_dim3A_484 = vector.broadcast %broadcast_in_dim3A_483 : i32 to vector<16xi32>
        %mul3A_485 = arith.mulf %gather3A_293, %exp3A : vector<16xf32>
        tpu.vector_store_idx %arg12[%add3A_163, %broadcast_in_dim3A_484], %mul3A_485 : memref<128x80xf32, #tpu.memory_space<vmem>>[vector<16xi32>, vector<16xi32>], vector<16xf32>,
        %broadcast_in_dim3A_486 = arith.constant 5 : i32
        %broadcast_in_dim3A_487 = vector.broadcast %broadcast_in_dim3A_486 : i32 to vector<16xi32>
        %mul3A_488 = arith.mulf %gather3A_296, %exp3A : vector<16xf32>
        tpu.vector_store_idx %arg12[%add3A_163, %broadcast_in_dim3A_487], %mul3A_488 : memref<128x80xf32, #tpu.memory_space<vmem>>[vector<16xi32>, vector<16xi32>], vector<16xf32>,
        %broadcast_in_dim3A_489 = arith.constant 6 : i32
        %broadcast_in_dim3A_490 = vector.broadcast %broadcast_in_dim3A_489 : i32 to vector<16xi32>
        %mul3A_491 = arith.mulf %gather3A_299, %exp3A : vector<16xf32>
        tpu.vector_store_idx %arg12[%add3A_163, %broadcast_in_dim3A_490], %mul3A_491 : memref<128x80xf32, #tpu.memory_space<vmem>>[vector<16xi32>, vector<16xi32>], vector<16xf32>,
        %broadcast_in_dim3A_492 = arith.constant 7 : i32
        %broadcast_in_dim3A_493 = vector.broadcast %broadcast_in_dim3A_492 : i32 to vector<16xi32>
        %mul3A_494 = arith.mulf %gather3A_302, %exp3A : vector<16xf32>
        tpu.vector_store_idx %arg12[%add3A_163, %broadcast_in_dim3A_493], %mul3A_494 : memref<128x80xf32, #tpu.memory_space<vmem>>[vector<16xi32>, vector<16xi32>], vector<16xf32>,
        %broadcast_in_dim3A_495 = arith.constant 8 : i32
        %broadcast_in_dim3A_496 = vector.broadcast %broadcast_in_dim3A_495 : i32 to vector<16xi32>
        %mul3A_497 = arith.mulf %gather3A_305, %exp3A_188 : vector<16xf32>
        tpu.vector_store_idx %arg12[%add3A_163, %broadcast_in_dim3A_496], %mul3A_497 : memref<128x80xf32, #tpu.memory_space<vmem>>[vector<16xi32>, vector<16xi32>], vector<16xf32>,
        %broadcast_in_dim3A_498 = arith.constant 9 : i32
        %broadcast_in_dim3A_499 = vector.broadcast %broadcast_in_dim3A_498 : i32 to vector<16xi32>
        %mul3A_500 = arith.mulf %gather3A_308, %exp3A_188 : vector<16xf32>
        tpu.vector_store_idx %arg12[%add3A_163, %broadcast_in_dim3A_499], %mul3A_500 : memref<128x80xf32, #tpu.memory_space<vmem>>[vector<16xi32>, vector<16xi32>], vector<16xf32>,
        %broadcast_in_dim3A_501 = arith.constant 10 : i32
        %broadcast_in_dim3A_502 = vector.broadcast %broadcast_in_dim3A_501 : i32 to vector<16xi32>
        %mul3A_503 = arith.mulf %gather3A_311, %exp3A_188 : vector<16xf32>
        tpu.vector_store_idx %arg12[%add3A_163, %broadcast_in_dim3A_502], %mul3A_503 : memref<128x80xf32, #tpu.memory_space<vmem>>[vector<16xi32>, vector<16xi32>], vector<16xf32>,
        %broadcast_in_dim3A_504 = arith.constant 11 : i32
        %broadcast_in_dim3A_505 = vector.broadcast %broadcast_in_dim3A_504 : i32 to vector<16xi32>
        %mul3A_506 = arith.mulf %gather3A_314, %exp3A_188 : vector<16xf32>
        tpu.vector_store_idx %arg12[%add3A_163, %broadcast_in_dim3A_505], %mul3A_506 : memref<128x80xf32, #tpu.memory_space<vmem>>[vector<16xi32>, vector<16xi32>], vector<16xf32>,
        %broadcast_in_dim3A_507 = arith.constant 12 : i32
        %broadcast_in_dim3A_508 = vector.broadcast %broadcast_in_dim3A_507 : i32 to vector<16xi32>
        %mul3A_509 = arith.mulf %gather3A_317, %exp3A_188 : vector<16xf32>
        tpu.vector_store_idx %arg12[%add3A_163, %broadcast_in_dim3A_508], %mul3A_509 : memref<128x80xf32, #tpu.memory_space<vmem>>[vector<16xi32>, vector<16xi32>], vector<16xf32>,
        %broadcast_in_dim3A_510 = arith.constant 13 : i32
        %broadcast_in_dim3A_511 = vector.broadcast %broadcast_in_dim3A_510 : i32 to vector<16xi32>
        %mul3A_512 = arith.mulf %gather3A_320, %exp3A_188 : vector<16xf32>
        tpu.vector_store_idx %arg12[%add3A_163, %broadcast_in_dim3A_511], %mul3A_512 : memref<128x80xf32, #tpu.memory_space<vmem>>[vector<16xi32>, vector<16xi32>], vector<16xf32>,
        %broadcast_in_dim3A_513 = arith.constant 14 : i32
        %broadcast_in_dim3A_514 = vector.broadcast %broadcast_in_dim3A_513 : i32 to vector<16xi32>
        %mul3A_515 = arith.mulf %gather3A_323, %exp3A_188 : vector<16xf32>
        tpu.vector_store_idx %arg12[%add3A_163, %broadcast_in_dim3A_514], %mul3A_515 : memref<128x80xf32, #tpu.memory_space<vmem>>[vector<16xi32>, vector<16xi32>], vector<16xf32>,
        %broadcast_in_dim3A_516 = arith.constant 15 : i32
        %broadcast_in_dim3A_517 = vector.broadcast %broadcast_in_dim3A_516 : i32 to vector<16xi32>
        %mul3A_518 = arith.mulf %gather3A_326, %exp3A_188 : vector<16xf32>
        tpu.vector_store_idx %arg12[%add3A_163, %broadcast_in_dim3A_517], %mul3A_518 : memref<128x80xf32, #tpu.memory_space<vmem>>[vector<16xi32>, vector<16xi32>], vector<16xf32>,
        %broadcast_in_dim3A_519 = arith.constant 16 : i32
        %broadcast_in_dim3A_520 = vector.broadcast %broadcast_in_dim3A_519 : i32 to vector<16xi32>
        %mul3A_521 = arith.mulf %gather3A_329, %exp3A_203 : vector<16xf32>
        tpu.vector_store_idx %arg12[%add3A_163, %broadcast_in_dim3A_520], %mul3A_521 : memref<128x80xf32, #tpu.memory_space<vmem>>[vector<16xi32>, vector<16xi32>], vector<16xf32>,
        %broadcast_in_dim3A_522 = arith.constant 17 : i32
        %broadcast_in_dim3A_523 = vector.broadcast %broadcast_in_dim3A_522 : i32 to vector<16xi32>
        %mul3A_524 = arith.mulf %gather3A_332, %exp3A_203 : vector<16xf32>
        tpu.vector_store_idx %arg12[%add3A_163, %broadcast_in_dim3A_523], %mul3A_524 : memref<128x80xf32, #tpu.memory_space<vmem>>[vector<16xi32>, vector<16xi32>], vector<16xf32>,
        %broadcast_in_dim3A_525 = arith.constant 18 : i32
        %broadcast_in_dim3A_526 = vector.broadcast %broadcast_in_dim3A_525 : i32 to vector<16xi32>
        %mul3A_527 = arith.mulf %gather3A_335, %exp3A_203 : vector<16xf32>
        tpu.vector_store_idx %arg12[%add3A_163, %broadcast_in_dim3A_526], %mul3A_527 : memref<128x80xf32, #tpu.memory_space<vmem>>[vector<16xi32>, vector<16xi32>], vector<16xf32>,
        %broadcast_in_dim3A_528 = arith.constant 19 : i32
        %broadcast_in_dim3A_529 = vector.broadcast %broadcast_in_dim3A_528 : i32 to vector<16xi32>
        %mul3A_530 = arith.mulf %gather3A_338, %exp3A_203 : vector<16xf32>
        tpu.vector_store_idx %arg12[%add3A_163, %broadcast_in_dim3A_529], %mul3A_530 : memref<128x80xf32, #tpu.memory_space<vmem>>[vector<16xi32>, vector<16xi32>], vector<16xf32>,
        %broadcast_in_dim3A_531 = arith.constant 20 : i32
        %broadcast_in_dim3A_532 = vector.broadcast %broadcast_in_dim3A_531 : i32 to vector<16xi32>
        %mul3A_533 = arith.mulf %gather3A_341, %exp3A_203 : vector<16xf32>
        tpu.vector_store_idx %arg12[%add3A_163, %broadcast_in_dim3A_532], %mul3A_533 : memref<128x80xf32, #tpu.memory_space<vmem>>[vector<16xi32>, vector<16xi32>], vector<16xf32>,
        %broadcast_in_dim3A_534 = arith.constant 21 : i32
        %broadcast_in_dim3A_535 = vector.broadcast %broadcast_in_dim3A_534 : i32 to vector<16xi32>
        %mul3A_536 = arith.mulf %gather3A_344, %exp3A_203 : vector<16xf32>
        tpu.vector_store_idx %arg12[%add3A_163, %broadcast_in_dim3A_535], %mul3A_536 : memref<128x80xf32, #tpu.memory_space<vmem>>[vector<16xi32>, vector<16xi32>], vector<16xf32>,
        %broadcast_in_dim3A_537 = arith.constant 22 : i32
        %broadcast_in_dim3A_538 = vector.broadcast %broadcast_in_dim3A_537 : i32 to vector<16xi32>
        %mul3A_539 = arith.mulf %gather3A_347, %exp3A_203 : vector<16xf32>
        tpu.vector_store_idx %arg12[%add3A_163, %broadcast_in_dim3A_538], %mul3A_539 : memref<128x80xf32, #tpu.memory_space<vmem>>[vector<16xi32>, vector<16xi32>], vector<16xf32>,
        %broadcast_in_dim3A_540 = arith.constant 23 : i32
        %broadcast_in_dim3A_541 = vector.broadcast %broadcast_in_dim3A_540 : i32 to vector<16xi32>
        %mul3A_542 = arith.mulf %gather3A_350, %exp3A_203 : vector<16xf32>
        tpu.vector_store_idx %arg12[%add3A_163, %broadcast_in_dim3A_541], %mul3A_542 : memref<128x80xf32, #tpu.memory_space<vmem>>[vector<16xi32>, vector<16xi32>], vector<16xf32>,
        %broadcast_in_dim3A_543 = arith.constant 24 : i32
        %broadcast_in_dim3A_544 = vector.broadcast %broadcast_in_dim3A_543 : i32 to vector<16xi32>
        %mul3A_545 = arith.mulf %gather3A_353, %exp3A_218 : vector<16xf32>
        tpu.vector_store_idx %arg12[%add3A_163, %broadcast_in_dim3A_544], %mul3A_545 : memref<128x80xf32, #tpu.memory_space<vmem>>[vector<16xi32>, vector<16xi32>], vector<16xf32>,
        %broadcast_in_dim3A_546 = arith.constant 25 : i32
        %broadcast_in_dim3A_547 = vector.broadcast %broadcast_in_dim3A_546 : i32 to vector<16xi32>
        %mul3A_548 = arith.mulf %gather3A_356, %exp3A_218 : vector<16xf32>
        tpu.vector_store_idx %arg12[%add3A_163, %broadcast_in_dim3A_547], %mul3A_548 : memref<128x80xf32, #tpu.memory_space<vmem>>[vector<16xi32>, vector<16xi32>], vector<16xf32>,
        %broadcast_in_dim3A_549 = arith.constant 26 : i32
        %broadcast_in_dim3A_550 = vector.broadcast %broadcast_in_dim3A_549 : i32 to vector<16xi32>
        %mul3A_551 = arith.mulf %gather3A_359, %exp3A_218 : vector<16xf32>
        tpu.vector_store_idx %arg12[%add3A_163, %broadcast_in_dim3A_550], %mul3A_551 : memref<128x80xf32, #tpu.memory_space<vmem>>[vector<16xi32>, vector<16xi32>], vector<16xf32>,
        %broadcast_in_dim3A_552 = arith.constant 27 : i32
        %broadcast_in_dim3A_553 = vector.broadcast %broadcast_in_dim3A_552 : i32 to vector<16xi32>
        %mul3A_554 = arith.mulf %gather3A_362, %exp3A_218 : vector<16xf32>
        tpu.vector_store_idx %arg12[%add3A_163, %broadcast_in_dim3A_553], %mul3A_554 : memref<128x80xf32, #tpu.memory_space<vmem>>[vector<16xi32>, vector<16xi32>], vector<16xf32>,
        %broadcast_in_dim3A_555 = arith.constant 28 : i32
        %broadcast_in_dim3A_556 = vector.broadcast %broadcast_in_dim3A_555 : i32 to vector<16xi32>
        %mul3A_557 = arith.mulf %gather3A_365, %exp3A_218 : vector<16xf32>
        tpu.vector_store_idx %arg12[%add3A_163, %broadcast_in_dim3A_556], %mul3A_557 : memref<128x80xf32, #tpu.memory_space<vmem>>[vector<16xi32>, vector<16xi32>], vector<16xf32>,
        %broadcast_in_dim3A_558 = arith.constant 29 : i32
        %broadcast_in_dim3A_559 = vector.broadcast %broadcast_in_dim3A_558 : i32 to vector<16xi32>
        %mul3A_560 = arith.mulf %gather3A_368, %exp3A_218 : vector<16xf32>
        tpu.vector_store_idx %arg12[%add3A_163, %broadcast_in_dim3A_559], %mul3A_560 : memref<128x80xf32, #tpu.memory_space<vmem>>[vector<16xi32>, vector<16xi32>], vector<16xf32>,
        %broadcast_in_dim3A_561 = arith.constant 30 : i32
        %broadcast_in_dim3A_562 = vector.broadcast %broadcast_in_dim3A_561 : i32 to vector<16xi32>
        %mul3A_563 = arith.mulf %gather3A_371, %exp3A_218 : vector<16xf32>
        tpu.vector_store_idx %arg12[%add3A_163, %broadcast_in_dim3A_562], %mul3A_563 : memref<128x80xf32, #tpu.memory_space<vmem>>[vector<16xi32>, vector<16xi32>], vector<16xf32>,
        %broadcast_in_dim3A_564 = arith.constant 31 : i32
        %broadcast_in_dim3A_565 = vector.broadcast %broadcast_in_dim3A_564 : i32 to vector<16xi32>
        %mul3A_566 = arith.mulf %gather3A_374, %exp3A_218 : vector<16xf32>
        tpu.vector_store_idx %arg12[%add3A_163, %broadcast_in_dim3A_565], %mul3A_566 : memref<128x80xf32, #tpu.memory_space<vmem>>[vector<16xi32>, vector<16xi32>], vector<16xf32>,
        %broadcast_in_dim3A_567 = arith.constant 32 : i32
        %broadcast_in_dim3A_568 = vector.broadcast %broadcast_in_dim3A_567 : i32 to vector<16xi32>
        %mul3A_569 = arith.mulf %gather3A_377, %exp3A_233 : vector<16xf32>
        tpu.vector_store_idx %arg12[%add3A_163, %broadcast_in_dim3A_568], %mul3A_569 : memref<128x80xf32, #tpu.memory_space<vmem>>[vector<16xi32>, vector<16xi32>], vector<16xf32>,
        %broadcast_in_dim3A_570 = arith.constant 33 : i32
        %broadcast_in_dim3A_571 = vector.broadcast %broadcast_in_dim3A_570 : i32 to vector<16xi32>
        %mul3A_572 = arith.mulf %gather3A_380, %exp3A_233 : vector<16xf32>
        tpu.vector_store_idx %arg12[%add3A_163, %broadcast_in_dim3A_571], %mul3A_572 : memref<128x80xf32, #tpu.memory_space<vmem>>[vector<16xi32>, vector<16xi32>], vector<16xf32>,
        %broadcast_in_dim3A_573 = arith.constant 34 : i32
        %broadcast_in_dim3A_574 = vector.broadcast %broadcast_in_dim3A_573 : i32 to vector<16xi32>
        %mul3A_575 = arith.mulf %gather3A_383, %exp3A_233 : vector<16xf32>
        tpu.vector_store_idx %arg12[%add3A_163, %broadcast_in_dim3A_574], %mul3A_575 : memref<128x80xf32, #tpu.memory_space<vmem>>[vector<16xi32>, vector<16xi32>], vector<16xf32>,
        %broadcast_in_dim3A_576 = arith.constant 35 : i32
        %broadcast_in_dim3A_577 = vector.broadcast %broadcast_in_dim3A_576 : i32 to vector<16xi32>
        %mul3A_578 = arith.mulf %gather3A_386, %exp3A_233 : vector<16xf32>
        tpu.vector_store_idx %arg12[%add3A_163, %broadcast_in_dim3A_577], %mul3A_578 : memref<128x80xf32, #tpu.memory_space<vmem>>[vector<16xi32>, vector<16xi32>], vector<16xf32>,
        %broadcast_in_dim3A_579 = arith.constant 36 : i32
        %broadcast_in_dim3A_580 = vector.broadcast %broadcast_in_dim3A_579 : i32 to vector<16xi32>
        %mul3A_581 = arith.mulf %gather3A_389, %exp3A_233 : vector<16xf32>
        tpu.vector_store_idx %arg12[%add3A_163, %broadcast_in_dim3A_580], %mul3A_581 : memref<128x80xf32, #tpu.memory_space<vmem>>[vector<16xi32>, vector<16xi32>], vector<16xf32>,
        %broadcast_in_dim3A_582 = arith.constant 37 : i32
        %broadcast_in_dim3A_583 = vector.broadcast %broadcast_in_dim3A_582 : i32 to vector<16xi32>
        %mul3A_584 = arith.mulf %gather3A_392, %exp3A_233 : vector<16xf32>
        tpu.vector_store_idx %arg12[%add3A_163, %broadcast_in_dim3A_583], %mul3A_584 : memref<128x80xf32, #tpu.memory_space<vmem>>[vector<16xi32>, vector<16xi32>], vector<16xf32>,
        %broadcast_in_dim3A_585 = arith.constant 38 : i32
        %broadcast_in_dim3A_586 = vector.broadcast %broadcast_in_dim3A_585 : i32 to vector<16xi32>
        %mul3A_587 = arith.mulf %gather3A_395, %exp3A_233 : vector<16xf32>
        tpu.vector_store_idx %arg12[%add3A_163, %broadcast_in_dim3A_586], %mul3A_587 : memref<128x80xf32, #tpu.memory_space<vmem>>[vector<16xi32>, vector<16xi32>], vector<16xf32>,
        %broadcast_in_dim3A_588 = arith.constant 39 : i32
        %broadcast_in_dim3A_589 = vector.broadcast %broadcast_in_dim3A_588 : i32 to vector<16xi32>
        %mul3A_590 = arith.mulf %gather3A_398, %exp3A_233 : vector<16xf32>
        tpu.vector_store_idx %arg12[%add3A_163, %broadcast_in_dim3A_589], %mul3A_590 : memref<128x80xf32, #tpu.memory_space<vmem>>[vector<16xi32>, vector<16xi32>], vector<16xf32>,
        %broadcast_in_dim3A_591 = arith.constant 40 : i32
        %broadcast_in_dim3A_592 = vector.broadcast %broadcast_in_dim3A_591 : i32 to vector<16xi32>
        %mul3A_593 = arith.mulf %gather3A_401, %exp3A_248 : vector<16xf32>
        tpu.vector_store_idx %arg12[%add3A_163, %broadcast_in_dim3A_592], %mul3A_593 : memref<128x80xf32, #tpu.memory_space<vmem>>[vector<16xi32>, vector<16xi32>], vector<16xf32>,
        %broadcast_in_dim3A_594 = arith.constant 41 : i32
        %broadcast_in_dim3A_595 = vector.broadcast %broadcast_in_dim3A_594 : i32 to vector<16xi32>
        %mul3A_596 = arith.mulf %gather3A_404, %exp3A_248 : vector<16xf32>
        tpu.vector_store_idx %arg12[%add3A_163, %broadcast_in_dim3A_595], %mul3A_596 : memref<128x80xf32, #tpu.memory_space<vmem>>[vector<16xi32>, vector<16xi32>], vector<16xf32>,
        %broadcast_in_dim3A_597 = arith.constant 42 : i32
        %broadcast_in_dim3A_598 = vector.broadcast %broadcast_in_dim3A_597 : i32 to vector<16xi32>
        %mul3A_599 = arith.mulf %gather3A_407, %exp3A_248 : vector<16xf32>
        tpu.vector_store_idx %arg12[%add3A_163, %broadcast_in_dim3A_598], %mul3A_599 : memref<128x80xf32, #tpu.memory_space<vmem>>[vector<16xi32>, vector<16xi32>], vector<16xf32>,
        %broadcast_in_dim3A_600 = arith.constant 43 : i32
        %broadcast_in_dim3A_601 = vector.broadcast %broadcast_in_dim3A_600 : i32 to vector<16xi32>
        %mul3A_602 = arith.mulf %gather3A_410, %exp3A_248 : vector<16xf32>
        tpu.vector_store_idx %arg12[%add3A_163, %broadcast_in_dim3A_601], %mul3A_602 : memref<128x80xf32, #tpu.memory_space<vmem>>[vector<16xi32>, vector<16xi32>], vector<16xf32>,
        %broadcast_in_dim3A_603 = arith.constant 44 : i32
        %broadcast_in_dim3A_604 = vector.broadcast %broadcast_in_dim3A_603 : i32 to vector<16xi32>
        %mul3A_605 = arith.mulf %gather3A_413, %exp3A_248 : vector<16xf32>
        tpu.vector_store_idx %arg12[%add3A_163, %broadcast_in_dim3A_604], %mul3A_605 : memref<128x80xf32, #tpu.memory_space<vmem>>[vector<16xi32>, vector<16xi32>], vector<16xf32>,
        %broadcast_in_dim3A_606 = arith.constant 45 : i32
        %broadcast_in_dim3A_607 = vector.broadcast %broadcast_in_dim3A_606 : i32 to vector<16xi32>
        %mul3A_608 = arith.mulf %gather3A_416, %exp3A_248 : vector<16xf32>
        tpu.vector_store_idx %arg12[%add3A_163, %broadcast_in_dim3A_607], %mul3A_608 : memref<128x80xf32, #tpu.memory_space<vmem>>[vector<16xi32>, vector<16xi32>], vector<16xf32>,
        %broadcast_in_dim3A_609 = arith.constant 46 : i32
        %broadcast_in_dim3A_610 = vector.broadcast %broadcast_in_dim3A_609 : i32 to vector<16xi32>
        %mul3A_611 = arith.mulf %gather3A_419, %exp3A_248 : vector<16xf32>
        tpu.vector_store_idx %arg12[%add3A_163, %broadcast_in_dim3A_610], %mul3A_611 : memref<128x80xf32, #tpu.memory_space<vmem>>[vector<16xi32>, vector<16xi32>], vector<16xf32>,
        %broadcast_in_dim3A_612 = arith.constant 47 : i32
        %broadcast_in_dim3A_613 = vector.broadcast %broadcast_in_dim3A_612 : i32 to vector<16xi32>
        %mul3A_614 = arith.mulf %gather3A_422, %exp3A_248 : vector<16xf32>
        tpu.vector_store_idx %arg12[%add3A_163, %broadcast_in_dim3A_613], %mul3A_614 : memref<128x80xf32, #tpu.memory_space<vmem>>[vector<16xi32>, vector<16xi32>], vector<16xf32>,
        %broadcast_in_dim3A_615 = arith.constant 48 : i32
        %broadcast_in_dim3A_616 = vector.broadcast %broadcast_in_dim3A_615 : i32 to vector<16xi32>
        %mul3A_617 = arith.mulf %gather3A_425, %exp3A_263 : vector<16xf32>
        tpu.vector_store_idx %arg12[%add3A_163, %broadcast_in_dim3A_616], %mul3A_617 : memref<128x80xf32, #tpu.memory_space<vmem>>[vector<16xi32>, vector<16xi32>], vector<16xf32>,
        %broadcast_in_dim3A_618 = arith.constant 49 : i32
        %broadcast_in_dim3A_619 = vector.broadcast %broadcast_in_dim3A_618 : i32 to vector<16xi32>
        %mul3A_620 = arith.mulf %gather3A_428, %exp3A_263 : vector<16xf32>
        tpu.vector_store_idx %arg12[%add3A_163, %broadcast_in_dim3A_619], %mul3A_620 : memref<128x80xf32, #tpu.memory_space<vmem>>[vector<16xi32>, vector<16xi32>], vector<16xf32>,
        %broadcast_in_dim3A_621 = arith.constant 50 : i32
        %broadcast_in_dim3A_622 = vector.broadcast %broadcast_in_dim3A_621 : i32 to vector<16xi32>
        %mul3A_623 = arith.mulf %gather3A_431, %exp3A_263 : vector<16xf32>
        tpu.vector_store_idx %arg12[%add3A_163, %broadcast_in_dim3A_622], %mul3A_623 : memref<128x80xf32, #tpu.memory_space<vmem>>[vector<16xi32>, vector<16xi32>], vector<16xf32>,
        %broadcast_in_dim3A_624 = arith.constant 51 : i32
        %broadcast_in_dim3A_625 = vector.broadcast %broadcast_in_dim3A_624 : i32 to vector<16xi32>
        %mul3A_626 = arith.mulf %gather3A_434, %exp3A_263 : vector<16xf32>
        tpu.vector_store_idx %arg12[%add3A_163, %broadcast_in_dim3A_625], %mul3A_626 : memref<128x80xf32, #tpu.memory_space<vmem>>[vector<16xi32>, vector<16xi32>], vector<16xf32>,
        %broadcast_in_dim3A_627 = arith.constant 52 : i32
        %broadcast_in_dim3A_628 = vector.broadcast %broadcast_in_dim3A_627 : i32 to vector<16xi32>
        %mul3A_629 = arith.mulf %gather3A_437, %exp3A_263 : vector<16xf32>
        tpu.vector_store_idx %arg12[%add3A_163, %broadcast_in_dim3A_628], %mul3A_629 : memref<128x80xf32, #tpu.memory_space<vmem>>[vector<16xi32>, vector<16xi32>], vector<16xf32>,
        %broadcast_in_dim3A_630 = arith.constant 53 : i32
        %broadcast_in_dim3A_631 = vector.broadcast %broadcast_in_dim3A_630 : i32 to vector<16xi32>
        %mul3A_632 = arith.mulf %gather3A_440, %exp3A_263 : vector<16xf32>
        tpu.vector_store_idx %arg12[%add3A_163, %broadcast_in_dim3A_631], %mul3A_632 : memref<128x80xf32, #tpu.memory_space<vmem>>[vector<16xi32>, vector<16xi32>], vector<16xf32>,
        %broadcast_in_dim3A_633 = arith.constant 54 : i32
        %broadcast_in_dim3A_634 = vector.broadcast %broadcast_in_dim3A_633 : i32 to vector<16xi32>
        %mul3A_635 = arith.mulf %gather3A_443, %exp3A_263 : vector<16xf32>
        tpu.vector_store_idx %arg12[%add3A_163, %broadcast_in_dim3A_634], %mul3A_635 : memref<128x80xf32, #tpu.memory_space<vmem>>[vector<16xi32>, vector<16xi32>], vector<16xf32>,
        %broadcast_in_dim3A_636 = arith.constant 55 : i32
        %broadcast_in_dim3A_637 = vector.broadcast %broadcast_in_dim3A_636 : i32 to vector<16xi32>
        %mul3A_638 = arith.mulf %gather3A_446, %exp3A_263 : vector<16xf32>
        tpu.vector_store_idx %arg12[%add3A_163, %broadcast_in_dim3A_637], %mul3A_638 : memref<128x80xf32, #tpu.memory_space<vmem>>[vector<16xi32>, vector<16xi32>], vector<16xf32>,
        %broadcast_in_dim3A_639 = arith.constant 56 : i32
        %broadcast_in_dim3A_640 = vector.broadcast %broadcast_in_dim3A_639 : i32 to vector<16xi32>
        %mul3A_641 = arith.mulf %gather3A_449, %exp3A_278 : vector<16xf32>
        tpu.vector_store_idx %arg12[%add3A_163, %broadcast_in_dim3A_640], %mul3A_641 : memref<128x80xf32, #tpu.memory_space<vmem>>[vector<16xi32>, vector<16xi32>], vector<16xf32>,
        %broadcast_in_dim3A_642 = arith.constant 57 : i32
        %broadcast_in_dim3A_643 = vector.broadcast %broadcast_in_dim3A_642 : i32 to vector<16xi32>
        %mul3A_644 = arith.mulf %gather3A_452, %exp3A_278 : vector<16xf32>
        tpu.vector_store_idx %arg12[%add3A_163, %broadcast_in_dim3A_643], %mul3A_644 : memref<128x80xf32, #tpu.memory_space<vmem>>[vector<16xi32>, vector<16xi32>], vector<16xf32>,
        %broadcast_in_dim3A_645 = arith.constant 58 : i32
        %broadcast_in_dim3A_646 = vector.broadcast %broadcast_in_dim3A_645 : i32 to vector<16xi32>
        %mul3A_647 = arith.mulf %gather3A_455, %exp3A_278 : vector<16xf32>
        tpu.vector_store_idx %arg12[%add3A_163, %broadcast_in_dim3A_646], %mul3A_647 : memref<128x80xf32, #tpu.memory_space<vmem>>[vector<16xi32>, vector<16xi32>], vector<16xf32>,
        %broadcast_in_dim3A_648 = arith.constant 59 : i32
        %broadcast_in_dim3A_649 = vector.broadcast %broadcast_in_dim3A_648 : i32 to vector<16xi32>
        %mul3A_650 = arith.mulf %gather3A_458, %exp3A_278 : vector<16xf32>
        tpu.vector_store_idx %arg12[%add3A_163, %broadcast_in_dim3A_649], %mul3A_650 : memref<128x80xf32, #tpu.memory_space<vmem>>[vector<16xi32>, vector<16xi32>], vector<16xf32>,
        %broadcast_in_dim3A_651 = arith.constant 60 : i32
        %broadcast_in_dim3A_652 = vector.broadcast %broadcast_in_dim3A_651 : i32 to vector<16xi32>
        %mul3A_653 = arith.mulf %gather3A_461, %exp3A_278 : vector<16xf32>
        tpu.vector_store_idx %arg12[%add3A_163, %broadcast_in_dim3A_652], %mul3A_653 : memref<128x80xf32, #tpu.memory_space<vmem>>[vector<16xi32>, vector<16xi32>], vector<16xf32>,
        %broadcast_in_dim3A_654 = arith.constant 61 : i32
        %broadcast_in_dim3A_655 = vector.broadcast %broadcast_in_dim3A_654 : i32 to vector<16xi32>
        %mul3A_656 = arith.mulf %gather3A_464, %exp3A_278 : vector<16xf32>
        tpu.vector_store_idx %arg12[%add3A_163, %broadcast_in_dim3A_655], %mul3A_656 : memref<128x80xf32, #tpu.memory_space<vmem>>[vector<16xi32>, vector<16xi32>], vector<16xf32>,
        %broadcast_in_dim3A_657 = arith.constant 62 : i32
        %broadcast_in_dim3A_658 = vector.broadcast %broadcast_in_dim3A_657 : i32 to vector<16xi32>
        %mul3A_659 = arith.mulf %gather3A_467, %exp3A_278 : vector<16xf32>
        tpu.vector_store_idx %arg12[%add3A_163, %broadcast_in_dim3A_658], %mul3A_659 : memref<128x80xf32, #tpu.memory_space<vmem>>[vector<16xi32>, vector<16xi32>], vector<16xf32>,
        %broadcast_in_dim3A_660 = arith.constant 63 : i32
        %broadcast_in_dim3A_661 = vector.broadcast %broadcast_in_dim3A_660 : i32 to vector<16xi32>
        %mul3A_662 = arith.mulf %gather3A_470, %exp3A_278 : vector<16xf32>
        tpu.vector_store_idx %arg12[%add3A_163, %broadcast_in_dim3A_661], %mul3A_662 : memref<128x80xf32, #tpu.memory_space<vmem>>[vector<16xi32>, vector<16xi32>], vector<16xf32>,
        %broadcast_in_dim3A_663 = arith.constant 64 : i32
        %broadcast_in_dim3A_664 = vector.broadcast %broadcast_in_dim3A_663 : i32 to vector<16xi32>
        tpu.vector_store_idx %arg12[%add3A_163, %broadcast_in_dim3A_664], %exp3A : memref<128x80xf32, #tpu.memory_space<vmem>>[vector<16xi32>, vector<16xi32>], vector<16xf32>,
        %broadcast_in_dim3A_665 = arith.constant 65 : i32
        %broadcast_in_dim3A_666 = vector.broadcast %broadcast_in_dim3A_665 : i32 to vector<16xi32>
        tpu.vector_store_idx %arg12[%add3A_163, %broadcast_in_dim3A_666], %exp3A_188 : memref<128x80xf32, #tpu.memory_space<vmem>>[vector<16xi32>, vector<16xi32>], vector<16xf32>,
        %broadcast_in_dim3A_667 = arith.constant 66 : i32
        %broadcast_in_dim3A_668 = vector.broadcast %broadcast_in_dim3A_667 : i32 to vector<16xi32>
        tpu.vector_store_idx %arg12[%add3A_163, %broadcast_in_dim3A_668], %exp3A_203 : memref<128x80xf32, #tpu.memory_space<vmem>>[vector<16xi32>, vector<16xi32>], vector<16xf32>,
        %broadcast_in_dim3A_669 = arith.constant 67 : i32
        %broadcast_in_dim3A_670 = vector.broadcast %broadcast_in_dim3A_669 : i32 to vector<16xi32>
        tpu.vector_store_idx %arg12[%add3A_163, %broadcast_in_dim3A_670], %exp3A_218 : memref<128x80xf32, #tpu.memory_space<vmem>>[vector<16xi32>, vector<16xi32>], vector<16xf32>,
        %broadcast_in_dim3A_671 = arith.constant 68 : i32
        %broadcast_in_dim3A_672 = vector.broadcast %broadcast_in_dim3A_671 : i32 to vector<16xi32>
        tpu.vector_store_idx %arg12[%add3A_163, %broadcast_in_dim3A_672], %exp3A_233 : memref<128x80xf32, #tpu.memory_space<vmem>>[vector<16xi32>, vector<16xi32>], vector<16xf32>,
        %broadcast_in_dim3A_673 = arith.constant 69 : i32
        %broadcast_in_dim3A_674 = vector.broadcast %broadcast_in_dim3A_673 : i32 to vector<16xi32>
        tpu.vector_store_idx %arg12[%add3A_163, %broadcast_in_dim3A_674], %exp3A_248 : memref<128x80xf32, #tpu.memory_space<vmem>>[vector<16xi32>, vector<16xi32>], vector<16xf32>,
        %broadcast_in_dim3A_675 = arith.constant 70 : i32
        %broadcast_in_dim3A_676 = vector.broadcast %broadcast_in_dim3A_675 : i32 to vector<16xi32>
        tpu.vector_store_idx %arg12[%add3A_163, %broadcast_in_dim3A_676], %exp3A_263 : memref<128x80xf32, #tpu.memory_space<vmem>>[vector<16xi32>, vector<16xi32>], vector<16xf32>,
        %broadcast_in_dim3A_677 = arith.constant 71 : i32
        %broadcast_in_dim3A_678 = vector.broadcast %broadcast_in_dim3A_677 : i32 to vector<16xi32>
        tpu.vector_store_idx %arg12[%add3A_163, %broadcast_in_dim3A_678], %exp3A_278 : memref<128x80xf32, #tpu.memory_space<vmem>>[vector<16xi32>, vector<16xi32>], vector<16xf32>,
      }
      %scan3A_145 = arith.constant 8 : i32
      %dma_start3A_146 = arith.constant 0 : i32
      %dma_start3A_147 = tpu.memref_slice %arg9[%add3A_127, %dma_start3A_146] : memref<81x128xi32, #tpu.memory_space<vmem>> -> memref<1x128xi32, #tpu.memory_space<vmem>>
      %dma_start3A_148 = tpu.memref_squeeze %dma_start3A_147 : memref<1x128xi32, #tpu.memory_space<vmem>> -> memref<128xi32, #tpu.memory_space<vmem>>
      %dma_start3A_149 = arith.constant 0 : i32
      %dma_start3A_150 = arith.constant 0 : i32
      %dma_start3A_151 = tpu.memref_slice %arg16[%dma_start3A_149, %dma_start3A_150] : memref<10112x80xf32, #tpu.memory_space<vmem_shared>> -> memref<10112x80xf32, #tpu.memory_space<vmem_shared>>
      tpu.enqueue_indirect_dma source(%arg12 : memref<128x80xf32, #tpu.memory_space<vmem>>) target(%dma_start3A_151 : memref<10112x80xf32, #tpu.memory_space<vmem_shared>>) offsets(%dma_start3A_148 : memref<128xi32, #tpu.memory_space<vmem>>) semaphore(%arg25 : memref<!tpu.dma_semaphore, #tpu.memory_space<semaphore_mem>>) {add = true}
      %add3A_152 = arith.constant 2 : i32
      %add3A_153 = arith.addi %add3A_127, %add3A_152 : i32
      %lt3A_154 = arith.constant 81 : i32
      %lt3A_155 = arith.cmpi slt, %add3A_153, %lt3A_154 : i32
      %convert_element_type3A_156 = arith.extui %lt3A_155 : i1 to i32
      %cond3A_157 = arith.constant 0 : i32
      %cond3A_158 = arith.cmpi ne, %convert_element_type3A_156, %cond3A_157 : i32
      scf.if %cond3A_158 {
        %ge3A = arith.constant 1 : i32
        %ge3A_159 = arith.cmpi sge, %add3A_127, %ge3A : i32
        %convert_element_type3A_160 = arith.extui %ge3A_159 : i1 to i32
        %cond3A_161 = arith.constant 0 : i32
        %cond3A_162 = arith.cmpi ne, %convert_element_type3A_160, %cond3A_161 : i32
        scf.if %cond3A_162 {
          %sub3A = arith.constant 1 : i32
          %sub3A_177 = arith.subi %add3A_127, %sub3A : i32
          %dma_wait3A_178 = arith.constant 0 : i32
          %dma_wait3A_179 = tpu.memref_slice %arg9[%sub3A_177, %dma_wait3A_178] : memref<81x128xi32, #tpu.memory_space<vmem>> -> memref<1x128xi32, #tpu.memory_space<vmem>>
          %dma_wait3A_180 = tpu.memref_squeeze %dma_wait3A_179 : memref<1x128xi32, #tpu.memory_space<vmem>> -> memref<128xi32, #tpu.memory_space<vmem>>
          %dma_wait3A_181 = arith.constant 0 : i32
          %dma_wait3A_182 = arith.constant 0 : i32
          %dma_wait3A_183 = tpu.memref_slice %arg16[%dma_wait3A_181, %dma_wait3A_182] : memref<10112x80xf32, #tpu.memory_space<vmem_shared>> -> memref<10112x80xf32, #tpu.memory_space<vmem_shared>>
          tpu.wait_indirect_dma semaphore(%arg24 : memref<!tpu.dma_semaphore, #tpu.memory_space<semaphore_mem>>) src(%arg11 : memref<128x80xf32, #tpu.memory_space<vmem>>) dst(%dma_wait3A_183 : memref<10112x80xf32, #tpu.memory_space<vmem_shared>>)
        } else {
        }
        %add3A_163 = arith.constant 2 : i32
        %add3A_164 = arith.addi %add3A_127, %add3A_163 : i32
        %dma_start3A_165 = arith.constant 0 : i32
        %dma_start3A_166 = tpu.memref_slice %arg8[%add3A_164, %dma_start3A_165] : memref<81x128xi32, #tpu.memory_space<vmem>> -> memref<1x128xi32, #tpu.memory_space<vmem>>
        %dma_start3A_167 = tpu.memref_squeeze %dma_start3A_166 : memref<1x128xi32, #tpu.memory_space<vmem>> -> memref<128xi32, #tpu.memory_space<vmem>>
        %dma_start3A_168 = arith.constant 0 : i32
        %dma_start3A_169 = arith.constant 0 : i32
        %dma_start3A_170 = tpu.memref_slice %arg4[%dma_start3A_168, %dma_start3A_169] : memref<10112x80xf32, #tpu.memory_space<hbm>> -> memref<10112x80xf32, #tpu.memory_space<hbm>>
        tpu.enqueue_indirect_dma source(%dma_start3A_170 : memref<10112x80xf32, #tpu.memory_space<hbm>>) target(%arg11 : memref<128x80xf32, #tpu.memory_space<vmem>>) offsets(%dma_start3A_167 : memref<128xi32, #tpu.memory_space<vmem>>) semaphore(%arg18 : memref<!tpu.dma_semaphore, #tpu.memory_space<semaphore_mem>>)
        %dma_start3A_171 = arith.constant 0 : i32
        %dma_start3A_172 = tpu.memref_slice %arg9[%add3A_164, %dma_start3A_171] : memref<81x128xi32, #tpu.memory_space<vmem>> -> memref<1x128xi32, #tpu.memory_space<vmem>>
        %dma_start3A_173 = tpu.memref_squeeze %dma_start3A_172 : memref<1x128xi32, #tpu.memory_space<vmem>> -> memref<128xi32, #tpu.memory_space<vmem>>
        %dma_start3A_174 = arith.constant 0 : i32
        %dma_start3A_175 = arith.constant 0 : i32
        %dma_start3A_176 = tpu.memref_slice %arg5[%dma_start3A_174, %dma_start3A_175] : memref<10112x16xf32, #tpu.memory_space<hbm>> -> memref<10112x16xf32, #tpu.memory_space<hbm>>
        tpu.enqueue_indirect_dma source(%dma_start3A_176 : memref<10112x16xf32, #tpu.memory_space<hbm>>) target(%arg14 : memref<128x16xf32, #tpu.memory_space<vmem>>) offsets(%dma_start3A_173 : memref<128xi32, #tpu.memory_space<vmem>>) semaphore(%arg21 : memref<!tpu.dma_semaphore, #tpu.memory_space<semaphore_mem>>)
      } else {
      }
    }
    %scan3A_34 = arith.constant 27 : i32
    %dma_wait3A = arith.constant 78 : i32
    %dma_wait3A_35 = arith.constant 0 : i32
    %dma_wait3A_36 = tpu.memref_slice %arg9[%dma_wait3A, %dma_wait3A_35] : memref<81x128xi32, #tpu.memory_space<vmem>> -> memref<1x128xi32, #tpu.memory_space<vmem>>
    %dma_wait3A_37 = tpu.memref_squeeze %dma_wait3A_36 : memref<1x128xi32, #tpu.memory_space<vmem>> -> memref<128xi32, #tpu.memory_space<vmem>>
    %dma_wait3A_38 = arith.constant 0 : i32
    %dma_wait3A_39 = arith.constant 0 : i32
    %dma_wait3A_40 = tpu.memref_slice %arg16[%dma_wait3A_38, %dma_wait3A_39] : memref<10112x80xf32, #tpu.memory_space<vmem_shared>> -> memref<10112x80xf32, #tpu.memory_space<vmem_shared>>
    tpu.wait_indirect_dma semaphore(%arg23 : memref<!tpu.dma_semaphore, #tpu.memory_space<semaphore_mem>>) src(%arg10 : memref<128x80xf32, #tpu.memory_space<vmem>>) dst(%dma_wait3A_40 : memref<10112x80xf32, #tpu.memory_space<vmem_shared>>)
    %dma_wait3A_41 = arith.constant 79 : i32
    %dma_wait3A_42 = arith.constant 0 : i32
    %dma_wait3A_43 = tpu.memref_slice %arg9[%dma_wait3A_41, %dma_wait3A_42] : memref<81x128xi32, #tpu.memory_space<vmem>> -> memref<1x128xi32, #tpu.memory_space<vmem>>
    %dma_wait3A_44 = tpu.memref_squeeze %dma_wait3A_43 : memref<1x128xi32, #tpu.memory_space<vmem>> -> memref<128xi32, #tpu.memory_space<vmem>>
    %dma_wait3A_45 = arith.constant 0 : i32
    %dma_wait3A_46 = arith.constant 0 : i32
    %dma_wait3A_47 = tpu.memref_slice %arg16[%dma_wait3A_45, %dma_wait3A_46] : memref<10112x80xf32, #tpu.memory_space<vmem_shared>> -> memref<10112x80xf32, #tpu.memory_space<vmem_shared>>
    tpu.wait_indirect_dma semaphore(%arg24 : memref<!tpu.dma_semaphore, #tpu.memory_space<semaphore_mem>>) src(%arg11 : memref<128x80xf32, #tpu.memory_space<vmem>>) dst(%dma_wait3A_47 : memref<10112x80xf32, #tpu.memory_space<vmem_shared>>)
    %dma_wait3A_48 = arith.constant 80 : i32
    %dma_wait3A_49 = arith.constant 0 : i32
    %dma_wait3A_50 = tpu.memref_slice %arg9[%dma_wait3A_48, %dma_wait3A_49] : memref<81x128xi32, #tpu.memory_space<vmem>> -> memref<1x128xi32, #tpu.memory_space<vmem>>
    %dma_wait3A_51 = tpu.memref_squeeze %dma_wait3A_50 : memref<1x128xi32, #tpu.memory_space<vmem>> -> memref<128xi32, #tpu.memory_space<vmem>>
    %dma_wait3A_52 = arith.constant 0 : i32
    %dma_wait3A_53 = arith.constant 0 : i32
    %dma_wait3A_54 = tpu.memref_slice %arg16[%dma_wait3A_52, %dma_wait3A_53] : memref<10112x80xf32, #tpu.memory_space<vmem_shared>> -> memref<10112x80xf32, #tpu.memory_space<vmem_shared>>
    tpu.wait_indirect_dma semaphore(%arg25 : memref<!tpu.dma_semaphore, #tpu.memory_space<semaphore_mem>>) src(%arg12 : memref<128x80xf32, #tpu.memory_space<vmem>>) dst(%dma_wait3A_54 : memref<10112x80xf32, #tpu.memory_space<vmem_shared>>)
    %barrier3A_55 = arith.constant 0 : index
    tpu.barrier barrier_id(%barrier3A_55)
    %mul3A_56 = arith.constant 632 : i32
    %mul3A_57 = arith.muli %arg1, %mul3A_56 : i32
    %mul3A_58 = arith.constant 632 : i32
    %mul3A_59 = arith.muli %arg1, %mul3A_58 : i32
    "tpu.region"() ({
      %run_scoped3A = tpu.sem_alloc : memref<!tpu.dma_semaphore, #tpu.memory_space<semaphore_mem>>
      %dma_start3A_60 = arith.constant 0 : i32
      %dma_start3A_61 = tpu.memref_slice %arg7[%arg0, %mul3A_59, %dma_start3A_60] : memref<2x10112x80xf32, #tpu.memory_space<hbm>> -> memref<1x632x80xf32, #tpu.memory_space<hbm>>
      %dma_start3A_62 = tpu.memref_squeeze %dma_start3A_61 : memref<1x632x80xf32, #tpu.memory_space<hbm>> -> memref<632x80xf32, #tpu.memory_space<hbm>>
      %dma_start3A_63 = arith.constant 0 : i32
      %dma_start3A_64 = tpu.memref_slice %arg16[%mul3A_57, %dma_start3A_63] : memref<10112x80xf32, #tpu.memory_space<vmem_shared>> -> memref<632x80xf32, #tpu.memory_space<vmem_shared>>
      tpu.enqueue_dma source(%dma_start3A_64 : memref<632x80xf32, #tpu.memory_space<vmem_shared>>) target(%dma_start3A_62 : memref<632x80xf32, #tpu.memory_space<hbm>>) target_semaphore(%run_scoped3A : memref<!tpu.dma_semaphore, #tpu.memory_space<semaphore_mem>>)
      %dma_wait3A_65 = arith.constant 0 : i32
      %dma_wait3A_66 = tpu.memref_slice %arg7[%arg0, %mul3A_59, %dma_wait3A_65] : memref<2x10112x80xf32, #tpu.memory_space<hbm>> -> memref<1x632x80xf32, #tpu.memory_space<hbm>>
      %dma_wait3A_67 = tpu.memref_squeeze %dma_wait3A_66 : memref<1x632x80xf32, #tpu.memory_space<hbm>> -> memref<632x80xf32, #tpu.memory_space<hbm>>
      %dma_wait3A_68 = arith.constant 0 : i32
      %dma_wait3A_69 = tpu.memref_slice %arg16[%mul3A_57, %dma_wait3A_68] : memref<10112x80xf32, #tpu.memory_space<vmem_shared>> -> memref<632x80xf32, #tpu.memory_space<vmem_shared>>
      tpu.wait_dma2 semaphore(%run_scoped3A : memref<!tpu.dma_semaphore, #tpu.memory_space<semaphore_mem>>) src(%dma_wait3A_69 : memref<632x80xf32, #tpu.memory_space<vmem_shared>>) dst(%dma_wait3A_67 : memref<632x80xf32, #tpu.memory_space<hbm>>)
      tpu.yield
    }) : () -> ()
    return
  }
}

module attributes {stable_mosaic.version = 14 : i64} {
  func.func @_tblbuild_body(%arg0: i32, %arg1: memref<1024x1433xf32, #tpu.memory_space<vmem>>, %arg2: memref<1433x64xf32, #tpu.memory_space<vmem>>, %arg3: memref<64x80xf32, #tpu.memory_space<vmem>>, %arg4: memref<64x16xf32, #tpu.memory_space<vmem>>, %arg5: memref<1024x80xf32, #tpu.memory_space<vmem>>, %arg6: memref<1024x16xf32, #tpu.memory_space<vmem>>) attributes {dimension_semantics = [#tpu.dimension_semantics<arbitrary>], iteration_bounds = array<i64: 10>, scalar_prefetch = 0 : i64, scratch_operands = 0 : i64, tpu.core_type = #tpu.core_type<tc>, window_params = [{transform_indices = @transform_0, window_bounds = array<i64: 1024, 1433>}, {pipeline_mode = #tpu.pipeline_mode<synchronous>, transform_indices = @transform_1, window_bounds = array<i64: 1433, 64>}, {pipeline_mode = #tpu.pipeline_mode<synchronous>, transform_indices = @transform_2, window_bounds = array<i64: 64, 80>}, {pipeline_mode = #tpu.pipeline_mode<synchronous>, transform_indices = @transform_3, window_bounds = array<i64: 64, 16>}, {transform_indices = @transform_4, window_bounds = array<i64: 1024, 80>}, {transform_indices = @transform_5, window_bounds = array<i64: 1024, 16>}]} {
    %get3A = arith.constant 0 : index
    %get3A_0 = arith.constant 0 : index
    %get3A_1 = vector.load %arg1[%get3A, %get3A_0] : memref<1024x1433xf32, #tpu.memory_space<vmem>>, vector<1024x1433xf32>
    %get3A_2 = arith.constant 0 : index
    %get3A_3 = arith.constant 0 : index
    %get3A_4 = vector.load %arg2[%get3A_2, %get3A_3] : memref<1433x64xf32, #tpu.memory_space<vmem>>, vector<1433x64xf32>
    %dot_general3A = arith.constant dense<0.000000e+00> : vector<1024x64xf32>
    %dot_general3A_5 = tpu.matmul %get3A_1, %get3A_4, %dot_general3A {dimension_numbers = #tpu.dot_dimension_numbers<[1], [0], [0], [1], [0, 0, 1, 1], [], []>, transpose_lhs_hint = false} : vector<1024x1433xf32>, vector<1433x64xf32>, vector<1024x64xf32> -> vector<1024x64xf32>
    %get3A_6 = arith.constant 0 : index
    %get3A_7 = arith.constant 0 : index
    %get3A_8 = vector.load %arg3[%get3A_6, %get3A_7] : memref<64x80xf32, #tpu.memory_space<vmem>>, vector<64x80xf32>
    %dot_general3A_9 = arith.constant dense<0.000000e+00> : vector<1024x80xf32>
    %dot_general3A_10 = tpu.matmul %dot_general3A_5, %get3A_8, %dot_general3A_9 {dimension_numbers = #tpu.dot_dimension_numbers<[1], [0], [0], [1], [0, 0, 1, 1], [], []>, transpose_lhs_hint = false} : vector<1024x64xf32>, vector<64x80xf32>, vector<1024x80xf32> -> vector<1024x80xf32>
    %get3A_11 = arith.constant 0 : index
    %get3A_12 = arith.constant 0 : index
    %get3A_13 = vector.load %arg4[%get3A_11, %get3A_12] : memref<64x16xf32, #tpu.memory_space<vmem>>, vector<64x16xf32>
    %dot_general3A_14 = arith.constant dense<0.000000e+00> : vector<1024x16xf32>
    %dot_general3A_15 = tpu.matmul %dot_general3A_5, %get3A_13, %dot_general3A_14 {dimension_numbers = #tpu.dot_dimension_numbers<[1], [0], [0], [1], [0, 0, 1, 1], [], []>, transpose_lhs_hint = false} : vector<1024x64xf32>, vector<64x16xf32>, vector<1024x16xf32> -> vector<1024x16xf32>
    %mul3A = arith.constant 1024 : i32
    %mul3A_16 = arith.muli %arg0, %mul3A : i32
    %iota3A = tpu.iota {dimensions = array<i32: 0>} : vector<1024x1xi32>
    %add3A = vector.broadcast %mul3A_16 : i32 to vector<1024x1xi32>
    %add3A_17 = arith.addi %add3A, %iota3A : vector<1024x1xi32>
    %lt3A = arith.constant 10000 : i32
    %lt3A_18 = vector.broadcast %lt3A : i32 to vector<1024x1xi32>
    %lt3A_19 = arith.cmpi slt, %add3A_17, %lt3A_18 : vector<1024x1xi32>
    %jit3A = arith.constant 0.000000e+00 : f32
    %broadcast_in_dim3A = vector.shape_cast %lt3A_19 : vector<1024x1xi1> to vector<1024x1xi1>
    %broadcast_in_dim3A_20 = vector.broadcast %broadcast_in_dim3A : vector<1024x1xi1> to vector<1024x80xi1>
    %broadcast_in_dim3A_21 = vector.broadcast %jit3A : f32 to vector<1024x80xf32>
    %select_n3A = arith.select %broadcast_in_dim3A_20, %dot_general3A_10, %broadcast_in_dim3A_21 : vector<1024x80xi1>, vector<1024x80xf32>
    %swap3A = arith.constant 0 : index
    %swap3A_22 = arith.constant 0 : index
    %swap3A_23 = vector.load %arg5[%swap3A, %swap3A_22] : memref<1024x80xf32, #tpu.memory_space<vmem>>, vector<1024x80xf32>
    tpu.vector_store %arg5[%swap3A, %swap3A_22], %select_n3A {strides = array<i32>} : memref<1024x80xf32, #tpu.memory_space<vmem>>, vector<1024x80xf32>,
    %lt3A_24 = arith.constant 10000 : i32
    %lt3A_25 = vector.broadcast %lt3A_24 : i32 to vector<1024x1xi32>
    %lt3A_26 = arith.cmpi slt, %add3A_17, %lt3A_25 : vector<1024x1xi32>
    %jit3A_27 = arith.constant 0.000000e+00 : f32
    %broadcast_in_dim3A_28 = vector.shape_cast %lt3A_26 : vector<1024x1xi1> to vector<1024x1xi1>
    %broadcast_in_dim3A_29 = vector.broadcast %broadcast_in_dim3A_28 : vector<1024x1xi1> to vector<1024x16xi1>
    %broadcast_in_dim3A_30 = vector.broadcast %jit3A_27 : f32 to vector<1024x16xf32>
    %select_n3A_31 = arith.select %broadcast_in_dim3A_29, %dot_general3A_15, %broadcast_in_dim3A_30 : vector<1024x16xi1>, vector<1024x16xf32>
    %swap3A_32 = arith.constant 0 : index
    %swap3A_33 = arith.constant 0 : index
    %swap3A_34 = vector.load %arg6[%swap3A_32, %swap3A_33] : memref<1024x16xf32, #tpu.memory_space<vmem>>, vector<1024x16xf32>
    tpu.vector_store %arg6[%swap3A_32, %swap3A_33], %select_n3A_31 {strides = array<i32>} : memref<1024x16xf32, #tpu.memory_space<vmem>>, vector<1024x16xf32>,
    return
  }
  func.func @transform_0(%arg0: i32) -> (i32, i32) {
    %c0_i32 = arith.constant 0 : i32
    %c0_i32_0 = arith.constant 0 : i32
    return %arg0, %c0_i32 : i32, i32
  }
  func.func @transform_1(%arg0: i32) -> (i32, i32) {
    %c0_i32 = arith.constant 0 : i32
    %c0_i32_0 = arith.constant 0 : i32
    %c0_i32_1 = arith.constant 0 : i32
    return %c0_i32, %c0_i32_0 : i32, i32
  }
  func.func @transform_2(%arg0: i32) -> (i32, i32) {
    %c0_i32 = arith.constant 0 : i32
    %c0_i32_0 = arith.constant 0 : i32
    %c0_i32_1 = arith.constant 0 : i32
    return %c0_i32, %c0_i32_0 : i32, i32
  }
  func.func @transform_3(%arg0: i32) -> (i32, i32) {
    %c0_i32 = arith.constant 0 : i32
    %c0_i32_0 = arith.constant 0 : i32
    %c0_i32_1 = arith.constant 0 : i32
    return %c0_i32, %c0_i32_0 : i32, i32
  }
  func.func @transform_4(%arg0: i32) -> (i32, i32) {
    %c0_i32 = arith.constant 0 : i32
    %c0_i32_0 = arith.constant 0 : i32
    return %arg0, %c0_i32 : i32, i32
  }
  func.func @transform_5(%arg0: i32) -> (i32, i32) {
    %c0_i32 = arith.constant 0 : i32
    %c0_i32_0 = arith.constant 0 : i32
    return %arg0, %c0_i32 : i32, i32
  }
}

module attributes {stable_mosaic.version = 14 : i64} {
  func.func @_mid_body(%arg0: i32, %arg1: memref<2x1024x80xf32, #tpu.memory_space<vmem>>, %arg2: memref<80x64xf32, #tpu.memory_space<vmem>>, %arg3: memref<1x64xf32, #tpu.memory_space<vmem>>, %arg4: memref<64x7xf32, #tpu.memory_space<vmem>>, %arg5: memref<7x16xf32, #tpu.memory_space<vmem>>, %arg6: memref<7x16xf32, #tpu.memory_space<vmem>>, %arg7: memref<1024x16xf32, #tpu.memory_space<vmem>>, %arg8: memref<1024x16xf32, #tpu.memory_space<vmem>>) attributes {dimension_semantics = [#tpu.dimension_semantics<arbitrary>], iteration_bounds = array<i64: 10>, scalar_prefetch = 0 : i64, scratch_operands = 0 : i64, tpu.core_type = #tpu.core_type<tc>, window_params = [{transform_indices = @transform_0, window_bounds = array<i64: 2, 1024, 80>}, {pipeline_mode = #tpu.pipeline_mode<synchronous>, transform_indices = @transform_1, window_bounds = array<i64: 80, 64>}, {pipeline_mode = #tpu.pipeline_mode<synchronous>, transform_indices = @transform_2, window_bounds = array<i64: 1, 64>}, {pipeline_mode = #tpu.pipeline_mode<synchronous>, transform_indices = @transform_3, window_bounds = array<i64: 64, 7>}, {pipeline_mode = #tpu.pipeline_mode<synchronous>, transform_indices = @transform_4, window_bounds = array<i64: 7, 16>}, {pipeline_mode = #tpu.pipeline_mode<synchronous>, transform_indices = @transform_5, window_bounds = array<i64: 7, 16>}, {transform_indices = @transform_6, window_bounds = array<i64: 1024, 16>}, {transform_indices = @transform_7, window_bounds = array<i64: 1024, 16>}]} {
    %get3A = arith.constant 0 : index
    %get3A_0 = arith.constant 0 : index
    %get3A_1 = arith.constant 0 : index
    %get3A_2 = vector.load %arg1[%get3A, %get3A_0, %get3A_1] : memref<2x1024x80xf32, #tpu.memory_space<vmem>>, vector<1x1024x80xf32>
    %get3A_3 = vector.shape_cast %get3A_2 : vector<1x1024x80xf32> to vector<1024x80xf32>
    %get3A_4 = arith.constant 1 : index
    %get3A_5 = arith.constant 0 : index
    %get3A_6 = arith.constant 0 : index
    %get3A_7 = vector.load %arg1[%get3A_4, %get3A_5, %get3A_6] : memref<2x1024x80xf32, #tpu.memory_space<vmem>>, vector<1x1024x80xf32>
    %get3A_8 = vector.shape_cast %get3A_7 : vector<1x1024x80xf32> to vector<1024x80xf32>
    %add3A = arith.addf %get3A_3, %get3A_8 : vector<1024x80xf32>
    %get3A_9 = arith.constant 0 : index
    %get3A_10 = arith.constant 0 : index
    %get3A_11 = vector.load %arg2[%get3A_9, %get3A_10] : memref<80x64xf32, #tpu.memory_space<vmem>>, vector<80x64xf32>
    %get3A_12 = vector.shape_cast %get3A_11 : vector<80x64xf32> to vector<80x64xf32>
    %dot_general3A = arith.constant dense<0.000000e+00> : vector<1024x64xf32>
    %dot_general3A_13 = tpu.matmul %add3A, %get3A_12, %dot_general3A {dimension_numbers = #tpu.dot_dimension_numbers<[1], [0], [0], [1], [0, 0, 1, 1], [], []>, transpose_lhs_hint = false} : vector<1024x80xf32>, vector<80x64xf32>, vector<1024x64xf32> -> vector<1024x64xf32>
    %slice3A = vector.extract_strided_slice %add3A {offsets = [0, 0], sizes = [1024, 64], strides = [1, 1]} : vector<1024x80xf32> to vector<1024x64xf32>
    %div3A = arith.divf %slice3A, %dot_general3A_13 : vector<1024x64xf32>
    %get3A_14 = arith.constant 0 : index
    %get3A_15 = arith.constant 0 : index
    %get3A_16 = vector.load %arg3[%get3A_14, %get3A_15] : memref<1x64xf32, #tpu.memory_space<vmem>>, vector<1x64xf32>
    %add3A_17 = vector.broadcast %get3A_16 : vector<1x64xf32> to vector<1024x64xf32>
    %add3A_18 = arith.addf %div3A, %add3A_17 : vector<1024x64xf32>
    %max3A = arith.constant 0.000000e+00 : f32
    %max3A_19 = vector.broadcast %max3A : f32 to vector<1024x64xf32>
    %max3A_20 = arith.maximumf %add3A_18, %max3A_19 : vector<1024x64xf32>
    %get3A_21 = arith.constant 0 : index
    %get3A_22 = arith.constant 0 : index
    %get3A_23 = vector.load %arg4[%get3A_21, %get3A_22] : memref<64x7xf32, #tpu.memory_space<vmem>>, vector<64x7xf32>
    %dot_general3A_24 = arith.constant dense<0.000000e+00> : vector<1024x7xf32>
    %dot_general3A_25 = tpu.matmul %max3A_20, %get3A_23, %dot_general3A_24 {dimension_numbers = #tpu.dot_dimension_numbers<[1], [0], [0], [1], [0, 0, 1, 1], [], []>, transpose_lhs_hint = false} : vector<1024x64xf32>, vector<64x7xf32>, vector<1024x7xf32> -> vector<1024x7xf32>
    %get3A_26 = arith.constant 0 : index
    %get3A_27 = arith.constant 0 : index
    %get3A_28 = vector.load %arg5[%get3A_26, %get3A_27] : memref<7x16xf32, #tpu.memory_space<vmem>>, vector<7x16xf32>
    %dot_general3A_29 = arith.constant dense<0.000000e+00> : vector<1024x16xf32>
    %dot_general3A_30 = tpu.matmul %dot_general3A_25, %get3A_28, %dot_general3A_29 {dimension_numbers = #tpu.dot_dimension_numbers<[1], [0], [0], [1], [0, 0, 1, 1], [], []>, transpose_lhs_hint = false} : vector<1024x7xf32>, vector<7x16xf32>, vector<1024x16xf32> -> vector<1024x16xf32>
    %get3A_31 = arith.constant 0 : index
    %get3A_32 = arith.constant 0 : index
    %get3A_33 = vector.load %arg6[%get3A_31, %get3A_32] : memref<7x16xf32, #tpu.memory_space<vmem>>, vector<7x16xf32>
    %dot_general3A_34 = arith.constant dense<0.000000e+00> : vector<1024x16xf32>
    %dot_general3A_35 = tpu.matmul %dot_general3A_25, %get3A_33, %dot_general3A_34 {dimension_numbers = #tpu.dot_dimension_numbers<[1], [0], [0], [1], [0, 0, 1, 1], [], []>, transpose_lhs_hint = false} : vector<1024x7xf32>, vector<7x16xf32>, vector<1024x16xf32> -> vector<1024x16xf32>
    %mul3A = arith.constant 1024 : i32
    %mul3A_36 = arith.muli %arg0, %mul3A : i32
    %iota3A = tpu.iota {dimensions = array<i32: 0>} : vector<1024x1xi32>
    %add3A_37 = vector.broadcast %mul3A_36 : i32 to vector<1024x1xi32>
    %add3A_38 = arith.addi %add3A_37, %iota3A : vector<1024x1xi32>
    %lt3A = arith.constant 10000 : i32
    %lt3A_39 = vector.broadcast %lt3A : i32 to vector<1024x1xi32>
    %lt3A_40 = arith.cmpi slt, %add3A_38, %lt3A_39 : vector<1024x1xi32>
    %jit3A = arith.constant 0.000000e+00 : f32
    %broadcast_in_dim3A = vector.shape_cast %lt3A_40 : vector<1024x1xi1> to vector<1024x1xi1>
    %broadcast_in_dim3A_41 = vector.broadcast %broadcast_in_dim3A : vector<1024x1xi1> to vector<1024x16xi1>
    %broadcast_in_dim3A_42 = vector.broadcast %jit3A : f32 to vector<1024x16xf32>
    %select_n3A = arith.select %broadcast_in_dim3A_41, %dot_general3A_30, %broadcast_in_dim3A_42 : vector<1024x16xi1>, vector<1024x16xf32>
    %swap3A = arith.constant 0 : index
    %swap3A_43 = arith.constant 0 : index
    %swap3A_44 = vector.load %arg7[%swap3A, %swap3A_43] : memref<1024x16xf32, #tpu.memory_space<vmem>>, vector<1024x16xf32>
    tpu.vector_store %arg7[%swap3A, %swap3A_43], %select_n3A {strides = array<i32>} : memref<1024x16xf32, #tpu.memory_space<vmem>>, vector<1024x16xf32>,
    %lt3A_45 = arith.constant 10000 : i32
    %lt3A_46 = vector.broadcast %lt3A_45 : i32 to vector<1024x1xi32>
    %lt3A_47 = arith.cmpi slt, %add3A_38, %lt3A_46 : vector<1024x1xi32>
    %jit3A_48 = arith.constant 0.000000e+00 : f32
    %broadcast_in_dim3A_49 = vector.shape_cast %lt3A_47 : vector<1024x1xi1> to vector<1024x1xi1>
    %broadcast_in_dim3A_50 = vector.broadcast %broadcast_in_dim3A_49 : vector<1024x1xi1> to vector<1024x16xi1>
    %broadcast_in_dim3A_51 = vector.broadcast %jit3A_48 : f32 to vector<1024x16xf32>
    %select_n3A_52 = arith.select %broadcast_in_dim3A_50, %dot_general3A_35, %broadcast_in_dim3A_51 : vector<1024x16xi1>, vector<1024x16xf32>
    %swap3A_53 = arith.constant 0 : index
    %swap3A_54 = arith.constant 0 : index
    %swap3A_55 = vector.load %arg8[%swap3A_53, %swap3A_54] : memref<1024x16xf32, #tpu.memory_space<vmem>>, vector<1024x16xf32>
    tpu.vector_store %arg8[%swap3A_53, %swap3A_54], %select_n3A_52 {strides = array<i32>} : memref<1024x16xf32, #tpu.memory_space<vmem>>, vector<1024x16xf32>,
    return
  }
  func.func @transform_0(%arg0: i32) -> (i32, i32, i32) {
    %c0_i32 = arith.constant 0 : i32
    %c0_i32_0 = arith.constant 0 : i32
    %c0_i32_1 = arith.constant 0 : i32
    return %c0_i32, %arg0, %c0_i32_0 : i32, i32, i32
  }
  func.func @transform_1(%arg0: i32) -> (i32, i32) {
    %c0_i32 = arith.constant 0 : i32
    %c0_i32_0 = arith.constant 0 : i32
    %c0_i32_1 = arith.constant 0 : i32
    return %c0_i32, %c0_i32_0 : i32, i32
  }
  func.func @transform_2(%arg0: i32) -> (i32, i32) {
    %c0_i32 = arith.constant 0 : i32
    %c0_i32_0 = arith.constant 0 : i32
    %c0_i32_1 = arith.constant 0 : i32
    return %c0_i32, %c0_i32_0 : i32, i32
  }
  func.func @transform_3(%arg0: i32) -> (i32, i32) {
    %c0_i32 = arith.constant 0 : i32
    %c0_i32_0 = arith.constant 0 : i32
    %c0_i32_1 = arith.constant 0 : i32
    return %c0_i32, %c0_i32_0 : i32, i32
  }
  func.func @transform_4(%arg0: i32) -> (i32, i32) {
    %c0_i32 = arith.constant 0 : i32
    %c0_i32_0 = arith.constant 0 : i32
    %c0_i32_1 = arith.constant 0 : i32
    return %c0_i32, %c0_i32_0 : i32, i32
  }
  func.func @transform_5(%arg0: i32) -> (i32, i32) {
    %c0_i32 = arith.constant 0 : i32
    %c0_i32_0 = arith.constant 0 : i32
    %c0_i32_1 = arith.constant 0 : i32
    return %c0_i32, %c0_i32_0 : i32, i32
  }
  func.func @transform_6(%arg0: i32) -> (i32, i32) {
    %c0_i32 = arith.constant 0 : i32
    %c0_i32_0 = arith.constant 0 : i32
    return %arg0, %c0_i32 : i32, i32
  }
  func.func @transform_7(%arg0: i32) -> (i32, i32) {
    %c0_i32 = arith.constant 0 : i32
    %c0_i32_0 = arith.constant 0 : i32
    return %arg0, %c0_i32 : i32, i32
  }
}

module attributes {stable_mosaic.version = 14 : i64} {
  func.func @_final_body(%arg0: i32, %arg1: memref<2x1024x16xf32, #tpu.memory_space<vmem>>, %arg2: memref<16x7xf32, #tpu.memory_space<vmem>>, %arg3: memref<16x1xf32, #tpu.memory_space<vmem>>, %arg4: memref<1x7xf32, #tpu.memory_space<vmem>>, %arg5: memref<1024x7xf32, #tpu.memory_space<vmem>>) attributes {dimension_semantics = [#tpu.dimension_semantics<arbitrary>], iteration_bounds = array<i64: 10>, scalar_prefetch = 0 : i64, scratch_operands = 0 : i64, tpu.core_type = #tpu.core_type<tc>, window_params = [{transform_indices = @transform_0, window_bounds = array<i64: 2, 1024, 16>}, {pipeline_mode = #tpu.pipeline_mode<synchronous>, transform_indices = @transform_1, window_bounds = array<i64: 16, 7>}, {pipeline_mode = #tpu.pipeline_mode<synchronous>, transform_indices = @transform_2, window_bounds = array<i64: 16, 1>}, {pipeline_mode = #tpu.pipeline_mode<synchronous>, transform_indices = @transform_3, window_bounds = array<i64: 1, 7>}, {transform_indices = @transform_4, window_bounds = array<i64: 1024, 7>}]} {
    %get3A = arith.constant 0 : index
    %get3A_0 = arith.constant 0 : index
    %get3A_1 = arith.constant 0 : index
    %get3A_2 = vector.load %arg1[%get3A, %get3A_0, %get3A_1] : memref<2x1024x16xf32, #tpu.memory_space<vmem>>, vector<1x1024x16xf32>
    %get3A_3 = vector.shape_cast %get3A_2 : vector<1x1024x16xf32> to vector<1024x16xf32>
    %get3A_4 = arith.constant 1 : index
    %get3A_5 = arith.constant 0 : index
    %get3A_6 = arith.constant 0 : index
    %get3A_7 = vector.load %arg1[%get3A_4, %get3A_5, %get3A_6] : memref<2x1024x16xf32, #tpu.memory_space<vmem>>, vector<1x1024x16xf32>
    %get3A_8 = vector.shape_cast %get3A_7 : vector<1x1024x16xf32> to vector<1024x16xf32>
    %add3A = arith.addf %get3A_3, %get3A_8 : vector<1024x16xf32>
    %get3A_9 = arith.constant 0 : index
    %get3A_10 = arith.constant 0 : index
    %get3A_11 = vector.load %arg2[%get3A_9, %get3A_10] : memref<16x7xf32, #tpu.memory_space<vmem>>, vector<16x7xf32>
    %get3A_12 = vector.shape_cast %get3A_11 : vector<16x7xf32> to vector<16x7xf32>
    %dot_general3A = arith.constant dense<0.000000e+00> : vector<1024x7xf32>
    %dot_general3A_13 = tpu.matmul %add3A, %get3A_12, %dot_general3A {dimension_numbers = #tpu.dot_dimension_numbers<[1], [0], [0], [1], [0, 0, 1, 1], [], []>, transpose_lhs_hint = false} : vector<1024x16xf32>, vector<16x7xf32>, vector<1024x7xf32> -> vector<1024x7xf32>
    %get3A_14 = arith.constant 0 : index
    %get3A_15 = arith.constant 0 : index
    %get3A_16 = vector.load %arg3[%get3A_14, %get3A_15] : memref<16x1xf32, #tpu.memory_space<vmem>>, vector<16x1xf32>
    %get3A_17 = vector.shape_cast %get3A_16 : vector<16x1xf32> to vector<16x1xf32>
    %dot_general3A_18 = arith.constant dense<0.000000e+00> : vector<1024x1xf32>
    %dot_general3A_19 = tpu.matmul %add3A, %get3A_17, %dot_general3A_18 {dimension_numbers = #tpu.dot_dimension_numbers<[1], [0], [0], [1], [0, 0, 1, 1], [], []>, transpose_lhs_hint = false} : vector<1024x16xf32>, vector<16x1xf32>, vector<1024x1xf32> -> vector<1024x1xf32>
    %div3A = vector.broadcast %dot_general3A_19 : vector<1024x1xf32> to vector<1024x7xf32>
    %div3A_20 = arith.divf %dot_general3A_13, %div3A : vector<1024x7xf32>
    %get3A_21 = arith.constant 0 : index
    %get3A_22 = arith.constant 0 : index
    %get3A_23 = vector.load %arg4[%get3A_21, %get3A_22] : memref<1x7xf32, #tpu.memory_space<vmem>>, vector<1x7xf32>
    %add3A_24 = vector.broadcast %get3A_23 : vector<1x7xf32> to vector<1024x7xf32>
    %add3A_25 = arith.addf %div3A_20, %add3A_24 : vector<1024x7xf32>
    %reduce_max3A = arith.constant dense<0xFF800000> : vector<1024xf32>
    %reduce_max3A_26 = vector.multi_reduction <maximumf>, %add3A_25, %reduce_max3A [1] : vector<1024x7xf32> to vector<1024xf32>
    %broadcast_in_dim3A = vector.shape_cast %reduce_max3A_26 : vector<1024xf32> to vector<1024x1xf32>
    %sub3A = vector.broadcast %broadcast_in_dim3A : vector<1024x1xf32> to vector<1024x7xf32>
    %sub3A_27 = arith.subf %add3A_25, %sub3A : vector<1024x7xf32>
    %exp3A = math.exp %sub3A_27 : vector<1024x7xf32>
    %reduce_sum3A = arith.constant dense<0.000000e+00> : vector<1024xf32>
    %reduce_sum3A_28 = vector.multi_reduction <add>, %exp3A, %reduce_sum3A [1] : vector<1024x7xf32> to vector<1024xf32>
    %broadcast_in_dim3A_29 = vector.shape_cast %reduce_sum3A_28 : vector<1024xf32> to vector<1024x1xf32>
    %log3A = math.log %broadcast_in_dim3A_29 : vector<1024x1xf32>
    %sub3A_30 = vector.broadcast %log3A : vector<1024x1xf32> to vector<1024x7xf32>
    %sub3A_31 = arith.subf %sub3A_27, %sub3A_30 : vector<1024x7xf32>
    %swap3A = arith.constant 0 : index
    %swap3A_32 = arith.constant 0 : index
    %swap3A_33 = vector.load %arg5[%swap3A, %swap3A_32] : memref<1024x7xf32, #tpu.memory_space<vmem>>, vector<1024x7xf32>
    tpu.vector_store %arg5[%swap3A, %swap3A_32], %sub3A_31 {strides = array<i32>} : memref<1024x7xf32, #tpu.memory_space<vmem>>, vector<1024x7xf32>,
    return
  }
  func.func @transform_0(%arg0: i32) -> (i32, i32, i32) {
    %c0_i32 = arith.constant 0 : i32
    %c0_i32_0 = arith.constant 0 : i32
    %c0_i32_1 = arith.constant 0 : i32
    return %c0_i32, %arg0, %c0_i32_0 : i32, i32, i32
  }
  func.func @transform_1(%arg0: i32) -> (i32, i32) {
    %c0_i32 = arith.constant 0 : i32
    %c0_i32_0 = arith.constant 0 : i32
    %c0_i32_1 = arith.constant 0 : i32
    return %c0_i32, %c0_i32_0 : i32, i32
  }
  func.func @transform_2(%arg0: i32) -> (i32, i32) {
    %c0_i32 = arith.constant 0 : i32
    %c0_i32_0 = arith.constant 0 : i32
    %c0_i32_1 = arith.constant 0 : i32
    return %c0_i32, %c0_i32_0 : i32, i32
  }
  func.func @transform_3(%arg0: i32) -> (i32, i32) {
    %c0_i32 = arith.constant 0 : i32
    %c0_i32_0 = arith.constant 0 : i32
    %c0_i32_1 = arith.constant 0 : i32
    return %c0_i32, %c0_i32_0 : i32, i32
  }
  func.func @transform_4(%arg0: i32) -> (i32, i32) {
    %c0_i32 = arith.constant 0 : i32
    %c0_i32_0 = arith.constant 0 : i32
    return %arg0, %c0_i32 : i32, i32
  }
}

</mosaic_0001>

<sc_bundles>
// kernel: kernel.10.cloned.1.call-start
scs
__scs_entry_jumppad:
0x0: {  	(pc) =	sbr.rel $0x88, $3  }
0x1: {  	(tag) =	ssettag $0x0;
	lr =	simm.s32 $0x1  }
0x2: {  	[smem:$0x3F97] =	sst lr;
	_ =	strace $0xD0000000  }
0x3: {  	_ = 	snop  }
0x4: {  	_ = 	snop  }
0x5: {  	_ = 	snop  }
0x6: {  	_ = 	snop  }
0x7: {  	_ = 	snop  }
__scs_overlays_trampoline_lowered:
0x8: {  	[smem:$0x3FA6] =	sst s0  }
0x9: {  	[smem:$0x3FA7] =	sst s1  }
0xa: {  	[smem:$0x3FA8] =	sst s2  }
0xb: {  	[smem:$0x3FA9] =	sst s3  }
0xc: {  	[smem:$0x3FAA] =	sst s4  }
0xd: {  	[smem:$0x3FAB] =	sst s5  }
0xe: {  	[smem:$0x3FAC] =	sst s6  }
0xf: {  	[smem:$0x3FAD] =	sst s7  }
0x10: {  	[smem:$0x3FAE] =	sst s8  }
0x11: {  	[smem:$0x3FAF] =	sst s9;
	s0 =	simm.s32 @!p0 $0x0  }
0x12: {  	s1 =	sld [smem:$0x3F95];
	s0 =	simm.s32 @p0 $0x1  }
0x13: {  	[smem:$0x3FB0] =	sst s0;
	s0 =	simm.s32 @!p1 $0x0  }
0x14: {  	s2 =	sld [smem:$0x3F94];
	s0 =	simm.s32 @p1 $0x1  }
0x15: {  	[smem:$0x3FB1] =	sst s0;
	s0 =	simm.s32 @!p2 $0x0  }
0x16: {  	s3 =	sld [smem:$0x3FDB];
	s0 =	simm.s32 @p2 $0x1  }
0x17: {  	s4 =	simm.s32 $0x1BF5;
	[smem:$0x3FB3] =	sst s0  }
0x18: {  	s0 =	sld [smem:$0x3F96];
	_ =	swait.ge [sflag:s4], $0x0  }
0x19: {  	s7 =	sld [smem:$0x3F97]  }
0x1a: {  	s8 =	sadd.s32 $0xFFFFE003, lr  }
0x1b: {  	s9 =	sadd.s32 $0xFFFFFEF7, lr;
	s5 =	simm.s32 $0xFFFFFFFF;
	p2 =	slt.u32 s8, $0xFFFFF086  }
0x1c: {  	p1 =	slt.u32 s9, $0xF7A;
	s5 =	simm.s32 @!p2 $0x0  }
0x1d: {  	s5 =	simm.s32 @p1 $0x1;
	p0 =	seq.s32 s7, s2  }
0x1e: {  	s7 =	smul.u32 @!p0 $0xF7A, s2;
	p2 =	seq.s32 @!p0 s5, $0x0  }
0x1f: {  	s9 =	smul.u32 $0xF7A, s1;
	s8 =	simm.s32 @!p0 $0x1BF5;
	p2 =	por !p2, p0  }
0x20: {  	[sflag:s8] =	ssyncset.s32 @!p0 $0xFFFFF086;
	s6 =	sadd.s32 @!p0 s3, s7;
	s7 =	simm.s32 @!p0 $0x108  }
0x21: {  	s3 =	sadd.s32 s3, s9;
	s6 =	sadd.s32 @!p0 $0x88, s6;
	s7 =	simm.s32 @p2 $0x1082  }
0x22: {  	[simem:s7], [sflag:s8] =	dma.local @!p0 [hbm:s6], $0xF7A  }
0x23: {  	s9 =	sor.u32 $0xD0000000, s2;
	s6 =	simm.s32 $0x108;
	_ =	swait.ge @!p0 [sflag:s8], $0x0  }
0x24: {  	s3 =	sadd.s32 $0x88, s3;
	s6 =	simm.s32 @!p1 $0x1082;
	[sflag:s4] =	ssyncset.s32 $0xFFFFF086  }
0x25: {  	[simem:s6], [sflag:s4] =	dma.local [hbm:s3], $0xF7A  }
0x26: {  	[smem:$0x3F97] =	sst s1;
	(tag) =	ssettag s2;
	_ =	strace s9  }
0x27: {  	s1 =	sld [smem:$0x3FA7]  }
0x28: {  	s2 =	sld [smem:$0x3FA8]  }
0x29: {  	s4 =	sld [smem:$0x3FAA]  }
0x2a: {  	p0 =	seq.s32 s5, $0x0;
	s5 =	sld [smem:$0x3FAB]  }
0x2b: {  	s6 =	sld [smem:$0x3FAC]  }
0x2c: {  	s7 =	sld [smem:$0x3FAD]  }
0x2d: {  	s3 =	simm.s32 $0x108;
	s8 =	sld [smem:$0x3FAE]  }
0x2e: {  	s3 =	simm.s32 @!p0 $0x1082;
	s9 =	sld [smem:$0x3FAF]  }
0x2f: {  	lr =	sadd.s32 s0, s3;
	s0 =	sld [smem:$0x3FA6]  }
0x30: {  	s3 =	sld [smem:$0x3FA9]  }
0x31: {  	[smem:$0x3FB2] =	sst s10  }
0x32: {  	s10 =	sld [smem:$0x3FB0];
	_ =	sdelay $0x3  }
0x33: {  	p0 =	seq.s32 s10, $0x1;
	s10 =	sld [smem:$0x3FB2];
	_ =	sdelay $0x3  }
0x34: {  	[smem:$0x3FB2] =	sst s10  }
0x35: {  	s10 =	sld [smem:$0x3FB1];
	_ =	sdelay $0x3  }
0x36: {  	p1 =	seq.s32 s10, $0x1;
	s10 =	sld [smem:$0x3FB2];
	_ =	sdelay $0x3  }
0x37: {  	[smem:$0x3FB2] =	sst s10  }
0x38: {  	s10 =	sld [smem:$0x3FB3]  }
0x39: {  	_ = 	snop;
	(pc) =	sbr.ind lr, $3  }
0x3a: {  	_ = 	snop  }
0x3b: {  	_ = 	snop  }
0x3c: {  	p2 =	seq.s32 s10, $0x1;
	s10 =	sld [smem:$0x3FB2]  }
0x3d: {  	_ =	shalt  }
0x3e: {  	_ =	shalt  }
0x3f: {  	_ =	shalt  }
0x40: {  	_ =	shalt  }
0x41: {  	_ =	shalt  }
0x42: {  	_ =	shalt  }
0x43: {  	_ =	shalt  }
0x44: {  	_ =	shalt  }
0x45: {  	_ =	shalt  }
0x46: {  	_ =	shalt  }
0x47: {  	_ =	shalt  }
0x48: {  	_ =	shalt  }
0x49: {  	_ =	shalt  }
0x4a: {  	_ =	shalt  }
0x4b: {  	_ =	shalt  }
0x4c: {  	_ =	shalt  }
0x4d: {  	_ =	shalt  }
0x4e: {  	_ =	shalt  }
0x4f: {  	_ =	shalt  }
0x50: {  	_ =	shalt  }
0x51: {  	_ =	shalt  }
0x52: {  	_ =	shalt  }
0x53: {  	_ =	shalt  }
0x54: {  	_ =	shalt  }
0x55: {  	_ =	shalt  }
0x56: {  	_ =	shalt  }
0x57: {  	_ =	shalt  }
0x58: {  	_ =	shalt  }
0x59: {  	_ =	shalt  }
0x5a: {  	_ =	shalt  }
0x5b: {  	_ =	shalt  }
0x5c: {  	_ =	shalt  }
0x5d: {  	_ =	shalt  }
0x5e: {  	_ =	shalt  }
0x5f: {  	_ =	shalt  }
0x60: {  	_ =	shalt  }
0x61: {  	_ =	shalt  }
0x62: {  	_ =	shalt  }
0x63: {  	_ =	shalt  }
0x64: {  	_ =	shalt  }
0x65: {  	_ =	shalt  }
0x66: {  	_ =	shalt  }
0x67: {  	_ =	shalt  }
0x68: {  	_ =	shalt  }
0x69: {  	_ =	shalt  }
0x6a: {  	_ =	shalt  }
0x6b: {  	_ =	shalt  }
0x6c: {  	_ =	shalt  }
0x6d: {  	_ =	shalt  }
0x6e: {  	_ =	shalt  }
0x6f: {  	_ =	shalt  }
0x70: {  	_ =	shalt  }
0x71: {  	_ =	shalt  }
0x72: {  	_ =	shalt  }
0x73: {  	_ =	shalt  }
0x74: {  	_ =	shalt  }
0x75: {  	_ =	shalt  }
0x76: {  	_ =	shalt  }
0x77: {  	_ =	shalt  }
0x78: {  	_ =	shalt  }
0x79: {  	_ =	shalt  }
0x7a: {  	_ =	shalt  }
0x7b: {  	_ =	shalt  }
0x7c: {  	_ =	shalt  }
0x7d: {  	_ =	shalt  }
0x7e: {  	_ =	shalt  }
0x7f: {  	_ =	shalt  }
0x80: {  	_ =	shalt  }
0x81: {  	_ =	shalt  }
0x82: {  	_ =	shalt  }
0x83: {  	_ =	shalt  }
0x84: {  	_ =	shalt  }
0x85: {  	_ =	shalt  }
0x86: {  	_ =	shalt  }
0x87: {  	_ =	shalt  }
.Lfunc_end0:
.L_simem_size_0:
called_computation.1_lowered:
.L_overlay_start_0:
0x88: {  	s2 =	sld [smem:$0x3FD9]  }
0x89: {  	s3 =	sld [smem:$0x3FFE];
	_ =	sdelay $0x1  }
0x8a: {  	s1 =	srdreg.scid  }
0x8b: {  	s0 =	sand.u32 $0x1, s1  }
0x8c: {  	s17 =	sshll.u32 s0, $0xA;
	s2 =	sadd.s32 s3, s2  }
0x8d: {  	s2 =	sadd.s32 s2, s17  }
0x8e: {  	[smem:$0x3FBE] =	sst s2  }
0x8f: {  	_ = 	snop  }
0x90: {  	s2 =	sld [smem:$0x3FD0];
	(tm) =	ssettm $0x1  }
0x91: {  	s18 =	sld [smem:$0x3FFB];
	_ =	sdelay $0x3  }
0x92: {  	_ =	strace s18  }
0x93: {  	s3 =	sld [smem:$0x3FFC];
	_ =	sdelay $0x3  }
0x94: {  	_ =	strace s3  }
0x95: {  	s3 =	sld [smem:$0x3FFD];
	_ =	sdelay $0x3  }
0x96: {  	_ =	strace s3  }
0x97: {  	_ =	strace $0x8FFFFFFF  }
0x98: {  	s19 =	sld [smem:$0x3FDB];
	_ =	sdelay $0x1  }
0x99: {  	s4 =	simm.s32 $_scs_section_size  }
0x9a: {  	s5 =	simm.s32 $_size__tile_overlayer_lowered;
	s6 =	simm.s32 $_tile_overlayer_lowered  }
0x9b: {  	s22 =	simm.s32 $0x1BFF;
	s21 =	sshll.u32 s6, $0x1;
	s3 =	sadd.s32 s4, s19  }
0x9c: {  	s7 =	simm.s32 $0x0;
	s20 =	sshll.u32 s5, $0x1;
	s5 =	sadd.s32 s21, s3  }
0x9d: {  	[timem:s7], [sflag:s22] =	dma.local [hbm:s5], s20  }
0x9e: {  	_ =	swait.ge [sflag:s22], s20  }
0x9f: {  	s4 =	ssub.s32 $0x0, s20;
	[sflag:s22] =	ssyncset.done $0x0  }
0xa0: {  	[sflag:s22] =	ssyncadd.s32 s4;
	_ =	sdelay $0x1  }
0xa1: {  	s23 =	simm.s32 $0x1B8B  }
0xa2: {  	_ =	swait.ge [sflag:s23], $0x1  }
0xa3: {  	[sflag:s23] =	ssyncset.done $0x0  }
0xa4: {  	s25 =	simm.s32 $0x1B8E;
	s24 =	sld [smem:$0x3FFE];
	[sflag:s23] =	ssyncadd.s32 $0xFFFFFFFF  }
0xa5: {  	s26 =	simm.s32 $execute0_lowered;
	[smem:$0x3FD2] =	sst s25  }
0xa6: {  	s5 =	sshll.u32 s26, $0x1;
	_ =	strace $0x80000049;
	[dreg:$0x1] =	wrdreg $0xFFFFFFFF  }
0xa7: {  	s28 =	simm.s32 $_size_execute0_lowered;
	s3 =	sadd.s32 s3, s5;
	[dreg:$0x0] =	wrdreg $0x0  }
0xa8: {  	s5 =	sshll.u32 s28, $0x1;
	[dreg:$0x2] =	wrdreg s3  }
0xa9: {  	[dreg:$0x3] =	wrdreg s5  }
0xaa: {  	[dreg:$0x4] =	wrdreg $0xC0  }
0xab: {  	_ =	task [dreg:s7], $0x5FFFF  }
0xac: {  	[dreg:$0x1] =	wrdreg $0xFFFFFFFF  }
0xad: {  	[dreg:$0x0] =	wrdreg $0x60  }
0xae: {  	[dreg:$0x2] =	wrdreg s24  }
0xaf: {  	[dreg:$0x3] =	wrdreg s2  }
0xb0: {  	[dreg:$0x4] =	wrdreg $0x81000  }
0xb1: {  	[dreg:$0x5] =	wrdreg $0x9  }
0xb2: {  	_ =	task.clear_ibuf [dreg:s7], $0x6FFFF;
	_ =	strace $0x90000049  }
0xb3: {  	s29 =	simm.s32 $0x9;
	_ =	strace $0x8000004B  }
0xb4: {  	_ =	swait.ge [sflag:s29], $0x1  }
0xb5: {  	[sflag:s29] =	ssyncadd.s32 $0xFFFFFFFF  }
0xb6: {  	_ =	strace $0x9000004B  }
0xb7: {  	_ =	sfence  }
0xb8: {  	s30 =	sld [smem:$0x0];
	_ =	sdelay $0x2  }
0xb9: {  	s31 =	sshll.u32 s1, $0xD;
	s1 =	sshrl.u32 s1, $0x2  }
0xba: {  	s3 =	sand.u32 $0x4000, s31;
	s1 =	sadd.s32 s1, s30  }
0xbb: {  	s0 =	sor.u32 s3, s0;
	s1 =	sshll.u32 s1, $0x11  }
0xbc: {  	s0 =	sor.u32 s1, s0  }
0xbd: {  	s0 =	sadd.s32 $0x8F2B, s0  }
0xbe: {  	[sflag:s0] =	ssyncadd.remote.s32 $0x1  }
0xbf: {  	_ =	sfence.sel $0xFFFF  }
0xc0: {  	[dreg:$0x0] =	wrdreg $0xFFFFFFFF;
	(pc) =	sbr.abs _section_cstart, $3  }
0xc1: {  	[dreg:$0x1] =	wrdreg $0xFFFFFFFF  }
0xc2: {  	_ =	task.clear_ibuf [dreg:s7], $0x2FFFF;
	_ =	strace $0x9FFFFFFF  }
0xc3: {  	(tm) =	ssettm $0x7FFFFFFF  }
tec
execute0_lowered:
.L_overlay_start_1:
0x0: {  	(tag) =	ssettag $0x1  }
0x1: {  	s0 =	srdreg.scid;
	s1 =	rddreg [dreg:$0x0]  }
0x2: {  	s10 =	stileid.u32;
	s3 =	rddreg [dreg:$0x2]  }
0x3: {  	s4 =	simm.s32 $0x0;
	s13 =	simm.s32 $0xA;
	s15 =	simm.s32 $0x80  }
0x4: {  	s16 =	simm.s32 $0x5100;
	s17 =	simm.s32 $0x6900;
	s18 =	simm.s32 $0x5900  }
0x5: {  	s20 =	simm.s32 $0x7100;
	s21 =	simm.s32 $0x1;
	s22 =	simm.s32 $0x4  }
0x6: {  	s23 =	simm.s32 $0x6100;
	s24 =	simm.s32 $0x7900;
	s28 =	simm.s32 $0x3  }
0x7: {  	s29 =	simm.s32 $0x6;
	s30 =	simm.s32 $0x7;
	s31 =	simm.s32 $0x8  }
0x8: {  	s0 =	sand.u32 $0x1, s0;
	s7 =	smul.u32 $0x2780, s10;
	[smem:$0x7FF] =	sst s4  }
0x9: {  	s5 =	sadd.s32 $0x1AA00, s1;
	s25 =	sshll.u32 s10, $0x6;
	s2 =	sshll.u32 s0, $0x4  }
0xa: {  	s6 =	smul.u32 $0x27800, s0;
	_ =	strace $0x8000004A;
	s0 =	ssub.s32 $0x2, s0  }
0xb: {  	s2 =	sor.u32 s10, s2;
	s9 =	sshrl.u32 s0, $0x1;
	s12 =	sadd.s32 s7, s3  }
0xc: {  	s2 =	smul.u32 $0x510, s2;
	s8 =	sadd.s32 s7, s6;
	s6 =	sadd.s32 $0x15A00, s1  }
0xd: {  	s0 =	ssub.s32 s0, s9;
	s7 =	sor.u32 $0x1C0A, s25;
	s12 =	sshrl.u32 s12, $0x3  }
.Ltmp0:
0xe: {  	s25 =	simm.s32 $0x2;
	s2 =	sadd.s32 s2, s1;
	(pc) =	sbr.rel .LBB2_1-.Ltmp0, $4  }
0xf: {  	s8 =	sshrl.u32 s8, $0x3;
	s11 =	smax.u32 s0, $0x1;
	s26 =	sadd.s32 $0xB800, s2  }
0x10: {  	s1 =	sadd.s32 s8, s1;
	s2 =	sadd.s32 $0x1600, s2;
	[dreg:$0x4] =	wrdreg s26  }
0x11: {  	v0 =	vlaneseq.u32;
	s0 =	simm.s32 $0x0;
	s1 =	sadd.s32 $0x1FA00, s1;
	[dreg:$0x5] =	wrdreg s2  }
0x12: {  	v0 =	vmul.u32 $0x10, v0;
	[dreg:$0x6] =	wrdreg s1;
	s26 =	simm.s32 $0x5;
	s1 =	simm.s32 $0x9  }
.LBB2_10:
0x13: {  	_ =	swait.ge [sflag:s30], $0x800  }
0x14: {  	[sflag:s30] =	ssyncset.done $0x0  }
0x15: {  	[sflag:s30] =	ssyncadd.s32 $0xFFFFF800  }
0x16: {  	_ =	swait.ge [sflag:s31], $0x800  }
0x17: {  	[sflag:s31] =	ssyncset.done $0x0  }
0x18: {  	[sflag:s31] =	ssyncadd.s32 $0xFFFFF800  }
0x19: {  	_ =	swait.ge [sflag:s1], $0x800  }
0x1a: {  	[sflag:s1] =	ssyncset.done $0x0  }
0x1b: {  	s0 =	sadd.s32 $0x1, s0;
	[sflag:s1] =	ssyncadd.s32 $0xFFFFF800  }
0x1c: {  	p0 =	sne.s32 s0, s11;
	[bflag:$0x0] =	sbarrier.arrive $0xFFFF  }
.Ltmp1:
0x1d: {  	s2 =	rddreg [dreg:$0x6];
	(pc) =	sbr.rel @!p0 .LBB2_11-.Ltmp1, $4  }
0x1e: {  	[hbm:s2], [sflag:s7] =	dma.local [spmem:s12], $0x4F0  }
0x1f: {  	_ =	swait.ge [sflag:s13], $0x4F0  }
0x20: {  	[sflag:s13] =	ssyncset.done $0x0  }
0x21: {  	[sflag:s13] =	ssyncadd.s32 $0xFFFFFB10  }
.LBB2_1:
0x22: {  	s2 =	rddreg [dreg:$0x1]  }
0x23: {  	[spmem:s12], [sflag:s7] =	dma.local [hbm:s2], $0x4F0  }
0x24: {  	_ =	swait.ge [sflag:s13], $0x4F0  }
0x25: {  	[sflag:s13] =	ssyncset.done $0x0  }
0x26: {  	[sflag:s13] =	ssyncadd.s32 $0xFFFFFB10  }
0x27: {  	[bflag:$0x0] =	sbarrier.arrive $0xFFFF  }
0x28: {  	s10 =	rddreg [dreg:$0x4]  }
0x29: {  	[tilespmem:s4], [sflag:$0xA] =	stream.linear.gather [hbm4b:s10+s4], $0x2880, $0x38;
	[tilespmem:$0xA880] =	vst v63  }
0x2a: {  	_ =	swait.ge [sflag:s13], $0x2880  }
0x2b: {  	[sflag:s13] =	ssyncset.done $0x0  }
0x2c: {  	s8 =	simm.s32 $0x2880;
	s14 =	rddreg [dreg:$0x5];
	[sflag:s13] =	ssyncadd.s32 $0xFFFFD780  }
0x2d: {  	[tilespmem:s8], [sflag:$0xA] =	stream.linear.gather [hbm4b:s14+s4], $0x2880, $0x38;
	[tilespmem:$0xA880] =	vst v63  }
0x2e: {  	_ =	swait.ge [sflag:s13], $0x2880  }
0x2f: {  	[sflag:s13] =	ssyncset.done $0x0  }
0x30: {  	[sflag:s13] =	ssyncadd.s32 $0xFFFFD780  }
0x31: {  	[tilespmem:s16], [sflag:$0x1] =	stream.indirect.gather [hbm4b:s5+s15], $0x10, s4, s15, $0xb8;
	[tilespmem:$0xA880] =	vst v63  }
0x32: {  	_ = 	snop  }
0x33: {  	[tilespmem:s17], [sflag:$0x4] =	stream.indirect.gather [hbm4b:s6+s15], $0x10, s8, s15, $0xb8;
	[tilespmem:$0xA880] =	vst v63  }
0x34: {  	_ = 	snop  }
0x35: {  	[tilespmem:s18], [sflag:$0x2] =	stream.indirect.gather [hbm4b:s5+s15], $0x10, s15, s15, $0xb8;
	[tilespmem:$0xA880] =	vst v63  }
0x36: {  	s19 =	simm.s32 $0x2900;
	s2 =	simm.s32 $0x0  }
0x37: {  	[tilespmem:s20], [sflag:$0x5] =	stream.indirect.gather [hbm4b:s6+s15], $0x10, s19, s15, $0xb8;
	[tilespmem:$0xA880] =	vst v63  }
.LBB2_2:
0x38: {  	s8 =	simm.s32 $0x0  }
0x39: {  	v1 =	vmov s8  }
0x3a: {  	_ =	swait.ge [sflag:s21], $0x800;
	v1 =	vshll.u32 v1, $0x4  }
0x3b: {  	[sflag:s21] =	ssyncset.done $0x0;
	v2 =	vor.u32 v0, v1  }
0x3c: {  	[sflag:s21] =	ssyncadd.s32 $0xFFFFF800;
	v1 =	vor.u32 $0x7, v2  }
0x3d: {  	_ =	swait.ge [sflag:s22], $0x800  }
0x3e: {  	[sflag:s22] =	ssyncset.done $0x0  }
0x3f: {  	[sflag:s22] =	ssyncadd.s32 $0xFFFFF800  }
0x40: {  	v3 =	vld.idx.msk [tilespmem:v2+s17+$0x0], $0xffff  }
0x41: {  	v4 =	vld.idx.msk [tilespmem:v1+s16+$0x0], $0xffff;
	_ =	sdelay $0x4  }
0x42: {  	v3 =	vadd.f32 v3, v4;
	_ =	sdelay $0x1  }
0x43: {  	v4 =	vmul.f32 $2.000000030e-01, v3  }
0x44: {  	vm0 =	vgt.f32 v3, $0.0e+00  }
0x45: {  	v3 =	vsel vm0, v3, v4  }
0x46: {  	v3 =	vmul.f32 $1.442695020e+00, v3;
	_ =	sdelay $0x1  }
0x47: {  	(erf) = vpow2.f32 v3  }
0x48: {  	v3 =	vor.u32 $0x1, v2  }
0x49: {  	v5 =	vor.u32 $0x2, v2  }
0x4a: {  	v6 =	vor.u32 $0x3, v2  }
0x4b: {  	v7 =	vor.u32 $0x4, v2  }
0x4c: {  	v8 =	vld.idx.msk [tilespmem:v2+s16+$0x0], $0xffff  }
0x4d: {  	v9 =	vor.u32 $0x5, v2;
	v10 =	vld.idx.msk [tilespmem:v3+s16+$0x0], $0xffff  }
0x4e: {  	v11 =	vor.u32 $0x6, v2;
	v12 =	vld.idx.msk [tilespmem:v5+s16+$0x0], $0xffff  }
0x4f: {  	v13 =	vld.idx.msk [tilespmem:v6+s16+$0x0], $0xffff  }
0x50: {  	v14 =	vld.idx.msk [tilespmem:v7+s16+$0x0], $0xffff;
	v4 =	vpop (erf)  }
0x51: {  	v8 =	vmul.f32 v4, v8  }
0x52: {  	v15 =	vld.idx.msk [tilespmem:v9+s16+$0x0], $0xffff;
	v10 =	vmul.f32 v4, v10  }
0x53: {  	v16 =	vld.idx.msk [tilespmem:v11+s16+$0x0], $0xffff;
	[tilespmem:v2+s16+$0x0] =	vst.idx.msk $0xffff, v8;
	v2 =	vmul.f32 v4, v12  }
0x54: {  	s19 =	simm.s32 $0x10;
	[tilespmem:v3+s16+$0x0] =	vst.idx.msk $0xffff, v10;
	v3 =	vmul.f32 v4, v13  }
0x55: {  	[tilespmem:v5+s16+$0x0] =	vst.idx.msk $0xffff, v2;
	v2 =	vmul.f32 v4, v14;
	v5 =	vmov s19  }
0x56: {  	[tilespmem:v6+s16+$0x0] =	vst.idx.msk $0xffff, v3;
	v5 =	vshll.u32 v5, $0x4  }
0x57: {  	v3 =	vmul.f32 v15, v4;
	[tilespmem:v7+s16+$0x0] =	vst.idx.msk $0xffff, v2;
	v2 =	vor.u32 v0, v5  }
0x58: {  	v6 =	vmul.f32 v16, v4  }
0x59: {  	[tilespmem:v9+s16+$0x0] =	vst.idx.msk $0xffff, v3  }
0x5a: {  	s14 =	simm.s32 $0x20;
	v3 =	vor.u32 $0x7, v2;
	[tilespmem:v11+s16+$0x0] =	vst.idx.msk $0xffff, v6  }
.LBB2_3:
0x5b: {  	p0 =	sne.s32 s14, $0x70;
	[tilespmem:v1+s16+$0x0] =	vst.idx.msk $0xffff, v4;
	v1 =	vmov v3;
	s8 =	smov.u32 s14;
	s14 =	sadd.s32 $0x10, s14  }
0x5c: {  	v4 =	vld.idx.msk [tilespmem:v2+s17+$0x0], $0xffff  }
0x5d: {  	v3 =	vld.idx.msk [tilespmem:v3+s16+$0x0], $0xffff;
	_ =	sdelay $0x5  }
0x5e: {  	v3 =	vadd.f32 v4, v3;
	_ =	sdelay $0x1  }
0x5f: {  	v4 =	vmul.f32 $2.000000030e-01, v3  }
0x60: {  	vm0 =	vgt.f32 v3, $0.0e+00  }
0x61: {  	v3 =	vsel vm0, v3, v4  }
0x62: {  	v3 =	vmul.f32 $1.442695020e+00, v3;
	_ =	sdelay $0x1  }
0x63: {  	v5 =	vor.u32 $0x1, v2;
	(erf) = vpow2.f32 v3  }
0x64: {  	v3 =	vor.u32 $0x2, v2  }
0x65: {  	v6 =	vor.u32 $0x3, v2  }
0x66: {  	v7 =	vor.u32 $0x4, v2  }
0x67: {  	v9 =	vor.u32 $0x5, v2;
	v8 =	vld.idx.msk [tilespmem:v2+s16+$0x0], $0xffff  }
0x68: {  	v11 =	vor.u32 $0x6, v2;
	v10 =	vld.idx.msk [tilespmem:v5+s16+$0x0], $0xffff  }
0x69: {  	v12 =	vld.idx.msk [tilespmem:v3+s16+$0x0], $0xffff  }
0x6a: {  	v13 =	vld.idx.msk [tilespmem:v6+s16+$0x0], $0xffff  }
0x6b: {  	v14 =	vld.idx.msk [tilespmem:v7+s16+$0x0], $0xffff  }
0x6c: {  	v15 =	vld.idx.msk [tilespmem:v9+s16+$0x0], $0xffff;
	v4 =	vpop (erf)  }
0x6d: {  	v16 =	vld.idx.msk [tilespmem:v11+s16+$0x0], $0xffff;
	v8 =	vmul.f32 v4, v8  }
0x6e: {  	v10 =	vmul.f32 v4, v10  }
0x6f: {  	[tilespmem:v2+s16+$0x0] =	vst.idx.msk $0xffff, v8;
	v2 =	vmul.f32 v4, v12  }
0x70: {  	v8 =	vmov s8;
	[tilespmem:v5+s16+$0x0] =	vst.idx.msk $0xffff, v10;
	v5 =	vmul.f32 v4, v13  }
.Ltmp2:
0x71: {  	v8 =	vshll.u32 v8, $0x4;
	v10 =	vmul.f32 v4, v14;
	[tilespmem:v3+s16+$0x0] =	vst.idx.msk $0xffff, v2;
	(pc) =	sbr.rel @p0 .LBB2_3-.Ltmp2, $4  }
0x72: {  	v2 =	vor.u32 v0, v8;
	[tilespmem:v6+s16+$0x0] =	vst.idx.msk $0xffff, v5;
	v5 =	vmul.f32 v15, v4  }
0x73: {  	v3 =	vor.u32 $0x7, v2;
	v6 =	vmul.f32 v16, v4;
	[tilespmem:v7+s16+$0x0] =	vst.idx.msk $0xffff, v10  }
0x74: {  	[tilespmem:v9+s16+$0x0] =	vst.idx.msk $0xffff, v5  }
0x75: {  	[tilespmem:v11+s16+$0x0] =	vst.idx.msk $0xffff, v6  }
0x76: {  	_ =	sdelay $0x3  }
0x77: {  	[tilespmem:v1+s16+$0x0] =	vst.idx.msk $0xffff, v4  }
0x78: {  	v1 =	vld.idx.msk [tilespmem:v2+s17+$0x0], $0xffff  }
0x79: {  	v4 =	vld.idx.msk [tilespmem:v3+s16+$0x0], $0xffff;
	_ =	sdelay $0x4  }
0x7a: {  	v1 =	vadd.f32 v1, v4;
	_ =	sdelay $0x1  }
0x7b: {  	v4 =	vmul.f32 $2.000000030e-01, v1  }
0x7c: {  	vm0 =	vgt.f32 v1, $0.0e+00  }
0x7d: {  	v1 =	vsel vm0, v1, v4  }
0x7e: {  	v1 =	vmul.f32 $1.442695020e+00, v1;
	_ =	sdelay $0x1  }
0x7f: {  	(erf) = vpow2.f32 v1  }
0x80: {  	v1 =	vor.u32 $0x1, v2  }
0x81: {  	v4 =	vor.u32 $0x2, v2  }
0x82: {  	v5 =	vor.u32 $0x3, v2  }
0x83: {  	v6 =	vor.u32 $0x4, v2  }
0x84: {  	v8 =	vor.u32 $0x5, v2;
	v7 =	vld.idx.msk [tilespmem:v2+s16+$0x0], $0xffff  }
0x85: {  	v10 =	vor.u32 $0x6, v2;
	v9 =	vld.idx.msk [tilespmem:v1+s16+$0x0], $0xffff  }
0x86: {  	v11 =	vld.idx.msk [tilespmem:v4+s16+$0x0], $0xffff  }
0x87: {  	v12 =	vld.idx.msk [tilespmem:v5+s16+$0x0], $0xffff  }
0x88: {  	v13 =	vld.idx.msk [tilespmem:v6+s16+$0x0], $0xffff;
	v14 =	vpop (erf)  }
0x89: {  	v15 =	vld.idx.msk [tilespmem:v8+s16+$0x0], $0xffff;
	v7 =	vmul.f32 v14, v7  }
0x8a: {  	v16 =	vld.idx.msk [tilespmem:v10+s16+$0x0], $0xffff;
	v9 =	vmul.f32 v14, v9  }
0x8b: {  	[tilespmem:v2+s16+$0x0] =	vst.idx.msk $0xffff, v7;
	v2 =	vmul.f32 v14, v11  }
0x8c: {  	[tilespmem:v1+s16+$0x0] =	vst.idx.msk $0xffff, v9;
	v1 =	vmul.f32 v14, v12  }
0x8d: {  	[tilespmem:v4+s16+$0x0] =	vst.idx.msk $0xffff, v2;
	v2 =	vmul.f32 v14, v13  }
0x8e: {  	[tilespmem:v5+s16+$0x0] =	vst.idx.msk $0xffff, v1;
	v1 =	vmul.f32 v15, v14  }
0x8f: {  	s8 =	smul.u32 $0x600, s2;
	[tilespmem:v6+s16+$0x0] =	vst.idx.msk $0xffff, v2;
	v2 =	vmul.f32 v16, v14  }
0x90: {  	[tilespmem:v8+s16+$0x0] =	vst.idx.msk $0xffff, v1  }
0x91: {  	p0 =	seq.s32 s2, $0x0;
	s14 =	sshra.s32 s8, $0x2;
	[tilespmem:v10+s16+$0x0] =	vst.idx.msk $0xffff, v2  }
0x92: {  	s9 =	smul.u32 $0x3, s2;
	s19 =	simm.s32 @!p0 $0x9;
	s8 =	sadd.s32 $0x2880, s14;
	[tilespmem:v3+s16+$0x0] =	vst.idx.msk $0xffff, v14  }
0x93: {  	[spmem:s3] =	stream.indirect.scatter.add.f32 [tilespmem:s16], [sflag:$0x7], $0x10, s8, s15, $0xb8;
	[tilespmem:$0xA880] =	vst v63  }
0x94: {  	_ =	swait.ge @!p0 [sflag:s19], $0x800  }
0x95: {  	s8 =	sadd.s32 $0x2, s9;
	[sflag:s19] =	ssyncset.done @!p0 $0x0  }
0x96: {  	[sflag:s19] =	ssyncadd.s32 @!p0 $0xFFFFF800;
	s19 =	sshll.u32 s8, $0x7  }
0x97: {  	[tilespmem:s23], [sflag:$0x3] =	stream.indirect.gather [hbm4b:s5+s15], $0x10, s19, s15, $0xb8;
	[tilespmem:$0xA880] =	vst v63  }
0x98: {  	s9 =	simm.s32 $0x0;
	s8 =	sadd.s32 $0x2880, s19  }
0x99: {  	v1 =	vmov s9;
	[tilespmem:s24], [sflag:$0x6] =	stream.indirect.gather [hbm4b:s6+s15], $0x10, s8, s15, $0xb8;
	[tilespmem:$0xA880] =	vst v63  }
0x9a: {  	v1 =	vshll.u32 v1, $0x4;
	_ =	swait.ge [sflag:s25], $0x800  }
0x9b: {  	v2 =	vor.u32 v0, v1;
	[sflag:s25] =	ssyncset.done $0x0  }
0x9c: {  	v1 =	vor.u32 $0x7, v2;
	[sflag:s25] =	ssyncadd.s32 $0xFFFFF800  }
0x9d: {  	_ =	swait.ge [sflag:s26], $0x800  }
0x9e: {  	[sflag:s26] =	ssyncset.done $0x0  }
0x9f: {  	[sflag:s26] =	ssyncadd.s32 $0xFFFFF800  }
0xa0: {  	v3 =	vld.idx.msk [tilespmem:v2+s20+$0x0], $0xffff  }
0xa1: {  	v4 =	vld.idx.msk [tilespmem:v1+s18+$0x0], $0xffff;
	_ =	sdelay $0x4  }
0xa2: {  	v3 =	vadd.f32 v3, v4;
	_ =	sdelay $0x1  }
0xa3: {  	v4 =	vmul.f32 $2.000000030e-01, v3  }
0xa4: {  	vm15 =	vgt.f32 v3, $0.0e+00  }
0xa5: {  	v3 =	vsel vm15, v3, v4  }
0xa6: {  	v3 =	vmul.f32 $1.442695020e+00, v3;
	_ =	sdelay $0x1  }
0xa7: {  	(erf) = vpow2.f32 v3  }
0xa8: {  	v3 =	vor.u32 $0x1, v2  }
0xa9: {  	v5 =	vor.u32 $0x2, v2  }
0xaa: {  	v6 =	vor.u32 $0x3, v2  }
0xab: {  	v7 =	vor.u32 $0x4, v2  }
0xac: {  	v55 =	vld.idx.msk [tilespmem:v2+s18+$0x0], $0xffff  }
0xad: {  	v56 =	vor.u32 $0x5, v2;
	v57 =	vld.idx.msk [tilespmem:v3+s18+$0x0], $0xffff  }
0xae: {  	v58 =	vor.u32 $0x6, v2;
	v59 =	vld.idx.msk [tilespmem:v5+s18+$0x0], $0xffff  }
0xaf: {  	v60 =	vld.idx.msk [tilespmem:v6+s18+$0x0], $0xffff  }
0xb0: {  	v61 =	vld.idx.msk [tilespmem:v7+s18+$0x0], $0xffff;
	v4 =	vpop (erf)  }
0xb1: {  	v8 =	vmul.f32 v4, v55  }
0xb2: {  	v62 =	vld.idx.msk [tilespmem:v56+s18+$0x0], $0xffff;
	v10 =	vmul.f32 v4, v57  }
0xb3: {  	v63 =	vld.idx.msk [tilespmem:v58+s18+$0x0], $0xffff;
	[tilespmem:v2+s18+$0x0] =	vst.idx.msk $0xffff, v8;
	v2 =	vmul.f32 v4, v59  }
0xb4: {  	s10 =	simm.s32 $0x10;
	[tilespmem:v3+s18+$0x0] =	vst.idx.msk $0xffff, v10;
	v3 =	vmul.f32 v4, v60  }
0xb5: {  	[tilespmem:v5+s18+$0x0] =	vst.idx.msk $0xffff, v2;
	v2 =	vmul.f32 v4, v61;
	v5 =	vmov s10  }
0xb6: {  	[tilespmem:v6+s18+$0x0] =	vst.idx.msk $0xffff, v3;
	v5 =	vshll.u32 v5, $0x4  }
0xb7: {  	v3 =	vmul.f32 v62, v4;
	[tilespmem:v7+s18+$0x0] =	vst.idx.msk $0xffff, v2;
	v2 =	vor.u32 v0, v5  }
0xb8: {  	v6 =	vmul.f32 v63, v4  }
0xb9: {  	[tilespmem:v56+s18+$0x0] =	vst.idx.msk $0xffff, v3  }
0xba: {  	s8 =	simm.s32 $0x20;
	v3 =	vor.u32 $0x7, v2;
	[tilespmem:v58+s18+$0x0] =	vst.idx.msk $0xffff, v6  }
.LBB2_5:
0xbb: {  	p0 =	sne.s32 s8, $0x70;
	[tilespmem:v1+s18+$0x0] =	vst.idx.msk $0xffff, v4;
	v1 =	vmov v3;
	s9 =	smov.u32 s8;
	s8 =	sadd.s32 $0x10, s8  }
0xbc: {  	v4 =	vld.idx.msk [tilespmem:v2+s20+$0x0], $0xffff  }
0xbd: {  	v3 =	vld.idx.msk [tilespmem:v3+s18+$0x0], $0xffff;
	_ =	sdelay $0x5  }
0xbe: {  	v3 =	vadd.f32 v4, v3;
	_ =	sdelay $0x1  }
0xbf: {  	v4 =	vmul.f32 $2.000000030e-01, v3  }
0xc0: {  	vm0 =	vgt.f32 v3, $0.0e+00  }
0xc1: {  	v3 =	vsel vm0, v3, v4  }
0xc2: {  	v3 =	vmul.f32 $1.442695020e+00, v3;
	_ =	sdelay $0x1  }
0xc3: {  	v5 =	vor.u32 $0x1, v2;
	(erf) = vpow2.f32 v3  }
0xc4: {  	v3 =	vor.u32 $0x2, v2  }
0xc5: {  	v6 =	vor.u32 $0x3, v2  }
0xc6: {  	v7 =	vor.u32 $0x4, v2  }
0xc7: {  	v9 =	vor.u32 $0x5, v2;
	v8 =	vld.idx.msk [tilespmem:v2+s18+$0x0], $0xffff  }
0xc8: {  	v11 =	vor.u32 $0x6, v2;
	v10 =	vld.idx.msk [tilespmem:v5+s18+$0x0], $0xffff  }
0xc9: {  	v12 =	vld.idx.msk [tilespmem:v3+s18+$0x0], $0xffff  }
0xca: {  	v13 =	vld.idx.msk [tilespmem:v6+s18+$0x0], $0xffff  }
0xcb: {  	v14 =	vld.idx.msk [tilespmem:v7+s18+$0x0], $0xffff  }
0xcc: {  	v15 =	vld.idx.msk [tilespmem:v9+s18+$0x0], $0xffff;
	v4 =	vpop (erf)  }
0xcd: {  	v16 =	vld.idx.msk [tilespmem:v11+s18+$0x0], $0xffff;
	v8 =	vmul.f32 v4, v8  }
0xce: {  	v10 =	vmul.f32 v4, v10  }
0xcf: {  	[tilespmem:v2+s18+$0x0] =	vst.idx.msk $0xffff, v8;
	v2 =	vmul.f32 v4, v12  }
0xd0: {  	v8 =	vmov s9;
	[tilespmem:v5+s18+$0x0] =	vst.idx.msk $0xffff, v10;
	v5 =	vmul.f32 v4, v13  }
.Ltmp3:
0xd1: {  	v8 =	vshll.u32 v8, $0x4;
	v10 =	vmul.f32 v4, v14;
	[tilespmem:v3+s18+$0x0] =	vst.idx.msk $0xffff, v2;
	(pc) =	sbr.rel @p0 .LBB2_5-.Ltmp3, $4  }
0xd2: {  	v2 =	vor.u32 v0, v8;
	[tilespmem:v6+s18+$0x0] =	vst.idx.msk $0xffff, v5;
	v5 =	vmul.f32 v15, v4  }
0xd3: {  	v3 =	vor.u32 $0x7, v2;
	v6 =	vmul.f32 v16, v4;
	[tilespmem:v7+s18+$0x0] =	vst.idx.msk $0xffff, v10  }
0xd4: {  	[tilespmem:v9+s18+$0x0] =	vst.idx.msk $0xffff, v5  }
0xd5: {  	[tilespmem:v11+s18+$0x0] =	vst.idx.msk $0xffff, v6  }
0xd6: {  	_ =	sdelay $0x3  }
0xd7: {  	[tilespmem:v1+s18+$0x0] =	vst.idx.msk $0xffff, v4  }
0xd8: {  	v1 =	vld.idx.msk [tilespmem:v2+s20+$0x0], $0xffff  }
0xd9: {  	v4 =	vld.idx.msk [tilespmem:v3+s18+$0x0], $0xffff;
	_ =	sdelay $0x4  }
0xda: {  	v1 =	vadd.f32 v1, v4;
	_ =	sdelay $0x1  }
0xdb: {  	v4 =	vmul.f32 $2.000000030e-01, v1  }
0xdc: {  	vm0 =	vgt.f32 v1, $0.0e+00  }
0xdd: {  	v1 =	vsel vm0, v1, v4  }
0xde: {  	v1 =	vmul.f32 $1.442695020e+00, v1;
	_ =	sdelay $0x1  }
0xdf: {  	(erf) = vpow2.f32 v1  }
0xe0: {  	v1 =	vor.u32 $0x1, v2  }
0xe1: {  	v4 =	vor.u32 $0x2, v2  }
0xe2: {  	v5 =	vor.u32 $0x3, v2  }
0xe3: {  	v6 =	vor.u32 $0x4, v2  }
0xe4: {  	v8 =	vor.u32 $0x5, v2;
	v7 =	vld.idx.msk [tilespmem:v2+s18+$0x0], $0xffff  }
0xe5: {  	v10 =	vor.u32 $0x6, v2;
	v9 =	vld.idx.msk [tilespmem:v1+s18+$0x0], $0xffff  }
0xe6: {  	v11 =	vld.idx.msk [tilespmem:v4+s18+$0x0], $0xffff  }
0xe7: {  	v12 =	vld.idx.msk [tilespmem:v5+s18+$0x0], $0xffff  }
0xe8: {  	v13 =	vld.idx.msk [tilespmem:v6+s18+$0x0], $0xffff;
	v14 =	vpop (erf)  }
0xe9: {  	v15 =	vld.idx.msk [tilespmem:v8+s18+$0x0], $0xffff;
	v7 =	vmul.f32 v14, v7  }
0xea: {  	v16 =	vld.idx.msk [tilespmem:v10+s18+$0x0], $0xffff;
	v9 =	vmul.f32 v14, v9  }
0xeb: {  	[tilespmem:v2+s18+$0x0] =	vst.idx.msk $0xffff, v7;
	v2 =	vmul.f32 v14, v11  }
0xec: {  	[tilespmem:v1+s18+$0x0] =	vst.idx.msk $0xffff, v9;
	v1 =	vmul.f32 v14, v12  }
0xed: {  	[tilespmem:v4+s18+$0x0] =	vst.idx.msk $0xffff, v2;
	v2 =	vmul.f32 v14, v13  }
0xee: {  	[tilespmem:v5+s18+$0x0] =	vst.idx.msk $0xffff, v1;
	v1 =	vmul.f32 v15, v14  }
0xef: {  	[tilespmem:v6+s18+$0x0] =	vst.idx.msk $0xffff, v2;
	v2 =	vmul.f32 v16, v14  }
0xf0: {  	[tilespmem:v8+s18+$0x0] =	vst.idx.msk $0xffff, v1  }
0xf1: {  	[tilespmem:v10+s18+$0x0] =	vst.idx.msk $0xffff, v2  }
0xf2: {  	s8 =	sadd.s32 $0x2900, s14;
	p0 =	seq.s32 s2, $0x1A;
	[tilespmem:v3+s18+$0x0] =	vst.idx.msk $0xffff, v14  }
0xf3: {  	[spmem:s3] =	stream.indirect.scatter.add.f32 [tilespmem:s18], [sflag:$0x8], $0x10, s8, s15, $0xb8;
	[tilespmem:$0xA880] =	vst v63  }
0xf4: {  	s8 =	simm.s32 @!p0 $0x7  }
0xf5: {  	s9 =	smul.u32 @!p0 $0x180, s2;
	_ =	swait.ge @!p0 [sflag:s8], $0x800  }
0xf6: {  	s14 =	simm.s32 @!p0 $0x80;
	[sflag:s8] =	ssyncset.done @!p0 $0x0  }
0xf7: {  	s10 =	simm.s32 @!p0 $0x5100;
	[sflag:s8] =	ssyncadd.s32 @!p0 $0xFFFFF800;
	s8 =	sadd.s32 @!p0 $0x180, s9  }
0xf8: {  	[tilespmem:s10], [sflag:$0x1] =	stream.indirect.gather @!p0 [hbm4b:s5+s14], $0x10, s8, s14, $0xb8;
	[tilespmem:$0xA880] =	vst v63  }
0xf9: {  	s8 =	sadd.s32 @!p0 $0x2A00, s9;
	s9 =	simm.s32 @!p0 $0x6900;
	s10 =	simm.s32 $0x0  }
0xfa: {  	v1 =	vmov s10;
	[tilespmem:s9], [sflag:$0x4] =	stream.indirect.gather @!p0 [hbm4b:s6+s14], $0x10, s8, s14, $0xb8;
	[tilespmem:$0xA880] =	vst v63  }
0xfb: {  	v1 =	vshll.u32 v1, $0x4;
	_ =	swait.ge [sflag:s28], $0x800  }
0xfc: {  	v2 =	vor.u32 v0, v1;
	[sflag:s28] =	ssyncset.done $0x0  }
0xfd: {  	v1 =	vor.u32 $0x7, v2;
	[sflag:s28] =	ssyncadd.s32 $0xFFFFF800  }
0xfe: {  	_ =	swait.ge [sflag:s29], $0x800  }
0xff: {  	[sflag:s29] =	ssyncset.done $0x0  }
0x100: {  	[sflag:s29] =	ssyncadd.s32 $0xFFFFF800  }
0x101: {  	v3 =	vld.idx.msk [tilespmem:v2+s24+$0x0], $0xffff  }
0x102: {  	v4 =	vld.idx.msk [tilespmem:v1+s23+$0x0], $0xffff;
	_ =	sdelay $0x4  }
0x103: {  	v3 =	vadd.f32 v3, v4;
	_ =	sdelay $0x1  }
0x104: {  	v4 =	vmul.f32 $2.000000030e-01, v3  }
0x105: {  	vm15 =	vgt.f32 v3, $0.0e+00  }
0x106: {  	v3 =	vsel vm15, v3, v4  }
0x107: {  	v3 =	vmul.f32 $1.442695020e+00, v3;
	_ =	sdelay $0x1  }
0x108: {  	(erf) = vpow2.f32 v3  }
0x109: {  	v3 =	vor.u32 $0x1, v2  }
0x10a: {  	v5 =	vor.u32 $0x2, v2  }
0x10b: {  	v6 =	vor.u32 $0x3, v2  }
0x10c: {  	v7 =	vor.u32 $0x4, v2  }
0x10d: {  	v55 =	vld.idx.msk [tilespmem:v2+s23+$0x0], $0xffff  }
0x10e: {  	v56 =	vor.u32 $0x5, v2;
	v57 =	vld.idx.msk [tilespmem:v3+s23+$0x0], $0xffff  }
0x10f: {  	v58 =	vor.u32 $0x6, v2;
	v59 =	vld.idx.msk [tilespmem:v5+s23+$0x0], $0xffff  }
0x110: {  	v60 =	vld.idx.msk [tilespmem:v6+s23+$0x0], $0xffff  }
0x111: {  	v61 =	vld.idx.msk [tilespmem:v7+s23+$0x0], $0xffff;
	v4 =	vpop (erf)  }
0x112: {  	v8 =	vmul.f32 v4, v55  }
0x113: {  	v62 =	vld.idx.msk [tilespmem:v56+s23+$0x0], $0xffff;
	v10 =	vmul.f32 v4, v57  }
0x114: {  	v63 =	vld.idx.msk [tilespmem:v58+s23+$0x0], $0xffff;
	[tilespmem:v2+s23+$0x0] =	vst.idx.msk $0xffff, v8;
	v2 =	vmul.f32 v4, v59  }
0x115: {  	s14 =	simm.s32 $0x10;
	[tilespmem:v3+s23+$0x0] =	vst.idx.msk $0xffff, v10;
	v3 =	vmul.f32 v4, v60  }
0x116: {  	[tilespmem:v5+s23+$0x0] =	vst.idx.msk $0xffff, v2;
	v2 =	vmul.f32 v4, v61;
	v5 =	vmov s14  }
0x117: {  	[tilespmem:v6+s23+$0x0] =	vst.idx.msk $0xffff, v3;
	v5 =	vshll.u32 v5, $0x4  }
0x118: {  	v3 =	vmul.f32 v62, v4;
	[tilespmem:v7+s23+$0x0] =	vst.idx.msk $0xffff, v2;
	v2 =	vor.u32 v0, v5  }
0x119: {  	v6 =	vmul.f32 v63, v4  }
0x11a: {  	[tilespmem:v56+s23+$0x0] =	vst.idx.msk $0xffff, v3  }
0x11b: {  	s8 =	simm.s32 $0x20;
	v3 =	vor.u32 $0x7, v2;
	[tilespmem:v58+s23+$0x0] =	vst.idx.msk $0xffff, v6  }
.LBB2_7:
0x11c: {  	p1 =	sne.s32 s8, $0x70;
	[tilespmem:v1+s23+$0x0] =	vst.idx.msk $0xffff, v4;
	v1 =	vmov v3;
	s9 =	smov.u32 s8;
	s8 =	sadd.s32 $0x10, s8  }
0x11d: {  	v4 =	vld.idx.msk [tilespmem:v2+s24+$0x0], $0xffff  }
0x11e: {  	v3 =	vld.idx.msk [tilespmem:v3+s23+$0x0], $0xffff;
	_ =	sdelay $0x5  }
0x11f: {  	v3 =	vadd.f32 v4, v3;
	_ =	sdelay $0x1  }
0x120: {  	v4 =	vmul.f32 $2.000000030e-01, v3  }
0x121: {  	vm0 =	vgt.f32 v3, $0.0e+00  }
0x122: {  	v3 =	vsel vm0, v3, v4  }
0x123: {  	v3 =	vmul.f32 $1.442695020e+00, v3;
	_ =	sdelay $0x1  }
0x124: {  	v5 =	vor.u32 $0x1, v2;
	(erf) = vpow2.f32 v3  }
0x125: {  	v3 =	vor.u32 $0x2, v2  }
0x126: {  	v6 =	vor.u32 $0x3, v2  }
0x127: {  	v7 =	vor.u32 $0x4, v2  }
0x128: {  	v9 =	vor.u32 $0x5, v2;
	v8 =	vld.idx.msk [tilespmem:v2+s23+$0x0], $0xffff  }
0x129: {  	v11 =	vor.u32 $0x6, v2;
	v10 =	vld.idx.msk [tilespmem:v5+s23+$0x0], $0xffff  }
0x12a: {  	v12 =	vld.idx.msk [tilespmem:v3+s23+$0x0], $0xffff  }
0x12b: {  	v13 =	vld.idx.msk [tilespmem:v6+s23+$0x0], $0xffff  }
0x12c: {  	v14 =	vld.idx.msk [tilespmem:v7+s23+$0x0], $0xffff  }
0x12d: {  	v15 =	vld.idx.msk [tilespmem:v9+s23+$0x0], $0xffff;
	v4 =	vpop (erf)  }
0x12e: {  	v16 =	vld.idx.msk [tilespmem:v11+s23+$0x0], $0xffff;
	v8 =	vmul.f32 v4, v8  }
0x12f: {  	v10 =	vmul.f32 v4, v10  }
0x130: {  	[tilespmem:v2+s23+$0x0] =	vst.idx.msk $0xffff, v8;
	v2 =	vmul.f32 v4, v12  }
0x131: {  	v8 =	vmov s9;
	[tilespmem:v5+s23+$0x0] =	vst.idx.msk $0xffff, v10;
	v5 =	vmul.f32 v4, v13  }
.Ltmp4:
0x132: {  	v8 =	vshll.u32 v8, $0x4;
	v10 =	vmul.f32 v4, v14;
	[tilespmem:v3+s23+$0x0] =	vst.idx.msk $0xffff, v2;
	(pc) =	sbr.rel @p1 .LBB2_7-.Ltmp4, $4  }
0x133: {  	v2 =	vor.u32 v0, v8;
	[tilespmem:v6+s23+$0x0] =	vst.idx.msk $0xffff, v5;
	v5 =	vmul.f32 v15, v4  }
0x134: {  	v3 =	vor.u32 $0x7, v2;
	v6 =	vmul.f32 v16, v4;
	[tilespmem:v7+s23+$0x0] =	vst.idx.msk $0xffff, v10  }
0x135: {  	[tilespmem:v9+s23+$0x0] =	vst.idx.msk $0xffff, v5  }
0x136: {  	[tilespmem:v11+s23+$0x0] =	vst.idx.msk $0xffff, v6  }
0x137: {  	_ =	sdelay $0x3  }
0x138: {  	[tilespmem:v1+s23+$0x0] =	vst.idx.msk $0xffff, v4  }
0x139: {  	v1 =	vld.idx.msk [tilespmem:v2+s24+$0x0], $0xffff  }
0x13a: {  	v4 =	vld.idx.msk [tilespmem:v3+s23+$0x0], $0xffff;
	_ =	sdelay $0x4  }
0x13b: {  	v1 =	vadd.f32 v1, v4;
	_ =	sdelay $0x1  }
0x13c: {  	v4 =	vmul.f32 $2.000000030e-01, v1  }
0x13d: {  	vm0 =	vgt.f32 v1, $0.0e+00  }
0x13e: {  	v1 =	vsel vm0, v1, v4  }
0x13f: {  	v1 =	vmul.f32 $1.442695020e+00, v1;
	_ =	sdelay $0x1  }
0x140: {  	(erf) = vpow2.f32 v1  }
0x141: {  	v1 =	vor.u32 $0x1, v2  }
0x142: {  	v63 =	vor.u32 $0x2, v2  }
0x143: {  	v5 =	vor.u32 $0x3, v2  }
0x144: {  	v6 =	vor.u32 $0x4, v2  }
0x145: {  	v8 =	vor.u32 $0x5, v2;
	v7 =	vld.idx.msk [tilespmem:v2+s23+$0x0], $0xffff  }
0x146: {  	v10 =	vor.u32 $0x6, v2;
	v9 =	vld.idx.msk [tilespmem:v1+s23+$0x0], $0xffff  }
0x147: {  	v11 =	vld.idx.msk [tilespmem:v63+s23+$0x0], $0xffff  }
0x148: {  	v12 =	vld.idx.msk [tilespmem:v5+s23+$0x0], $0xffff  }
0x149: {  	v13 =	vld.idx.msk [tilespmem:v6+s23+$0x0], $0xffff;
	v14 =	vpop (erf)  }
0x14a: {  	v15 =	vld.idx.msk [tilespmem:v8+s23+$0x0], $0xffff;
	v7 =	vmul.f32 v14, v7  }
0x14b: {  	v16 =	vld.idx.msk [tilespmem:v10+s23+$0x0], $0xffff;
	v9 =	vmul.f32 v14, v9  }
0x14c: {  	[tilespmem:v2+s23+$0x0] =	vst.idx.msk $0xffff, v7;
	v2 =	vmul.f32 v14, v11  }
0x14d: {  	[tilespmem:v1+s23+$0x0] =	vst.idx.msk $0xffff, v9;
	v1 =	vmul.f32 v14, v12  }
0x14e: {  	[tilespmem:v63+s23+$0x0] =	vst.idx.msk $0xffff, v2;
	v2 =	vmul.f32 v14, v13  }
0x14f: {  	[tilespmem:v5+s23+$0x0] =	vst.idx.msk $0xffff, v1;
	v1 =	vmul.f32 v15, v14  }
.Ltmp5:
0x150: {  	[tilespmem:v6+s23+$0x0] =	vst.idx.msk $0xffff, v2;
	v2 =	vmul.f32 v16, v14;
	(pc) =	sbr.rel @p0 .LBB2_10-.Ltmp5, $4  }
0x151: {  	[tilespmem:v8+s23+$0x0] =	vst.idx.msk $0xffff, v1  }
0x152: {  	s8 =	sand.u32 $0x3FFFFF80, s19;
	[tilespmem:v10+s23+$0x0] =	vst.idx.msk $0xffff, v2  }
0x153: {  	s8 =	sadd.s32 $0x2880, s8;
	[tilespmem:v3+s23+$0x0] =	vst.idx.msk $0xffff, v14  }
0x154: {  	[spmem:s3] =	stream.indirect.scatter.add.f32 [tilespmem:s23], [sflag:$0x9], $0x10, s8, s15, $0xb8;
	[tilespmem:$0xA880] =	vst v63  }
0x155: {  	_ =	swait.ge [sflag:s31], $0x800;
	s8 =	smul.u32 $0x180, s2  }
.Ltmp6:
0x156: {  	[sflag:s31] =	ssyncset.done $0x0;
	(pc) =	sbr.rel .LBB2_2-.Ltmp6, $4  }
0x157: {  	[sflag:s31] =	ssyncadd.s32 $0xFFFFF800;
	s9 =	sadd.s32 $0x200, s8  }
0x158: {  	[tilespmem:s18], [sflag:$0x2] =	stream.indirect.gather [hbm4b:s5+s15], $0x10, s9, s15, $0xb8;
	[tilespmem:$0xA880] =	vst v63  }
0x159: {  	s2 =	sadd.s32 $0x1, s2;
	s8 =	sadd.s32 $0x2A80, s8  }
0x15a: {  	[tilespmem:s20], [sflag:$0x5] =	stream.indirect.gather [hbm4b:s6+s15], $0x10, s8, s15, $0xb8;
	[tilespmem:$0xA880] =	vst v63  }
.LBB2_11:
0x15b: {  	_ =	sfence.sel $0x180000  }
0x15c: {  	[bflag:$0x0] =	sbarrier.arrive $0xFFFF  }
0x15d: {  	_ =	strace $0x9000004A  }
0x15e: {  	s0 =	stileid.u32;
	[bflag:$0x2] =	sbarrier.arrive $0xFFFF  }
0x15f: {  	p0 =	sne.s32 s0, $0x0;
	s0 =	rddreg [dreg:$0x3]  }
0x160: {  	s0 =	sadd.s32 @!p0 $0x100000, s0  }
0x161: {  	[sflag:s0] =	ssyncadd.tile.s32 @!p0 $0x1;
	_ =	shalt  }
.Lfunc_end2:
_tile_overlayer_lowered:
.L_overlay_start_2:
0x162: {  	(tag) =	ssettag $0x2  }
0x163: {  	s0 =	rddreg [dreg:$0x0];
	s2 =	stileid.u32  }
0x164: {  	s1 =	rddreg [dreg:$0x1];
	p0 =	sne.s32 s2, $0x0  }
0x165: {  	s3 =	rddreg [dreg:$0x2];
	[bflag:$0x3] =	sbarrier.arrive $0xFFFF;
	s2 =	simm.s32 @!p0 $0x1C0A  }
0x166: {  	[timem:s3], [sflag:s2] =	dma.local @!p0 [hbm:s0], s1  }
0x167: {  	s0 =	simm.s32 @!p0 $0xA  }
0x168: {  	_ =	swait.ge @!p0 [sflag:s0], s1  }
0x169: {  	s1 =	ssub.s32 @!p0 $0x0, s1;
	[sflag:s0] =	ssyncset.done @!p0 $0x0  }
0x16a: {  	[sflag:s0] =	ssyncadd.s32 @!p0 s1  }
0x16b: {  	[bflag:$0x3] =	sbarrier.arrive $0xFFFF  }
0x16c: {  	_ =	shalt  }

// kernel: kernel.7.cloned.1.call-start
scs
__scs_entry_jumppad:
0x0: {  	(pc) =	sbr.rel $0x88, $3  }
0x1: {  	(tag) =	ssettag $0x0;
	lr =	simm.s32 $0x1  }
0x2: {  	[smem:$0x3F97] =	sst lr;
	_ =	strace $0xD0000000  }
0x3: {  	_ = 	snop  }
0x4: {  	_ = 	snop  }
0x5: {  	_ = 	snop  }
0x6: {  	_ = 	snop  }
0x7: {  	_ = 	snop  }
__scs_overlays_trampoline_lowered:
0x8: {  	[smem:$0x3FA6] =	sst s0  }
0x9: {  	[smem:$0x3FA7] =	sst s1  }
0xa: {  	[smem:$0x3FA8] =	sst s2  }
0xb: {  	[smem:$0x3FA9] =	sst s3  }
0xc: {  	[smem:$0x3FAA] =	sst s4  }
0xd: {  	[smem:$0x3FAB] =	sst s5  }
0xe: {  	[smem:$0x3FAC] =	sst s6  }
0xf: {  	[smem:$0x3FAD] =	sst s7  }
0x10: {  	[smem:$0x3FAE] =	sst s8  }
0x11: {  	[smem:$0x3FAF] =	sst s9;
	s0 =	simm.s32 @!p0 $0x0  }
0x12: {  	s1 =	sld [smem:$0x3F95];
	s0 =	simm.s32 @p0 $0x1  }
0x13: {  	[smem:$0x3FB0] =	sst s0;
	s0 =	simm.s32 @!p1 $0x0  }
0x14: {  	s2 =	sld [smem:$0x3F94];
	s0 =	simm.s32 @p1 $0x1  }
0x15: {  	[smem:$0x3FB1] =	sst s0;
	s0 =	simm.s32 @!p2 $0x0  }
0x16: {  	s3 =	sld [smem:$0x3FDB];
	s0 =	simm.s32 @p2 $0x1  }
0x17: {  	s4 =	simm.s32 $0x1BF5;
	[smem:$0x3FB3] =	sst s0  }
0x18: {  	s0 =	sld [smem:$0x3F96];
	_ =	swait.ge [sflag:s4], $0x0  }
0x19: {  	s7 =	sld [smem:$0x3F97]  }
0x1a: {  	s8 =	sadd.s32 $0xFFFFE003, lr  }
0x1b: {  	s9 =	sadd.s32 $0xFFFFFEF7, lr;
	s5 =	simm.s32 $0xFFFFFFFF;
	p2 =	slt.u32 s8, $0xFFFFF086  }
0x1c: {  	p1 =	slt.u32 s9, $0xF7A;
	s5 =	simm.s32 @!p2 $0x0  }
0x1d: {  	s5 =	simm.s32 @p1 $0x1;
	p0 =	seq.s32 s7, s2  }
0x1e: {  	s7 =	smul.u32 @!p0 $0xF7A, s2;
	p2 =	seq.s32 @!p0 s5, $0x0  }
0x1f: {  	s9 =	smul.u32 $0xF7A, s1;
	s8 =	simm.s32 @!p0 $0x1BF5;
	p2 =	por !p2, p0  }
0x20: {  	[sflag:s8] =	ssyncset.s32 @!p0 $0xFFFFF086;
	s6 =	sadd.s32 @!p0 s3, s7;
	s7 =	simm.s32 @!p0 $0x108  }
0x21: {  	s3 =	sadd.s32 s3, s9;
	s6 =	sadd.s32 @!p0 $0x88, s6;
	s7 =	simm.s32 @p2 $0x1082  }
0x22: {  	[simem:s7], [sflag:s8] =	dma.local @!p0 [hbm:s6], $0xF7A  }
0x23: {  	s9 =	sor.u32 $0xD0000000, s2;
	s6 =	simm.s32 $0x108;
	_ =	swait.ge @!p0 [sflag:s8], $0x0  }
0x24: {  	s3 =	sadd.s32 $0x88, s3;
	s6 =	simm.s32 @!p1 $0x1082;
	[sflag:s4] =	ssyncset.s32 $0xFFFFF086  }
0x25: {  	[simem:s6], [sflag:s4] =	dma.local [hbm:s3], $0xF7A  }
0x26: {  	[smem:$0x3F97] =	sst s1;
	(tag) =	ssettag s2;
	_ =	strace s9  }
0x27: {  	s1 =	sld [smem:$0x3FA7]  }
0x28: {  	s2 =	sld [smem:$0x3FA8]  }
0x29: {  	s4 =	sld [smem:$0x3FAA]  }
0x2a: {  	p0 =	seq.s32 s5, $0x0;
	s5 =	sld [smem:$0x3FAB]  }
0x2b: {  	s6 =	sld [smem:$0x3FAC]  }
0x2c: {  	s7 =	sld [smem:$0x3FAD]  }
0x2d: {  	s3 =	simm.s32 $0x108;
	s8 =	sld [smem:$0x3FAE]  }
0x2e: {  	s3 =	simm.s32 @!p0 $0x1082;
	s9 =	sld [smem:$0x3FAF]  }
0x2f: {  	lr =	sadd.s32 s0, s3;
	s0 =	sld [smem:$0x3FA6]  }
0x30: {  	s3 =	sld [smem:$0x3FA9]  }
0x31: {  	[smem:$0x3FB2] =	sst s10  }
0x32: {  	s10 =	sld [smem:$0x3FB0];
	_ =	sdelay $0x3  }
0x33: {  	p0 =	seq.s32 s10, $0x1;
	s10 =	sld [smem:$0x3FB2];
	_ =	sdelay $0x3  }
0x34: {  	[smem:$0x3FB2] =	sst s10  }
0x35: {  	s10 =	sld [smem:$0x3FB1];
	_ =	sdelay $0x3  }
0x36: {  	p1 =	seq.s32 s10, $0x1;
	s10 =	sld [smem:$0x3FB2];
	_ =	sdelay $0x3  }
0x37: {  	[smem:$0x3FB2] =	sst s10  }
0x38: {  	s10 =	sld [smem:$0x3FB3]  }
0x39: {  	_ = 	snop;
	(pc) =	sbr.ind lr, $3  }
0x3a: {  	_ = 	snop  }
0x3b: {  	_ = 	snop  }
0x3c: {  	p2 =	seq.s32 s10, $0x1;
	s10 =	sld [smem:$0x3FB2]  }
0x3d: {  	_ =	shalt  }
0x3e: {  	_ =	shalt  }
0x3f: {  	_ =	shalt  }
0x40: {  	_ =	shalt  }
0x41: {  	_ =	shalt  }
0x42: {  	_ =	shalt  }
0x43: {  	_ =	shalt  }
0x44: {  	_ =	shalt  }
0x45: {  	_ =	shalt  }
0x46: {  	_ =	shalt  }
0x47: {  	_ =	shalt  }
0x48: {  	_ =	shalt  }
0x49: {  	_ =	shalt  }
0x4a: {  	_ =	shalt  }
0x4b: {  	_ =	shalt  }
0x4c: {  	_ =	shalt  }
0x4d: {  	_ =	shalt  }
0x4e: {  	_ =	shalt  }
0x4f: {  	_ =	shalt  }
0x50: {  	_ =	shalt  }
0x51: {  	_ =	shalt  }
0x52: {  	_ =	shalt  }
0x53: {  	_ =	shalt  }
0x54: {  	_ =	shalt  }
0x55: {  	_ =	shalt  }
0x56: {  	_ =	shalt  }
0x57: {  	_ =	shalt  }
0x58: {  	_ =	shalt  }
0x59: {  	_ =	shalt  }
0x5a: {  	_ =	shalt  }
0x5b: {  	_ =	shalt  }
0x5c: {  	_ =	shalt  }
0x5d: {  	_ =	shalt  }
0x5e: {  	_ =	shalt  }
0x5f: {  	_ =	shalt  }
0x60: {  	_ =	shalt  }
0x61: {  	_ =	shalt  }
0x62: {  	_ =	shalt  }
0x63: {  	_ =	shalt  }
0x64: {  	_ =	shalt  }
0x65: {  	_ =	shalt  }
0x66: {  	_ =	shalt  }
0x67: {  	_ =	shalt  }
0x68: {  	_ =	shalt  }
0x69: {  	_ =	shalt  }
0x6a: {  	_ =	shalt  }
0x6b: {  	_ =	shalt  }
0x6c: {  	_ =	shalt  }
0x6d: {  	_ =	shalt  }
0x6e: {  	_ =	shalt  }
0x6f: {  	_ =	shalt  }
0x70: {  	_ =	shalt  }
0x71: {  	_ =	shalt  }
0x72: {  	_ =	shalt  }
0x73: {  	_ =	shalt  }
0x74: {  	_ =	shalt  }
0x75: {  	_ =	shalt  }
0x76: {  	_ =	shalt  }
0x77: {  	_ =	shalt  }
0x78: {  	_ =	shalt  }
0x79: {  	_ =	shalt  }
0x7a: {  	_ =	shalt  }
0x7b: {  	_ =	shalt  }
0x7c: {  	_ =	shalt  }
0x7d: {  	_ =	shalt  }
0x7e: {  	_ =	shalt  }
0x7f: {  	_ =	shalt  }
0x80: {  	_ =	shalt  }
0x81: {  	_ =	shalt  }
0x82: {  	_ =	shalt  }
0x83: {  	_ =	shalt  }
0x84: {  	_ =	shalt  }
0x85: {  	_ =	shalt  }
0x86: {  	_ =	shalt  }
0x87: {  	_ =	shalt  }
.Lfunc_end0:
.L_simem_size_0:
called_computation_lowered:
.L_overlay_start_0:
0x88: {  	s2 =	sld [smem:$0x3FD9]  }
0x89: {  	s3 =	sld [smem:$0x3FFE];
	_ =	sdelay $0x1  }
0x8a: {  	s1 =	srdreg.scid  }
0x8b: {  	s0 =	sand.u32 $0x1, s1  }
0x8c: {  	s17 =	sshll.u32 s0, $0xA;
	s2 =	sadd.s32 s3, s2  }
0x8d: {  	s2 =	sadd.s32 s2, s17  }
0x8e: {  	[smem:$0x3FBE] =	sst s2  }
0x8f: {  	_ = 	snop  }
0x90: {  	s2 =	sld [smem:$0x3FD0];
	(tm) =	ssettm $0x1  }
0x91: {  	s18 =	sld [smem:$0x3FFB];
	_ =	sdelay $0x3  }
0x92: {  	_ =	strace s18  }
0x93: {  	s3 =	sld [smem:$0x3FFC];
	_ =	sdelay $0x3  }
0x94: {  	_ =	strace s3  }
0x95: {  	s3 =	sld [smem:$0x3FFD];
	_ =	sdelay $0x3  }
0x96: {  	_ =	strace s3  }
0x97: {  	_ =	strace $0x8FFFFFFF  }
0x98: {  	s19 =	sld [smem:$0x3FDB];
	_ =	sdelay $0x1  }
0x99: {  	s4 =	simm.s32 $_scs_section_size  }
0x9a: {  	s5 =	simm.s32 $_size__tile_overlayer_lowered;
	s6 =	simm.s32 $_tile_overlayer_lowered  }
0x9b: {  	s22 =	simm.s32 $0x1BFF;
	s21 =	sshll.u32 s6, $0x1;
	s3 =	sadd.s32 s4, s19  }
0x9c: {  	s7 =	simm.s32 $0x0;
	s20 =	sshll.u32 s5, $0x1;
	s5 =	sadd.s32 s21, s3  }
0x9d: {  	[timem:s7], [sflag:s22] =	dma.local [hbm:s5], s20  }
0x9e: {  	_ =	swait.ge [sflag:s22], s20  }
0x9f: {  	s4 =	ssub.s32 $0x0, s20;
	[sflag:s22] =	ssyncset.done $0x0  }
0xa0: {  	[sflag:s22] =	ssyncadd.s32 s4;
	_ =	sdelay $0x1  }
0xa1: {  	s23 =	simm.s32 $0x1B8B  }
0xa2: {  	_ =	swait.ge [sflag:s23], $0x1  }
0xa3: {  	[sflag:s23] =	ssyncset.done $0x0  }
0xa4: {  	s25 =	simm.s32 $0x1B8E;
	s24 =	sld [smem:$0x3FFE];
	[sflag:s23] =	ssyncadd.s32 $0xFFFFFFFF  }
0xa5: {  	s26 =	simm.s32 $execute0_lowered;
	[smem:$0x3FD2] =	sst s25  }
0xa6: {  	s5 =	sshll.u32 s26, $0x1;
	_ =	strace $0x80000046;
	[dreg:$0x1] =	wrdreg $0xFFFFFFFF  }
0xa7: {  	s28 =	simm.s32 $_size_execute0_lowered;
	s3 =	sadd.s32 s3, s5;
	[dreg:$0x0] =	wrdreg $0x0  }
0xa8: {  	s5 =	sshll.u32 s28, $0x1;
	[dreg:$0x2] =	wrdreg s3  }
0xa9: {  	[dreg:$0x3] =	wrdreg s5  }
0xaa: {  	[dreg:$0x4] =	wrdreg $0xC0  }
0xab: {  	_ =	task [dreg:s7], $0x5FFFF  }
0xac: {  	[dreg:$0x1] =	wrdreg $0xFFFFFFFF  }
0xad: {  	[dreg:$0x0] =	wrdreg $0x60  }
0xae: {  	[dreg:$0x2] =	wrdreg s24  }
0xaf: {  	[dreg:$0x3] =	wrdreg s2  }
0xb0: {  	[dreg:$0x4] =	wrdreg $0xE1000  }
0xb1: {  	[dreg:$0x5] =	wrdreg $0x9  }
0xb2: {  	_ =	task.clear_ibuf [dreg:s7], $0x6FFFF;
	_ =	strace $0x90000046  }
0xb3: {  	s29 =	simm.s32 $0x9;
	_ =	strace $0x80000048  }
0xb4: {  	_ =	swait.ge [sflag:s29], $0x1  }
0xb5: {  	[sflag:s29] =	ssyncadd.s32 $0xFFFFFFFF  }
0xb6: {  	_ =	strace $0x90000048  }
0xb7: {  	_ =	sfence  }
0xb8: {  	s30 =	sld [smem:$0x0];
	_ =	sdelay $0x2  }
0xb9: {  	s31 =	sshll.u32 s1, $0xD;
	s1 =	sshrl.u32 s1, $0x2  }
0xba: {  	s3 =	sand.u32 $0x4000, s31;
	s1 =	sadd.s32 s1, s30  }
0xbb: {  	s0 =	sor.u32 s3, s0;
	s1 =	sshll.u32 s1, $0x11  }
0xbc: {  	s0 =	sor.u32 s1, s0  }
0xbd: {  	s0 =	sadd.s32 $0x8F2B, s0  }
0xbe: {  	[sflag:s0] =	ssyncadd.remote.s32 $0x1  }
0xbf: {  	_ =	sfence.sel $0xFFFF  }
0xc0: {  	[dreg:$0x0] =	wrdreg $0xFFFFFFFF;
	(pc) =	sbr.abs _section_cstart, $3  }
0xc1: {  	[dreg:$0x1] =	wrdreg $0xFFFFFFFF  }
0xc2: {  	_ =	task.clear_ibuf [dreg:s7], $0x2FFFF;
	_ =	strace $0x9FFFFFFF  }
0xc3: {  	(tm) =	ssettm $0x7FFFFFFF  }
tec
execute0_lowered:
.L_overlay_start_1:
0x0: {  	(tag) =	ssettag $0x1  }
0x1: {  	s0 =	srdreg.scid;
	s1 =	rddreg [dreg:$0x0]  }
0x2: {  	s10 =	stileid.u32;
	s3 =	rddreg [dreg:$0x2]  }
0x3: {  	s4 =	simm.s32 $0x0;
	s13 =	simm.s32 $0xA;
	s15 =	simm.s32 $0x80  }
0x4: {  	s16 =	simm.s32 $0x5100;
	s17 =	simm.s32 $0xC900;
	s18 =	simm.s32 $0x7900  }
0x5: {  	s20 =	simm.s32 $0xD100;
	s21 =	simm.s32 $0x1;
	s22 =	simm.s32 $0x4  }
0x6: {  	s23 =	simm.s32 $0xA100;
	s24 =	simm.s32 $0xD900;
	s28 =	simm.s32 $0x3  }
0x7: {  	s29 =	simm.s32 $0x6;
	s30 =	simm.s32 $0x7;
	s31 =	simm.s32 $0x8  }
0x8: {  	s0 =	sand.u32 $0x1, s0;
	s7 =	smul.u32 $0xC580, s10;
	[smem:$0x7FF] =	sst s4  }
0x9: {  	s5 =	sadd.s32 $0x15A00, s1;
	s25 =	sshll.u32 s10, $0x6;
	s2 =	sshll.u32 s0, $0x4  }
0xa: {  	s6 =	smul.u32 $0xC5800, s0;
	_ =	strace $0x80000047;
	s0 =	ssub.s32 $0x2, s0  }
0xb: {  	s2 =	sor.u32 s10, s2;
	s9 =	sshrl.u32 s0, $0x1;
	s12 =	sadd.s32 s7, s3  }
0xc: {  	s2 =	smul.u32 $0x510, s2;
	s8 =	sadd.s32 s7, s6;
	s6 =	sadd.s32 $0x2E600, s1  }
0xd: {  	s0 =	ssub.s32 s0, s9;
	s7 =	sor.u32 $0x1C0A, s25;
	s12 =	sshrl.u32 s12, $0x3  }
.Ltmp0:
0xe: {  	s25 =	simm.s32 $0x2;
	s2 =	sadd.s32 s2, s1;
	(pc) =	sbr.rel .LBB2_1-.Ltmp0, $4  }
0xf: {  	s8 =	sshrl.u32 s8, $0x3;
	s11 =	smax.u32 s0, $0x1;
	s26 =	sadd.s32 $0xB800, s2  }
0x10: {  	s1 =	sadd.s32 s8, s1;
	s2 =	sadd.s32 $0x1600, s2;
	[dreg:$0x4] =	wrdreg s26  }
0x11: {  	s0 =	simm.s32 $0x0;
	s1 =	sadd.s32 $0x33600, s1;
	[dreg:$0x5] =	wrdreg s2  }
0x12: {  	[dreg:$0x6] =	wrdreg s1;
	s26 =	simm.s32 $0x5;
	s1 =	simm.s32 $0x9  }
.LBB2_10:
0x13: {  	_ =	swait.ge [sflag:s30], $0x2800  }
0x14: {  	[sflag:s30] =	ssyncset.done $0x0  }
0x15: {  	[sflag:s30] =	ssyncadd.s32 $0xFFFFD800  }
0x16: {  	_ =	swait.ge [sflag:s31], $0x2800  }
0x17: {  	[sflag:s31] =	ssyncset.done $0x0  }
0x18: {  	[sflag:s31] =	ssyncadd.s32 $0xFFFFD800  }
0x19: {  	_ =	swait.ge [sflag:s1], $0x2800  }
0x1a: {  	[sflag:s1] =	ssyncset.done $0x0  }
0x1b: {  	s0 =	sadd.s32 $0x1, s0;
	[sflag:s1] =	ssyncadd.s32 $0xFFFFD800  }
0x1c: {  	p0 =	sne.s32 s0, s11;
	[bflag:$0x0] =	sbarrier.arrive $0xFFFF  }
.Ltmp1:
0x1d: {  	s2 =	rddreg [dreg:$0x6];
	(pc) =	sbr.rel @!p0 .LBB2_11-.Ltmp1, $4  }
0x1e: {  	[hbm:s2], [sflag:s7] =	dma.local [spmem:s12], $0x18B0  }
0x1f: {  	_ =	swait.ge [sflag:s13], $0x18B0  }
0x20: {  	[sflag:s13] =	ssyncset.done $0x0  }
0x21: {  	[sflag:s13] =	ssyncadd.s32 $0xFFFFE750  }
.LBB2_1:
0x22: {  	s2 =	rddreg [dreg:$0x1]  }
0x23: {  	[spmem:s12], [sflag:s7] =	dma.local [hbm:s2], $0x18B0  }
0x24: {  	_ =	swait.ge [sflag:s13], $0x18B0  }
0x25: {  	[sflag:s13] =	ssyncset.done $0x0  }
0x26: {  	[sflag:s13] =	ssyncadd.s32 $0xFFFFE750  }
0x27: {  	[bflag:$0x0] =	sbarrier.arrive $0xFFFF  }
0x28: {  	s10 =	rddreg [dreg:$0x4]  }
0x29: {  	[tilespmem:s4], [sflag:$0xA] =	stream.linear.gather [hbm4b:s10+s4], $0x2880, $0x38;
	[tilespmem:$0x1A680] =	vst v63  }
0x2a: {  	_ =	swait.ge [sflag:s13], $0x2880  }
0x2b: {  	[sflag:s13] =	ssyncset.done $0x0  }
0x2c: {  	s8 =	simm.s32 $0x2880;
	s14 =	rddreg [dreg:$0x5];
	[sflag:s13] =	ssyncadd.s32 $0xFFFFD780  }
0x2d: {  	[tilespmem:s8], [sflag:$0xA] =	stream.linear.gather [hbm4b:s14+s4], $0x2880, $0x38;
	[tilespmem:$0x1A680] =	vst v63  }
0x2e: {  	_ =	swait.ge [sflag:s13], $0x2880  }
0x2f: {  	[sflag:s13] =	ssyncset.done $0x0  }
0x30: {  	[sflag:s13] =	ssyncadd.s32 $0xFFFFD780  }
0x31: {  	[tilespmem:s16], [sflag:$0x1] =	stream.indirect.gather [hbm4b:s5+s15], $0x50, s4, s15, $0xb8;
	[tilespmem:$0x1A680] =	vst v63  }
0x32: {  	_ = 	snop  }
0x33: {  	[tilespmem:s17], [sflag:$0x4] =	stream.indirect.gather [hbm4b:s6+s15], $0x10, s8, s15, $0xb8;
	[tilespmem:$0x1A680] =	vst v63  }
0x34: {  	_ = 	snop  }
0x35: {  	[tilespmem:s18], [sflag:$0x2] =	stream.indirect.gather [hbm4b:s5+s15], $0x50, s15, s15, $0xb8;
	[tilespmem:$0x1A680] =	vst v63  }
0x36: {  	s19 =	simm.s32 $0x2900;
	s2 =	simm.s32 $0x0  }
0x37: {  	[tilespmem:s20], [sflag:$0x5] =	stream.indirect.gather [hbm4b:s6+s15], $0x10, s19, s15, $0xb8;
	[tilespmem:$0x1A680] =	vst v63  }
.LBB2_2:
0x38: {  	_ =	swait.ge [sflag:s21], $0x2800  }
0x39: {  	[sflag:s21] =	ssyncset.done $0x0  }
0x3a: {  	[sflag:s21] =	ssyncadd.s32 $0xFFFFD800  }
0x3b: {  	_ =	swait.ge [sflag:s22], $0x800  }
0x3c: {  	[sflag:s22] =	ssyncset.done $0x0  }
0x3d: {  	s14 =	simm.s32 $0x0;
	[sflag:s22] =	ssyncadd.s32 $0xFFFFF800  }
.LBB2_3:
0x3e: {  	v0 =	vlaneseq.u32  }
0x3f: {  	v0 =	vor.u32 s14, v0  }
0x40: {  	v48 =	vmul.u32 $0x50, v0;
	v0 =	vshll.u32 v0, $0x4  }
0x41: {  	v1 =	vor.u32 $0x1, v0  }
0x42: {  	v49 =	vor.u32 $0x2, v0  }
0x43: {  	v51 =	vor.u32 $0x4, v0  }
0x44: {  	v57 =	vor.u32 $0x5, v0  }
0x45: {  	v61 =	vor.u32 $0x6, v0;
	v31 =	vld.idx.msk [tilespmem:v0+s17+$0x0], $0xffff  }
0x46: {  	v63 =	vor.u32 $0x7, v0;
	v38 =	vld.idx.msk [tilespmem:v1+s17+$0x0], $0xffff  }
0x47: {  	v55 =	vld.idx.msk [tilespmem:v49+s17+$0x0], $0xffff  }
0x48: {  	v3 =	vadd.s32 $0x41, v48;
	v1 =	vld.idx.msk [tilespmem:v51+s17+$0x0], $0xffff  }
0x49: {  	v4 =	vadd.s32 $0x42, v48;
	[tilespmem:$0x1FF90] =	vst v3;
	v7 =	vld.idx.msk [tilespmem:v57+s17+$0x0], $0xffff  }
0x4a: {  	v5 =	vadd.s32 $0x43, v48;
	[tilespmem:$0x1FFA0] =	vst v4;
	v9 =	vld.idx.msk [tilespmem:v61+s17+$0x0], $0xffff  }
0x4b: {  	v50 =	vor.u32 $0x3, v0;
	v6 =	vadd.s32 $0x44, v48;
	[tilespmem:$0x1FFB0] =	vst v5;
	v11 =	vld.idx.msk [tilespmem:v63+s17+$0x0], $0xffff  }
0x4c: {  	v54 =	vadd.s32 $0x45, v48;
	[tilespmem:$0x1FFC0] =	vst v6;
	v12 =	vld.idx.msk [tilespmem:v48+s16+$0x0], $0xffff  }
0x4d: {  	v58 =	vadd.s32 $0x46, v48;
	[tilespmem:$0x1FFD0] =	vst v54;
	v37 =	vld.idx.msk [tilespmem:v3+s16+$0x0], $0xffff  }
0x4e: {  	v62 =	vadd.s32 $0x47, v48;
	[tilespmem:$0x1FFE0] =	vst v58;
	v60 =	vld.idx.msk [tilespmem:v4+s16+$0x0], $0xffff  }
0x4f: {  	[tilespmem:$0x1FFF0] =	vst v62;
	v56 =	vld.idx.msk [tilespmem:v5+s16+$0x0], $0xffff  }
0x50: {  	v46 =	vadd.s32 $0x21, v48;
	v3 =	vld.idx.msk [tilespmem:v50+s17+$0x0], $0xffff;
	[tilespmem:$0x1FBA0] =	vst v1  }
0x51: {  	v61 =	vadd.s32 $0x1B, v48;
	v59 =	vld.idx.msk [tilespmem:v6+s16+$0x0], $0xffff;
	[tilespmem:$0x1FC40] =	vst v7  }
0x52: {  	v57 =	vadd.s32 $0x1D, v48;
	v4 =	vld.idx.msk [tilespmem:v54+s16+$0x0], $0xffff;
	[tilespmem:$0x1FCE0] =	vst v9  }
0x53: {  	v51 =	vadd.s32 $0x1F, v48;
	v8 =	vld.idx.msk [tilespmem:v58+s16+$0x0], $0xffff;
	[tilespmem:$0x1FD80] =	vst v11  }
0x54: {  	v10 =	vld.idx.msk [tilespmem:v62+s16+$0x0], $0xffff;
	[tilespmem:$0x1FA80] =	vst v12;
	v11 =	vor.u32 $0x8, v48  }
0x55: {  	v49 =	vadd.s32 $0x20, v48;
	v54 =	vld.idx.msk [tilespmem:v46+s16+$0x0], $0xffff;
	[tilespmem:$0x1FAF0] =	vst v56  }
0x56: {  	v5 =	vor.u32 $0x1, v48;
	v43 =	vld.idx.msk [tilespmem:v61+s16+$0x0], $0xffff;
	[tilespmem:$0x1FB90] =	vst v59  }
0x57: {  	v7 =	vor.u32 $0x3, v48;
	v45 =	vld.idx.msk [tilespmem:v57+s16+$0x0], $0xffff;
	[tilespmem:$0x1FC30] =	vst v4  }
0x58: {  	v52 =	vld.idx.msk [tilespmem:v51+s16+$0x0], $0xffff;
	[tilespmem:$0x1FCD0] =	vst v8;
	v8 =	vor.u32 $0x5, v48  }
0x59: {  	[tilespmem:$0x1FD70] =	vst v10;
	v10 =	vor.u32 $0x6, v48;
	v20 =	vld.idx.msk [tilespmem:v11+s16+$0x0], $0xffff  }
0x5a: {  	v6 =	vor.u32 $0x2, v48;
	v53 =	vld.idx.msk [tilespmem:v49+s16+$0x0], $0xffff;
	[tilespmem:$0x1FD10] =	vst v54  }
0x5b: {  	v62 =	vadd.s32 $0x1C, v48;
	v13 =	vld.idx.msk [tilespmem:v5+s16+$0x0], $0xffff;
	[tilespmem:$0x1FC90] =	vst v43  }
0x5c: {  	v50 =	vadd.s32 $0x1E, v48;
	v15 =	vld.idx.msk [tilespmem:v7+s16+$0x0], $0xffff;
	[tilespmem:$0x1FCB0] =	vst v45  }
0x5d: {  	v2 =	vadd.s32 $0x40, v48;
	[tilespmem:$0x1FCF0] =	vst v52;
	v17 =	vld.idx.msk [tilespmem:v8+s16+$0x0], $0xffff  }
0x5e: {  	v18 =	vld.idx.msk [tilespmem:v10+s16+$0x0], $0xffff;
	[tilespmem:$0x1FB20] =	vst v20;
	v20 =	vadd.s32 $0x11, v48  }
0x5f: {  	v9 =	vor.u32 $0x7, v48;
	v14 =	vld.idx.msk [tilespmem:v6+s16+$0x0], $0xffff;
	[tilespmem:$0x1FD00] =	vst v53  }
0x60: {  	v4 =	vor.u32 $0x4, v48;
	v44 =	vld.idx.msk [tilespmem:v62+s16+$0x0], $0xffff;
	[tilespmem:$0x1FA90] =	vst v13  }
0x61: {  	v47 =	vld.idx.msk [tilespmem:v50+s16+$0x0], $0xffff;
	[tilespmem:$0x1FAB0] =	vst v15;
	v15 =	vor.u32 $0xC, v48  }
0x62: {  	v29 =	vld.idx.msk [tilespmem:v2+s16+$0x0], $0xffff;
	[tilespmem:$0x1FAD0] =	vst v17;
	v17 =	vor.u32 $0xF, v48  }
0x63: {  	[tilespmem:$0x1FAE0] =	vst v18;
	v18 =	vor.u32 $0xE, v48;
	v30 =	vld.idx.msk [tilespmem:v20+s16+$0x0], $0xffff  }
0x64: {  	v12 =	vor.u32 $0x9, v48;
	v19 =	vld.idx.msk [tilespmem:v9+s16+$0x0], $0xffff;
	[tilespmem:$0x1FAA0] =	vst v14  }
0x65: {  	v45 =	vadd.s32 $0x22, v48;
	v16 =	vld.idx.msk [tilespmem:v4+s16+$0x0], $0xffff;
	[tilespmem:$0x1FCA0] =	vst v44  }
0x66: {  	v13 =	vor.u32 $0xA, v48;
	[tilespmem:$0x1FCC0] =	vst v47;
	v44 =	vadd.s32 $0x2E, v48;
	v24 =	vld.idx.msk [tilespmem:v15+s16+$0x0], $0xffff  }
0x67: {  	v14 =	vor.u32 $0xB, v48;
	[tilespmem:$0x1FE30] =	vst v44;
	v27 =	vld.idx.msk [tilespmem:v17+s16+$0x0], $0xffff  }
0x68: {  	v26 =	vld.idx.msk [tilespmem:v18+s16+$0x0], $0xffff;
	[tilespmem:$0x1FBD0] =	vst v30;
	v30 =	vadd.s32 $0x1A, v48  }
0x69: {  	v21 =	vld.idx.msk [tilespmem:v12+s16+$0x0], $0xffff;
	[tilespmem:$0x1FB10] =	vst v19;
	v19 =	vadd.s32 $0x10, v48  }
0x6a: {  	v56 =	vld.idx.msk [tilespmem:v45+s16+$0x0], $0xffff;
	[tilespmem:$0x1FAC0] =	vst v16;
	v16 =	vor.u32 $0xD, v48  }
0x6b: {  	v22 =	vld.idx.msk [tilespmem:v13+s16+$0x0], $0xffff;
	[tilespmem:$0x1FB60] =	vst v24;
	v24 =	vadd.s32 $0x15, v48  }
0x6c: {  	v23 =	vld.idx.msk [tilespmem:v14+s16+$0x0], $0xffff;
	[tilespmem:$0x1FBB0] =	vst v27;
	v27 =	vadd.s32 $0x18, v48  }
0x6d: {  	[tilespmem:$0x1FB80] =	vst v26;
	v26 =	vadd.s32 $0x16, v48;
	v42 =	vld.idx.msk [tilespmem:v30+s16+$0x0], $0xffff  }
0x6e: {  	v43 =	vadd.s32 $0x24, v48;
	[tilespmem:$0x1FB30] =	vst v21;
	v28 =	vld.idx.msk [tilespmem:v19+s16+$0x0], $0xffff  }
0x6f: {  	v21 =	vadd.s32 $0x12, v48;
	[tilespmem:$0x1FD20] =	vst v56;
	v25 =	vld.idx.msk [tilespmem:v16+s16+$0x0], $0xffff  }
0x70: {  	[tilespmem:$0x1FB40] =	vst v22;
	v22 =	vadd.s32 $0x13, v48;
	v35 =	vld.idx.msk [tilespmem:v24+s16+$0x0], $0xffff  }
0x71: {  	[tilespmem:$0x1FB50] =	vst v23;
	v23 =	vadd.s32 $0x14, v48;
	v40 =	vld.idx.msk [tilespmem:v27+s16+$0x0], $0xffff  }
0x72: {  	v36 =	vld.idx.msk [tilespmem:v26+s16+$0x0], $0xffff;
	[tilespmem:$0x1FC80] =	vst v42;
	v42 =	vadd.s32 $0x23, v48  }
0x73: {  	v59 =	vld.idx.msk [tilespmem:v43+s16+$0x0], $0xffff;
	[tilespmem:$0x1FBC0] =	vst v28;
	v28 =	vadd.s32 $0x19, v48  }
0x74: {  	v32 =	vld.idx.msk [tilespmem:v21+s16+$0x0], $0xffff;
	[tilespmem:$0x1FB70] =	vst v25;
	v25 =	vadd.s32 $0x17, v48  }
0x75: {  	v33 =	vld.idx.msk [tilespmem:v22+s16+$0x0], $0xffff;
	[tilespmem:$0x1FC10] =	vst v35;
	v35 =	vadd.s32 $0x26, v48  }
0x76: {  	v34 =	vld.idx.msk [tilespmem:v23+s16+$0x0], $0xffff;
	[tilespmem:$0x1FC60] =	vst v40;
	v40 =	vadd.s32 $0x25, v48  }
0x77: {  	[tilespmem:$0x1FC20] =	vst v36;
	v36 =	vadd.s32 $0x27, v48;
	v58 =	vld.idx.msk [tilespmem:v42+s16+$0x0], $0xffff  }
0x78: {  	[tilespmem:$0x1FD40] =	vst v59;
	v56 =	vadd.s32 $0x2B, v48;
	v41 =	vld.idx.msk [tilespmem:v28+s16+$0x0], $0xffff  }
0x79: {  	v52 =	vadd.s32 $0x29, v48;
	[tilespmem:$0x1FBE0] =	vst v32;
	v39 =	vld.idx.msk [tilespmem:v25+s16+$0x0], $0xffff  }
0x7a: {  	[tilespmem:$0x1FBF0] =	vst v33;
	v33 =	vadd.s32 $0x28, v48;
	v32 =	vld.idx.msk [tilespmem:v35+s16+$0x0], $0xffff  }
0x7b: {  	[tilespmem:$0x1FC00] =	vst v34;
	v63 =	vld.idx.msk [tilespmem:v40+s16+$0x0], $0xffff  }
0x7c: {  	v34 =	vld.idx.msk [tilespmem:v36+s16+$0x0], $0xffff;
	[tilespmem:$0x1FD30] =	vst v58;
	v58 =	vadd.s32 $0x2C, v48  }
0x7d: {  	v54 =	vadd.s32 $0x2A, v48;
	v47 =	vld.idx.msk [tilespmem:v56+s16+$0x0], $0xffff;
	[tilespmem:$0x1FC70] =	vst v41  }
0x7e: {  	v41 =	vld.idx.msk [tilespmem:v52+s16+$0x0], $0xffff;
	[tilespmem:$0x1FC50] =	vst v39  }
0x7f: {  	v39 =	vld.idx.msk [tilespmem:v33+s16+$0x0], $0xffff;
	[tilespmem:$0x1FD60] =	vst v32  }
0x80: {  	v32 =	vadd.s32 $0x2D, v48;
	[tilespmem:$0x1FD50] =	vst v63  }
0x81: {  	v29 =	vadd.f32 v31, v29;
	[tilespmem:$0x1FD90] =	vst v34;
	v63 =	vadd.s32 $0x32, v48;
	v34 =	vld.idx.msk [tilespmem:v58+s16+$0x0], $0xffff  }
0x82: {  	v53 =	vld.idx.msk [tilespmem:v54+s16+$0x0], $0xffff;
	[tilespmem:$0x1FDD0] =	vst v47  }
0x83: {  	v47 =	vmul.f32 $2.000000030e-01, v29;
	[tilespmem:$0x1FDB0] =	vst v41  }
0x84: {  	vm0 =	vgt.f32 v29, $0.0e+00;
	[tilespmem:$0x1FDA0] =	vst v39;
	v39 =	vadd.s32 $0x31, v48  }
0x85: {  	v59 =	vadd.s32 $0x2F, v48;
	v31 =	vsel vm0, v29, v47;
	[tilespmem:$0x1FE10] =	vst v32;
	v41 =	vld.idx.msk [tilespmem:v32+s16+$0x0], $0xffff  }
0x86: {  	v32 =	vld.idx.msk [tilespmem:v63+s16+$0x0], $0xffff;
	[tilespmem:$0x1FDE0] =	vst v34;
	v34 =	vmul.f32 $1.442695020e+00, v31;
	v31 =	vadd.s32 $0x37, v48  }
0x87: {  	[tilespmem:$0x1FDC0] =	vst v53;
	v53 =	vadd.s32 $0x30, v48  }
0x88: {  	v0 =	vld.idx.msk [tilespmem:v44+s16+$0x0], $0xffff;
	[tilespmem:$0x1FE70] =	vst v53  }
0x89: {  	v44 =	vadd.s32 $0x33, v48;
	[tilespmem:$0x1FE50] =	vst v59;
	v29 =	vld.idx.msk [tilespmem:v39+s16+$0x0], $0xffff  }
0x8a: {  	v1 =	vld.idx.msk [tilespmem:v59+s16+$0x0], $0xffff;
	v59 =	vadd.s32 $0x34, v48;
	[tilespmem:$0x1FE90] =	vst v39  }
0x8b: {  	[tilespmem:$0x1FE80] =	vst v32;
	v32 =	vadd.s32 $0x38, v48;
	v39 =	vld.idx.msk [tilespmem:v31+s16+$0x0], $0xffff  }
0x8c: {  	[tilespmem:$0x1FEC0] =	vst v44  }
0x8d: {  	[tilespmem:$0x1FE00] =	vst v0;
	v53 =	vld.idx.msk [tilespmem:v53+s16+$0x0], $0xffff  }
0x8e: {  	v0 =	vld.idx.msk [tilespmem:v44+s16+$0x0], $0xffff;
	v44 =	vadd.f32 v38, v37;
	[tilespmem:$0x1FE60] =	vst v29  }
0x8f: {  	v29 =	vadd.s32 $0x36, v48;
	[tilespmem:$0x1FDF0] =	vst v41;
	(erf) = vpow2.f32 v34;
	v34 =	vld.idx.msk [tilespmem:v59+s16+$0x0], $0xffff  }
0x90: {  	v47 =	vmul.f32 $2.000000030e-01, v44;
	v41 =	vld.idx.msk [tilespmem:v32+s16+$0x0], $0xffff;
	[tilespmem:$0x1FEF0] =	vst v39;
	v39 =	vadd.s32 $0x3C, v48  }
0x91: {  	vm9 =	vgt.f32 v44, $0.0e+00  }
0x92: {  	[tilespmem:$0x1FE40] =	vst v53;
	v47 =	vsel vm9, v44, v47  }
0x93: {  	v53 =	vadd.s32 $0x35, v48;
	[tilespmem:$0x1FEA0] =	vst v0;
	v0 =	vmul.f32 $1.442695020e+00, v47  }
0x94: {  	v38 =	vld.idx.msk [tilespmem:v29+s16+$0x0], $0xffff;
	[tilespmem:$0x1FEB0] =	vst v34;
	v34 =	vadd.s32 $0x39, v48  }
0x95: {  	(erf) = vpow2.f32 v0;
	[tilespmem:$0x1FF00] =	vst v41;
	v41 =	vadd.s32 $0x3D, v48;
	v0 =	vld.idx.msk [tilespmem:v39+s16+$0x0], $0xffff;
	_ =	sdelay $0x2  }
0x96: {  	v37 =	vld.idx.msk [tilespmem:v53+s16+$0x0], $0xffff  }
0x97: {  	[tilespmem:$0x1FEE0] =	vst v38;
	v38 =	vadd.s32 $0x3B, v48;
	v44 =	vld.idx.msk [tilespmem:v34+s16+$0x0], $0xffff  }
0x98: {  	[tilespmem:$0x1FF40] =	vst v0;
	v0 =	vadd.f32 v55, v60;
	v60 =	vld.idx.msk [tilespmem:v41+s16+$0x0], $0xffff;
	_ =	sdelay $0x1  }
0x99: {  	[tilespmem:$0x1FE20] =	vst v1  }
0x9a: {  	[tilespmem:$0x1FED0] =	vst v37  }
0x9b: {  	v37 =	vadd.s32 $0x3A, v48;
	v1 =	vld.idx.msk [tilespmem:v38+s16+$0x0], $0xffff;
	[tilespmem:$0x1FF10] =	vst v44  }
0x9c: {  	v44 =	vadd.s32 $0x3E, v48;
	[tilespmem:$0x1FF50] =	vst v60;
	v60 =	vld [tilespmem:$0x1FA80];
	_ =	sdelay $0x3  }
0x9d: {  	v47 =	vld.idx.msk [tilespmem:v37+s16+$0x0], $0xffff;
	v55 =	vpop (erf)  }
0x9e: {  	[tilespmem:$0x1FF30] =	vst v1;
	v1 =	vmul.f32 v60, v55;
	v60 =	vld.idx.msk [tilespmem:v44+s16+$0x0], $0xffff;
	_ =	sdelay $0x3  }
0x9f: {  	[tilespmem:$0x1FF20] =	vst v47  }
0xa0: {  	v47 =	vadd.s32 $0x3F, v48;
	[tilespmem:$0x1FF60] =	vst v60;
	v60 =	vld [tilespmem:$0x1FA90];
	_ =	sdelay $0x4  }
0xa1: {  	[tilespmem:$0x1FF80] =	vst v2;
	v2 =	vmul.f32 v60, v55;
	v60 =	vld.idx.msk [tilespmem:v47+s16+$0x0], $0xffff;
	_ =	sdelay $0x3  }
0xa2: {  	[tilespmem:v48+s16+$0x0] =	vst.idx.msk $0xffff, v1  }
0xa3: {  	[tilespmem:$0x1FF70] =	vst v60;
	v60 =	vld [tilespmem:$0x1FAA0]  }
0xa4: {  	[tilespmem:v5+s16+$0x0] =	vst.idx.msk $0xffff, v2;
	v5 =	vld [tilespmem:$0x1FAB0];
	_ =	sdelay $0x3  }
0xa5: {  	v1 =	vmul.f32 v60, v55  }
0xa6: {  	v2 =	vmul.f32 v5, v55  }
0xa7: {  	[tilespmem:v6+s16+$0x0] =	vst.idx.msk $0xffff, v1;
	v6 =	vld [tilespmem:$0x1FAC0]  }
0xa8: {  	[tilespmem:v7+s16+$0x0] =	vst.idx.msk $0xffff, v2;
	v7 =	vld [tilespmem:$0x1FAD0]  }
0xa9: {  	v48 =	vld [tilespmem:$0x1FAE0];
	_ =	sdelay $0x1  }
0xaa: {  	[tilespmem:$0x1FB00] =	vst v3;
	v5 =	vld [tilespmem:$0x1FAF0]  }
0xab: {  	v1 =	vmul.f32 v6, v55;
	v6 =	vld [tilespmem:$0x1FB00]  }
0xac: {  	v3 =	vmul.f32 $2.000000030e-01, v0;
	v2 =	vmul.f32 v7, v55;
	v7 =	vld [tilespmem:$0x1FB10]  }
0xad: {  	vm10 =	vgt.f32 v0, $0.0e+00;
	v60 =	vmul.f32 v48, v55;
	[tilespmem:v4+s16+$0x0] =	vst.idx.msk $0xffff, v1  }
0xae: {  	v0 =	vsel vm10, v0, v3;
	[tilespmem:v8+s16+$0x0] =	vst.idx.msk $0xffff, v2  }
0xaf: {  	v0 =	vmul.f32 $1.442695020e+00, v0;
	[tilespmem:v10+s16+$0x0] =	vst.idx.msk $0xffff, v60;
	v10 =	vld [tilespmem:$0x1FB20]  }
0xb0: {  	v48 =	vld [tilespmem:$0x1FB30]  }
0xb1: {  	v2 =	vadd.f32 v6, v5;
	v5 =	vld [tilespmem:$0x1FB40];
	v8 =	vmul.f32 v7, v55  }
0xb2: {  	v6 =	vld [tilespmem:$0x1FB50]  }
0xb3: {  	(erf) = vpow2.f32 v0;
	v0 =	vpop (erf);
	[tilespmem:v9+s16+$0x0] =	vst.idx.msk $0xffff, v8;
	v8 =	vld [tilespmem:$0x1FB60]  }
0xb4: {  	v9 =	vld [tilespmem:$0x1FB70];
	v1 =	vmul.f32 v10, v0  }
0xb5: {  	v3 =	vmul.f32 v48, v0;
	v48 =	vld [tilespmem:$0x1FBF0];
	v60 =	vmul.f32 $2.000000030e-01, v2  }
0xb6: {  	vm11 =	vgt.f32 v2, $0.0e+00;
	v10 =	vld [tilespmem:$0x1FB80];
	[tilespmem:v11+s16+$0x0] =	vst.idx.msk $0xffff, v1;
	v1 =	vmul.f32 v5, v0  }
0xb7: {  	v2 =	vsel vm11, v2, v60;
	[tilespmem:v12+s16+$0x0] =	vst.idx.msk $0xffff, v3;
	v3 =	vmul.f32 v6, v0;
	v12 =	vld [tilespmem:$0x1FB90]  }
0xb8: {  	v7 =	vmul.f32 $1.442695020e+00, v2;
	[tilespmem:v13+s16+$0x0] =	vst.idx.msk $0xffff, v1;
	v2 =	vmul.f32 v8, v0;
	v13 =	vld [tilespmem:$0x1FBA0]  }
0xb9: {  	v8 =	vld [tilespmem:$0x1FC00];
	[tilespmem:v14+s16+$0x0] =	vst.idx.msk $0xffff, v3;
	v3 =	vmul.f32 v9, v0  }
0xba: {  	v14 =	vld [tilespmem:$0x1FBB0];
	[tilespmem:v15+s16+$0x0] =	vst.idx.msk $0xffff, v2  }
0xbb: {  	[tilespmem:v16+s16+$0x0] =	vst.idx.msk $0xffff, v3;
	v16 =	vld [tilespmem:$0x1FBC0]  }
0xbc: {  	v11 =	vmul.f32 v10, v0;
	v9 =	vld [tilespmem:$0x1FC10]  }
0xbd: {  	v10 =	vld [tilespmem:$0x1FC20]  }
0xbe: {  	[tilespmem:v18+s16+$0x0] =	vst.idx.msk $0xffff, v11;
	v11 =	vld [tilespmem:$0x1FC30]  }
0xbf: {  	v1 =	vpop (erf);
	v3 =	vadd.f32 v13, v12;
	v12 =	vld [tilespmem:$0x1FC40];
	v15 =	vmul.f32 v14, v0  }
0xc0: {  	v13 =	vld [tilespmem:$0x1FC50];
	v2 =	vmul.f32 v16, v1  }
0xc1: {  	v18 =	vmul.f32 $2.000000030e-01, v3;
	[tilespmem:v17+s16+$0x0] =	vst.idx.msk $0xffff, v15;
	v17 =	vld [tilespmem:$0x1FBD0]  }
0xc2: {  	vm12 =	vgt.f32 v3, $0.0e+00;
	[tilespmem:v19+s16+$0x0] =	vst.idx.msk $0xffff, v2;
	v19 =	vld [tilespmem:$0x1FBE0]  }
0xc3: {  	v14 =	vld [tilespmem:$0x1FC60];
	v3 =	vsel vm12, v3, v18  }
0xc4: {  	(erf) = vpow2.f32 v7;
	v15 =	vld [tilespmem:$0x1FC70];
	v60 =	vmul.f32 $1.442695020e+00, v3  }
0xc5: {  	v18 =	vld [tilespmem:$0x1FC90]  }
0xc6: {  	(erf) = vpow2.f32 v60;
	v60 =	vld [tilespmem:$0x1FD80];
	v4 =	vmul.f32 v17, v1  }
0xc7: {  	v17 =	vld [tilespmem:$0x1FC80];
	v2 =	vmul.f32 v19, v1  }
0xc8: {  	[tilespmem:v20+s16+$0x0] =	vst.idx.msk $0xffff, v4;
	v4 =	vmul.f32 v48, v1;
	v20 =	vld [tilespmem:$0x1FCA0]  }
0xc9: {  	v3 =	vmul.f32 v8, v1;
	[tilespmem:v21+s16+$0x0] =	vst.idx.msk $0xffff, v2;
	v21 =	vld [tilespmem:$0x1FCB0]  }
0xca: {  	[tilespmem:v22+s16+$0x0] =	vst.idx.msk $0xffff, v4;
	v22 =	vld [tilespmem:$0x1FCC0]  }
0xcb: {  	v4 =	vmul.f32 v9, v1;
	[tilespmem:v23+s16+$0x0] =	vst.idx.msk $0xffff, v3;
	v23 =	vld [tilespmem:$0x1FCD0]  }
0xcc: {  	v2 =	vmul.f32 v10, v1;
	v3 =	vadd.f32 v12, v11;
	v11 =	vld [tilespmem:$0x1FDA0]  }
0xcd: {  	v5 =	vpop (erf);
	[tilespmem:v24+s16+$0x0] =	vst.idx.msk $0xffff, v4;
	v4 =	vmul.f32 v13, v1;
	v24 =	vld [tilespmem:$0x1FCE0]  }
0xce: {  	v13 =	vld [tilespmem:$0x1FDB0];
	[tilespmem:v26+s16+$0x0] =	vst.idx.msk $0xffff, v2;
	v2 =	vmul.f32 v14, v5  }
0xcf: {  	v16 =	vmul.f32 $2.000000030e-01, v3;
	v26 =	vld [tilespmem:$0x1FD00];
	[tilespmem:v25+s16+$0x0] =	vst.idx.msk $0xffff, v4;
	v4 =	vmul.f32 v15, v5  }
0xd0: {  	vm13 =	vgt.f32 v3, $0.0e+00;
	v25 =	vld [tilespmem:$0x1FCF0];
	[tilespmem:v27+s16+$0x0] =	vst.idx.msk $0xffff, v2;
	v2 =	vmul.f32 v17, v5  }
0xd1: {  	v14 =	vld [tilespmem:$0x1FDC0];
	v3 =	vsel vm13, v3, v16;
	[tilespmem:v28+s16+$0x0] =	vst.idx.msk $0xffff, v4;
	v4 =	vmul.f32 v18, v5  }
0xd2: {  	v27 =	vld [tilespmem:$0x1FD10];
	v19 =	vmul.f32 $1.442695020e+00, v3;
	v3 =	vmul.f32 v20, v5;
	[tilespmem:v30+s16+$0x0] =	vst.idx.msk $0xffff, v2  }
0xd3: {  	v15 =	vld [tilespmem:$0x1FDD0];
	[tilespmem:v61+s16+$0x0] =	vst.idx.msk $0xffff, v4;
	v4 =	vmul.f32 v21, v5  }
0xd4: {  	v17 =	vld [tilespmem:$0x1FDE0];
	v2 =	vmul.f32 v22, v5;
	[tilespmem:v62+s16+$0x0] =	vst.idx.msk $0xffff, v3  }
0xd5: {  	v6 =	vpop (erf);
	v18 =	vld [tilespmem:$0x1FDF0];
	[tilespmem:v57+s16+$0x0] =	vst.idx.msk $0xffff, v4;
	v4 =	vmul.f32 v25, v5  }
0xd6: {  	v20 =	vld [tilespmem:$0x1FE10];
	[tilespmem:v50+s16+$0x0] =	vst.idx.msk $0xffff, v2;
	v2 =	vmul.f32 v26, v6  }
0xd7: {  	v30 =	vld [tilespmem:$0x1FD20];
	[tilespmem:v51+s16+$0x0] =	vst.idx.msk $0xffff, v4;
	v4 =	vmul.f32 v27, v6  }
0xd8: {  	v61 =	vld [tilespmem:$0x1FD90];
	[tilespmem:v49+s16+$0x0] =	vst.idx.msk $0xffff, v2  }
0xd9: {  	(erf) = vpow2.f32 v19;
	[tilespmem:v46+s16+$0x0] =	vst.idx.msk $0xffff, v4;
	v46 =	vld [tilespmem:$0x1FD30]  }
0xda: {  	v3 =	vadd.f32 v24, v23;
	v49 =	vld [tilespmem:$0x1FD40]  }
0xdb: {  	v50 =	vld [tilespmem:$0x1FD50]  }
0xdc: {  	v28 =	vmul.f32 $2.000000030e-01, v3;
	v51 =	vld [tilespmem:$0x1FD60]  }
0xdd: {  	v57 =	vld [tilespmem:$0x1FD70];
	vm14 =	vgt.f32 v3, $0.0e+00;
	v2 =	vmul.f32 v30, v6  }
0xde: {  	v22 =	vld [tilespmem:$0x1FE20];
	v3 =	vsel vm14, v3, v28;
	v4 =	vmul.f32 v46, v6  }
0xdf: {  	v19 =	vld [tilespmem:$0x1FE00];
	v48 =	vmul.f32 $1.442695020e+00, v3;
	[tilespmem:v45+s16+$0x0] =	vst.idx.msk $0xffff, v2;
	v3 =	vmul.f32 v49, v6  }
0xe0: {  	v23 =	vld [tilespmem:$0x1FE30];
	[tilespmem:v42+s16+$0x0] =	vst.idx.msk $0xffff, v4;
	v4 =	vmul.f32 v50, v6  }
0xe1: {  	v24 =	vld [tilespmem:$0x1FE40];
	(erf) = vpow2.f32 v48;
	v2 =	vmul.f32 v51, v6;
	[tilespmem:v43+s16+$0x0] =	vst.idx.msk $0xffff, v3  }
0xe2: {  	v25 =	vld [tilespmem:$0x1FE50];
	v62 =	vpop (erf);
	v3 =	vadd.f32 v60, v57;
	[tilespmem:v40+s16+$0x0] =	vst.idx.msk $0xffff, v4;
	v4 =	vmul.f32 v61, v6  }
0xe3: {  	v26 =	vld [tilespmem:$0x1FE60];
	[tilespmem:v35+s16+$0x0] =	vst.idx.msk $0xffff, v2;
	v2 =	vmul.f32 v11, v62  }
0xe4: {  	v27 =	vld [tilespmem:$0x1FE70];
	v8 =	vmul.f32 v13, v62;
	v12 =	vmul.f32 $2.000000030e-01, v3;
	[tilespmem:v36+s16+$0x0] =	vst.idx.msk $0xffff, v4  }
0xe5: {  	v28 =	vld [tilespmem:$0x1FE80];
	vm15 =	vgt.f32 v3, $0.0e+00;
	[tilespmem:v33+s16+$0x0] =	vst.idx.msk $0xffff, v2;
	v2 =	vmul.f32 v14, v62  }
0xe6: {  	v30 =	vld [tilespmem:$0x1FE90];
	v4 =	vmul.f32 v15, v62;
	v3 =	vsel vm15, v3, v12;
	[tilespmem:v52+s16+$0x0] =	vst.idx.msk $0xffff, v8  }
0xe7: {  	v45 =	vld [tilespmem:$0x1FEF0];
	v16 =	vmul.f32 $1.442695020e+00, v3;
	v3 =	vmul.f32 v17, v62;
	[tilespmem:v54+s16+$0x0] =	vst.idx.msk $0xffff, v2  }
0xe8: {  	v36 =	vld [tilespmem:$0x1FEC0];
	[tilespmem:v56+s16+$0x0] =	vst.idx.msk $0xffff, v4;
	v4 =	vmul.f32 v18, v62  }
0xe9: {  	v33 =	vld [tilespmem:$0x1FEA0];
	v2 =	vmul.f32 v19, v62;
	(erf) = vpow2.f32 v16;
	[tilespmem:v58+s16+$0x0] =	vst.idx.msk $0xffff, v3  }
0xea: {  	v35 =	vld [tilespmem:$0x1FEB0];
	v21 =	vpop (erf);
	[tilespmem:v20+s16+$0x0] =	vst.idx.msk $0xffff, v4;
	v4 =	vmul.f32 v22, v62  }
0xeb: {  	v40 =	vld [tilespmem:$0x1FED0];
	[tilespmem:v23+s16+$0x0] =	vst.idx.msk $0xffff, v2;
	v2 =	vmul.f32 v24, v21  }
0xec: {  	v42 =	vld [tilespmem:$0x1FEE0];
	[tilespmem:v25+s16+$0x0] =	vst.idx.msk $0xffff, v4;
	v4 =	vmul.f32 v26, v21  }
0xed: {  	v48 =	vld [tilespmem:$0x1FF10];
	[tilespmem:v27+s16+$0x0] =	vst.idx.msk $0xffff, v2;
	v2 =	vmul.f32 v28, v21  }
0xee: {  	v46 =	vld [tilespmem:$0x1FF00];
	[tilespmem:v30+s16+$0x0] =	vst.idx.msk $0xffff, v4;
	v4 =	vmul.f32 v33, v21  }
0xef: {  	v51 =	vld [tilespmem:$0x1FF40];
	[tilespmem:v63+s16+$0x0] =	vst.idx.msk $0xffff, v2;
	v2 =	vmul.f32 v35, v21  }
0xf0: {  	v49 =	vld [tilespmem:$0x1FF20];
	[tilespmem:v36+s16+$0x0] =	vst.idx.msk $0xffff, v4;
	v4 =	vmul.f32 v40, v21  }
0xf1: {  	v50 =	vld [tilespmem:$0x1FF30];
	[tilespmem:v59+s16+$0x0] =	vst.idx.msk $0xffff, v2;
	v2 =	vmul.f32 v42, v21  }
0xf2: {  	v8 =	vmul.f32 v45, v21;
	v52 =	vld [tilespmem:$0x1FF50];
	v43 =	vpop (erf);
	[tilespmem:v53+s16+$0x0] =	vst.idx.msk $0xffff, v4  }
0xf3: {  	v54 =	vld [tilespmem:$0x1FF70];
	[tilespmem:v29+s16+$0x0] =	vst.idx.msk $0xffff, v2;
	v2 =	vmul.f32 v46, v43  }
0xf4: {  	v53 =	vld [tilespmem:$0x1FF60];
	[tilespmem:v31+s16+$0x0] =	vst.idx.msk $0xffff, v8;
	v8 =	vmul.f32 v48, v43  }
0xf5: {  	v56 =	vld [tilespmem:$0x1FF80];
	[tilespmem:v32+s16+$0x0] =	vst.idx.msk $0xffff, v2;
	v2 =	vmul.f32 v49, v43  }
0xf6: {  	v57 =	vld [tilespmem:$0x1FF90];
	[tilespmem:v34+s16+$0x0] =	vst.idx.msk $0xffff, v8;
	v8 =	vmul.f32 v50, v43  }
0xf7: {  	v58 =	vld [tilespmem:$0x1FFA0];
	[tilespmem:v37+s16+$0x0] =	vst.idx.msk $0xffff, v2;
	v2 =	vmul.f32 v51, v43  }
0xf8: {  	v59 =	vld [tilespmem:$0x1FFB0];
	[tilespmem:v38+s16+$0x0] =	vst.idx.msk $0xffff, v8;
	v8 =	vmul.f32 v52, v43  }
0xf9: {  	v60 =	vld [tilespmem:$0x1FFC0];
	[tilespmem:v39+s16+$0x0] =	vst.idx.msk $0xffff, v2;
	v2 =	vmul.f32 v53, v43  }
0xfa: {  	v61 =	vld [tilespmem:$0x1FFD0];
	[tilespmem:v41+s16+$0x0] =	vst.idx.msk $0xffff, v8;
	v8 =	vmul.f32 v54, v43  }
0xfb: {  	[tilespmem:v44+s16+$0x0] =	vst.idx.msk $0xffff, v2  }
0xfc: {  	[tilespmem:v47+s16+$0x0] =	vst.idx.msk $0xffff, v8  }
0xfd: {  	[tilespmem:v56+s16+$0x0] =	vst.idx.msk $0xffff, v55  }
0xfe: {  	[tilespmem:v57+s16+$0x0] =	vst.idx.msk $0xffff, v0  }
0xff: {  	[tilespmem:v58+s16+$0x0] =	vst.idx.msk $0xffff, v1  }
0x100: {  	[tilespmem:v59+s16+$0x0] =	vst.idx.msk $0xffff, v5  }
0x101: {  	[tilespmem:v60+s16+$0x0] =	vst.idx.msk $0xffff, v6  }
0x102: {  	[tilespmem:v61+s16+$0x0] =	vst.idx.msk $0xffff, v62;
	v62 =	vld [tilespmem:$0x1FFE0]  }
0x103: {  	v63 =	vld [tilespmem:$0x1FFF0];
	_ =	sdelay $0x2  }
0x104: {  	p0 =	sne.s32 s14, $0x70  }
.Ltmp2:
0x105: {  	_ = 	snop;
	(pc) =	sbr.rel @p0 .LBB2_3-.Ltmp2, $3  }
0x106: {  	_ =	sdelay $0x1  }
0x107: {  	[tilespmem:v62+s16+$0x0] =	vst.idx.msk $0xffff, v21  }
0x108: {  	s14 =	sadd.s32 $0x10, s14;
	[tilespmem:v63+s16+$0x0] =	vst.idx.msk $0xffff, v43  }
0x109: {  	s8 =	smul.u32 $0x600, s2;
	_ =	sdelay $0x1  }
0x10a: {  	p0 =	seq.s32 s2, $0x0;
	s14 =	sshra.s32 s8, $0x2  }
0x10b: {  	s10 =	smul.u32 $0x3, s2;
	s19 =	simm.s32 @!p0 $0x9;
	s8 =	sadd.s32 $0x2880, s14  }
0x10c: {  	[spmem:s3] =	stream.indirect.scatter.add.f32 [tilespmem:s16], [sflag:$0x7], $0x50, s8, s15, $0xb8;
	[tilespmem:$0x1A680] =	vst v63  }
0x10d: {  	_ =	swait.ge @!p0 [sflag:s19], $0x2800  }
0x10e: {  	s8 =	sadd.s32 $0x2, s10;
	[sflag:s19] =	ssyncset.done @!p0 $0x0  }
0x10f: {  	[sflag:s19] =	ssyncadd.s32 @!p0 $0xFFFFD800;
	s19 =	sshll.u32 s8, $0x7  }
0x110: {  	[tilespmem:s23], [sflag:$0x3] =	stream.indirect.gather [hbm4b:s5+s15], $0x50, s19, s15, $0xb8;
	[tilespmem:$0x1A680] =	vst v63  }
0x111: {  	s8 =	sadd.s32 $0x2880, s19  }
0x112: {  	[tilespmem:s24], [sflag:$0x6] =	stream.indirect.gather [hbm4b:s6+s15], $0x10, s8, s15, $0xb8;
	[tilespmem:$0x1A680] =	vst v63  }
0x113: {  	_ =	swait.ge [sflag:s25], $0x2800  }
0x114: {  	[sflag:s25] =	ssyncset.done $0x0  }
0x115: {  	[sflag:s25] =	ssyncadd.s32 $0xFFFFD800  }
0x116: {  	_ =	swait.ge [sflag:s26], $0x800  }
0x117: {  	[sflag:s26] =	ssyncset.done $0x0  }
0x118: {  	s8 =	simm.s32 $0x0;
	[sflag:s26] =	ssyncadd.s32 $0xFFFFF800  }
.LBB2_5:
0x119: {  	v0 =	vlaneseq.u32  }
0x11a: {  	v0 =	vor.u32 s8, v0  }
0x11b: {  	v48 =	vmul.u32 $0x50, v0;
	v0 =	vshll.u32 v0, $0x4  }
0x11c: {  	v1 =	vor.u32 $0x1, v0  }
0x11d: {  	v59 =	vor.u32 $0x2, v0  }
0x11e: {  	v10 =	vor.u32 $0x4, v0  }
0x11f: {  	v13 =	vor.u32 $0x5, v0  }
0x120: {  	v16 =	vor.u32 $0x6, v0  }
0x121: {  	v18 =	vor.u32 $0x7, v0;
	v38 =	vld.idx.msk [tilespmem:v1+s20+$0x0], $0xffff  }
0x122: {  	v55 =	vld.idx.msk [tilespmem:v59+s20+$0x0], $0xffff  }
0x123: {  	v3 =	vadd.s32 $0x41, v48;
	v1 =	vld.idx.msk [tilespmem:v10+s20+$0x0], $0xffff  }
0x124: {  	v4 =	vadd.s32 $0x42, v48;
	[tilespmem:$0x1FA10] =	vst v3;
	v19 =	vld.idx.msk [tilespmem:v13+s20+$0x0], $0xffff  }
0x125: {  	v5 =	vadd.s32 $0x43, v48;
	[tilespmem:$0x1FA20] =	vst v4;
	v21 =	vld.idx.msk [tilespmem:v16+s20+$0x0], $0xffff  }
0x126: {  	v9 =	vor.u32 $0x3, v0;
	v6 =	vadd.s32 $0x44, v48;
	[tilespmem:$0x1FA30] =	vst v5;
	v23 =	vld.idx.msk [tilespmem:v18+s20+$0x0], $0xffff  }
0x127: {  	v11 =	vadd.s32 $0x45, v48;
	[tilespmem:$0x1FA40] =	vst v6;
	v24 =	vld.idx.msk [tilespmem:v48+s18+$0x0], $0xffff  }
0x128: {  	v14 =	vadd.s32 $0x46, v48;
	[tilespmem:$0x1FA50] =	vst v11;
	v37 =	vld.idx.msk [tilespmem:v3+s18+$0x0], $0xffff  }
0x129: {  	v17 =	vadd.s32 $0x47, v48;
	[tilespmem:$0x1FA60] =	vst v14;
	v62 =	vld.idx.msk [tilespmem:v4+s18+$0x0], $0xffff  }
0x12a: {  	[tilespmem:$0x1FA70] =	vst v17;
	v12 =	vld.idx.msk [tilespmem:v5+s18+$0x0], $0xffff  }
0x12b: {  	v7 =	vor.u32 $0x3, v48;
	v3 =	vld.idx.msk [tilespmem:v9+s20+$0x0], $0xffff;
	[tilespmem:$0x1F6C0] =	vst v19  }
0x12c: {  	v8 =	vor.u32 $0x5, v48;
	v15 =	vld.idx.msk [tilespmem:v6+s18+$0x0], $0xffff;
	[tilespmem:$0x1F760] =	vst v21  }
0x12d: {  	v61 =	vadd.s32 $0x1C, v48;
	v4 =	vld.idx.msk [tilespmem:v11+s18+$0x0], $0xffff;
	[tilespmem:$0x1F800] =	vst v23  }
0x12e: {  	v57 =	vadd.s32 $0x1D, v48;
	v20 =	vld.idx.msk [tilespmem:v14+s18+$0x0], $0xffff;
	[tilespmem:$0x1F500] =	vst v24  }
0x12f: {  	v10 =	vor.u32 $0x6, v48;
	v22 =	vld.idx.msk [tilespmem:v17+s18+$0x0], $0xffff;
	[tilespmem:$0x1F570] =	vst v12  }
0x130: {  	v13 =	vor.u32 $0xA, v48;
	v27 =	vld.idx.msk [tilespmem:v7+s18+$0x0], $0xffff;
	[tilespmem:$0x1F580] =	vst v3  }
0x131: {  	v16 =	vor.u32 $0xD, v48;
	v30 =	vld.idx.msk [tilespmem:v8+s18+$0x0], $0xffff;
	[tilespmem:$0x1F610] =	vst v15  }
0x132: {  	v18 =	vor.u32 $0xE, v48;
	v59 =	vld.idx.msk [tilespmem:v61+s18+$0x0], $0xffff;
	[tilespmem:$0x1F6B0] =	vst v4  }
0x133: {  	v5 =	vor.u32 $0x1, v48;
	v60 =	vld.idx.msk [tilespmem:v57+s18+$0x0], $0xffff;
	[tilespmem:$0x1F750] =	vst v20  }
0x134: {  	v6 =	vor.u32 $0x2, v48;
	v32 =	vld.idx.msk [tilespmem:v10+s18+$0x0], $0xffff;
	[tilespmem:$0x1F7F0] =	vst v22  }
0x135: {  	v9 =	vor.u32 $0x7, v48;
	v36 =	vld.idx.msk [tilespmem:v13+s18+$0x0], $0xffff;
	[tilespmem:$0x1F530] =	vst v27  }
0x136: {  	v11 =	vor.u32 $0x8, v48;
	v41 =	vld.idx.msk [tilespmem:v16+s18+$0x0], $0xffff;
	[tilespmem:$0x1F550] =	vst v30  }
0x137: {  	v14 =	vor.u32 $0xB, v48;
	v42 =	vld.idx.msk [tilespmem:v18+s18+$0x0], $0xffff;
	[tilespmem:$0x1F720] =	vst v59  }
0x138: {  	v17 =	vor.u32 $0xF, v48;
	v25 =	vld.idx.msk [tilespmem:v5+s18+$0x0], $0xffff;
	[tilespmem:$0x1F730] =	vst v60  }
0x139: {  	v19 =	vadd.s32 $0x10, v48;
	v26 =	vld.idx.msk [tilespmem:v6+s18+$0x0], $0xffff;
	[tilespmem:$0x1F560] =	vst v32  }
0x13a: {  	v21 =	vadd.s32 $0x12, v48;
	v33 =	vld.idx.msk [tilespmem:v9+s18+$0x0], $0xffff;
	[tilespmem:$0x1F5C0] =	vst v36  }
0x13b: {  	v23 =	vadd.s32 $0x14, v48;
	v34 =	vld.idx.msk [tilespmem:v11+s18+$0x0], $0xffff;
	[tilespmem:$0x1F5F0] =	vst v41  }
0x13c: {  	v24 =	vadd.s32 $0x15, v48;
	v39 =	vld.idx.msk [tilespmem:v14+s18+$0x0], $0xffff;
	[tilespmem:$0x1F600] =	vst v42  }
0x13d: {  	v4 =	vor.u32 $0x4, v48;
	v43 =	vld.idx.msk [tilespmem:v17+s18+$0x0], $0xffff;
	[tilespmem:$0x1F510] =	vst v25  }
0x13e: {  	v12 =	vor.u32 $0x9, v48;
	v44 =	vld.idx.msk [tilespmem:v19+s18+$0x0], $0xffff;
	[tilespmem:$0x1F520] =	vst v26  }
0x13f: {  	v15 =	vor.u32 $0xC, v48;
	v46 =	vld.idx.msk [tilespmem:v21+s18+$0x0], $0xffff;
	[tilespmem:$0x1F590] =	vst v33  }
0x140: {  	v20 =	vadd.s32 $0x11, v48;
	v49 =	vld.idx.msk [tilespmem:v23+s18+$0x0], $0xffff;
	[tilespmem:$0x1F5A0] =	vst v34  }
0x141: {  	v22 =	vadd.s32 $0x13, v48;
	v50 =	vld.idx.msk [tilespmem:v24+s18+$0x0], $0xffff;
	[tilespmem:$0x1F5D0] =	vst v39  }
0x142: {  	v27 =	vadd.s32 $0x18, v48;
	v28 =	vld.idx.msk [tilespmem:v4+s18+$0x0], $0xffff;
	[tilespmem:$0x1F630] =	vst v43  }
0x143: {  	v30 =	vadd.s32 $0x1A, v48;
	v35 =	vld.idx.msk [tilespmem:v12+s18+$0x0], $0xffff;
	[tilespmem:$0x1F640] =	vst v44  }
0x144: {  	v40 =	vld.idx.msk [tilespmem:v15+s18+$0x0], $0xffff;
	v26 =	vadd.s32 $0x16, v48;
	[tilespmem:$0x1F660] =	vst v46  }
0x145: {  	v45 =	vld.idx.msk [tilespmem:v20+s18+$0x0], $0xffff;
	[tilespmem:$0x1F680] =	vst v49;
	v46 =	vadd.s32 $0x21, v48  }
0x146: {  	v32 =	vadd.s32 $0x1B, v48;
	v47 =	vld.idx.msk [tilespmem:v22+s18+$0x0], $0xffff;
	[tilespmem:$0x1F690] =	vst v50  }
0x147: {  	v25 =	vadd.s32 $0x17, v48;
	v53 =	vld.idx.msk [tilespmem:v27+s18+$0x0], $0xffff;
	[tilespmem:$0x1F540] =	vst v28  }
0x148: {  	v42 =	vadd.s32 $0x23, v48;
	v56 =	vld.idx.msk [tilespmem:v30+s18+$0x0], $0xffff;
	[tilespmem:$0x1F5B0] =	vst v35  }
0x149: {  	v43 =	vadd.s32 $0x24, v48;
	[tilespmem:$0x1F5E0] =	vst v40;
	v51 =	vld.idx.msk [tilespmem:v26+s18+$0x0], $0xffff  }
0x14a: {  	[tilespmem:$0x1F650] =	vst v45;
	v35 =	vld.idx.msk [tilespmem:v46+s18+$0x0], $0xffff  }
0x14b: {  	v58 =	vld.idx.msk [tilespmem:v32+s18+$0x0], $0xffff;
	[tilespmem:$0x1F670] =	vst v47;
	v45 =	vadd.s32 $0x22, v48  }
0x14c: {  	v49 =	vadd.s32 $0x20, v48;
	v52 =	vld.idx.msk [tilespmem:v25+s18+$0x0], $0xffff;
	[tilespmem:$0x1F6E0] =	vst v53  }
0x14d: {  	v50 =	vadd.s32 $0x1E, v48;
	v39 =	vld.idx.msk [tilespmem:v42+s18+$0x0], $0xffff;
	[tilespmem:$0x1F700] =	vst v56  }
0x14e: {  	v41 =	vld.idx.msk [tilespmem:v43+s18+$0x0], $0xffff;
	[tilespmem:$0x1F6A0] =	vst v51;
	v51 =	vadd.s32 $0x1F, v48  }
0x14f: {  	v29 =	vld.idx.msk [tilespmem:v0+s20+$0x0], $0xffff;
	[tilespmem:$0x1F790] =	vst v35;
	v35 =	vadd.s32 $0x26, v48  }
0x150: {  	v40 =	vadd.s32 $0x25, v48;
	[tilespmem:$0x1F710] =	vst v58;
	v36 =	vld.idx.msk [tilespmem:v45+s18+$0x0], $0xffff  }
0x151: {  	v34 =	vld.idx.msk [tilespmem:v49+s18+$0x0], $0xffff;
	[tilespmem:$0x1F6D0] =	vst v52;
	v52 =	vadd.s32 $0x29, v48  }
0x152: {  	v2 =	vadd.s32 $0x40, v48;
	v63 =	vld.idx.msk [tilespmem:v50+s18+$0x0], $0xffff;
	[tilespmem:$0x1F7B0] =	vst v39  }
0x153: {  	v28 =	vadd.s32 $0x19, v48;
	v39 =	vadd.s32 $0x32, v48;
	[tilespmem:$0x1F7C0] =	vst v41;
	v33 =	vld.idx.msk [tilespmem:v51+s18+$0x0], $0xffff  }
0x154: {  	v60 =	vadd.s32 $0x2B, v48;
	[tilespmem:$0x1F930] =	vst v39;
	v47 =	vld.idx.msk [tilespmem:v35+s18+$0x0], $0xffff  }
0x155: {  	v44 =	vld.idx.msk [tilespmem:v40+s18+$0x0], $0xffff;
	[tilespmem:$0x1F7A0] =	vst v36;
	v36 =	vadd.s32 $0x27, v48  }
0x156: {  	[tilespmem:$0x1F780] =	vst v34;
	v34 =	vadd.s32 $0x2D, v48;
	v59 =	vld.idx.msk [tilespmem:v52+s18+$0x0], $0xffff  }
0x157: {  	v31 =	vld.idx.msk [tilespmem:v2+s18+$0x0], $0xffff;
	[tilespmem:$0x1F740] =	vst v63;
	v63 =	vadd.s32 $0x2E, v48  }
0x158: {  	v58 =	vadd.s32 $0x2C, v48;
	v54 =	vld.idx.msk [tilespmem:v28+s18+$0x0], $0xffff;
	[tilespmem:$0x1F770] =	vst v33  }
0x159: {  	v33 =	vadd.s32 $0x28, v48;
	[tilespmem:$0x1F7E0] =	vst v47;
	v47 =	vld.idx.msk [tilespmem:v60+s18+$0x0], $0xffff  }
0x15a: {  	[tilespmem:$0x1F7D0] =	vst v44;
	v53 =	vld.idx.msk [tilespmem:v36+s18+$0x0], $0xffff  }
0x15b: {  	v44 =	vld.idx.msk [tilespmem:v34+s18+$0x0], $0xffff;
	[tilespmem:$0x1F830] =	vst v59;
	v59 =	vadd.s32 $0x2F, v48  }
0x15c: {  	v29 =	vadd.f32 v29, v31;
	[tilespmem:$0x1F8B0] =	vst v63;
	v0 =	vld.idx.msk [tilespmem:v63+s18+$0x0], $0xffff;
	v63 =	vadd.s32 $0x33, v48  }
0x15d: {  	v3 =	vadd.s32 $0x31, v48;
	v41 =	vld.idx.msk [tilespmem:v58+s18+$0x0], $0xffff;
	[tilespmem:$0x1F6F0] =	vst v54  }
0x15e: {  	v54 =	vadd.s32 $0x2A, v48;
	v56 =	vld.idx.msk [tilespmem:v33+s18+$0x0], $0xffff;
	[tilespmem:$0x1F850] =	vst v47;
	v47 =	vmul.f32 $2.000000030e-01, v29  }
0x15f: {  	vm0 =	vgt.f32 v29, $0.0e+00;
	[tilespmem:$0x1F810] =	vst v53;
	v53 =	vadd.s32 $0x30, v48  }
0x160: {  	[tilespmem:$0x1F8D0] =	vst v59;
	v59 =	vld.idx.msk [tilespmem:v59+s18+$0x0], $0xffff;
	v31 =	vsel vm0, v29, v47  }
0x161: {  	[tilespmem:$0x1F870] =	vst v44;
	v29 =	vld.idx.msk [tilespmem:v63+s18+$0x0], $0xffff;
	v44 =	vmul.f32 $1.442695020e+00, v31;
	v31 =	vadd.s32 $0x37, v48  }
0x162: {  	[tilespmem:$0x1F860] =	vst v41;
	v41 =	vld.idx.msk [tilespmem:v3+s18+$0x0], $0xffff  }
0x163: {  	[tilespmem:$0x1F820] =	vst v56;
	v56 =	vld.idx.msk [tilespmem:v54+s18+$0x0], $0xffff  }
0x164: {  	[tilespmem:$0x1F890] =	vst v34;
	v34 =	vld.idx.msk [tilespmem:v53+s18+$0x0], $0xffff  }
0x165: {  	[tilespmem:$0x1F8A0] =	vst v59;
	v59 =	vadd.s32 $0x34, v48;
	v47 =	vld.idx.msk [tilespmem:v39+s18+$0x0], $0xffff  }
0x166: {  	[tilespmem:$0x1F920] =	vst v29;
	v29 =	vadd.s32 $0x38, v48;
	v39 =	vld.idx.msk [tilespmem:v31+s18+$0x0], $0xffff  }
0x167: {  	[tilespmem:$0x1F8E0] =	vst v41  }
0x168: {  	[tilespmem:$0x1F840] =	vst v56  }
0x169: {  	(erf) = vpow2.f32 v44;
	v44 =	vadd.f32 v38, v37;
	[tilespmem:$0x1F8C0] =	vst v34  }
0x16a: {  	v56 =	vadd.s32 $0x36, v48;
	v34 =	vld.idx.msk [tilespmem:v59+s18+$0x0], $0xffff;
	[tilespmem:$0x1F900] =	vst v47  }
0x16b: {  	v47 =	vmul.f32 $2.000000030e-01, v44;
	v41 =	vld.idx.msk [tilespmem:v29+s18+$0x0], $0xffff;
	[tilespmem:$0x1F970] =	vst v39;
	v39 =	vadd.s32 $0x3C, v48  }
0x16c: {  	vm9 =	vgt.f32 v44, $0.0e+00  }
0x16d: {  	[tilespmem:$0x1F880] =	vst v0;
	v47 =	vsel vm9, v44, v47  }
0x16e: {  	[tilespmem:$0x1F8F0] =	vst v53;
	v53 =	vadd.s32 $0x35, v48;
	v0 =	vmul.f32 $1.442695020e+00, v47  }
0x16f: {  	[tilespmem:$0x1F940] =	vst v34;
	v34 =	vadd.s32 $0x39, v48;
	v38 =	vld.idx.msk [tilespmem:v56+s18+$0x0], $0xffff  }
0x170: {  	(erf) = vpow2.f32 v0;
	[tilespmem:$0x1F980] =	vst v41;
	v41 =	vadd.s32 $0x3D, v48;
	v0 =	vld.idx.msk [tilespmem:v39+s18+$0x0], $0xffff;
	_ =	sdelay $0x2  }
0x171: {  	v37 =	vld.idx.msk [tilespmem:v53+s18+$0x0], $0xffff  }
0x172: {  	[tilespmem:$0x1F960] =	vst v38;
	v38 =	vadd.s32 $0x3B, v48;
	v44 =	vld.idx.msk [tilespmem:v34+s18+$0x0], $0xffff  }
0x173: {  	[tilespmem:$0x1F9C0] =	vst v0;
	v0 =	vadd.f32 v55, v62;
	v62 =	vld.idx.msk [tilespmem:v41+s18+$0x0], $0xffff;
	_ =	sdelay $0x1  }
0x174: {  	[tilespmem:$0x1F620] =	vst v1  }
0x175: {  	[tilespmem:$0x1F950] =	vst v37  }
0x176: {  	v37 =	vadd.s32 $0x3A, v48;
	[tilespmem:$0x1F990] =	vst v44;
	v1 =	vld.idx.msk [tilespmem:v38+s18+$0x0], $0xffff  }
0x177: {  	v44 =	vadd.s32 $0x3E, v48;
	[tilespmem:$0x1F9D0] =	vst v62;
	v62 =	vld [tilespmem:$0x1F500];
	_ =	sdelay $0x3  }
0x178: {  	v47 =	vld.idx.msk [tilespmem:v37+s18+$0x0], $0xffff;
	v55 =	vpop (erf)  }
0x179: {  	[tilespmem:$0x1F9B0] =	vst v1;
	v1 =	vmul.f32 v62, v55;
	v62 =	vld.idx.msk [tilespmem:v44+s18+$0x0], $0xffff;
	_ =	sdelay $0x3  }
0x17a: {  	[tilespmem:$0x1F9A0] =	vst v47  }
0x17b: {  	v47 =	vadd.s32 $0x3F, v48;
	[tilespmem:$0x1F9E0] =	vst v62;
	v62 =	vld [tilespmem:$0x1F510];
	_ =	sdelay $0x4  }
0x17c: {  	[tilespmem:$0x1FA00] =	vst v2;
	v2 =	vmul.f32 v62, v55;
	v62 =	vld.idx.msk [tilespmem:v47+s18+$0x0], $0xffff;
	_ =	sdelay $0x3  }
0x17d: {  	[tilespmem:v48+s18+$0x0] =	vst.idx.msk $0xffff, v1  }
0x17e: {  	[tilespmem:$0x1F9F0] =	vst v62;
	v62 =	vld [tilespmem:$0x1F520]  }
0x17f: {  	[tilespmem:v5+s18+$0x0] =	vst.idx.msk $0xffff, v2;
	v5 =	vld [tilespmem:$0x1F530];
	_ =	sdelay $0x3  }
0x180: {  	v1 =	vmul.f32 v62, v55  }
0x181: {  	v2 =	vmul.f32 v5, v55  }
0x182: {  	[tilespmem:v6+s18+$0x0] =	vst.idx.msk $0xffff, v1;
	v6 =	vld [tilespmem:$0x1F540]  }
0x183: {  	[tilespmem:v7+s18+$0x0] =	vst.idx.msk $0xffff, v2;
	v7 =	vld [tilespmem:$0x1F550]  }
0x184: {  	v48 =	vld [tilespmem:$0x1F560];
	_ =	sdelay $0x1  }
0x185: {  	v5 =	vld [tilespmem:$0x1F570]  }
0x186: {  	v1 =	vmul.f32 v6, v55;
	v6 =	vld [tilespmem:$0x1F580]  }
0x187: {  	[tilespmem:$0x1F910] =	vst v3;
	v3 =	vmul.f32 $2.000000030e-01, v0;
	v2 =	vmul.f32 v7, v55;
	v7 =	vld [tilespmem:$0x1F590]  }
0x188: {  	vm10 =	vgt.f32 v0, $0.0e+00;
	v62 =	vmul.f32 v48, v55;
	[tilespmem:v4+s18+$0x0] =	vst.idx.msk $0xffff, v1  }
0x189: {  	v0 =	vsel vm10, v0, v3;
	[tilespmem:v8+s18+$0x0] =	vst.idx.msk $0xffff, v2  }
0x18a: {  	v0 =	vmul.f32 $1.442695020e+00, v0;
	[tilespmem:v10+s18+$0x0] =	vst.idx.msk $0xffff, v62;
	v10 =	vld [tilespmem:$0x1F5A0]  }
0x18b: {  	v48 =	vld [tilespmem:$0x1F5B0]  }
0x18c: {  	v2 =	vadd.f32 v6, v5;
	v5 =	vld [tilespmem:$0x1F5C0];
	v8 =	vmul.f32 v7, v55  }
0x18d: {  	v6 =	vld [tilespmem:$0x1F5D0]  }
0x18e: {  	(erf) = vpow2.f32 v0;
	v0 =	vpop (erf);
	[tilespmem:v9+s18+$0x0] =	vst.idx.msk $0xffff, v8;
	v8 =	vld [tilespmem:$0x1F5E0]  }
0x18f: {  	v9 =	vld [tilespmem:$0x1F5F0];
	v1 =	vmul.f32 v10, v0  }
0x190: {  	v3 =	vmul.f32 v48, v0;
	v48 =	vld [tilespmem:$0x1F670];
	v62 =	vmul.f32 $2.000000030e-01, v2  }
0x191: {  	vm11 =	vgt.f32 v2, $0.0e+00;
	v10 =	vld [tilespmem:$0x1F600];
	[tilespmem:v11+s18+$0x0] =	vst.idx.msk $0xffff, v1;
	v1 =	vmul.f32 v5, v0  }
0x192: {  	v2 =	vsel vm11, v2, v62;
	[tilespmem:v12+s18+$0x0] =	vst.idx.msk $0xffff, v3;
	v3 =	vmul.f32 v6, v0;
	v12 =	vld [tilespmem:$0x1F610]  }
0x193: {  	v7 =	vmul.f32 $1.442695020e+00, v2;
	[tilespmem:v13+s18+$0x0] =	vst.idx.msk $0xffff, v1;
	v2 =	vmul.f32 v8, v0;
	v13 =	vld [tilespmem:$0x1F620]  }
0x194: {  	[tilespmem:v14+s18+$0x0] =	vst.idx.msk $0xffff, v3;
	v3 =	vmul.f32 v9, v0;
	v14 =	vld [tilespmem:$0x1F630]  }
0x195: {  	v8 =	vld [tilespmem:$0x1F680];
	[tilespmem:v15+s18+$0x0] =	vst.idx.msk $0xffff, v2  }
0x196: {  	[tilespmem:v16+s18+$0x0] =	vst.idx.msk $0xffff, v3;
	v16 =	vld [tilespmem:$0x1F640]  }
0x197: {  	v11 =	vmul.f32 v10, v0;
	v9 =	vld [tilespmem:$0x1F690]  }
0x198: {  	v10 =	vld [tilespmem:$0x1F6A0]  }
0x199: {  	[tilespmem:v18+s18+$0x0] =	vst.idx.msk $0xffff, v11;
	v11 =	vld [tilespmem:$0x1F6B0];
	v15 =	vmul.f32 v14, v0  }
0x19a: {  	v1 =	vpop (erf);
	v3 =	vadd.f32 v13, v12;
	v12 =	vld [tilespmem:$0x1F6C0]  }
0x19b: {  	v2 =	vmul.f32 v16, v1;
	[tilespmem:v17+s18+$0x0] =	vst.idx.msk $0xffff, v15;
	v17 =	vld [tilespmem:$0x1F650]  }
0x19c: {  	v13 =	vld [tilespmem:$0x1F6D0]  }
0x19d: {  	[tilespmem:v19+s18+$0x0] =	vst.idx.msk $0xffff, v2;
	v19 =	vld [tilespmem:$0x1F660]  }
0x19e: {  	v14 =	vld [tilespmem:$0x1F6E0];
	v18 =	vmul.f32 $2.000000030e-01, v3  }
0x19f: {  	vm12 =	vgt.f32 v3, $0.0e+00;
	v15 =	vld [tilespmem:$0x1F6F0]  }
0x1a0: {  	(erf) = vpow2.f32 v7;
	v3 =	vsel vm12, v3, v18;
	v18 =	vld [tilespmem:$0x1F710];
	v4 =	vmul.f32 v17, v1  }
0x1a1: {  	v17 =	vld [tilespmem:$0x1F700]  }
0x1a2: {  	v2 =	vmul.f32 v19, v1;
	[tilespmem:v20+s18+$0x0] =	vst.idx.msk $0xffff, v4;
	v20 =	vld [tilespmem:$0x1F720]  }
0x1a3: {  	v4 =	vmul.f32 v48, v1;
	v48 =	vld [tilespmem:$0x1F7C0]  }
0x1a4: {  	v62 =	vmul.f32 $1.442695020e+00, v3;
	v3 =	vmul.f32 v8, v1;
	[tilespmem:v21+s18+$0x0] =	vst.idx.msk $0xffff, v2;
	v21 =	vld [tilespmem:$0x1F730]  }
0x1a5: {  	[tilespmem:v22+s18+$0x0] =	vst.idx.msk $0xffff, v4;
	v22 =	vld [tilespmem:$0x1F740]  }
0x1a6: {  	v4 =	vmul.f32 v9, v1;
	[tilespmem:v23+s18+$0x0] =	vst.idx.msk $0xffff, v3;
	v23 =	vld [tilespmem:$0x1F750]  }
0x1a7: {  	v2 =	vmul.f32 v10, v1;
	v3 =	vadd.f32 v12, v11;
	v12 =	vld [tilespmem:$0x1F820]  }
0x1a8: {  	[tilespmem:v24+s18+$0x0] =	vst.idx.msk $0xffff, v4;
	v24 =	vld [tilespmem:$0x1F760]  }
0x1a9: {  	v5 =	vpop (erf);
	v4 =	vmul.f32 v13, v1;
	[tilespmem:v26+s18+$0x0] =	vst.idx.msk $0xffff, v2;
	v26 =	vld [tilespmem:$0x1F780]  }
0x1aa: {  	(erf) = vpow2.f32 v62;
	v2 =	vmul.f32 v14, v5;
	v14 =	vld [tilespmem:$0x1F830]  }
0x1ab: {  	[tilespmem:v25+s18+$0x0] =	vst.idx.msk $0xffff, v4;
	v25 =	vld [tilespmem:$0x1F770]  }
0x1ac: {  	v16 =	vmul.f32 $2.000000030e-01, v3;
	v4 =	vmul.f32 v15, v5;
	v15 =	vld [tilespmem:$0x1F840]  }
0x1ad: {  	vm13 =	vgt.f32 v3, $0.0e+00;
	[tilespmem:v27+s18+$0x0] =	vst.idx.msk $0xffff, v2;
	v27 =	vld [tilespmem:$0x1F790]  }
0x1ae: {  	v2 =	vmul.f32 v17, v5;
	v3 =	vsel vm13, v3, v16;
	v16 =	vld [tilespmem:$0x1F850]  }
0x1af: {  	[tilespmem:v28+s18+$0x0] =	vst.idx.msk $0xffff, v4;
	v4 =	vmul.f32 v18, v5;
	v18 =	vld [tilespmem:$0x1F860]  }
0x1b0: {  	v19 =	vmul.f32 $1.442695020e+00, v3;
	v3 =	vmul.f32 v20, v5;
	v20 =	vld [tilespmem:$0x1F880];
	[tilespmem:v30+s18+$0x0] =	vst.idx.msk $0xffff, v2  }
0x1b1: {  	v30 =	vld [tilespmem:$0x1F7A0];
	[tilespmem:v32+s18+$0x0] =	vst.idx.msk $0xffff, v4;
	v4 =	vmul.f32 v21, v5  }
0x1b2: {  	v2 =	vmul.f32 v22, v5;
	v32 =	vld [tilespmem:$0x1F7B0];
	[tilespmem:v61+s18+$0x0] =	vst.idx.msk $0xffff, v3  }
0x1b3: {  	v6 =	vpop (erf);
	(erf) = vpow2.f32 v19;
	v19 =	vld [tilespmem:$0x1F870];
	[tilespmem:v57+s18+$0x0] =	vst.idx.msk $0xffff, v4;
	v4 =	vmul.f32 v25, v5  }
0x1b4: {  	v61 =	vld [tilespmem:$0x1F810];
	[tilespmem:v50+s18+$0x0] =	vst.idx.msk $0xffff, v2;
	v2 =	vmul.f32 v26, v6  }
0x1b5: {  	v3 =	vadd.f32 v24, v23;
	v57 =	vld [tilespmem:$0x1F800];
	[tilespmem:v51+s18+$0x0] =	vst.idx.msk $0xffff, v4  }
0x1b6: {  	[tilespmem:v49+s18+$0x0] =	vst.idx.msk $0xffff, v2;
	v49 =	vld [tilespmem:$0x1F7D0]  }
0x1b7: {  	v28 =	vmul.f32 $2.000000030e-01, v3;
	v50 =	vld [tilespmem:$0x1F7E0];
	v4 =	vmul.f32 v27, v6  }
0x1b8: {  	vm14 =	vgt.f32 v3, $0.0e+00;
	v51 =	vld [tilespmem:$0x1F7F0];
	v2 =	vmul.f32 v30, v6  }
0x1b9: {  	v21 =	vld [tilespmem:$0x1F890];
	v3 =	vsel vm14, v3, v28;
	[tilespmem:v46+s18+$0x0] =	vst.idx.msk $0xffff, v4;
	v4 =	vmul.f32 v32, v6  }
0x1ba: {  	v23 =	vld [tilespmem:$0x1F8A0];
	v46 =	vmul.f32 $1.442695020e+00, v3;
	v3 =	vmul.f32 v48, v6;
	[tilespmem:v45+s18+$0x0] =	vst.idx.msk $0xffff, v2  }
0x1bb: {  	v24 =	vld [tilespmem:$0x1F8B0];
	[tilespmem:v42+s18+$0x0] =	vst.idx.msk $0xffff, v4;
	v4 =	vmul.f32 v49, v6  }
0x1bc: {  	v25 =	vld [tilespmem:$0x1F8C0];
	(erf) = vpow2.f32 v46;
	v2 =	vmul.f32 v50, v6;
	[tilespmem:v43+s18+$0x0] =	vst.idx.msk $0xffff, v3  }
0x1bd: {  	v26 =	vld [tilespmem:$0x1F8D0];
	v3 =	vadd.f32 v57, v51;
	v62 =	vpop (erf);
	[tilespmem:v40+s18+$0x0] =	vst.idx.msk $0xffff, v4;
	v4 =	vmul.f32 v61, v6  }
0x1be: {  	v27 =	vld [tilespmem:$0x1F8E0];
	[tilespmem:v35+s18+$0x0] =	vst.idx.msk $0xffff, v2;
	v2 =	vmul.f32 v12, v62  }
0x1bf: {  	v28 =	vld [tilespmem:$0x1F8F0];
	v8 =	vmul.f32 v14, v62;
	v13 =	vmul.f32 $2.000000030e-01, v3;
	[tilespmem:v36+s18+$0x0] =	vst.idx.msk $0xffff, v4  }
0x1c0: {  	v30 =	vld [tilespmem:$0x1F900];
	vm15 =	vgt.f32 v3, $0.0e+00;
	[tilespmem:v33+s18+$0x0] =	vst.idx.msk $0xffff, v2;
	v2 =	vmul.f32 v15, v62  }
0x1c1: {  	v32 =	vld [tilespmem:$0x1F910];
	v3 =	vsel vm15, v3, v13;
	v4 =	vmul.f32 v16, v62;
	[tilespmem:v52+s18+$0x0] =	vst.idx.msk $0xffff, v8  }
0x1c2: {  	v35 =	vld [tilespmem:$0x1F930];
	v17 =	vmul.f32 $1.442695020e+00, v3;
	v3 =	vmul.f32 v18, v62;
	[tilespmem:v54+s18+$0x0] =	vst.idx.msk $0xffff, v2  }
0x1c3: {  	v48 =	vld [tilespmem:$0x1F990];
	[tilespmem:v60+s18+$0x0] =	vst.idx.msk $0xffff, v4;
	v4 =	vmul.f32 v19, v62  }
0x1c4: {  	v33 =	vld [tilespmem:$0x1F920];
	(erf) = vpow2.f32 v17;
	v2 =	vmul.f32 v20, v62;
	[tilespmem:v58+s18+$0x0] =	vst.idx.msk $0xffff, v3  }
0x1c5: {  	v36 =	vld [tilespmem:$0x1F940];
	v22 =	vpop (erf);
	[tilespmem:v21+s18+$0x0] =	vst.idx.msk $0xffff, v4;
	v4 =	vmul.f32 v23, v62  }
0x1c6: {  	v40 =	vld [tilespmem:$0x1F950];
	[tilespmem:v24+s18+$0x0] =	vst.idx.msk $0xffff, v2;
	v2 =	vmul.f32 v25, v22  }
0x1c7: {  	v42 =	vld [tilespmem:$0x1F960];
	[tilespmem:v26+s18+$0x0] =	vst.idx.msk $0xffff, v4;
	v4 =	vmul.f32 v27, v22  }
0x1c8: {  	v45 =	vld [tilespmem:$0x1F970];
	[tilespmem:v28+s18+$0x0] =	vst.idx.msk $0xffff, v2;
	v2 =	vmul.f32 v30, v22  }
0x1c9: {  	v46 =	vld [tilespmem:$0x1F980];
	[tilespmem:v32+s18+$0x0] =	vst.idx.msk $0xffff, v4;
	v4 =	vmul.f32 v33, v22  }
0x1ca: {  	v50 =	vld [tilespmem:$0x1F9B0];
	[tilespmem:v35+s18+$0x0] =	vst.idx.msk $0xffff, v2;
	v2 =	vmul.f32 v36, v22  }
0x1cb: {  	v49 =	vld [tilespmem:$0x1F9A0];
	[tilespmem:v63+s18+$0x0] =	vst.idx.msk $0xffff, v4;
	v4 =	vmul.f32 v40, v22  }
0x1cc: {  	v51 =	vld [tilespmem:$0x1F9C0];
	[tilespmem:v59+s18+$0x0] =	vst.idx.msk $0xffff, v2;
	v2 =	vmul.f32 v42, v22  }
0x1cd: {  	v52 =	vld [tilespmem:$0x1F9D0];
	v8 =	vmul.f32 v45, v22;
	v43 =	vpop (erf);
	[tilespmem:v53+s18+$0x0] =	vst.idx.msk $0xffff, v4  }
0x1ce: {  	v54 =	vld [tilespmem:$0x1F9F0];
	[tilespmem:v56+s18+$0x0] =	vst.idx.msk $0xffff, v2;
	v2 =	vmul.f32 v46, v43  }
0x1cf: {  	v53 =	vld [tilespmem:$0x1F9E0];
	[tilespmem:v31+s18+$0x0] =	vst.idx.msk $0xffff, v8;
	v8 =	vmul.f32 v48, v43  }
0x1d0: {  	v56 =	vld [tilespmem:$0x1FA00];
	[tilespmem:v29+s18+$0x0] =	vst.idx.msk $0xffff, v2;
	v2 =	vmul.f32 v49, v43  }
0x1d1: {  	v57 =	vld [tilespmem:$0x1FA10];
	[tilespmem:v34+s18+$0x0] =	vst.idx.msk $0xffff, v8;
	v8 =	vmul.f32 v50, v43  }
0x1d2: {  	v58 =	vld [tilespmem:$0x1FA20];
	[tilespmem:v37+s18+$0x0] =	vst.idx.msk $0xffff, v2;
	v2 =	vmul.f32 v51, v43  }
0x1d3: {  	v59 =	vld [tilespmem:$0x1FA30];
	[tilespmem:v38+s18+$0x0] =	vst.idx.msk $0xffff, v8;
	v8 =	vmul.f32 v52, v43  }
0x1d4: {  	v60 =	vld [tilespmem:$0x1FA40];
	[tilespmem:v39+s18+$0x0] =	vst.idx.msk $0xffff, v2;
	v2 =	vmul.f32 v53, v43  }
0x1d5: {  	v61 =	vld [tilespmem:$0x1FA50];
	[tilespmem:v41+s18+$0x0] =	vst.idx.msk $0xffff, v8;
	v8 =	vmul.f32 v54, v43  }
0x1d6: {  	[tilespmem:v44+s18+$0x0] =	vst.idx.msk $0xffff, v2  }
0x1d7: {  	[tilespmem:v47+s18+$0x0] =	vst.idx.msk $0xffff, v8  }
0x1d8: {  	[tilespmem:v56+s18+$0x0] =	vst.idx.msk $0xffff, v55  }
0x1d9: {  	[tilespmem:v57+s18+$0x0] =	vst.idx.msk $0xffff, v0  }
0x1da: {  	[tilespmem:v58+s18+$0x0] =	vst.idx.msk $0xffff, v1  }
0x1db: {  	[tilespmem:v59+s18+$0x0] =	vst.idx.msk $0xffff, v5  }
0x1dc: {  	[tilespmem:v60+s18+$0x0] =	vst.idx.msk $0xffff, v6  }
0x1dd: {  	[tilespmem:v61+s18+$0x0] =	vst.idx.msk $0xffff, v62;
	v62 =	vld [tilespmem:$0x1FA60]  }
0x1de: {  	v63 =	vld [tilespmem:$0x1FA70];
	_ =	sdelay $0x2  }
0x1df: {  	p0 =	sne.s32 s8, $0x70  }
.Ltmp3:
0x1e0: {  	_ = 	snop;
	(pc) =	sbr.rel @p0 .LBB2_5-.Ltmp3, $3  }
0x1e1: {  	_ =	sdelay $0x1  }
0x1e2: {  	[tilespmem:v62+s18+$0x0] =	vst.idx.msk $0xffff, v22  }
0x1e3: {  	s8 =	sadd.s32 $0x10, s8;
	[tilespmem:v63+s18+$0x0] =	vst.idx.msk $0xffff, v43  }
0x1e4: {  	s8 =	sadd.s32 $0x2900, s14;
	p0 =	seq.s32 s2, $0x1A  }
0x1e5: {  	[spmem:s3] =	stream.indirect.scatter.add.f32 [tilespmem:s18], [sflag:$0x8], $0x50, s8, s15, $0xb8;
	[tilespmem:$0x1A680] =	vst v63  }
0x1e6: {  	s8 =	simm.s32 @!p0 $0x7  }
0x1e7: {  	s14 =	smul.u32 @!p0 $0x180, s2;
	_ =	swait.ge @!p0 [sflag:s8], $0x2800  }
0x1e8: {  	s9 =	simm.s32 @!p0 $0x80;
	[sflag:s8] =	ssyncset.done @!p0 $0x0  }
0x1e9: {  	s10 =	simm.s32 @!p0 $0x5100;
	[sflag:s8] =	ssyncadd.s32 @!p0 $0xFFFFD800;
	s8 =	sadd.s32 @!p0 $0x180, s14  }
0x1ea: {  	[tilespmem:s10], [sflag:$0x1] =	stream.indirect.gather @!p0 [hbm4b:s5+s9], $0x50, s8, s9, $0xb8;
	[tilespmem:$0x1A680] =	vst v63  }
0x1eb: {  	s8 =	sadd.s32 @!p0 $0x2A00, s14;
	s10 =	simm.s32 @!p0 $0xC900  }
0x1ec: {  	[tilespmem:s10], [sflag:$0x4] =	stream.indirect.gather @!p0 [hbm4b:s6+s9], $0x10, s8, s9, $0xb8;
	[tilespmem:$0x1A680] =	vst v63  }
0x1ed: {  	_ =	swait.ge [sflag:s28], $0x2800  }
0x1ee: {  	[sflag:s28] =	ssyncset.done $0x0  }
0x1ef: {  	[sflag:s28] =	ssyncadd.s32 $0xFFFFD800  }
0x1f0: {  	_ =	swait.ge [sflag:s29], $0x800  }
0x1f1: {  	[sflag:s29] =	ssyncset.done $0x0  }
0x1f2: {  	s8 =	simm.s32 $0x0;
	[sflag:s29] =	ssyncadd.s32 $0xFFFFF800  }
.LBB2_7:
0x1f3: {  	v0 =	vlaneseq.u32  }
0x1f4: {  	v0 =	vor.u32 s8, v0  }
0x1f5: {  	v48 =	vmul.u32 $0x50, v0;
	v0 =	vshll.u32 v0, $0x4  }
0x1f6: {  	v1 =	vor.u32 $0x1, v0  }
0x1f7: {  	v59 =	vor.u32 $0x2, v0  }
0x1f8: {  	v10 =	vor.u32 $0x4, v0  }
0x1f9: {  	v13 =	vor.u32 $0x5, v0  }
0x1fa: {  	v16 =	vor.u32 $0x6, v0  }
0x1fb: {  	v18 =	vor.u32 $0x7, v0;
	v38 =	vld.idx.msk [tilespmem:v1+s24+$0x0], $0xffff  }
0x1fc: {  	v55 =	vld.idx.msk [tilespmem:v59+s24+$0x0], $0xffff  }
0x1fd: {  	v3 =	vadd.s32 $0x41, v48;
	v1 =	vld.idx.msk [tilespmem:v10+s24+$0x0], $0xffff  }
0x1fe: {  	v4 =	vadd.s32 $0x42, v48;
	[tilespmem:$0x1F490] =	vst v3;
	v19 =	vld.idx.msk [tilespmem:v13+s24+$0x0], $0xffff  }
0x1ff: {  	v5 =	vadd.s32 $0x43, v48;
	[tilespmem:$0x1F4A0] =	vst v4;
	v21 =	vld.idx.msk [tilespmem:v16+s24+$0x0], $0xffff  }
0x200: {  	v9 =	vor.u32 $0x3, v0;
	v6 =	vadd.s32 $0x44, v48;
	[tilespmem:$0x1F4B0] =	vst v5;
	v23 =	vld.idx.msk [tilespmem:v18+s24+$0x0], $0xffff  }
0x201: {  	v11 =	vadd.s32 $0x45, v48;
	[tilespmem:$0x1F4C0] =	vst v6;
	v24 =	vld.idx.msk [tilespmem:v48+s23+$0x0], $0xffff  }
0x202: {  	v14 =	vadd.s32 $0x46, v48;
	[tilespmem:$0x1F4D0] =	vst v11;
	v37 =	vld.idx.msk [tilespmem:v3+s23+$0x0], $0xffff  }
0x203: {  	v17 =	vadd.s32 $0x47, v48;
	[tilespmem:$0x1F4E0] =	vst v14;
	v62 =	vld.idx.msk [tilespmem:v4+s23+$0x0], $0xffff  }
0x204: {  	[tilespmem:$0x1F4F0] =	vst v17;
	v12 =	vld.idx.msk [tilespmem:v5+s23+$0x0], $0xffff  }
0x205: {  	v7 =	vor.u32 $0x3, v48;
	v3 =	vld.idx.msk [tilespmem:v9+s24+$0x0], $0xffff;
	[tilespmem:$0x1F140] =	vst v19  }
0x206: {  	v8 =	vor.u32 $0x5, v48;
	v15 =	vld.idx.msk [tilespmem:v6+s23+$0x0], $0xffff;
	[tilespmem:$0x1F1E0] =	vst v21  }
0x207: {  	v61 =	vadd.s32 $0x1C, v48;
	v4 =	vld.idx.msk [tilespmem:v11+s23+$0x0], $0xffff;
	[tilespmem:$0x1F280] =	vst v23  }
0x208: {  	v57 =	vadd.s32 $0x1D, v48;
	v20 =	vld.idx.msk [tilespmem:v14+s23+$0x0], $0xffff;
	[tilespmem:$0x1EF80] =	vst v24  }
0x209: {  	v10 =	vor.u32 $0x6, v48;
	v22 =	vld.idx.msk [tilespmem:v17+s23+$0x0], $0xffff;
	[tilespmem:$0x1EFF0] =	vst v12  }
0x20a: {  	v13 =	vor.u32 $0xA, v48;
	v27 =	vld.idx.msk [tilespmem:v7+s23+$0x0], $0xffff;
	[tilespmem:$0x1F000] =	vst v3  }
0x20b: {  	v16 =	vor.u32 $0xD, v48;
	v30 =	vld.idx.msk [tilespmem:v8+s23+$0x0], $0xffff;
	[tilespmem:$0x1F090] =	vst v15  }
0x20c: {  	v18 =	vor.u32 $0xE, v48;
	v59 =	vld.idx.msk [tilespmem:v61+s23+$0x0], $0xffff;
	[tilespmem:$0x1F130] =	vst v4  }
0x20d: {  	v5 =	vor.u32 $0x1, v48;
	v60 =	vld.idx.msk [tilespmem:v57+s23+$0x0], $0xffff;
	[tilespmem:$0x1F1D0] =	vst v20  }
0x20e: {  	v6 =	vor.u32 $0x2, v48;
	v32 =	vld.idx.msk [tilespmem:v10+s23+$0x0], $0xffff;
	[tilespmem:$0x1F270] =	vst v22  }
0x20f: {  	v9 =	vor.u32 $0x7, v48;
	v36 =	vld.idx.msk [tilespmem:v13+s23+$0x0], $0xffff;
	[tilespmem:$0x1EFB0] =	vst v27  }
0x210: {  	v11 =	vor.u32 $0x8, v48;
	v41 =	vld.idx.msk [tilespmem:v16+s23+$0x0], $0xffff;
	[tilespmem:$0x1EFD0] =	vst v30  }
0x211: {  	v14 =	vor.u32 $0xB, v48;
	v42 =	vld.idx.msk [tilespmem:v18+s23+$0x0], $0xffff;
	[tilespmem:$0x1F1A0] =	vst v59  }
0x212: {  	v17 =	vor.u32 $0xF, v48;
	v25 =	vld.idx.msk [tilespmem:v5+s23+$0x0], $0xffff;
	[tilespmem:$0x1F1B0] =	vst v60  }
0x213: {  	v19 =	vadd.s32 $0x10, v48;
	v26 =	vld.idx.msk [tilespmem:v6+s23+$0x0], $0xffff;
	[tilespmem:$0x1EFE0] =	vst v32  }
0x214: {  	v21 =	vadd.s32 $0x12, v48;
	v33 =	vld.idx.msk [tilespmem:v9+s23+$0x0], $0xffff;
	[tilespmem:$0x1F040] =	vst v36  }
0x215: {  	v23 =	vadd.s32 $0x14, v48;
	v34 =	vld.idx.msk [tilespmem:v11+s23+$0x0], $0xffff;
	[tilespmem:$0x1F070] =	vst v41  }
0x216: {  	v24 =	vadd.s32 $0x15, v48;
	v39 =	vld.idx.msk [tilespmem:v14+s23+$0x0], $0xffff;
	[tilespmem:$0x1F080] =	vst v42  }
0x217: {  	v4 =	vor.u32 $0x4, v48;
	v43 =	vld.idx.msk [tilespmem:v17+s23+$0x0], $0xffff;
	[tilespmem:$0x1EF90] =	vst v25  }
0x218: {  	v12 =	vor.u32 $0x9, v48;
	v44 =	vld.idx.msk [tilespmem:v19+s23+$0x0], $0xffff;
	[tilespmem:$0x1EFA0] =	vst v26  }
0x219: {  	v15 =	vor.u32 $0xC, v48;
	v46 =	vld.idx.msk [tilespmem:v21+s23+$0x0], $0xffff;
	[tilespmem:$0x1F010] =	vst v33  }
0x21a: {  	v20 =	vadd.s32 $0x11, v48;
	v49 =	vld.idx.msk [tilespmem:v23+s23+$0x0], $0xffff;
	[tilespmem:$0x1F020] =	vst v34  }
0x21b: {  	v22 =	vadd.s32 $0x13, v48;
	v50 =	vld.idx.msk [tilespmem:v24+s23+$0x0], $0xffff;
	[tilespmem:$0x1F050] =	vst v39  }
0x21c: {  	v27 =	vadd.s32 $0x18, v48;
	v28 =	vld.idx.msk [tilespmem:v4+s23+$0x0], $0xffff;
	[tilespmem:$0x1F0B0] =	vst v43  }
0x21d: {  	v30 =	vadd.s32 $0x1A, v48;
	v35 =	vld.idx.msk [tilespmem:v12+s23+$0x0], $0xffff;
	[tilespmem:$0x1F0C0] =	vst v44  }
0x21e: {  	v40 =	vld.idx.msk [tilespmem:v15+s23+$0x0], $0xffff;
	v26 =	vadd.s32 $0x16, v48;
	[tilespmem:$0x1F0E0] =	vst v46  }
0x21f: {  	v45 =	vld.idx.msk [tilespmem:v20+s23+$0x0], $0xffff;
	[tilespmem:$0x1F100] =	vst v49;
	v46 =	vadd.s32 $0x21, v48  }
0x220: {  	v32 =	vadd.s32 $0x1B, v48;
	v47 =	vld.idx.msk [tilespmem:v22+s23+$0x0], $0xffff;
	[tilespmem:$0x1F110] =	vst v50  }
0x221: {  	v25 =	vadd.s32 $0x17, v48;
	v53 =	vld.idx.msk [tilespmem:v27+s23+$0x0], $0xffff;
	[tilespmem:$0x1EFC0] =	vst v28  }
0x222: {  	v42 =	vadd.s32 $0x23, v48;
	v56 =	vld.idx.msk [tilespmem:v30+s23+$0x0], $0xffff;
	[tilespmem:$0x1F030] =	vst v35  }
0x223: {  	v43 =	vadd.s32 $0x24, v48;
	[tilespmem:$0x1F060] =	vst v40;
	v51 =	vld.idx.msk [tilespmem:v26+s23+$0x0], $0xffff  }
0x224: {  	[tilespmem:$0x1F0D0] =	vst v45;
	v35 =	vld.idx.msk [tilespmem:v46+s23+$0x0], $0xffff  }
0x225: {  	v58 =	vld.idx.msk [tilespmem:v32+s23+$0x0], $0xffff;
	[tilespmem:$0x1F0F0] =	vst v47;
	v45 =	vadd.s32 $0x22, v48  }
0x226: {  	v49 =	vadd.s32 $0x20, v48;
	v52 =	vld.idx.msk [tilespmem:v25+s23+$0x0], $0xffff;
	[tilespmem:$0x1F160] =	vst v53  }
0x227: {  	v50 =	vadd.s32 $0x1E, v48;
	v39 =	vld.idx.msk [tilespmem:v42+s23+$0x0], $0xffff;
	[tilespmem:$0x1F180] =	vst v56  }
0x228: {  	v41 =	vld.idx.msk [tilespmem:v43+s23+$0x0], $0xffff;
	[tilespmem:$0x1F120] =	vst v51;
	v51 =	vadd.s32 $0x1F, v48  }
0x229: {  	v29 =	vld.idx.msk [tilespmem:v0+s24+$0x0], $0xffff;
	[tilespmem:$0x1F210] =	vst v35;
	v35 =	vadd.s32 $0x26, v48  }
0x22a: {  	v40 =	vadd.s32 $0x25, v48;
	[tilespmem:$0x1F190] =	vst v58;
	v36 =	vld.idx.msk [tilespmem:v45+s23+$0x0], $0xffff  }
0x22b: {  	v34 =	vld.idx.msk [tilespmem:v49+s23+$0x0], $0xffff;
	[tilespmem:$0x1F150] =	vst v52;
	v52 =	vadd.s32 $0x29, v48  }
0x22c: {  	v2 =	vadd.s32 $0x40, v48;
	v63 =	vld.idx.msk [tilespmem:v50+s23+$0x0], $0xffff;
	[tilespmem:$0x1F230] =	vst v39  }
0x22d: {  	v28 =	vadd.s32 $0x19, v48;
	v39 =	vadd.s32 $0x32, v48;
	[tilespmem:$0x1F240] =	vst v41;
	v33 =	vld.idx.msk [tilespmem:v51+s23+$0x0], $0xffff  }
0x22e: {  	v60 =	vadd.s32 $0x2B, v48;
	[tilespmem:$0x1F3B0] =	vst v39;
	v47 =	vld.idx.msk [tilespmem:v35+s23+$0x0], $0xffff  }
0x22f: {  	v44 =	vld.idx.msk [tilespmem:v40+s23+$0x0], $0xffff;
	[tilespmem:$0x1F220] =	vst v36;
	v36 =	vadd.s32 $0x27, v48  }
0x230: {  	[tilespmem:$0x1F200] =	vst v34;
	v34 =	vadd.s32 $0x2D, v48;
	v59 =	vld.idx.msk [tilespmem:v52+s23+$0x0], $0xffff  }
0x231: {  	v31 =	vld.idx.msk [tilespmem:v2+s23+$0x0], $0xffff;
	[tilespmem:$0x1F1C0] =	vst v63;
	v63 =	vadd.s32 $0x2E, v48  }
0x232: {  	v58 =	vadd.s32 $0x2C, v48;
	v54 =	vld.idx.msk [tilespmem:v28+s23+$0x0], $0xffff;
	[tilespmem:$0x1F1F0] =	vst v33  }
0x233: {  	v33 =	vadd.s32 $0x28, v48;
	[tilespmem:$0x1F260] =	vst v47;
	v47 =	vld.idx.msk [tilespmem:v60+s23+$0x0], $0xffff  }
0x234: {  	[tilespmem:$0x1F250] =	vst v44;
	v53 =	vld.idx.msk [tilespmem:v36+s23+$0x0], $0xffff  }
0x235: {  	v44 =	vld.idx.msk [tilespmem:v34+s23+$0x0], $0xffff;
	[tilespmem:$0x1F2B0] =	vst v59;
	v59 =	vadd.s32 $0x2F, v48  }
0x236: {  	v29 =	vadd.f32 v29, v31;
	[tilespmem:$0x1F330] =	vst v63;
	v0 =	vld.idx.msk [tilespmem:v63+s23+$0x0], $0xffff;
	v63 =	vadd.s32 $0x33, v48  }
0x237: {  	v3 =	vadd.s32 $0x31, v48;
	v41 =	vld.idx.msk [tilespmem:v58+s23+$0x0], $0xffff;
	[tilespmem:$0x1F170] =	vst v54  }
0x238: {  	v54 =	vadd.s32 $0x2A, v48;
	v56 =	vld.idx.msk [tilespmem:v33+s23+$0x0], $0xffff;
	[tilespmem:$0x1F2D0] =	vst v47;
	v47 =	vmul.f32 $2.000000030e-01, v29  }
0x239: {  	vm0 =	vgt.f32 v29, $0.0e+00;
	[tilespmem:$0x1F290] =	vst v53;
	v53 =	vadd.s32 $0x30, v48  }
0x23a: {  	[tilespmem:$0x1F350] =	vst v59;
	v59 =	vld.idx.msk [tilespmem:v59+s23+$0x0], $0xffff;
	v31 =	vsel vm0, v29, v47  }
0x23b: {  	[tilespmem:$0x1F2F0] =	vst v44;
	v29 =	vld.idx.msk [tilespmem:v63+s23+$0x0], $0xffff;
	v44 =	vmul.f32 $1.442695020e+00, v31;
	v31 =	vadd.s32 $0x37, v48  }
0x23c: {  	[tilespmem:$0x1F2E0] =	vst v41;
	v41 =	vld.idx.msk [tilespmem:v3+s23+$0x0], $0xffff  }
0x23d: {  	[tilespmem:$0x1F2A0] =	vst v56;
	v56 =	vld.idx.msk [tilespmem:v54+s23+$0x0], $0xffff  }
0x23e: {  	[tilespmem:$0x1F310] =	vst v34;
	v34 =	vld.idx.msk [tilespmem:v53+s23+$0x0], $0xffff  }
0x23f: {  	[tilespmem:$0x1F320] =	vst v59;
	v59 =	vadd.s32 $0x34, v48;
	v47 =	vld.idx.msk [tilespmem:v39+s23+$0x0], $0xffff  }
0x240: {  	[tilespmem:$0x1F3A0] =	vst v29;
	v29 =	vadd.s32 $0x38, v48;
	v39 =	vld.idx.msk [tilespmem:v31+s23+$0x0], $0xffff  }
0x241: {  	[tilespmem:$0x1F360] =	vst v41  }
0x242: {  	[tilespmem:$0x1F2C0] =	vst v56  }
0x243: {  	(erf) = vpow2.f32 v44;
	v44 =	vadd.f32 v38, v37;
	[tilespmem:$0x1F340] =	vst v34  }
0x244: {  	v56 =	vadd.s32 $0x36, v48;
	v34 =	vld.idx.msk [tilespmem:v59+s23+$0x0], $0xffff;
	[tilespmem:$0x1F380] =	vst v47  }
0x245: {  	v47 =	vmul.f32 $2.000000030e-01, v44;
	v41 =	vld.idx.msk [tilespmem:v29+s23+$0x0], $0xffff;
	[tilespmem:$0x1F3F0] =	vst v39;
	v39 =	vadd.s32 $0x3C, v48  }
0x246: {  	vm9 =	vgt.f32 v44, $0.0e+00  }
0x247: {  	[tilespmem:$0x1F300] =	vst v0;
	v47 =	vsel vm9, v44, v47  }
0x248: {  	[tilespmem:$0x1F370] =	vst v53;
	v53 =	vadd.s32 $0x35, v48;
	v0 =	vmul.f32 $1.442695020e+00, v47  }
0x249: {  	[tilespmem:$0x1F3C0] =	vst v34;
	v34 =	vadd.s32 $0x39, v48;
	v38 =	vld.idx.msk [tilespmem:v56+s23+$0x0], $0xffff  }
0x24a: {  	(erf) = vpow2.f32 v0;
	[tilespmem:$0x1F400] =	vst v41;
	v41 =	vadd.s32 $0x3D, v48;
	v0 =	vld.idx.msk [tilespmem:v39+s23+$0x0], $0xffff;
	_ =	sdelay $0x2  }
0x24b: {  	v37 =	vld.idx.msk [tilespmem:v53+s23+$0x0], $0xffff  }
0x24c: {  	[tilespmem:$0x1F3E0] =	vst v38;
	v38 =	vadd.s32 $0x3B, v48;
	v44 =	vld.idx.msk [tilespmem:v34+s23+$0x0], $0xffff  }
0x24d: {  	[tilespmem:$0x1F440] =	vst v0;
	v0 =	vadd.f32 v55, v62;
	v62 =	vld.idx.msk [tilespmem:v41+s23+$0x0], $0xffff;
	_ =	sdelay $0x1  }
0x24e: {  	[tilespmem:$0x1F0A0] =	vst v1  }
0x24f: {  	[tilespmem:$0x1F3D0] =	vst v37  }
0x250: {  	v37 =	vadd.s32 $0x3A, v48;
	[tilespmem:$0x1F410] =	vst v44;
	v1 =	vld.idx.msk [tilespmem:v38+s23+$0x0], $0xffff  }
0x251: {  	v44 =	vadd.s32 $0x3E, v48;
	[tilespmem:$0x1F450] =	vst v62;
	v62 =	vld [tilespmem:$0x1EF80];
	_ =	sdelay $0x3  }
0x252: {  	v47 =	vld.idx.msk [tilespmem:v37+s23+$0x0], $0xffff;
	v55 =	vpop (erf)  }
0x253: {  	[tilespmem:$0x1F430] =	vst v1;
	v1 =	vmul.f32 v62, v55;
	v62 =	vld.idx.msk [tilespmem:v44+s23+$0x0], $0xffff;
	_ =	sdelay $0x3  }
0x254: {  	[tilespmem:$0x1F420] =	vst v47  }
0x255: {  	v47 =	vadd.s32 $0x3F, v48;
	[tilespmem:$0x1F460] =	vst v62;
	v62 =	vld [tilespmem:$0x1EF90];
	_ =	sdelay $0x4  }
0x256: {  	[tilespmem:$0x1F480] =	vst v2;
	v2 =	vmul.f32 v62, v55;
	v62 =	vld.idx.msk [tilespmem:v47+s23+$0x0], $0xffff;
	_ =	sdelay $0x3  }
0x257: {  	[tilespmem:v48+s23+$0x0] =	vst.idx.msk $0xffff, v1  }
0x258: {  	[tilespmem:$0x1F470] =	vst v62;
	v62 =	vld [tilespmem:$0x1EFA0]  }
0x259: {  	[tilespmem:v5+s23+$0x0] =	vst.idx.msk $0xffff, v2;
	v5 =	vld [tilespmem:$0x1EFB0];
	_ =	sdelay $0x3  }
0x25a: {  	v1 =	vmul.f32 v62, v55  }
0x25b: {  	v2 =	vmul.f32 v5, v55  }
0x25c: {  	[tilespmem:v6+s23+$0x0] =	vst.idx.msk $0xffff, v1;
	v6 =	vld [tilespmem:$0x1EFC0]  }
0x25d: {  	[tilespmem:v7+s23+$0x0] =	vst.idx.msk $0xffff, v2;
	v7 =	vld [tilespmem:$0x1EFD0]  }
0x25e: {  	v48 =	vld [tilespmem:$0x1EFE0];
	_ =	sdelay $0x1  }
0x25f: {  	v5 =	vld [tilespmem:$0x1EFF0]  }
0x260: {  	v1 =	vmul.f32 v6, v55;
	v6 =	vld [tilespmem:$0x1F000]  }
0x261: {  	[tilespmem:$0x1F390] =	vst v3;
	v3 =	vmul.f32 $2.000000030e-01, v0;
	v2 =	vmul.f32 v7, v55;
	v7 =	vld [tilespmem:$0x1F010]  }
0x262: {  	vm10 =	vgt.f32 v0, $0.0e+00;
	v62 =	vmul.f32 v48, v55;
	[tilespmem:v4+s23+$0x0] =	vst.idx.msk $0xffff, v1  }
0x263: {  	v0 =	vsel vm10, v0, v3;
	[tilespmem:v8+s23+$0x0] =	vst.idx.msk $0xffff, v2  }
0x264: {  	v0 =	vmul.f32 $1.442695020e+00, v0;
	[tilespmem:v10+s23+$0x0] =	vst.idx.msk $0xffff, v62;
	v10 =	vld [tilespmem:$0x1F020]  }
0x265: {  	v48 =	vld [tilespmem:$0x1F030]  }
0x266: {  	v2 =	vadd.f32 v6, v5;
	v5 =	vld [tilespmem:$0x1F040];
	v8 =	vmul.f32 v7, v55  }
0x267: {  	v6 =	vld [tilespmem:$0x1F050]  }
0x268: {  	(erf) = vpow2.f32 v0;
	v0 =	vpop (erf);
	[tilespmem:v9+s23+$0x0] =	vst.idx.msk $0xffff, v8;
	v8 =	vld [tilespmem:$0x1F060]  }
0x269: {  	v9 =	vld [tilespmem:$0x1F070];
	v1 =	vmul.f32 v10, v0  }
0x26a: {  	v3 =	vmul.f32 v48, v0;
	v48 =	vld [tilespmem:$0x1F0F0];
	v62 =	vmul.f32 $2.000000030e-01, v2  }
0x26b: {  	vm11 =	vgt.f32 v2, $0.0e+00;
	v10 =	vld [tilespmem:$0x1F080];
	[tilespmem:v11+s23+$0x0] =	vst.idx.msk $0xffff, v1;
	v1 =	vmul.f32 v5, v0  }
0x26c: {  	v2 =	vsel vm11, v2, v62;
	[tilespmem:v12+s23+$0x0] =	vst.idx.msk $0xffff, v3;
	v3 =	vmul.f32 v6, v0;
	v12 =	vld [tilespmem:$0x1F090]  }
0x26d: {  	v7 =	vmul.f32 $1.442695020e+00, v2;
	[tilespmem:v13+s23+$0x0] =	vst.idx.msk $0xffff, v1;
	v2 =	vmul.f32 v8, v0;
	v13 =	vld [tilespmem:$0x1F0A0]  }
0x26e: {  	[tilespmem:v14+s23+$0x0] =	vst.idx.msk $0xffff, v3;
	v3 =	vmul.f32 v9, v0;
	v14 =	vld [tilespmem:$0x1F0B0]  }
0x26f: {  	v8 =	vld [tilespmem:$0x1F100];
	[tilespmem:v15+s23+$0x0] =	vst.idx.msk $0xffff, v2  }
0x270: {  	[tilespmem:v16+s23+$0x0] =	vst.idx.msk $0xffff, v3;
	v16 =	vld [tilespmem:$0x1F0C0]  }
0x271: {  	v11 =	vmul.f32 v10, v0;
	v9 =	vld [tilespmem:$0x1F110]  }
0x272: {  	v10 =	vld [tilespmem:$0x1F120]  }
0x273: {  	[tilespmem:v18+s23+$0x0] =	vst.idx.msk $0xffff, v11;
	v11 =	vld [tilespmem:$0x1F130];
	v15 =	vmul.f32 v14, v0  }
0x274: {  	v1 =	vpop (erf);
	v3 =	vadd.f32 v13, v12;
	v12 =	vld [tilespmem:$0x1F140]  }
0x275: {  	v2 =	vmul.f32 v16, v1;
	[tilespmem:v17+s23+$0x0] =	vst.idx.msk $0xffff, v15;
	v17 =	vld [tilespmem:$0x1F0D0]  }
0x276: {  	v13 =	vld [tilespmem:$0x1F150]  }
0x277: {  	[tilespmem:v19+s23+$0x0] =	vst.idx.msk $0xffff, v2;
	v19 =	vld [tilespmem:$0x1F0E0]  }
0x278: {  	v14 =	vld [tilespmem:$0x1F160];
	v18 =	vmul.f32 $2.000000030e-01, v3  }
0x279: {  	vm12 =	vgt.f32 v3, $0.0e+00;
	v15 =	vld [tilespmem:$0x1F170]  }
0x27a: {  	(erf) = vpow2.f32 v7;
	v3 =	vsel vm12, v3, v18;
	v18 =	vld [tilespmem:$0x1F190];
	v4 =	vmul.f32 v17, v1  }
0x27b: {  	v17 =	vld [tilespmem:$0x1F180]  }
0x27c: {  	v2 =	vmul.f32 v19, v1;
	[tilespmem:v20+s23+$0x0] =	vst.idx.msk $0xffff, v4;
	v20 =	vld [tilespmem:$0x1F1A0]  }
0x27d: {  	v4 =	vmul.f32 v48, v1;
	v48 =	vld [tilespmem:$0x1F240]  }
0x27e: {  	v62 =	vmul.f32 $1.442695020e+00, v3;
	v3 =	vmul.f32 v8, v1;
	[tilespmem:v21+s23+$0x0] =	vst.idx.msk $0xffff, v2;
	v21 =	vld [tilespmem:$0x1F1B0]  }
0x27f: {  	[tilespmem:v22+s23+$0x0] =	vst.idx.msk $0xffff, v4;
	v22 =	vld [tilespmem:$0x1F1C0]  }
0x280: {  	v4 =	vmul.f32 v9, v1;
	[tilespmem:v23+s23+$0x0] =	vst.idx.msk $0xffff, v3;
	v23 =	vld [tilespmem:$0x1F1D0]  }
0x281: {  	v2 =	vmul.f32 v10, v1;
	v3 =	vadd.f32 v12, v11;
	v12 =	vld [tilespmem:$0x1F2A0]  }
0x282: {  	[tilespmem:v24+s23+$0x0] =	vst.idx.msk $0xffff, v4;
	v24 =	vld [tilespmem:$0x1F1E0]  }
0x283: {  	v5 =	vpop (erf);
	v4 =	vmul.f32 v13, v1;
	[tilespmem:v26+s23+$0x0] =	vst.idx.msk $0xffff, v2;
	v26 =	vld [tilespmem:$0x1F200]  }
0x284: {  	(erf) = vpow2.f32 v62;
	v2 =	vmul.f32 v14, v5;
	v14 =	vld [tilespmem:$0x1F2B0]  }
0x285: {  	[tilespmem:v25+s23+$0x0] =	vst.idx.msk $0xffff, v4;
	v25 =	vld [tilespmem:$0x1F1F0]  }
0x286: {  	v16 =	vmul.f32 $2.000000030e-01, v3;
	v4 =	vmul.f32 v15, v5;
	v15 =	vld [tilespmem:$0x1F2C0]  }
0x287: {  	vm13 =	vgt.f32 v3, $0.0e+00;
	[tilespmem:v27+s23+$0x0] =	vst.idx.msk $0xffff, v2;
	v27 =	vld [tilespmem:$0x1F210]  }
0x288: {  	v2 =	vmul.f32 v17, v5;
	v3 =	vsel vm13, v3, v16;
	v16 =	vld [tilespmem:$0x1F2D0]  }
0x289: {  	[tilespmem:v28+s23+$0x0] =	vst.idx.msk $0xffff, v4;
	v4 =	vmul.f32 v18, v5;
	v18 =	vld [tilespmem:$0x1F2E0]  }
0x28a: {  	v19 =	vmul.f32 $1.442695020e+00, v3;
	v3 =	vmul.f32 v20, v5;
	v20 =	vld [tilespmem:$0x1F300];
	[tilespmem:v30+s23+$0x0] =	vst.idx.msk $0xffff, v2  }
0x28b: {  	v30 =	vld [tilespmem:$0x1F220];
	[tilespmem:v32+s23+$0x0] =	vst.idx.msk $0xffff, v4;
	v4 =	vmul.f32 v21, v5  }
0x28c: {  	v2 =	vmul.f32 v22, v5;
	v32 =	vld [tilespmem:$0x1F230];
	[tilespmem:v61+s23+$0x0] =	vst.idx.msk $0xffff, v3  }
0x28d: {  	v6 =	vpop (erf);
	(erf) = vpow2.f32 v19;
	v19 =	vld [tilespmem:$0x1F2F0];
	[tilespmem:v57+s23+$0x0] =	vst.idx.msk $0xffff, v4;
	v4 =	vmul.f32 v25, v5  }
0x28e: {  	v61 =	vld [tilespmem:$0x1F290];
	[tilespmem:v50+s23+$0x0] =	vst.idx.msk $0xffff, v2;
	v2 =	vmul.f32 v26, v6  }
0x28f: {  	v3 =	vadd.f32 v24, v23;
	v57 =	vld [tilespmem:$0x1F280];
	[tilespmem:v51+s23+$0x0] =	vst.idx.msk $0xffff, v4  }
0x290: {  	[tilespmem:v49+s23+$0x0] =	vst.idx.msk $0xffff, v2;
	v49 =	vld [tilespmem:$0x1F250]  }
0x291: {  	v28 =	vmul.f32 $2.000000030e-01, v3;
	v50 =	vld [tilespmem:$0x1F260];
	v4 =	vmul.f32 v27, v6  }
0x292: {  	vm14 =	vgt.f32 v3, $0.0e+00;
	v51 =	vld [tilespmem:$0x1F270];
	v2 =	vmul.f32 v30, v6  }
0x293: {  	v21 =	vld [tilespmem:$0x1F310];
	v3 =	vsel vm14, v3, v28;
	[tilespmem:v46+s23+$0x0] =	vst.idx.msk $0xffff, v4;
	v4 =	vmul.f32 v32, v6  }
0x294: {  	v23 =	vld [tilespmem:$0x1F320];
	v46 =	vmul.f32 $1.442695020e+00, v3;
	v3 =	vmul.f32 v48, v6;
	[tilespmem:v45+s23+$0x0] =	vst.idx.msk $0xffff, v2  }
0x295: {  	v24 =	vld [tilespmem:$0x1F330];
	[tilespmem:v42+s23+$0x0] =	vst.idx.msk $0xffff, v4;
	v4 =	vmul.f32 v49, v6  }
0x296: {  	v25 =	vld [tilespmem:$0x1F340];
	(erf) = vpow2.f32 v46;
	v2 =	vmul.f32 v50, v6;
	[tilespmem:v43+s23+$0x0] =	vst.idx.msk $0xffff, v3  }
0x297: {  	v26 =	vld [tilespmem:$0x1F350];
	v3 =	vadd.f32 v57, v51;
	v62 =	vpop (erf);
	[tilespmem:v40+s23+$0x0] =	vst.idx.msk $0xffff, v4;
	v4 =	vmul.f32 v61, v6  }
0x298: {  	v27 =	vld [tilespmem:$0x1F360];
	[tilespmem:v35+s23+$0x0] =	vst.idx.msk $0xffff, v2;
	v2 =	vmul.f32 v12, v62  }
0x299: {  	v28 =	vld [tilespmem:$0x1F370];
	v8 =	vmul.f32 v14, v62;
	v13 =	vmul.f32 $2.000000030e-01, v3;
	[tilespmem:v36+s23+$0x0] =	vst.idx.msk $0xffff, v4  }
0x29a: {  	v30 =	vld [tilespmem:$0x1F380];
	vm15 =	vgt.f32 v3, $0.0e+00;
	[tilespmem:v33+s23+$0x0] =	vst.idx.msk $0xffff, v2;
	v2 =	vmul.f32 v15, v62  }
0x29b: {  	v32 =	vld [tilespmem:$0x1F390];
	v3 =	vsel vm15, v3, v13;
	v4 =	vmul.f32 v16, v62;
	[tilespmem:v52+s23+$0x0] =	vst.idx.msk $0xffff, v8  }
0x29c: {  	v35 =	vld [tilespmem:$0x1F3B0];
	v17 =	vmul.f32 $1.442695020e+00, v3;
	v3 =	vmul.f32 v18, v62;
	[tilespmem:v54+s23+$0x0] =	vst.idx.msk $0xffff, v2  }
0x29d: {  	v48 =	vld [tilespmem:$0x1F410];
	[tilespmem:v60+s23+$0x0] =	vst.idx.msk $0xffff, v4;
	v4 =	vmul.f32 v19, v62  }
0x29e: {  	v33 =	vld [tilespmem:$0x1F3A0];
	(erf) = vpow2.f32 v17;
	v2 =	vmul.f32 v20, v62;
	[tilespmem:v58+s23+$0x0] =	vst.idx.msk $0xffff, v3  }
0x29f: {  	v36 =	vld [tilespmem:$0x1F3C0];
	v22 =	vpop (erf);
	[tilespmem:v21+s23+$0x0] =	vst.idx.msk $0xffff, v4;
	v4 =	vmul.f32 v23, v62  }
0x2a0: {  	v40 =	vld [tilespmem:$0x1F3D0];
	[tilespmem:v24+s23+$0x0] =	vst.idx.msk $0xffff, v2;
	v2 =	vmul.f32 v25, v22  }
0x2a1: {  	v42 =	vld [tilespmem:$0x1F3E0];
	[tilespmem:v26+s23+$0x0] =	vst.idx.msk $0xffff, v4;
	v4 =	vmul.f32 v27, v22  }
0x2a2: {  	v45 =	vld [tilespmem:$0x1F3F0];
	[tilespmem:v28+s23+$0x0] =	vst.idx.msk $0xffff, v2;
	v2 =	vmul.f32 v30, v22  }
0x2a3: {  	v46 =	vld [tilespmem:$0x1F400];
	[tilespmem:v32+s23+$0x0] =	vst.idx.msk $0xffff, v4;
	v4 =	vmul.f32 v33, v22  }
0x2a4: {  	v50 =	vld [tilespmem:$0x1F430];
	[tilespmem:v35+s23+$0x0] =	vst.idx.msk $0xffff, v2;
	v2 =	vmul.f32 v36, v22  }
0x2a5: {  	v49 =	vld [tilespmem:$0x1F420];
	[tilespmem:v63+s23+$0x0] =	vst.idx.msk $0xffff, v4;
	v4 =	vmul.f32 v40, v22  }
0x2a6: {  	v51 =	vld [tilespmem:$0x1F440];
	[tilespmem:v59+s23+$0x0] =	vst.idx.msk $0xffff, v2;
	v2 =	vmul.f32 v42, v22  }
0x2a7: {  	v52 =	vld [tilespmem:$0x1F450];
	v8 =	vmul.f32 v45, v22;
	v43 =	vpop (erf);
	[tilespmem:v53+s23+$0x0] =	vst.idx.msk $0xffff, v4  }
0x2a8: {  	v54 =	vld [tilespmem:$0x1F470];
	[tilespmem:v56+s23+$0x0] =	vst.idx.msk $0xffff, v2;
	v2 =	vmul.f32 v46, v43  }
0x2a9: {  	v53 =	vld [tilespmem:$0x1F460];
	[tilespmem:v31+s23+$0x0] =	vst.idx.msk $0xffff, v8;
	v8 =	vmul.f32 v48, v43  }
0x2aa: {  	v56 =	vld [tilespmem:$0x1F480];
	[tilespmem:v29+s23+$0x0] =	vst.idx.msk $0xffff, v2;
	v2 =	vmul.f32 v49, v43  }
0x2ab: {  	v57 =	vld [tilespmem:$0x1F490];
	[tilespmem:v34+s23+$0x0] =	vst.idx.msk $0xffff, v8;
	v8 =	vmul.f32 v50, v43  }
0x2ac: {  	v58 =	vld [tilespmem:$0x1F4A0];
	[tilespmem:v37+s23+$0x0] =	vst.idx.msk $0xffff, v2;
	v2 =	vmul.f32 v51, v43  }
0x2ad: {  	v59 =	vld [tilespmem:$0x1F4B0];
	[tilespmem:v38+s23+$0x0] =	vst.idx.msk $0xffff, v8;
	v8 =	vmul.f32 v52, v43  }
0x2ae: {  	v60 =	vld [tilespmem:$0x1F4C0];
	[tilespmem:v39+s23+$0x0] =	vst.idx.msk $0xffff, v2;
	v2 =	vmul.f32 v53, v43  }
0x2af: {  	v61 =	vld [tilespmem:$0x1F4D0];
	[tilespmem:v41+s23+$0x0] =	vst.idx.msk $0xffff, v8;
	v8 =	vmul.f32 v54, v43  }
0x2b0: {  	[tilespmem:v44+s23+$0x0] =	vst.idx.msk $0xffff, v2  }
0x2b1: {  	[tilespmem:v47+s23+$0x0] =	vst.idx.msk $0xffff, v8  }
0x2b2: {  	[tilespmem:v56+s23+$0x0] =	vst.idx.msk $0xffff, v55  }
0x2b3: {  	[tilespmem:v57+s23+$0x0] =	vst.idx.msk $0xffff, v0  }
0x2b4: {  	[tilespmem:v58+s23+$0x0] =	vst.idx.msk $0xffff, v1  }
0x2b5: {  	[tilespmem:v59+s23+$0x0] =	vst.idx.msk $0xffff, v5  }
0x2b6: {  	[tilespmem:v60+s23+$0x0] =	vst.idx.msk $0xffff, v6  }
0x2b7: {  	[tilespmem:v61+s23+$0x0] =	vst.idx.msk $0xffff, v62;
	v62 =	vld [tilespmem:$0x1F4E0]  }
0x2b8: {  	v63 =	vld [tilespmem:$0x1F4F0];
	_ =	sdelay $0x2  }
0x2b9: {  	p1 =	sne.s32 s8, $0x70  }
.Ltmp4:
0x2ba: {  	_ = 	snop;
	(pc) =	sbr.rel @p1 .LBB2_7-.Ltmp4, $3  }
0x2bb: {  	_ =	sdelay $0x1  }
0x2bc: {  	[tilespmem:v62+s23+$0x0] =	vst.idx.msk $0xffff, v22  }
0x2bd: {  	s8 =	sadd.s32 $0x10, s8;
	[tilespmem:v63+s23+$0x0] =	vst.idx.msk $0xffff, v43  }
.Ltmp5:
0x2be: {  	(pc) =	sbr.rel @p0 .LBB2_10-.Ltmp5, $4  }
0x2bf: {  	_ = 	snop  }
0x2c0: {  	s8 =	sand.u32 $0x3FFFFF80, s19  }
0x2c1: {  	s8 =	sadd.s32 $0x2880, s8  }
0x2c2: {  	[spmem:s3] =	stream.indirect.scatter.add.f32 [tilespmem:s23], [sflag:$0x9], $0x50, s8, s15, $0xb8;
	[tilespmem:$0x1A680] =	vst v63  }
0x2c3: {  	_ =	swait.ge [sflag:s31], $0x2800;
	s8 =	smul.u32 $0x180, s2  }
.Ltmp6:
0x2c4: {  	[sflag:s31] =	ssyncset.done $0x0;
	(pc) =	sbr.rel .LBB2_2-.Ltmp6, $4  }
0x2c5: {  	[sflag:s31] =	ssyncadd.s32 $0xFFFFD800;
	s9 =	sadd.s32 $0x200, s8  }
0x2c6: {  	[tilespmem:s18], [sflag:$0x2] =	stream.indirect.gather [hbm4b:s5+s15], $0x50, s9, s15, $0xb8;
	[tilespmem:$0x1A680] =	vst v63  }
0x2c7: {  	s2 =	sadd.s32 $0x1, s2;
	s8 =	sadd.s32 $0x2A80, s8  }
0x2c8: {  	[tilespmem:s20], [sflag:$0x5] =	stream.indirect.gather [hbm4b:s6+s15], $0x10, s8, s15, $0xb8;
	[tilespmem:$0x1A680] =	vst v63  }
.LBB2_11:
0x2c9: {  	_ =	sfence.sel $0x180000  }
0x2ca: {  	[bflag:$0x0] =	sbarrier.arrive $0xFFFF  }
0x2cb: {  	_ =	strace $0x90000047  }
0x2cc: {  	s0 =	stileid.u32;
	[bflag:$0x2] =	sbarrier.arrive $0xFFFF  }
0x2cd: {  	p0 =	sne.s32 s0, $0x0;
	s0 =	rddreg [dreg:$0x3]  }
0x2ce: {  	s0 =	sadd.s32 @!p0 $0x100000, s0  }
0x2cf: {  	[sflag:s0] =	ssyncadd.tile.s32 @!p0 $0x1;
	_ =	shalt  }
.Lfunc_end2:
_tile_overlayer_lowered:
.L_overlay_start_2:
0x2d0: {  	(tag) =	ssettag $0x2  }
0x2d1: {  	s0 =	rddreg [dreg:$0x0];
	s2 =	stileid.u32  }
0x2d2: {  	s1 =	rddreg [dreg:$0x1];
	p0 =	sne.s32 s2, $0x0  }
0x2d3: {  	s3 =	rddreg [dreg:$0x2];
	[bflag:$0x3] =	sbarrier.arrive $0xFFFF;
	s2 =	simm.s32 @!p0 $0x1C0A  }
0x2d4: {  	[timem:s3], [sflag:s2] =	dma.local @!p0 [hbm:s0], s1  }
0x2d5: {  	s0 =	simm.s32 @!p0 $0xA  }
0x2d6: {  	_ =	swait.ge @!p0 [sflag:s0], s1  }
0x2d7: {  	s1 =	ssub.s32 @!p0 $0x0, s1;
	[sflag:s0] =	ssyncset.done @!p0 $0x0  }
0x2d8: {  	[sflag:s0] =	ssyncadd.s32 @!p0 s1  }
0x2d9: {  	[bflag:$0x3] =	sbarrier.arrive $0xFFFF  }
0x2da: {  	_ =	shalt  }

</sc_bundles>
